<compile_context>
chip_gen: v7x
topology: tpu7x:2x2x1
jax: 0.10.2.dev20260603
libtpu: 0.0.44.dev20260713+nightly
codegen_flags: <defaults>
</compile_context>

<pallas_src>
import functools

import jax
import jax.numpy as jnp
from jax import lax
from jax.experimental import pallas as pl
from jax.experimental.pallas import tpu as pltpu
from jax.experimental.pallas import tpu_sc as plsc

B, D, H, G, K, L, C = 1024, 5000, 1000, 64, 8, 4096, 32
GS = L // G
KC = K * GS
BB = 128
NB = B // BB
DK = 1664
ND = 3
DT = D - ND * DK


def _main_body(x_ref, xt_ref, w1_ref, w1t_ref, b1_ref, wm_ref, bm_ref,
               et_ref, cnd_ref, gl_ref, z_ref, ridx_ref, cfidx_ref, s2_ref,
               acc_ref):
    idd = pl.program_id(0)
    ib = pl.program_id(1)
    rows = pl.ds(ib * BB, BB)

    @pl.when(idd == 0)
    def _():
        acc_ref[rows, :] = jnp.zeros((BB, H), jnp.float32)

    acc_ref[rows, :] += jnp.dot(x_ref[:], w1_ref[:],
                                preferred_element_type=jnp.float32)

    @pl.when(idd == ND - 1)
    def _():
        h = jnp.maximum(
            acc_ref[rows, :]
            + jnp.dot(xt_ref[:], w1t_ref[:], preferred_element_type=jnp.float32)
            + b1_ref[:], 0.0)
        glog = jnp.dot(h, wm_ref[:], preferred_element_type=jnp.float32) + bm_ref[:]
        y = 1.0 / (1.0 + jnp.exp(-glog))

        ji = lax.broadcasted_iota(jnp.int32, (BB, G), 1)
        work = y
        idx_cols = []
        for _ in range(K):
            m = jnp.max(work, axis=1, keepdims=True)
            sel = jnp.min(jnp.where(work == m, ji, G), axis=1, keepdims=True)
            idx_cols.append(sel)
            work = jnp.where(ji == sel, -1.0, work)

        bi = lax.broadcasted_iota(jnp.int32, (BB, 1), 0) + ib * BB

        ki = lax.broadcasted_iota(jnp.int32, (BB, 2 * K), 1)
        r16 = jnp.broadcast_to(bi, (BB, 2 * K))
        for k in range(K):
            r16 = jnp.where(ki == k, idx_cols[k] * B + bi, r16)
        ridx_ref[:] = r16

        cval = cnd_ref[:]
        cfidx_ref[:] = (lax.shift_right_logical(cval, 6) * (B * 128)
                        + bi * 128 + jnp.bitwise_and(cval, GS - 1))

        zz = jnp.dot(y, et_ref[:], preferred_element_type=jnp.float32)
        for g in range(G):
            blk = zz[:, g * GS:(g + 1) * GS]
            z_ref[g] = jnp.concatenate([blk, blk], axis=1)

        t = gl_ref[:].astype(jnp.float32)
        part = jnp.sum(jnp.maximum(y, 0.0) - y * t
                       + jnp.log1p(jnp.exp(-jnp.abs(y))))
        prev = jnp.where(ib == 0, 0.0, s2_ref[0, 0])
        s2_ref[0, 0] = prev + part


_NW = 32
_BPW = B // _NW


@functools.partial(
    pl.kernel,
    out_type=jax.ShapeDtypeStruct((B, KC), jnp.float32),
    mesh=plsc.VectorSubcoreMesh(core_axis_name="c", subcore_axis_name="s"),
    scratch_types=[
        pltpu.VMEM((_BPW, 2 * K), jnp.int32),
        pltpu.VMEM((_BPW, 2 * K, 128), jnp.float32),
        pltpu.VMEM((_BPW, KC), jnp.float32),
        pltpu.SemaphoreType.DMA,
    ],
)
def _sc_gather(zrows_hbm, ridx_hbm, out_hbm, idx_v, rows_v, out_v, sem):
    wid = lax.axis_index("s") * 2 + lax.axis_index("c")
    b0 = wid * _BPW
    pltpu.sync_copy(ridx_hbm.at[pl.ds(b0, _BPW)], idx_v)
    cps = [pltpu.async_copy(zrows_hbm.at[idx_v.at[i]], rows_v.at[i], sem)
           for i in range(_BPW)]
    for cp in cps:
        cp.wait()

    def repack(i, carry):
        for k in range(K):
            for c in range(GS // 16):
                out_v[i, pl.ds(k * GS + c * 16, 16)] = (
                    rows_v[i, k, pl.ds(c * 16, 16)])
        return carry

    lax.fori_loop(0, _BPW, repack, 0)
    pltpu.sync_copy(out_v, out_hbm.at[pl.ds(b0, _BPW)])


@functools.partial(
    pl.kernel,
    out_type=jax.ShapeDtypeStruct((B, C), jnp.float32),
    mesh=plsc.VectorSubcoreMesh(core_axis_name="c", subcore_axis_name="s"),
    scratch_types=[
        pltpu.VMEM((_BPW, C), jnp.int32),
        pltpu.VMEM((_BPW, C), jnp.float32),
        pltpu.SemaphoreType.DMA,
    ],
)
def _sc_zc(zflat_hbm, cfidx_hbm, zc_hbm, cf_v, zc_v, sem):
    wid = lax.axis_index("s") * 2 + lax.axis_index("c")
    b0 = wid * _BPW
    pltpu.sync_copy(cfidx_hbm.at[pl.ds(b0, _BPW)], cf_v)
    cps = [pltpu.async_copy(zflat_hbm.at[cf_v.at[i]], zc_v.at[i], sem)
           for i in range(_BPW)]
    for cp in cps:
        cp.wait()
    pltpu.sync_copy(zc_v, zc_hbm.at[pl.ds(b0, _BPW)])


def _loss_body(lg_ref, grp_ref, cnd_ref, lab_ref, zc_ref, s2_ref, out_ref):
    l = lg_ref[:]
    cval = cnd_ref[:]
    labj = lab_ref[:] != 0
    ji = lax.broadcasted_iota(jnp.int32, (C, B), 0)
    dup = jnp.zeros((C, B), jnp.bool_)
    for jp in range(C - 1):
        dup = jnp.logical_or(
            dup, (cval == cval[jp:jp + 1, :]) & labj[jp:jp + 1, :] & (ji > jp))
    cg = lax.shift_right_logical(cval, 6)
    selm = jnp.zeros((C, B), jnp.bool_)
    for k in range(K):
        selm = jnp.logical_or(selm, cg == grp_ref[k:k + 1, :])
    ks = (labj & jnp.logical_not(dup) & selm).astype(jnp.float32)
    s1 = jnp.sum(jnp.maximum(l, 0.0) + jnp.log1p(jnp.exp(-jnp.abs(l))))
    s1 = s1 - jnp.sum(zc_ref[:] * ks)
    out_ref[0, 0] = s1 / (B * KC) + s2_ref[0, 0] / (B * G)


def kernel(x, candidates, labels, group_labels, W1, b1, Wm, bm, Etab, group_y):
    x_tail = lax.slice(x, (0, ND * DK), (B, D))
    w1_tail = lax.slice(W1, (ND * DK, 0), (D, H))
    b1r = b1.reshape(1, H)
    bmr = bm.reshape(1, G)
    etT = Etab.T

    zd, ridx, cfidx, s2 = pl.pallas_call(
        _main_body,
        grid=(ND, NB),
        in_specs=[
            pl.BlockSpec((BB, DK), lambda idd, ib: (ib, idd)),
            pl.BlockSpec((BB, DT), lambda idd, ib: (ib, 0)),
            pl.BlockSpec((DK, H), lambda idd, ib: (idd, 0)),
            pl.BlockSpec((DT, H), lambda idd, ib: (0, 0)),
            pl.BlockSpec((1, H), lambda idd, ib: (0, 0)),
            pl.BlockSpec((H, G), lambda idd, ib: (0, 0)),
            pl.BlockSpec((1, G), lambda idd, ib: (0, 0)),
            pl.BlockSpec((G, L), lambda idd, ib: (0, 0)),
            pl.BlockSpec((BB, C), lambda idd, ib: (ib, 0)),
            pl.BlockSpec((BB, G), lambda idd, ib: (ib, 0)),
        ],
        out_specs=[
            pl.BlockSpec((G, BB, 128), lambda idd, ib: (0, ib, 0)),
            pl.BlockSpec((BB, 2 * K), lambda idd, ib: (ib, 0)),
            pl.BlockSpec((BB, C), lambda idd, ib: (ib, 0)),
            pl.BlockSpec(memory_space=pltpu.SMEM),
        ],
        out_shape=[
            jax.ShapeDtypeStruct((G, B, 128), jnp.float32),
            jax.ShapeDtypeStruct((B, 2 * K), jnp.int32),
            jax.ShapeDtypeStruct((B, C), jnp.int32),
            jax.ShapeDtypeStruct((1, 1), jnp.float32),
        ],
        scratch_shapes=[pltpu.VMEM((B, H), jnp.float32)],
    )(x, x_tail, W1, w1_tail, b1r, Wm, bmr, etT, candidates, group_labels)

    zrows = zd.reshape(G * B, 128)
    logits = _sc_gather(zrows, ridx)
    zflat = zd.reshape(G * B * 128)
    zc = _sc_zc(zflat, cfidx)

    grpT = lax.shift_right_logical(ridx[:, :K], 10).T
    candT = candidates.T
    labT = labels.T
    zcT = zc.T

    loss = pl.pallas_call(
        _loss_body,
        in_specs=[
            pl.BlockSpec((B, KC), lambda: (0, 0)),
            pl.BlockSpec((K, B), lambda: (0, 0)),
            pl.BlockSpec((C, B), lambda: (0, 0)),
            pl.BlockSpec((C, B), lambda: (0, 0)),
            pl.BlockSpec((C, B), lambda: (0, 0)),
            pl.BlockSpec(memory_space=pltpu.SMEM),
        ],
        out_specs=pl.BlockSpec(memory_space=pltpu.SMEM),
        out_shape=jax.ShapeDtypeStruct((1, 1), jnp.float32),
    )(logits, grpT, candT, labT, zcT, s2)

    return logits, loss.reshape(())

# --- scband reference (transcript-rebuilt; emitter-appended) ---
"""Pipeline reference for scband-classifier-27934467293855 (READ-ONLY COPY).

The authoritative reference and input builder live on the scoring server;
editing this copy changes nothing except your own understanding.
"""

import jax, jax.numpy as jnp
import numpy as np

B, D, H, G, K, L, C = 1024, 5000, 1000, 64, 8, 4096, 32
GS = L // G  # group size = 64


def setup_inputs(seed: int = 0) -> dict:
    key = jax.random.key(seed)
    ks = jax.random.split(key, 8)
    x = jax.random.normal(ks[0], (B, D), dtype=jnp.float32)
    candidates = jax.random.randint(ks[1], (B, C), 0, L)
    labels = jax.random.randint(ks[2], (B, C), 0, 2)
    group_labels = jax.random.randint(ks[3], (B, G), 0, 2)
    W1 = jax.random.normal(ks[4], (D, H), dtype=jnp.float32) * 0.02
    b1 = jnp.zeros((H,), jnp.float32)
    Wm = jax.random.normal(ks[5], (H, G), dtype=jnp.float32) * 0.02
    bm = jnp.zeros((G,), jnp.float32)
    Etab = jax.random.normal(ks[6], (L, G), dtype=jnp.float32) * 0.02
    group_y = jnp.arange(L, dtype=jnp.int32).reshape(G, GS)
    return dict(x=x, candidates=candidates, labels=labels, group_labels=group_labels,
                W1=W1, b1=b1, Wm=Wm, bm=bm, Etab=Etab, group_y=group_y)


def _bce_with_logits(logits, targets):
    # mean over all elements of max(l,0) - l*t + log(1+exp(-|l|))
    return jnp.mean(jnp.maximum(logits, 0.0) - logits * targets + jnp.log1p(jnp.exp(-jnp.abs(logits))))


def reference(x, candidates, labels, group_labels, W1, b1, Wm, bm, Etab, group_y):
    # y = sigmoid(meta(relu(l1(x))))
    h = jax.nn.relu(x @ W1 + b1)
    y = jax.nn.sigmoid(h @ Wm + bm)  # [B, G] group scores

    # get_candidates: top-k groups on detached scores, expand to label candidates
    scores, indices = jax.lax.top_k(jax.lax.stop_gradient(y), K)  # [B, K]
    cand = group_y[indices]                    # [B, K, GS] gather group->labels
    cand = cand.reshape(cand.shape[0], -1)     # [B, K*GS] (uniform groups -> no padding)
    group_candidates_scores = jnp.repeat(scores, GS, axis=1)  # [B, K*GS]

    # build new_labels: 1.0 where a retrieved candidate is a true (masked) target label
    lbool = labels.astype(bool)                # [B, C]
    member = (cand[:, :, None] == candidates[:, None, :]) & lbool[:, None, :]
    new_labels = jnp.any(member, axis=-1).astype(jnp.float32)  # [B, K*GS]

    # extreme embedding lookup + bmm with group scores
    emb = jnp.take(Etab, cand, axis=0)         # [B, K*GS, G]
    logits = jnp.einsum('bcg,bg->bc', emb, y)  # [B, K*GS]

    loss = _bce_with_logits(logits, new_labels) + _bce_with_logits(y, group_labels.astype(jnp.float32))
    return logits, loss

if __name__ == "__main__":
    import jax
    _d = setup_inputs()
    print(jax.jit(kernel)(*tuple(_d.values())))

</pallas_src>

<mosaic_0001>
#map = affine_map<(d0, d1) -> (0)>
#map1 = affine_map<(d0, d1) -> (0, 0)>
module attributes {stable_mosaic.version = 14 : i64} {
  func.func @_sc_zc(%arg0: i32, %arg1: i32, %arg2: memref<8388608xf32, #tpu.memory_space<hbm>>, %arg3: memref<1024x32xi32, #tpu.memory_space<hbm>>, %arg4: memref<1024x32xf32, #tpu.memory_space<hbm>>, %arg5: memref<32x32xi32, #tpu.memory_space<vmem>>, %arg6: memref<32x32xf32, #tpu.memory_space<vmem>>, %arg7: memref<!tpu.dma_semaphore, #tpu.memory_space<semaphore_mem>>) attributes {dimension_semantics = [#tpu.dimension_semantics<core_parallel>, #tpu.dimension_semantics<subcore_parallel>], iteration_bounds = array<i64: 2, 16>, scalar_prefetch = 0 : i64, scratch_operands = 3 : i64, tpu.core_type = #tpu.core_type<sc_vector_subcore>, window_params = [{transform_indices = #map}, {transform_indices = #map1}, {transform_indices = #map1}]} {
    %mul3A = arith.constant 2 : i32
    %mul3A_0 = arith.muli %arg1, %mul3A : i32
    %add3A = arith.addi %mul3A_0, %arg0 : i32
    %mul3A_1 = arith.constant 32 : i32
    %mul3A_2 = arith.muli %add3A, %mul3A_1 : i32
    "tpu.region"() ({
      %run_scoped3A = tpu.sem_alloc : memref<!tpu.dma_semaphore, #tpu.memory_space<semaphore_mem>>
      %dma_start3A_641 = arith.constant 0 : i32
      %dma_start3A_642 = tpu.memref_slice %arg3[%mul3A_2, %dma_start3A_641] : memref<1024x32xi32, #tpu.memory_space<hbm>> -> memref<32x32xi32, #tpu.memory_space<hbm>>
      %dma_start3A_643 = arith.constant 0 : i32
      %dma_start3A_644 = tpu.memref_slice %arg3[%mul3A_2, %dma_start3A_643] : memref<1024x32xi32, #tpu.memory_space<hbm>> -> memref<32x32xi32, #tpu.memory_space<hbm>>
      tpu.enqueue_dma source(%dma_start3A_644 : memref<32x32xi32, #tpu.memory_space<hbm>>) target(%arg5 : memref<32x32xi32, #tpu.memory_space<vmem>>) target_semaphore(%run_scoped3A : memref<!tpu.dma_semaphore, #tpu.memory_space<semaphore_mem>>)
      %dma_wait3A_645 = arith.constant 0 : i32
      %dma_wait3A_646 = tpu.memref_slice %arg3[%mul3A_2, %dma_wait3A_645] : memref<1024x32xi32, #tpu.memory_space<hbm>> -> memref<32x32xi32, #tpu.memory_space<hbm>>
      %dma_wait3A_647 = arith.constant 0 : i32
      %dma_wait3A_648 = tpu.memref_slice %arg3[%mul3A_2, %dma_wait3A_647] : memref<1024x32xi32, #tpu.memory_space<hbm>> -> memref<32x32xi32, #tpu.memory_space<hbm>>
      tpu.wait_dma2 semaphore(%run_scoped3A : memref<!tpu.dma_semaphore, #tpu.memory_space<semaphore_mem>>) src(%dma_wait3A_648 : memref<32x32xi32, #tpu.memory_space<hbm>>) dst(%arg5 : memref<32x32xi32, #tpu.memory_space<vmem>>)
      tpu.yield
    }) : () -> ()
    %dma_start3A = arith.constant 0 : i32
    %dma_start3A_3 = arith.constant 0 : i32
    %dma_start3A_4 = arith.constant 0 : i32
    %dma_start3A_5 = tpu.memref_slice %arg6[%dma_start3A_3, %dma_start3A_4] : memref<32x32xf32, #tpu.memory_space<vmem>> -> memref<1x32xf32, #tpu.memory_space<vmem>>
    %dma_start3A_6 = tpu.memref_squeeze %dma_start3A_5 : memref<1x32xf32, #tpu.memory_space<vmem>> -> memref<32xf32, #tpu.memory_space<vmem>>
    %dma_start3A_7 = arith.constant 0 : i32
    %dma_start3A_8 = tpu.memref_slice %arg5[%dma_start3A, %dma_start3A_7] : memref<32x32xi32, #tpu.memory_space<vmem>> -> memref<1x32xi32, #tpu.memory_space<vmem>>
    %dma_start3A_9 = tpu.memref_squeeze %dma_start3A_8 : memref<1x32xi32, #tpu.memory_space<vmem>> -> memref<32xi32, #tpu.memory_space<vmem>>
    %dma_start3A_10 = arith.constant 0 : i32
    %dma_start3A_11 = tpu.memref_slice %arg2[%dma_start3A_10] : memref<8388608xf32, #tpu.memory_space<hbm>> -> memref<8388608xf32, #tpu.memory_space<hbm>>
    tpu.enqueue_indirect_dma source(%dma_start3A_11 : memref<8388608xf32, #tpu.memory_space<hbm>>) target(%dma_start3A_6 : memref<32xf32, #tpu.memory_space<vmem>>) offsets(%dma_start3A_9 : memref<32xi32, #tpu.memory_space<vmem>>) semaphore(%arg7 : memref<!tpu.dma_semaphore, #tpu.memory_space<semaphore_mem>>)
    %dma_start3A_12 = arith.constant 1 : i32
    %dma_start3A_13 = arith.constant 1 : i32
    %dma_start3A_14 = arith.constant 0 : i32
    %dma_start3A_15 = tpu.memref_slice %arg6[%dma_start3A_13, %dma_start3A_14] : memref<32x32xf32, #tpu.memory_space<vmem>> -> memref<1x32xf32, #tpu.memory_space<vmem>>
    %dma_start3A_16 = tpu.memref_squeeze %dma_start3A_15 : memref<1x32xf32, #tpu.memory_space<vmem>> -> memref<32xf32, #tpu.memory_space<vmem>>
    %dma_start3A_17 = arith.constant 0 : i32
    %dma_start3A_18 = tpu.memref_slice %arg5[%dma_start3A_12, %dma_start3A_17] : memref<32x32xi32, #tpu.memory_space<vmem>> -> memref<1x32xi32, #tpu.memory_space<vmem>>
    %dma_start3A_19 = tpu.memref_squeeze %dma_start3A_18 : memref<1x32xi32, #tpu.memory_space<vmem>> -> memref<32xi32, #tpu.memory_space<vmem>>
    %dma_start3A_20 = arith.constant 0 : i32
    %dma_start3A_21 = tpu.memref_slice %arg2[%dma_start3A_20] : memref<8388608xf32, #tpu.memory_space<hbm>> -> memref<8388608xf32, #tpu.memory_space<hbm>>
    tpu.enqueue_indirect_dma source(%dma_start3A_21 : memref<8388608xf32, #tpu.memory_space<hbm>>) target(%dma_start3A_16 : memref<32xf32, #tpu.memory_space<vmem>>) offsets(%dma_start3A_19 : memref<32xi32, #tpu.memory_space<vmem>>) semaphore(%arg7 : memref<!tpu.dma_semaphore, #tpu.memory_space<semaphore_mem>>)
    %dma_start3A_22 = arith.constant 2 : i32
    %dma_start3A_23 = arith.constant 2 : i32
    %dma_start3A_24 = arith.constant 0 : i32
    %dma_start3A_25 = tpu.memref_slice %arg6[%dma_start3A_23, %dma_start3A_24] : memref<32x32xf32, #tpu.memory_space<vmem>> -> memref<1x32xf32, #tpu.memory_space<vmem>>
    %dma_start3A_26 = tpu.memref_squeeze %dma_start3A_25 : memref<1x32xf32, #tpu.memory_space<vmem>> -> memref<32xf32, #tpu.memory_space<vmem>>
    %dma_start3A_27 = arith.constant 0 : i32
    %dma_start3A_28 = tpu.memref_slice %arg5[%dma_start3A_22, %dma_start3A_27] : memref<32x32xi32, #tpu.memory_space<vmem>> -> memref<1x32xi32, #tpu.memory_space<vmem>>
    %dma_start3A_29 = tpu.memref_squeeze %dma_start3A_28 : memref<1x32xi32, #tpu.memory_space<vmem>> -> memref<32xi32, #tpu.memory_space<vmem>>
    %dma_start3A_30 = arith.constant 0 : i32
    %dma_start3A_31 = tpu.memref_slice %arg2[%dma_start3A_30] : memref<8388608xf32, #tpu.memory_space<hbm>> -> memref<8388608xf32, #tpu.memory_space<hbm>>
    tpu.enqueue_indirect_dma source(%dma_start3A_31 : memref<8388608xf32, #tpu.memory_space<hbm>>) target(%dma_start3A_26 : memref<32xf32, #tpu.memory_space<vmem>>) offsets(%dma_start3A_29 : memref<32xi32, #tpu.memory_space<vmem>>) semaphore(%arg7 : memref<!tpu.dma_semaphore, #tpu.memory_space<semaphore_mem>>)
    %dma_start3A_32 = arith.constant 3 : i32
    %dma_start3A_33 = arith.constant 3 : i32
    %dma_start3A_34 = arith.constant 0 : i32
    %dma_start3A_35 = tpu.memref_slice %arg6[%dma_start3A_33, %dma_start3A_34] : memref<32x32xf32, #tpu.memory_space<vmem>> -> memref<1x32xf32, #tpu.memory_space<vmem>>
    %dma_start3A_36 = tpu.memref_squeeze %dma_start3A_35 : memref<1x32xf32, #tpu.memory_space<vmem>> -> memref<32xf32, #tpu.memory_space<vmem>>
    %dma_start3A_37 = arith.constant 0 : i32
    %dma_start3A_38 = tpu.memref_slice %arg5[%dma_start3A_32, %dma_start3A_37] : memref<32x32xi32, #tpu.memory_space<vmem>> -> memref<1x32xi32, #tpu.memory_space<vmem>>
    %dma_start3A_39 = tpu.memref_squeeze %dma_start3A_38 : memref<1x32xi32, #tpu.memory_space<vmem>> -> memref<32xi32, #tpu.memory_space<vmem>>
    %dma_start3A_40 = arith.constant 0 : i32
    %dma_start3A_41 = tpu.memref_slice %arg2[%dma_start3A_40] : memref<8388608xf32, #tpu.memory_space<hbm>> -> memref<8388608xf32, #tpu.memory_space<hbm>>
    tpu.enqueue_indirect_dma source(%dma_start3A_41 : memref<8388608xf32, #tpu.memory_space<hbm>>) target(%dma_start3A_36 : memref<32xf32, #tpu.memory_space<vmem>>) offsets(%dma_start3A_39 : memref<32xi32, #tpu.memory_space<vmem>>) semaphore(%arg7 : memref<!tpu.dma_semaphore, #tpu.memory_space<semaphore_mem>>)
    %dma_start3A_42 = arith.constant 4 : i32
    %dma_start3A_43 = arith.constant 4 : i32
    %dma_start3A_44 = arith.constant 0 : i32
    %dma_start3A_45 = tpu.memref_slice %arg6[%dma_start3A_43, %dma_start3A_44] : memref<32x32xf32, #tpu.memory_space<vmem>> -> memref<1x32xf32, #tpu.memory_space<vmem>>
    %dma_start3A_46 = tpu.memref_squeeze %dma_start3A_45 : memref<1x32xf32, #tpu.memory_space<vmem>> -> memref<32xf32, #tpu.memory_space<vmem>>
    %dma_start3A_47 = arith.constant 0 : i32
    %dma_start3A_48 = tpu.memref_slice %arg5[%dma_start3A_42, %dma_start3A_47] : memref<32x32xi32, #tpu.memory_space<vmem>> -> memref<1x32xi32, #tpu.memory_space<vmem>>
    %dma_start3A_49 = tpu.memref_squeeze %dma_start3A_48 : memref<1x32xi32, #tpu.memory_space<vmem>> -> memref<32xi32, #tpu.memory_space<vmem>>
    %dma_start3A_50 = arith.constant 0 : i32
    %dma_start3A_51 = tpu.memref_slice %arg2[%dma_start3A_50] : memref<8388608xf32, #tpu.memory_space<hbm>> -> memref<8388608xf32, #tpu.memory_space<hbm>>
    tpu.enqueue_indirect_dma source(%dma_start3A_51 : memref<8388608xf32, #tpu.memory_space<hbm>>) target(%dma_start3A_46 : memref<32xf32, #tpu.memory_space<vmem>>) offsets(%dma_start3A_49 : memref<32xi32, #tpu.memory_space<vmem>>) semaphore(%arg7 : memref<!tpu.dma_semaphore, #tpu.memory_space<semaphore_mem>>)
    %dma_start3A_52 = arith.constant 5 : i32
    %dma_start3A_53 = arith.constant 5 : i32
    %dma_start3A_54 = arith.constant 0 : i32
    %dma_start3A_55 = tpu.memref_slice %arg6[%dma_start3A_53, %dma_start3A_54] : memref<32x32xf32, #tpu.memory_space<vmem>> -> memref<1x32xf32, #tpu.memory_space<vmem>>
    %dma_start3A_56 = tpu.memref_squeeze %dma_start3A_55 : memref<1x32xf32, #tpu.memory_space<vmem>> -> memref<32xf32, #tpu.memory_space<vmem>>
    %dma_start3A_57 = arith.constant 0 : i32
    %dma_start3A_58 = tpu.memref_slice %arg5[%dma_start3A_52, %dma_start3A_57] : memref<32x32xi32, #tpu.memory_space<vmem>> -> memref<1x32xi32, #tpu.memory_space<vmem>>
    %dma_start3A_59 = tpu.memref_squeeze %dma_start3A_58 : memref<1x32xi32, #tpu.memory_space<vmem>> -> memref<32xi32, #tpu.memory_space<vmem>>
    %dma_start3A_60 = arith.constant 0 : i32
    %dma_start3A_61 = tpu.memref_slice %arg2[%dma_start3A_60] : memref<8388608xf32, #tpu.memory_space<hbm>> -> memref<8388608xf32, #tpu.memory_space<hbm>>
    tpu.enqueue_indirect_dma source(%dma_start3A_61 : memref<8388608xf32, #tpu.memory_space<hbm>>) target(%dma_start3A_56 : memref<32xf32, #tpu.memory_space<vmem>>) offsets(%dma_start3A_59 : memref<32xi32, #tpu.memory_space<vmem>>) semaphore(%arg7 : memref<!tpu.dma_semaphore, #tpu.memory_space<semaphore_mem>>)
    %dma_start3A_62 = arith.constant 6 : i32
    %dma_start3A_63 = arith.constant 6 : i32
    %dma_start3A_64 = arith.constant 0 : i32
    %dma_start3A_65 = tpu.memref_slice %arg6[%dma_start3A_63, %dma_start3A_64] : memref<32x32xf32, #tpu.memory_space<vmem>> -> memref<1x32xf32, #tpu.memory_space<vmem>>
    %dma_start3A_66 = tpu.memref_squeeze %dma_start3A_65 : memref<1x32xf32, #tpu.memory_space<vmem>> -> memref<32xf32, #tpu.memory_space<vmem>>
    %dma_start3A_67 = arith.constant 0 : i32
    %dma_start3A_68 = tpu.memref_slice %arg5[%dma_start3A_62, %dma_start3A_67] : memref<32x32xi32, #tpu.memory_space<vmem>> -> memref<1x32xi32, #tpu.memory_space<vmem>>
    %dma_start3A_69 = tpu.memref_squeeze %dma_start3A_68 : memref<1x32xi32, #tpu.memory_space<vmem>> -> memref<32xi32, #tpu.memory_space<vmem>>
    %dma_start3A_70 = arith.constant 0 : i32
    %dma_start3A_71 = tpu.memref_slice %arg2[%dma_start3A_70] : memref<8388608xf32, #tpu.memory_space<hbm>> -> memref<8388608xf32, #tpu.memory_space<hbm>>
    tpu.enqueue_indirect_dma source(%dma_start3A_71 : memref<8388608xf32, #tpu.memory_space<hbm>>) target(%dma_start3A_66 : memref<32xf32, #tpu.memory_space<vmem>>) offsets(%dma_start3A_69 : memref<32xi32, #tpu.memory_space<vmem>>) semaphore(%arg7 : memref<!tpu.dma_semaphore, #tpu.memory_space<semaphore_mem>>)
    %dma_start3A_72 = arith.constant 7 : i32
    %dma_start3A_73 = arith.constant 7 : i32
    %dma_start3A_74 = arith.constant 0 : i32
    %dma_start3A_75 = tpu.memref_slice %arg6[%dma_start3A_73, %dma_start3A_74] : memref<32x32xf32, #tpu.memory_space<vmem>> -> memref<1x32xf32, #tpu.memory_space<vmem>>
    %dma_start3A_76 = tpu.memref_squeeze %dma_start3A_75 : memref<1x32xf32, #tpu.memory_space<vmem>> -> memref<32xf32, #tpu.memory_space<vmem>>
    %dma_start3A_77 = arith.constant 0 : i32
    %dma_start3A_78 = tpu.memref_slice %arg5[%dma_start3A_72, %dma_start3A_77] : memref<32x32xi32, #tpu.memory_space<vmem>> -> memref<1x32xi32, #tpu.memory_space<vmem>>
    %dma_start3A_79 = tpu.memref_squeeze %dma_start3A_78 : memref<1x32xi32, #tpu.memory_space<vmem>> -> memref<32xi32, #tpu.memory_space<vmem>>
    %dma_start3A_80 = arith.constant 0 : i32
    %dma_start3A_81 = tpu.memref_slice %arg2[%dma_start3A_80] : memref<8388608xf32, #tpu.memory_space<hbm>> -> memref<8388608xf32, #tpu.memory_space<hbm>>
    tpu.enqueue_indirect_dma source(%dma_start3A_81 : memref<8388608xf32, #tpu.memory_space<hbm>>) target(%dma_start3A_76 : memref<32xf32, #tpu.memory_space<vmem>>) offsets(%dma_start3A_79 : memref<32xi32, #tpu.memory_space<vmem>>) semaphore(%arg7 : memref<!tpu.dma_semaphore, #tpu.memory_space<semaphore_mem>>)
    %dma_start3A_82 = arith.constant 8 : i32
    %dma_start3A_83 = arith.constant 8 : i32
    %dma_start3A_84 = arith.constant 0 : i32
    %dma_start3A_85 = tpu.memref_slice %arg6[%dma_start3A_83, %dma_start3A_84] : memref<32x32xf32, #tpu.memory_space<vmem>> -> memref<1x32xf32, #tpu.memory_space<vmem>>
    %dma_start3A_86 = tpu.memref_squeeze %dma_start3A_85 : memref<1x32xf32, #tpu.memory_space<vmem>> -> memref<32xf32, #tpu.memory_space<vmem>>
    %dma_start3A_87 = arith.constant 0 : i32
    %dma_start3A_88 = tpu.memref_slice %arg5[%dma_start3A_82, %dma_start3A_87] : memref<32x32xi32, #tpu.memory_space<vmem>> -> memref<1x32xi32, #tpu.memory_space<vmem>>
    %dma_start3A_89 = tpu.memref_squeeze %dma_start3A_88 : memref<1x32xi32, #tpu.memory_space<vmem>> -> memref<32xi32, #tpu.memory_space<vmem>>
    %dma_start3A_90 = arith.constant 0 : i32
    %dma_start3A_91 = tpu.memref_slice %arg2[%dma_start3A_90] : memref<8388608xf32, #tpu.memory_space<hbm>> -> memref<8388608xf32, #tpu.memory_space<hbm>>
    tpu.enqueue_indirect_dma source(%dma_start3A_91 : memref<8388608xf32, #tpu.memory_space<hbm>>) target(%dma_start3A_86 : memref<32xf32, #tpu.memory_space<vmem>>) offsets(%dma_start3A_89 : memref<32xi32, #tpu.memory_space<vmem>>) semaphore(%arg7 : memref<!tpu.dma_semaphore, #tpu.memory_space<semaphore_mem>>)
    %dma_start3A_92 = arith.constant 9 : i32
    %dma_start3A_93 = arith.constant 9 : i32
    %dma_start3A_94 = arith.constant 0 : i32
    %dma_start3A_95 = tpu.memref_slice %arg6[%dma_start3A_93, %dma_start3A_94] : memref<32x32xf32, #tpu.memory_space<vmem>> -> memref<1x32xf32, #tpu.memory_space<vmem>>
    %dma_start3A_96 = tpu.memref_squeeze %dma_start3A_95 : memref<1x32xf32, #tpu.memory_space<vmem>> -> memref<32xf32, #tpu.memory_space<vmem>>
    %dma_start3A_97 = arith.constant 0 : i32
    %dma_start3A_98 = tpu.memref_slice %arg5[%dma_start3A_92, %dma_start3A_97] : memref<32x32xi32, #tpu.memory_space<vmem>> -> memref<1x32xi32, #tpu.memory_space<vmem>>
    %dma_start3A_99 = tpu.memref_squeeze %dma_start3A_98 : memref<1x32xi32, #tpu.memory_space<vmem>> -> memref<32xi32, #tpu.memory_space<vmem>>
    %dma_start3A_100 = arith.constant 0 : i32
    %dma_start3A_101 = tpu.memref_slice %arg2[%dma_start3A_100] : memref<8388608xf32, #tpu.memory_space<hbm>> -> memref<8388608xf32, #tpu.memory_space<hbm>>
    tpu.enqueue_indirect_dma source(%dma_start3A_101 : memref<8388608xf32, #tpu.memory_space<hbm>>) target(%dma_start3A_96 : memref<32xf32, #tpu.memory_space<vmem>>) offsets(%dma_start3A_99 : memref<32xi32, #tpu.memory_space<vmem>>) semaphore(%arg7 : memref<!tpu.dma_semaphore, #tpu.memory_space<semaphore_mem>>)
    %dma_start3A_102 = arith.constant 10 : i32
    %dma_start3A_103 = arith.constant 10 : i32
    %dma_start3A_104 = arith.constant 0 : i32
    %dma_start3A_105 = tpu.memref_slice %arg6[%dma_start3A_103, %dma_start3A_104] : memref<32x32xf32, #tpu.memory_space<vmem>> -> memref<1x32xf32, #tpu.memory_space<vmem>>
    %dma_start3A_106 = tpu.memref_squeeze %dma_start3A_105 : memref<1x32xf32, #tpu.memory_space<vmem>> -> memref<32xf32, #tpu.memory_space<vmem>>
    %dma_start3A_107 = arith.constant 0 : i32
    %dma_start3A_108 = tpu.memref_slice %arg5[%dma_start3A_102, %dma_start3A_107] : memref<32x32xi32, #tpu.memory_space<vmem>> -> memref<1x32xi32, #tpu.memory_space<vmem>>
    %dma_start3A_109 = tpu.memref_squeeze %dma_start3A_108 : memref<1x32xi32, #tpu.memory_space<vmem>> -> memref<32xi32, #tpu.memory_space<vmem>>
    %dma_start3A_110 = arith.constant 0 : i32
    %dma_start3A_111 = tpu.memref_slice %arg2[%dma_start3A_110] : memref<8388608xf32, #tpu.memory_space<hbm>> -> memref<8388608xf32, #tpu.memory_space<hbm>>
    tpu.enqueue_indirect_dma source(%dma_start3A_111 : memref<8388608xf32, #tpu.memory_space<hbm>>) target(%dma_start3A_106 : memref<32xf32, #tpu.memory_space<vmem>>) offsets(%dma_start3A_109 : memref<32xi32, #tpu.memory_space<vmem>>) semaphore(%arg7 : memref<!tpu.dma_semaphore, #tpu.memory_space<semaphore_mem>>)
    %dma_start3A_112 = arith.constant 11 : i32
    %dma_start3A_113 = arith.constant 11 : i32
    %dma_start3A_114 = arith.constant 0 : i32
    %dma_start3A_115 = tpu.memref_slice %arg6[%dma_start3A_113, %dma_start3A_114] : memref<32x32xf32, #tpu.memory_space<vmem>> -> memref<1x32xf32, #tpu.memory_space<vmem>>
    %dma_start3A_116 = tpu.memref_squeeze %dma_start3A_115 : memref<1x32xf32, #tpu.memory_space<vmem>> -> memref<32xf32, #tpu.memory_space<vmem>>
    %dma_start3A_117 = arith.constant 0 : i32
    %dma_start3A_118 = tpu.memref_slice %arg5[%dma_start3A_112, %dma_start3A_117] : memref<32x32xi32, #tpu.memory_space<vmem>> -> memref<1x32xi32, #tpu.memory_space<vmem>>
    %dma_start3A_119 = tpu.memref_squeeze %dma_start3A_118 : memref<1x32xi32, #tpu.memory_space<vmem>> -> memref<32xi32, #tpu.memory_space<vmem>>
    %dma_start3A_120 = arith.constant 0 : i32
    %dma_start3A_121 = tpu.memref_slice %arg2[%dma_start3A_120] : memref<8388608xf32, #tpu.memory_space<hbm>> -> memref<8388608xf32, #tpu.memory_space<hbm>>
    tpu.enqueue_indirect_dma source(%dma_start3A_121 : memref<8388608xf32, #tpu.memory_space<hbm>>) target(%dma_start3A_116 : memref<32xf32, #tpu.memory_space<vmem>>) offsets(%dma_start3A_119 : memref<32xi32, #tpu.memory_space<vmem>>) semaphore(%arg7 : memref<!tpu.dma_semaphore, #tpu.memory_space<semaphore_mem>>)
    %dma_start3A_122 = arith.constant 12 : i32
    %dma_start3A_123 = arith.constant 12 : i32
    %dma_start3A_124 = arith.constant 0 : i32
    %dma_start3A_125 = tpu.memref_slice %arg6[%dma_start3A_123, %dma_start3A_124] : memref<32x32xf32, #tpu.memory_space<vmem>> -> memref<1x32xf32, #tpu.memory_space<vmem>>
    %dma_start3A_126 = tpu.memref_squeeze %dma_start3A_125 : memref<1x32xf32, #tpu.memory_space<vmem>> -> memref<32xf32, #tpu.memory_space<vmem>>
    %dma_start3A_127 = arith.constant 0 : i32
    %dma_start3A_128 = tpu.memref_slice %arg5[%dma_start3A_122, %dma_start3A_127] : memref<32x32xi32, #tpu.memory_space<vmem>> -> memref<1x32xi32, #tpu.memory_space<vmem>>
    %dma_start3A_129 = tpu.memref_squeeze %dma_start3A_128 : memref<1x32xi32, #tpu.memory_space<vmem>> -> memref<32xi32, #tpu.memory_space<vmem>>
    %dma_start3A_130 = arith.constant 0 : i32
    %dma_start3A_131 = tpu.memref_slice %arg2[%dma_start3A_130] : memref<8388608xf32, #tpu.memory_space<hbm>> -> memref<8388608xf32, #tpu.memory_space<hbm>>
    tpu.enqueue_indirect_dma source(%dma_start3A_131 : memref<8388608xf32, #tpu.memory_space<hbm>>) target(%dma_start3A_126 : memref<32xf32, #tpu.memory_space<vmem>>) offsets(%dma_start3A_129 : memref<32xi32, #tpu.memory_space<vmem>>) semaphore(%arg7 : memref<!tpu.dma_semaphore, #tpu.memory_space<semaphore_mem>>)
    %dma_start3A_132 = arith.constant 13 : i32
    %dma_start3A_133 = arith.constant 13 : i32
    %dma_start3A_134 = arith.constant 0 : i32
    %dma_start3A_135 = tpu.memref_slice %arg6[%dma_start3A_133, %dma_start3A_134] : memref<32x32xf32, #tpu.memory_space<vmem>> -> memref<1x32xf32, #tpu.memory_space<vmem>>
    %dma_start3A_136 = tpu.memref_squeeze %dma_start3A_135 : memref<1x32xf32, #tpu.memory_space<vmem>> -> memref<32xf32, #tpu.memory_space<vmem>>
    %dma_start3A_137 = arith.constant 0 : i32
    %dma_start3A_138 = tpu.memref_slice %arg5[%dma_start3A_132, %dma_start3A_137] : memref<32x32xi32, #tpu.memory_space<vmem>> -> memref<1x32xi32, #tpu.memory_space<vmem>>
    %dma_start3A_139 = tpu.memref_squeeze %dma_start3A_138 : memref<1x32xi32, #tpu.memory_space<vmem>> -> memref<32xi32, #tpu.memory_space<vmem>>
    %dma_start3A_140 = arith.constant 0 : i32
    %dma_start3A_141 = tpu.memref_slice %arg2[%dma_start3A_140] : memref<8388608xf32, #tpu.memory_space<hbm>> -> memref<8388608xf32, #tpu.memory_space<hbm>>
    tpu.enqueue_indirect_dma source(%dma_start3A_141 : memref<8388608xf32, #tpu.memory_space<hbm>>) target(%dma_start3A_136 : memref<32xf32, #tpu.memory_space<vmem>>) offsets(%dma_start3A_139 : memref<32xi32, #tpu.memory_space<vmem>>) semaphore(%arg7 : memref<!tpu.dma_semaphore, #tpu.memory_space<semaphore_mem>>)
    %dma_start3A_142 = arith.constant 14 : i32
    %dma_start3A_143 = arith.constant 14 : i32
    %dma_start3A_144 = arith.constant 0 : i32
    %dma_start3A_145 = tpu.memref_slice %arg6[%dma_start3A_143, %dma_start3A_144] : memref<32x32xf32, #tpu.memory_space<vmem>> -> memref<1x32xf32, #tpu.memory_space<vmem>>
    %dma_start3A_146 = tpu.memref_squeeze %dma_start3A_145 : memref<1x32xf32, #tpu.memory_space<vmem>> -> memref<32xf32, #tpu.memory_space<vmem>>
    %dma_start3A_147 = arith.constant 0 : i32
    %dma_start3A_148 = tpu.memref_slice %arg5[%dma_start3A_142, %dma_start3A_147] : memref<32x32xi32, #tpu.memory_space<vmem>> -> memref<1x32xi32, #tpu.memory_space<vmem>>
    %dma_start3A_149 = tpu.memref_squeeze %dma_start3A_148 : memref<1x32xi32, #tpu.memory_space<vmem>> -> memref<32xi32, #tpu.memory_space<vmem>>
    %dma_start3A_150 = arith.constant 0 : i32
    %dma_start3A_151 = tpu.memref_slice %arg2[%dma_start3A_150] : memref<8388608xf32, #tpu.memory_space<hbm>> -> memref<8388608xf32, #tpu.memory_space<hbm>>
    tpu.enqueue_indirect_dma source(%dma_start3A_151 : memref<8388608xf32, #tpu.memory_space<hbm>>) target(%dma_start3A_146 : memref<32xf32, #tpu.memory_space<vmem>>) offsets(%dma_start3A_149 : memref<32xi32, #tpu.memory_space<vmem>>) semaphore(%arg7 : memref<!tpu.dma_semaphore, #tpu.memory_space<semaphore_mem>>)
    %dma_start3A_152 = arith.constant 15 : i32
    %dma_start3A_153 = arith.constant 15 : i32
    %dma_start3A_154 = arith.constant 0 : i32
    %dma_start3A_155 = tpu.memref_slice %arg6[%dma_start3A_153, %dma_start3A_154] : memref<32x32xf32, #tpu.memory_space<vmem>> -> memref<1x32xf32, #tpu.memory_space<vmem>>
    %dma_start3A_156 = tpu.memref_squeeze %dma_start3A_155 : memref<1x32xf32, #tpu.memory_space<vmem>> -> memref<32xf32, #tpu.memory_space<vmem>>
    %dma_start3A_157 = arith.constant 0 : i32
    %dma_start3A_158 = tpu.memref_slice %arg5[%dma_start3A_152, %dma_start3A_157] : memref<32x32xi32, #tpu.memory_space<vmem>> -> memref<1x32xi32, #tpu.memory_space<vmem>>
    %dma_start3A_159 = tpu.memref_squeeze %dma_start3A_158 : memref<1x32xi32, #tpu.memory_space<vmem>> -> memref<32xi32, #tpu.memory_space<vmem>>
    %dma_start3A_160 = arith.constant 0 : i32
    %dma_start3A_161 = tpu.memref_slice %arg2[%dma_start3A_160] : memref<8388608xf32, #tpu.memory_space<hbm>> -> memref<8388608xf32, #tpu.memory_space<hbm>>
    tpu.enqueue_indirect_dma source(%dma_start3A_161 : memref<8388608xf32, #tpu.memory_space<hbm>>) target(%dma_start3A_156 : memref<32xf32, #tpu.memory_space<vmem>>) offsets(%dma_start3A_159 : memref<32xi32, #tpu.memory_space<vmem>>) semaphore(%arg7 : memref<!tpu.dma_semaphore, #tpu.memory_space<semaphore_mem>>)
    %dma_start3A_162 = arith.constant 16 : i32
    %dma_start3A_163 = arith.constant 16 : i32
    %dma_start3A_164 = arith.constant 0 : i32
    %dma_start3A_165 = tpu.memref_slice %arg6[%dma_start3A_163, %dma_start3A_164] : memref<32x32xf32, #tpu.memory_space<vmem>> -> memref<1x32xf32, #tpu.memory_space<vmem>>
    %dma_start3A_166 = tpu.memref_squeeze %dma_start3A_165 : memref<1x32xf32, #tpu.memory_space<vmem>> -> memref<32xf32, #tpu.memory_space<vmem>>
    %dma_start3A_167 = arith.constant 0 : i32
    %dma_start3A_168 = tpu.memref_slice %arg5[%dma_start3A_162, %dma_start3A_167] : memref<32x32xi32, #tpu.memory_space<vmem>> -> memref<1x32xi32, #tpu.memory_space<vmem>>
    %dma_start3A_169 = tpu.memref_squeeze %dma_start3A_168 : memref<1x32xi32, #tpu.memory_space<vmem>> -> memref<32xi32, #tpu.memory_space<vmem>>
    %dma_start3A_170 = arith.constant 0 : i32
    %dma_start3A_171 = tpu.memref_slice %arg2[%dma_start3A_170] : memref<8388608xf32, #tpu.memory_space<hbm>> -> memref<8388608xf32, #tpu.memory_space<hbm>>
    tpu.enqueue_indirect_dma source(%dma_start3A_171 : memref<8388608xf32, #tpu.memory_space<hbm>>) target(%dma_start3A_166 : memref<32xf32, #tpu.memory_space<vmem>>) offsets(%dma_start3A_169 : memref<32xi32, #tpu.memory_space<vmem>>) semaphore(%arg7 : memref<!tpu.dma_semaphore, #tpu.memory_space<semaphore_mem>>)
    %dma_start3A_172 = arith.constant 17 : i32
    %dma_start3A_173 = arith.constant 17 : i32
    %dma_start3A_174 = arith.constant 0 : i32
    %dma_start3A_175 = tpu.memref_slice %arg6[%dma_start3A_173, %dma_start3A_174] : memref<32x32xf32, #tpu.memory_space<vmem>> -> memref<1x32xf32, #tpu.memory_space<vmem>>
    %dma_start3A_176 = tpu.memref_squeeze %dma_start3A_175 : memref<1x32xf32, #tpu.memory_space<vmem>> -> memref<32xf32, #tpu.memory_space<vmem>>
    %dma_start3A_177 = arith.constant 0 : i32
    %dma_start3A_178 = tpu.memref_slice %arg5[%dma_start3A_172, %dma_start3A_177] : memref<32x32xi32, #tpu.memory_space<vmem>> -> memref<1x32xi32, #tpu.memory_space<vmem>>
    %dma_start3A_179 = tpu.memref_squeeze %dma_start3A_178 : memref<1x32xi32, #tpu.memory_space<vmem>> -> memref<32xi32, #tpu.memory_space<vmem>>
    %dma_start3A_180 = arith.constant 0 : i32
    %dma_start3A_181 = tpu.memref_slice %arg2[%dma_start3A_180] : memref<8388608xf32, #tpu.memory_space<hbm>> -> memref<8388608xf32, #tpu.memory_space<hbm>>
    tpu.enqueue_indirect_dma source(%dma_start3A_181 : memref<8388608xf32, #tpu.memory_space<hbm>>) target(%dma_start3A_176 : memref<32xf32, #tpu.memory_space<vmem>>) offsets(%dma_start3A_179 : memref<32xi32, #tpu.memory_space<vmem>>) semaphore(%arg7 : memref<!tpu.dma_semaphore, #tpu.memory_space<semaphore_mem>>)
    %dma_start3A_182 = arith.constant 18 : i32
    %dma_start3A_183 = arith.constant 18 : i32
    %dma_start3A_184 = arith.constant 0 : i32
    %dma_start3A_185 = tpu.memref_slice %arg6[%dma_start3A_183, %dma_start3A_184] : memref<32x32xf32, #tpu.memory_space<vmem>> -> memref<1x32xf32, #tpu.memory_space<vmem>>
    %dma_start3A_186 = tpu.memref_squeeze %dma_start3A_185 : memref<1x32xf32, #tpu.memory_space<vmem>> -> memref<32xf32, #tpu.memory_space<vmem>>
    %dma_start3A_187 = arith.constant 0 : i32
    %dma_start3A_188 = tpu.memref_slice %arg5[%dma_start3A_182, %dma_start3A_187] : memref<32x32xi32, #tpu.memory_space<vmem>> -> memref<1x32xi32, #tpu.memory_space<vmem>>
    %dma_start3A_189 = tpu.memref_squeeze %dma_start3A_188 : memref<1x32xi32, #tpu.memory_space<vmem>> -> memref<32xi32, #tpu.memory_space<vmem>>
    %dma_start3A_190 = arith.constant 0 : i32
    %dma_start3A_191 = tpu.memref_slice %arg2[%dma_start3A_190] : memref<8388608xf32, #tpu.memory_space<hbm>> -> memref<8388608xf32, #tpu.memory_space<hbm>>
    tpu.enqueue_indirect_dma source(%dma_start3A_191 : memref<8388608xf32, #tpu.memory_space<hbm>>) target(%dma_start3A_186 : memref<32xf32, #tpu.memory_space<vmem>>) offsets(%dma_start3A_189 : memref<32xi32, #tpu.memory_space<vmem>>) semaphore(%arg7 : memref<!tpu.dma_semaphore, #tpu.memory_space<semaphore_mem>>)
    %dma_start3A_192 = arith.constant 19 : i32
    %dma_start3A_193 = arith.constant 19 : i32
    %dma_start3A_194 = arith.constant 0 : i32
    %dma_start3A_195 = tpu.memref_slice %arg6[%dma_start3A_193, %dma_start3A_194] : memref<32x32xf32, #tpu.memory_space<vmem>> -> memref<1x32xf32, #tpu.memory_space<vmem>>
    %dma_start3A_196 = tpu.memref_squeeze %dma_start3A_195 : memref<1x32xf32, #tpu.memory_space<vmem>> -> memref<32xf32, #tpu.memory_space<vmem>>
    %dma_start3A_197 = arith.constant 0 : i32
    %dma_start3A_198 = tpu.memref_slice %arg5[%dma_start3A_192, %dma_start3A_197] : memref<32x32xi32, #tpu.memory_space<vmem>> -> memref<1x32xi32, #tpu.memory_space<vmem>>
    %dma_start3A_199 = tpu.memref_squeeze %dma_start3A_198 : memref<1x32xi32, #tpu.memory_space<vmem>> -> memref<32xi32, #tpu.memory_space<vmem>>
    %dma_start3A_200 = arith.constant 0 : i32
    %dma_start3A_201 = tpu.memref_slice %arg2[%dma_start3A_200] : memref<8388608xf32, #tpu.memory_space<hbm>> -> memref<8388608xf32, #tpu.memory_space<hbm>>
    tpu.enqueue_indirect_dma source(%dma_start3A_201 : memref<8388608xf32, #tpu.memory_space<hbm>>) target(%dma_start3A_196 : memref<32xf32, #tpu.memory_space<vmem>>) offsets(%dma_start3A_199 : memref<32xi32, #tpu.memory_space<vmem>>) semaphore(%arg7 : memref<!tpu.dma_semaphore, #tpu.memory_space<semaphore_mem>>)
    %dma_start3A_202 = arith.constant 20 : i32
    %dma_start3A_203 = arith.constant 20 : i32
    %dma_start3A_204 = arith.constant 0 : i32
    %dma_start3A_205 = tpu.memref_slice %arg6[%dma_start3A_203, %dma_start3A_204] : memref<32x32xf32, #tpu.memory_space<vmem>> -> memref<1x32xf32, #tpu.memory_space<vmem>>
    %dma_start3A_206 = tpu.memref_squeeze %dma_start3A_205 : memref<1x32xf32, #tpu.memory_space<vmem>> -> memref<32xf32, #tpu.memory_space<vmem>>
    %dma_start3A_207 = arith.constant 0 : i32
    %dma_start3A_208 = tpu.memref_slice %arg5[%dma_start3A_202, %dma_start3A_207] : memref<32x32xi32, #tpu.memory_space<vmem>> -> memref<1x32xi32, #tpu.memory_space<vmem>>
    %dma_start3A_209 = tpu.memref_squeeze %dma_start3A_208 : memref<1x32xi32, #tpu.memory_space<vmem>> -> memref<32xi32, #tpu.memory_space<vmem>>
    %dma_start3A_210 = arith.constant 0 : i32
    %dma_start3A_211 = tpu.memref_slice %arg2[%dma_start3A_210] : memref<8388608xf32, #tpu.memory_space<hbm>> -> memref<8388608xf32, #tpu.memory_space<hbm>>
    tpu.enqueue_indirect_dma source(%dma_start3A_211 : memref<8388608xf32, #tpu.memory_space<hbm>>) target(%dma_start3A_206 : memref<32xf32, #tpu.memory_space<vmem>>) offsets(%dma_start3A_209 : memref<32xi32, #tpu.memory_space<vmem>>) semaphore(%arg7 : memref<!tpu.dma_semaphore, #tpu.memory_space<semaphore_mem>>)
    %dma_start3A_212 = arith.constant 21 : i32
    %dma_start3A_213 = arith.constant 21 : i32
    %dma_start3A_214 = arith.constant 0 : i32
    %dma_start3A_215 = tpu.memref_slice %arg6[%dma_start3A_213, %dma_start3A_214] : memref<32x32xf32, #tpu.memory_space<vmem>> -> memref<1x32xf32, #tpu.memory_space<vmem>>
    %dma_start3A_216 = tpu.memref_squeeze %dma_start3A_215 : memref<1x32xf32, #tpu.memory_space<vmem>> -> memref<32xf32, #tpu.memory_space<vmem>>
    %dma_start3A_217 = arith.constant 0 : i32
    %dma_start3A_218 = tpu.memref_slice %arg5[%dma_start3A_212, %dma_start3A_217] : memref<32x32xi32, #tpu.memory_space<vmem>> -> memref<1x32xi32, #tpu.memory_space<vmem>>
    %dma_start3A_219 = tpu.memref_squeeze %dma_start3A_218 : memref<1x32xi32, #tpu.memory_space<vmem>> -> memref<32xi32, #tpu.memory_space<vmem>>
    %dma_start3A_220 = arith.constant 0 : i32
    %dma_start3A_221 = tpu.memref_slice %arg2[%dma_start3A_220] : memref<8388608xf32, #tpu.memory_space<hbm>> -> memref<8388608xf32, #tpu.memory_space<hbm>>
    tpu.enqueue_indirect_dma source(%dma_start3A_221 : memref<8388608xf32, #tpu.memory_space<hbm>>) target(%dma_start3A_216 : memref<32xf32, #tpu.memory_space<vmem>>) offsets(%dma_start3A_219 : memref<32xi32, #tpu.memory_space<vmem>>) semaphore(%arg7 : memref<!tpu.dma_semaphore, #tpu.memory_space<semaphore_mem>>)
    %dma_start3A_222 = arith.constant 22 : i32
    %dma_start3A_223 = arith.constant 22 : i32
    %dma_start3A_224 = arith.constant 0 : i32
    %dma_start3A_225 = tpu.memref_slice %arg6[%dma_start3A_223, %dma_start3A_224] : memref<32x32xf32, #tpu.memory_space<vmem>> -> memref<1x32xf32, #tpu.memory_space<vmem>>
    %dma_start3A_226 = tpu.memref_squeeze %dma_start3A_225 : memref<1x32xf32, #tpu.memory_space<vmem>> -> memref<32xf32, #tpu.memory_space<vmem>>
    %dma_start3A_227 = arith.constant 0 : i32
    %dma_start3A_228 = tpu.memref_slice %arg5[%dma_start3A_222, %dma_start3A_227] : memref<32x32xi32, #tpu.memory_space<vmem>> -> memref<1x32xi32, #tpu.memory_space<vmem>>
    %dma_start3A_229 = tpu.memref_squeeze %dma_start3A_228 : memref<1x32xi32, #tpu.memory_space<vmem>> -> memref<32xi32, #tpu.memory_space<vmem>>
    %dma_start3A_230 = arith.constant 0 : i32
    %dma_start3A_231 = tpu.memref_slice %arg2[%dma_start3A_230] : memref<8388608xf32, #tpu.memory_space<hbm>> -> memref<8388608xf32, #tpu.memory_space<hbm>>
    tpu.enqueue_indirect_dma source(%dma_start3A_231 : memref<8388608xf32, #tpu.memory_space<hbm>>) target(%dma_start3A_226 : memref<32xf32, #tpu.memory_space<vmem>>) offsets(%dma_start3A_229 : memref<32xi32, #tpu.memory_space<vmem>>) semaphore(%arg7 : memref<!tpu.dma_semaphore, #tpu.memory_space<semaphore_mem>>)
    %dma_start3A_232 = arith.constant 23 : i32
    %dma_start3A_233 = arith.constant 23 : i32
    %dma_start3A_234 = arith.constant 0 : i32
    %dma_start3A_235 = tpu.memref_slice %arg6[%dma_start3A_233, %dma_start3A_234] : memref<32x32xf32, #tpu.memory_space<vmem>> -> memref<1x32xf32, #tpu.memory_space<vmem>>
    %dma_start3A_236 = tpu.memref_squeeze %dma_start3A_235 : memref<1x32xf32, #tpu.memory_space<vmem>> -> memref<32xf32, #tpu.memory_space<vmem>>
    %dma_start3A_237 = arith.constant 0 : i32
    %dma_start3A_238 = tpu.memref_slice %arg5[%dma_start3A_232, %dma_start3A_237] : memref<32x32xi32, #tpu.memory_space<vmem>> -> memref<1x32xi32, #tpu.memory_space<vmem>>
    %dma_start3A_239 = tpu.memref_squeeze %dma_start3A_238 : memref<1x32xi32, #tpu.memory_space<vmem>> -> memref<32xi32, #tpu.memory_space<vmem>>
    %dma_start3A_240 = arith.constant 0 : i32
    %dma_start3A_241 = tpu.memref_slice %arg2[%dma_start3A_240] : memref<8388608xf32, #tpu.memory_space<hbm>> -> memref<8388608xf32, #tpu.memory_space<hbm>>
    tpu.enqueue_indirect_dma source(%dma_start3A_241 : memref<8388608xf32, #tpu.memory_space<hbm>>) target(%dma_start3A_236 : memref<32xf32, #tpu.memory_space<vmem>>) offsets(%dma_start3A_239 : memref<32xi32, #tpu.memory_space<vmem>>) semaphore(%arg7 : memref<!tpu.dma_semaphore, #tpu.memory_space<semaphore_mem>>)
    %dma_start3A_242 = arith.constant 24 : i32
    %dma_start3A_243 = arith.constant 24 : i32
    %dma_start3A_244 = arith.constant 0 : i32
    %dma_start3A_245 = tpu.memref_slice %arg6[%dma_start3A_243, %dma_start3A_244] : memref<32x32xf32, #tpu.memory_space<vmem>> -> memref<1x32xf32, #tpu.memory_space<vmem>>
    %dma_start3A_246 = tpu.memref_squeeze %dma_start3A_245 : memref<1x32xf32, #tpu.memory_space<vmem>> -> memref<32xf32, #tpu.memory_space<vmem>>
    %dma_start3A_247 = arith.constant 0 : i32
    %dma_start3A_248 = tpu.memref_slice %arg5[%dma_start3A_242, %dma_start3A_247] : memref<32x32xi32, #tpu.memory_space<vmem>> -> memref<1x32xi32, #tpu.memory_space<vmem>>
    %dma_start3A_249 = tpu.memref_squeeze %dma_start3A_248 : memref<1x32xi32, #tpu.memory_space<vmem>> -> memref<32xi32, #tpu.memory_space<vmem>>
    %dma_start3A_250 = arith.constant 0 : i32
    %dma_start3A_251 = tpu.memref_slice %arg2[%dma_start3A_250] : memref<8388608xf32, #tpu.memory_space<hbm>> -> memref<8388608xf32, #tpu.memory_space<hbm>>
    tpu.enqueue_indirect_dma source(%dma_start3A_251 : memref<8388608xf32, #tpu.memory_space<hbm>>) target(%dma_start3A_246 : memref<32xf32, #tpu.memory_space<vmem>>) offsets(%dma_start3A_249 : memref<32xi32, #tpu.memory_space<vmem>>) semaphore(%arg7 : memref<!tpu.dma_semaphore, #tpu.memory_space<semaphore_mem>>)
    %dma_start3A_252 = arith.constant 25 : i32
    %dma_start3A_253 = arith.constant 25 : i32
    %dma_start3A_254 = arith.constant 0 : i32
    %dma_start3A_255 = tpu.memref_slice %arg6[%dma_start3A_253, %dma_start3A_254] : memref<32x32xf32, #tpu.memory_space<vmem>> -> memref<1x32xf32, #tpu.memory_space<vmem>>
    %dma_start3A_256 = tpu.memref_squeeze %dma_start3A_255 : memref<1x32xf32, #tpu.memory_space<vmem>> -> memref<32xf32, #tpu.memory_space<vmem>>
    %dma_start3A_257 = arith.constant 0 : i32
    %dma_start3A_258 = tpu.memref_slice %arg5[%dma_start3A_252, %dma_start3A_257] : memref<32x32xi32, #tpu.memory_space<vmem>> -> memref<1x32xi32, #tpu.memory_space<vmem>>
    %dma_start3A_259 = tpu.memref_squeeze %dma_start3A_258 : memref<1x32xi32, #tpu.memory_space<vmem>> -> memref<32xi32, #tpu.memory_space<vmem>>
    %dma_start3A_260 = arith.constant 0 : i32
    %dma_start3A_261 = tpu.memref_slice %arg2[%dma_start3A_260] : memref<8388608xf32, #tpu.memory_space<hbm>> -> memref<8388608xf32, #tpu.memory_space<hbm>>
    tpu.enqueue_indirect_dma source(%dma_start3A_261 : memref<8388608xf32, #tpu.memory_space<hbm>>) target(%dma_start3A_256 : memref<32xf32, #tpu.memory_space<vmem>>) offsets(%dma_start3A_259 : memref<32xi32, #tpu.memory_space<vmem>>) semaphore(%arg7 : memref<!tpu.dma_semaphore, #tpu.memory_space<semaphore_mem>>)
    %dma_start3A_262 = arith.constant 26 : i32
    %dma_start3A_263 = arith.constant 26 : i32
    %dma_start3A_264 = arith.constant 0 : i32
    %dma_start3A_265 = tpu.memref_slice %arg6[%dma_start3A_263, %dma_start3A_264] : memref<32x32xf32, #tpu.memory_space<vmem>> -> memref<1x32xf32, #tpu.memory_space<vmem>>
    %dma_start3A_266 = tpu.memref_squeeze %dma_start3A_265 : memref<1x32xf32, #tpu.memory_space<vmem>> -> memref<32xf32, #tpu.memory_space<vmem>>
    %dma_start3A_267 = arith.constant 0 : i32
    %dma_start3A_268 = tpu.memref_slice %arg5[%dma_start3A_262, %dma_start3A_267] : memref<32x32xi32, #tpu.memory_space<vmem>> -> memref<1x32xi32, #tpu.memory_space<vmem>>
    %dma_start3A_269 = tpu.memref_squeeze %dma_start3A_268 : memref<1x32xi32, #tpu.memory_space<vmem>> -> memref<32xi32, #tpu.memory_space<vmem>>
    %dma_start3A_270 = arith.constant 0 : i32
    %dma_start3A_271 = tpu.memref_slice %arg2[%dma_start3A_270] : memref<8388608xf32, #tpu.memory_space<hbm>> -> memref<8388608xf32, #tpu.memory_space<hbm>>
    tpu.enqueue_indirect_dma source(%dma_start3A_271 : memref<8388608xf32, #tpu.memory_space<hbm>>) target(%dma_start3A_266 : memref<32xf32, #tpu.memory_space<vmem>>) offsets(%dma_start3A_269 : memref<32xi32, #tpu.memory_space<vmem>>) semaphore(%arg7 : memref<!tpu.dma_semaphore, #tpu.memory_space<semaphore_mem>>)
    %dma_start3A_272 = arith.constant 27 : i32
    %dma_start3A_273 = arith.constant 27 : i32
    %dma_start3A_274 = arith.constant 0 : i32
    %dma_start3A_275 = tpu.memref_slice %arg6[%dma_start3A_273, %dma_start3A_274] : memref<32x32xf32, #tpu.memory_space<vmem>> -> memref<1x32xf32, #tpu.memory_space<vmem>>
    %dma_start3A_276 = tpu.memref_squeeze %dma_start3A_275 : memref<1x32xf32, #tpu.memory_space<vmem>> -> memref<32xf32, #tpu.memory_space<vmem>>
    %dma_start3A_277 = arith.constant 0 : i32
    %dma_start3A_278 = tpu.memref_slice %arg5[%dma_start3A_272, %dma_start3A_277] : memref<32x32xi32, #tpu.memory_space<vmem>> -> memref<1x32xi32, #tpu.memory_space<vmem>>
    %dma_start3A_279 = tpu.memref_squeeze %dma_start3A_278 : memref<1x32xi32, #tpu.memory_space<vmem>> -> memref<32xi32, #tpu.memory_space<vmem>>
    %dma_start3A_280 = arith.constant 0 : i32
    %dma_start3A_281 = tpu.memref_slice %arg2[%dma_start3A_280] : memref<8388608xf32, #tpu.memory_space<hbm>> -> memref<8388608xf32, #tpu.memory_space<hbm>>
    tpu.enqueue_indirect_dma source(%dma_start3A_281 : memref<8388608xf32, #tpu.memory_space<hbm>>) target(%dma_start3A_276 : memref<32xf32, #tpu.memory_space<vmem>>) offsets(%dma_start3A_279 : memref<32xi32, #tpu.memory_space<vmem>>) semaphore(%arg7 : memref<!tpu.dma_semaphore, #tpu.memory_space<semaphore_mem>>)
    %dma_start3A_282 = arith.constant 28 : i32
    %dma_start3A_283 = arith.constant 28 : i32
    %dma_start3A_284 = arith.constant 0 : i32
    %dma_start3A_285 = tpu.memref_slice %arg6[%dma_start3A_283, %dma_start3A_284] : memref<32x32xf32, #tpu.memory_space<vmem>> -> memref<1x32xf32, #tpu.memory_space<vmem>>
    %dma_start3A_286 = tpu.memref_squeeze %dma_start3A_285 : memref<1x32xf32, #tpu.memory_space<vmem>> -> memref<32xf32, #tpu.memory_space<vmem>>
    %dma_start3A_287 = arith.constant 0 : i32
    %dma_start3A_288 = tpu.memref_slice %arg5[%dma_start3A_282, %dma_start3A_287] : memref<32x32xi32, #tpu.memory_space<vmem>> -> memref<1x32xi32, #tpu.memory_space<vmem>>
    %dma_start3A_289 = tpu.memref_squeeze %dma_start3A_288 : memref<1x32xi32, #tpu.memory_space<vmem>> -> memref<32xi32, #tpu.memory_space<vmem>>
    %dma_start3A_290 = arith.constant 0 : i32
    %dma_start3A_291 = tpu.memref_slice %arg2[%dma_start3A_290] : memref<8388608xf32, #tpu.memory_space<hbm>> -> memref<8388608xf32, #tpu.memory_space<hbm>>
    tpu.enqueue_indirect_dma source(%dma_start3A_291 : memref<8388608xf32, #tpu.memory_space<hbm>>) target(%dma_start3A_286 : memref<32xf32, #tpu.memory_space<vmem>>) offsets(%dma_start3A_289 : memref<32xi32, #tpu.memory_space<vmem>>) semaphore(%arg7 : memref<!tpu.dma_semaphore, #tpu.memory_space<semaphore_mem>>)
    %dma_start3A_292 = arith.constant 29 : i32
    %dma_start3A_293 = arith.constant 29 : i32
    %dma_start3A_294 = arith.constant 0 : i32
    %dma_start3A_295 = tpu.memref_slice %arg6[%dma_start3A_293, %dma_start3A_294] : memref<32x32xf32, #tpu.memory_space<vmem>> -> memref<1x32xf32, #tpu.memory_space<vmem>>
    %dma_start3A_296 = tpu.memref_squeeze %dma_start3A_295 : memref<1x32xf32, #tpu.memory_space<vmem>> -> memref<32xf32, #tpu.memory_space<vmem>>
    %dma_start3A_297 = arith.constant 0 : i32
    %dma_start3A_298 = tpu.memref_slice %arg5[%dma_start3A_292, %dma_start3A_297] : memref<32x32xi32, #tpu.memory_space<vmem>> -> memref<1x32xi32, #tpu.memory_space<vmem>>
    %dma_start3A_299 = tpu.memref_squeeze %dma_start3A_298 : memref<1x32xi32, #tpu.memory_space<vmem>> -> memref<32xi32, #tpu.memory_space<vmem>>
    %dma_start3A_300 = arith.constant 0 : i32
    %dma_start3A_301 = tpu.memref_slice %arg2[%dma_start3A_300] : memref<8388608xf32, #tpu.memory_space<hbm>> -> memref<8388608xf32, #tpu.memory_space<hbm>>
    tpu.enqueue_indirect_dma source(%dma_start3A_301 : memref<8388608xf32, #tpu.memory_space<hbm>>) target(%dma_start3A_296 : memref<32xf32, #tpu.memory_space<vmem>>) offsets(%dma_start3A_299 : memref<32xi32, #tpu.memory_space<vmem>>) semaphore(%arg7 : memref<!tpu.dma_semaphore, #tpu.memory_space<semaphore_mem>>)
    %dma_start3A_302 = arith.constant 30 : i32
    %dma_start3A_303 = arith.constant 30 : i32
    %dma_start3A_304 = arith.constant 0 : i32
    %dma_start3A_305 = tpu.memref_slice %arg6[%dma_start3A_303, %dma_start3A_304] : memref<32x32xf32, #tpu.memory_space<vmem>> -> memref<1x32xf32, #tpu.memory_space<vmem>>
    %dma_start3A_306 = tpu.memref_squeeze %dma_start3A_305 : memref<1x32xf32, #tpu.memory_space<vmem>> -> memref<32xf32, #tpu.memory_space<vmem>>
    %dma_start3A_307 = arith.constant 0 : i32
    %dma_start3A_308 = tpu.memref_slice %arg5[%dma_start3A_302, %dma_start3A_307] : memref<32x32xi32, #tpu.memory_space<vmem>> -> memref<1x32xi32, #tpu.memory_space<vmem>>
    %dma_start3A_309 = tpu.memref_squeeze %dma_start3A_308 : memref<1x32xi32, #tpu.memory_space<vmem>> -> memref<32xi32, #tpu.memory_space<vmem>>
    %dma_start3A_310 = arith.constant 0 : i32
    %dma_start3A_311 = tpu.memref_slice %arg2[%dma_start3A_310] : memref<8388608xf32, #tpu.memory_space<hbm>> -> memref<8388608xf32, #tpu.memory_space<hbm>>
    tpu.enqueue_indirect_dma source(%dma_start3A_311 : memref<8388608xf32, #tpu.memory_space<hbm>>) target(%dma_start3A_306 : memref<32xf32, #tpu.memory_space<vmem>>) offsets(%dma_start3A_309 : memref<32xi32, #tpu.memory_space<vmem>>) semaphore(%arg7 : memref<!tpu.dma_semaphore, #tpu.memory_space<semaphore_mem>>)
    %dma_start3A_312 = arith.constant 31 : i32
    %dma_start3A_313 = arith.constant 31 : i32
    %dma_start3A_314 = arith.constant 0 : i32
    %dma_start3A_315 = tpu.memref_slice %arg6[%dma_start3A_313, %dma_start3A_314] : memref<32x32xf32, #tpu.memory_space<vmem>> -> memref<1x32xf32, #tpu.memory_space<vmem>>
    %dma_start3A_316 = tpu.memref_squeeze %dma_start3A_315 : memref<1x32xf32, #tpu.memory_space<vmem>> -> memref<32xf32, #tpu.memory_space<vmem>>
    %dma_start3A_317 = arith.constant 0 : i32
    %dma_start3A_318 = tpu.memref_slice %arg5[%dma_start3A_312, %dma_start3A_317] : memref<32x32xi32, #tpu.memory_space<vmem>> -> memref<1x32xi32, #tpu.memory_space<vmem>>
    %dma_start3A_319 = tpu.memref_squeeze %dma_start3A_318 : memref<1x32xi32, #tpu.memory_space<vmem>> -> memref<32xi32, #tpu.memory_space<vmem>>
    %dma_start3A_320 = arith.constant 0 : i32
    %dma_start3A_321 = tpu.memref_slice %arg2[%dma_start3A_320] : memref<8388608xf32, #tpu.memory_space<hbm>> -> memref<8388608xf32, #tpu.memory_space<hbm>>
    tpu.enqueue_indirect_dma source(%dma_start3A_321 : memref<8388608xf32, #tpu.memory_space<hbm>>) target(%dma_start3A_316 : memref<32xf32, #tpu.memory_space<vmem>>) offsets(%dma_start3A_319 : memref<32xi32, #tpu.memory_space<vmem>>) semaphore(%arg7 : memref<!tpu.dma_semaphore, #tpu.memory_space<semaphore_mem>>)
    %dma_wait3A = arith.constant 0 : i32
    %dma_wait3A_322 = arith.constant 0 : i32
    %dma_wait3A_323 = arith.constant 0 : i32
    %dma_wait3A_324 = tpu.memref_slice %arg6[%dma_wait3A_322, %dma_wait3A_323] : memref<32x32xf32, #tpu.memory_space<vmem>> -> memref<1x32xf32, #tpu.memory_space<vmem>>
    %dma_wait3A_325 = tpu.memref_squeeze %dma_wait3A_324 : memref<1x32xf32, #tpu.memory_space<vmem>> -> memref<32xf32, #tpu.memory_space<vmem>>
    %dma_wait3A_326 = arith.constant 0 : i32
    %dma_wait3A_327 = tpu.memref_slice %arg5[%dma_wait3A, %dma_wait3A_326] : memref<32x32xi32, #tpu.memory_space<vmem>> -> memref<1x32xi32, #tpu.memory_space<vmem>>
    %dma_wait3A_328 = tpu.memref_squeeze %dma_wait3A_327 : memref<1x32xi32, #tpu.memory_space<vmem>> -> memref<32xi32, #tpu.memory_space<vmem>>
    %dma_wait3A_329 = arith.constant 0 : i32
    %dma_wait3A_330 = tpu.memref_slice %arg2[%dma_wait3A_329] : memref<8388608xf32, #tpu.memory_space<hbm>> -> memref<8388608xf32, #tpu.memory_space<hbm>>
    tpu.wait_indirect_dma semaphore(%arg7 : memref<!tpu.dma_semaphore, #tpu.memory_space<semaphore_mem>>) src(%dma_wait3A_330 : memref<8388608xf32, #tpu.memory_space<hbm>>) dst(%dma_wait3A_325 : memref<32xf32, #tpu.memory_space<vmem>>)
    %dma_wait3A_331 = arith.constant 1 : i32
    %dma_wait3A_332 = arith.constant 1 : i32
    %dma_wait3A_333 = arith.constant 0 : i32
    %dma_wait3A_334 = tpu.memref_slice %arg6[%dma_wait3A_332, %dma_wait3A_333] : memref<32x32xf32, #tpu.memory_space<vmem>> -> memref<1x32xf32, #tpu.memory_space<vmem>>
    %dma_wait3A_335 = tpu.memref_squeeze %dma_wait3A_334 : memref<1x32xf32, #tpu.memory_space<vmem>> -> memref<32xf32, #tpu.memory_space<vmem>>
    %dma_wait3A_336 = arith.constant 0 : i32
    %dma_wait3A_337 = tpu.memref_slice %arg5[%dma_wait3A_331, %dma_wait3A_336] : memref<32x32xi32, #tpu.memory_space<vmem>> -> memref<1x32xi32, #tpu.memory_space<vmem>>
    %dma_wait3A_338 = tpu.memref_squeeze %dma_wait3A_337 : memref<1x32xi32, #tpu.memory_space<vmem>> -> memref<32xi32, #tpu.memory_space<vmem>>
    %dma_wait3A_339 = arith.constant 0 : i32
    %dma_wait3A_340 = tpu.memref_slice %arg2[%dma_wait3A_339] : memref<8388608xf32, #tpu.memory_space<hbm>> -> memref<8388608xf32, #tpu.memory_space<hbm>>
    tpu.wait_indirect_dma semaphore(%arg7 : memref<!tpu.dma_semaphore, #tpu.memory_space<semaphore_mem>>) src(%dma_wait3A_340 : memref<8388608xf32, #tpu.memory_space<hbm>>) dst(%dma_wait3A_335 : memref<32xf32, #tpu.memory_space<vmem>>)
    %dma_wait3A_341 = arith.constant 2 : i32
    %dma_wait3A_342 = arith.constant 2 : i32
    %dma_wait3A_343 = arith.constant 0 : i32
    %dma_wait3A_344 = tpu.memref_slice %arg6[%dma_wait3A_342, %dma_wait3A_343] : memref<32x32xf32, #tpu.memory_space<vmem>> -> memref<1x32xf32, #tpu.memory_space<vmem>>
    %dma_wait3A_345 = tpu.memref_squeeze %dma_wait3A_344 : memref<1x32xf32, #tpu.memory_space<vmem>> -> memref<32xf32, #tpu.memory_space<vmem>>
    %dma_wait3A_346 = arith.constant 0 : i32
    %dma_wait3A_347 = tpu.memref_slice %arg5[%dma_wait3A_341, %dma_wait3A_346] : memref<32x32xi32, #tpu.memory_space<vmem>> -> memref<1x32xi32, #tpu.memory_space<vmem>>
    %dma_wait3A_348 = tpu.memref_squeeze %dma_wait3A_347 : memref<1x32xi32, #tpu.memory_space<vmem>> -> memref<32xi32, #tpu.memory_space<vmem>>
    %dma_wait3A_349 = arith.constant 0 : i32
    %dma_wait3A_350 = tpu.memref_slice %arg2[%dma_wait3A_349] : memref<8388608xf32, #tpu.memory_space<hbm>> -> memref<8388608xf32, #tpu.memory_space<hbm>>
    tpu.wait_indirect_dma semaphore(%arg7 : memref<!tpu.dma_semaphore, #tpu.memory_space<semaphore_mem>>) src(%dma_wait3A_350 : memref<8388608xf32, #tpu.memory_space<hbm>>) dst(%dma_wait3A_345 : memref<32xf32, #tpu.memory_space<vmem>>)
    %dma_wait3A_351 = arith.constant 3 : i32
    %dma_wait3A_352 = arith.constant 3 : i32
    %dma_wait3A_353 = arith.constant 0 : i32
    %dma_wait3A_354 = tpu.memref_slice %arg6[%dma_wait3A_352, %dma_wait3A_353] : memref<32x32xf32, #tpu.memory_space<vmem>> -> memref<1x32xf32, #tpu.memory_space<vmem>>
    %dma_wait3A_355 = tpu.memref_squeeze %dma_wait3A_354 : memref<1x32xf32, #tpu.memory_space<vmem>> -> memref<32xf32, #tpu.memory_space<vmem>>
    %dma_wait3A_356 = arith.constant 0 : i32
    %dma_wait3A_357 = tpu.memref_slice %arg5[%dma_wait3A_351, %dma_wait3A_356] : memref<32x32xi32, #tpu.memory_space<vmem>> -> memref<1x32xi32, #tpu.memory_space<vmem>>
    %dma_wait3A_358 = tpu.memref_squeeze %dma_wait3A_357 : memref<1x32xi32, #tpu.memory_space<vmem>> -> memref<32xi32, #tpu.memory_space<vmem>>
    %dma_wait3A_359 = arith.constant 0 : i32
    %dma_wait3A_360 = tpu.memref_slice %arg2[%dma_wait3A_359] : memref<8388608xf32, #tpu.memory_space<hbm>> -> memref<8388608xf32, #tpu.memory_space<hbm>>
    tpu.wait_indirect_dma semaphore(%arg7 : memref<!tpu.dma_semaphore, #tpu.memory_space<semaphore_mem>>) src(%dma_wait3A_360 : memref<8388608xf32, #tpu.memory_space<hbm>>) dst(%dma_wait3A_355 : memref<32xf32, #tpu.memory_space<vmem>>)
    %dma_wait3A_361 = arith.constant 4 : i32
    %dma_wait3A_362 = arith.constant 4 : i32
    %dma_wait3A_363 = arith.constant 0 : i32
    %dma_wait3A_364 = tpu.memref_slice %arg6[%dma_wait3A_362, %dma_wait3A_363] : memref<32x32xf32, #tpu.memory_space<vmem>> -> memref<1x32xf32, #tpu.memory_space<vmem>>
    %dma_wait3A_365 = tpu.memref_squeeze %dma_wait3A_364 : memref<1x32xf32, #tpu.memory_space<vmem>> -> memref<32xf32, #tpu.memory_space<vmem>>
    %dma_wait3A_366 = arith.constant 0 : i32
    %dma_wait3A_367 = tpu.memref_slice %arg5[%dma_wait3A_361, %dma_wait3A_366] : memref<32x32xi32, #tpu.memory_space<vmem>> -> memref<1x32xi32, #tpu.memory_space<vmem>>
    %dma_wait3A_368 = tpu.memref_squeeze %dma_wait3A_367 : memref<1x32xi32, #tpu.memory_space<vmem>> -> memref<32xi32, #tpu.memory_space<vmem>>
    %dma_wait3A_369 = arith.constant 0 : i32
    %dma_wait3A_370 = tpu.memref_slice %arg2[%dma_wait3A_369] : memref<8388608xf32, #tpu.memory_space<hbm>> -> memref<8388608xf32, #tpu.memory_space<hbm>>
    tpu.wait_indirect_dma semaphore(%arg7 : memref<!tpu.dma_semaphore, #tpu.memory_space<semaphore_mem>>) src(%dma_wait3A_370 : memref<8388608xf32, #tpu.memory_space<hbm>>) dst(%dma_wait3A_365 : memref<32xf32, #tpu.memory_space<vmem>>)
    %dma_wait3A_371 = arith.constant 5 : i32
    %dma_wait3A_372 = arith.constant 5 : i32
    %dma_wait3A_373 = arith.constant 0 : i32
    %dma_wait3A_374 = tpu.memref_slice %arg6[%dma_wait3A_372, %dma_wait3A_373] : memref<32x32xf32, #tpu.memory_space<vmem>> -> memref<1x32xf32, #tpu.memory_space<vmem>>
    %dma_wait3A_375 = tpu.memref_squeeze %dma_wait3A_374 : memref<1x32xf32, #tpu.memory_space<vmem>> -> memref<32xf32, #tpu.memory_space<vmem>>
    %dma_wait3A_376 = arith.constant 0 : i32
    %dma_wait3A_377 = tpu.memref_slice %arg5[%dma_wait3A_371, %dma_wait3A_376] : memref<32x32xi32, #tpu.memory_space<vmem>> -> memref<1x32xi32, #tpu.memory_space<vmem>>
    %dma_wait3A_378 = tpu.memref_squeeze %dma_wait3A_377 : memref<1x32xi32, #tpu.memory_space<vmem>> -> memref<32xi32, #tpu.memory_space<vmem>>
    %dma_wait3A_379 = arith.constant 0 : i32
    %dma_wait3A_380 = tpu.memref_slice %arg2[%dma_wait3A_379] : memref<8388608xf32, #tpu.memory_space<hbm>> -> memref<8388608xf32, #tpu.memory_space<hbm>>
    tpu.wait_indirect_dma semaphore(%arg7 : memref<!tpu.dma_semaphore, #tpu.memory_space<semaphore_mem>>) src(%dma_wait3A_380 : memref<8388608xf32, #tpu.memory_space<hbm>>) dst(%dma_wait3A_375 : memref<32xf32, #tpu.memory_space<vmem>>)
    %dma_wait3A_381 = arith.constant 6 : i32
    %dma_wait3A_382 = arith.constant 6 : i32
    %dma_wait3A_383 = arith.constant 0 : i32
    %dma_wait3A_384 = tpu.memref_slice %arg6[%dma_wait3A_382, %dma_wait3A_383] : memref<32x32xf32, #tpu.memory_space<vmem>> -> memref<1x32xf32, #tpu.memory_space<vmem>>
    %dma_wait3A_385 = tpu.memref_squeeze %dma_wait3A_384 : memref<1x32xf32, #tpu.memory_space<vmem>> -> memref<32xf32, #tpu.memory_space<vmem>>
    %dma_wait3A_386 = arith.constant 0 : i32
    %dma_wait3A_387 = tpu.memref_slice %arg5[%dma_wait3A_381, %dma_wait3A_386] : memref<32x32xi32, #tpu.memory_space<vmem>> -> memref<1x32xi32, #tpu.memory_space<vmem>>
    %dma_wait3A_388 = tpu.memref_squeeze %dma_wait3A_387 : memref<1x32xi32, #tpu.memory_space<vmem>> -> memref<32xi32, #tpu.memory_space<vmem>>
    %dma_wait3A_389 = arith.constant 0 : i32
    %dma_wait3A_390 = tpu.memref_slice %arg2[%dma_wait3A_389] : memref<8388608xf32, #tpu.memory_space<hbm>> -> memref<8388608xf32, #tpu.memory_space<hbm>>
    tpu.wait_indirect_dma semaphore(%arg7 : memref<!tpu.dma_semaphore, #tpu.memory_space<semaphore_mem>>) src(%dma_wait3A_390 : memref<8388608xf32, #tpu.memory_space<hbm>>) dst(%dma_wait3A_385 : memref<32xf32, #tpu.memory_space<vmem>>)
    %dma_wait3A_391 = arith.constant 7 : i32
    %dma_wait3A_392 = arith.constant 7 : i32
    %dma_wait3A_393 = arith.constant 0 : i32
    %dma_wait3A_394 = tpu.memref_slice %arg6[%dma_wait3A_392, %dma_wait3A_393] : memref<32x32xf32, #tpu.memory_space<vmem>> -> memref<1x32xf32, #tpu.memory_space<vmem>>
    %dma_wait3A_395 = tpu.memref_squeeze %dma_wait3A_394 : memref<1x32xf32, #tpu.memory_space<vmem>> -> memref<32xf32, #tpu.memory_space<vmem>>
    %dma_wait3A_396 = arith.constant 0 : i32
    %dma_wait3A_397 = tpu.memref_slice %arg5[%dma_wait3A_391, %dma_wait3A_396] : memref<32x32xi32, #tpu.memory_space<vmem>> -> memref<1x32xi32, #tpu.memory_space<vmem>>
    %dma_wait3A_398 = tpu.memref_squeeze %dma_wait3A_397 : memref<1x32xi32, #tpu.memory_space<vmem>> -> memref<32xi32, #tpu.memory_space<vmem>>
    %dma_wait3A_399 = arith.constant 0 : i32
    %dma_wait3A_400 = tpu.memref_slice %arg2[%dma_wait3A_399] : memref<8388608xf32, #tpu.memory_space<hbm>> -> memref<8388608xf32, #tpu.memory_space<hbm>>
    tpu.wait_indirect_dma semaphore(%arg7 : memref<!tpu.dma_semaphore, #tpu.memory_space<semaphore_mem>>) src(%dma_wait3A_400 : memref<8388608xf32, #tpu.memory_space<hbm>>) dst(%dma_wait3A_395 : memref<32xf32, #tpu.memory_space<vmem>>)
    %dma_wait3A_401 = arith.constant 8 : i32
    %dma_wait3A_402 = arith.constant 8 : i32
    %dma_wait3A_403 = arith.constant 0 : i32
    %dma_wait3A_404 = tpu.memref_slice %arg6[%dma_wait3A_402, %dma_wait3A_403] : memref<32x32xf32, #tpu.memory_space<vmem>> -> memref<1x32xf32, #tpu.memory_space<vmem>>
    %dma_wait3A_405 = tpu.memref_squeeze %dma_wait3A_404 : memref<1x32xf32, #tpu.memory_space<vmem>> -> memref<32xf32, #tpu.memory_space<vmem>>
    %dma_wait3A_406 = arith.constant 0 : i32
    %dma_wait3A_407 = tpu.memref_slice %arg5[%dma_wait3A_401, %dma_wait3A_406] : memref<32x32xi32, #tpu.memory_space<vmem>> -> memref<1x32xi32, #tpu.memory_space<vmem>>
    %dma_wait3A_408 = tpu.memref_squeeze %dma_wait3A_407 : memref<1x32xi32, #tpu.memory_space<vmem>> -> memref<32xi32, #tpu.memory_space<vmem>>
    %dma_wait3A_409 = arith.constant 0 : i32
    %dma_wait3A_410 = tpu.memref_slice %arg2[%dma_wait3A_409] : memref<8388608xf32, #tpu.memory_space<hbm>> -> memref<8388608xf32, #tpu.memory_space<hbm>>
    tpu.wait_indirect_dma semaphore(%arg7 : memref<!tpu.dma_semaphore, #tpu.memory_space<semaphore_mem>>) src(%dma_wait3A_410 : memref<8388608xf32, #tpu.memory_space<hbm>>) dst(%dma_wait3A_405 : memref<32xf32, #tpu.memory_space<vmem>>)
    %dma_wait3A_411 = arith.constant 9 : i32
    %dma_wait3A_412 = arith.constant 9 : i32
    %dma_wait3A_413 = arith.constant 0 : i32
    %dma_wait3A_414 = tpu.memref_slice %arg6[%dma_wait3A_412, %dma_wait3A_413] : memref<32x32xf32, #tpu.memory_space<vmem>> -> memref<1x32xf32, #tpu.memory_space<vmem>>
    %dma_wait3A_415 = tpu.memref_squeeze %dma_wait3A_414 : memref<1x32xf32, #tpu.memory_space<vmem>> -> memref<32xf32, #tpu.memory_space<vmem>>
    %dma_wait3A_416 = arith.constant 0 : i32
    %dma_wait3A_417 = tpu.memref_slice %arg5[%dma_wait3A_411, %dma_wait3A_416] : memref<32x32xi32, #tpu.memory_space<vmem>> -> memref<1x32xi32, #tpu.memory_space<vmem>>
    %dma_wait3A_418 = tpu.memref_squeeze %dma_wait3A_417 : memref<1x32xi32, #tpu.memory_space<vmem>> -> memref<32xi32, #tpu.memory_space<vmem>>
    %dma_wait3A_419 = arith.constant 0 : i32
    %dma_wait3A_420 = tpu.memref_slice %arg2[%dma_wait3A_419] : memref<8388608xf32, #tpu.memory_space<hbm>> -> memref<8388608xf32, #tpu.memory_space<hbm>>
    tpu.wait_indirect_dma semaphore(%arg7 : memref<!tpu.dma_semaphore, #tpu.memory_space<semaphore_mem>>) src(%dma_wait3A_420 : memref<8388608xf32, #tpu.memory_space<hbm>>) dst(%dma_wait3A_415 : memref<32xf32, #tpu.memory_space<vmem>>)
    %dma_wait3A_421 = arith.constant 10 : i32
    %dma_wait3A_422 = arith.constant 10 : i32
    %dma_wait3A_423 = arith.constant 0 : i32
    %dma_wait3A_424 = tpu.memref_slice %arg6[%dma_wait3A_422, %dma_wait3A_423] : memref<32x32xf32, #tpu.memory_space<vmem>> -> memref<1x32xf32, #tpu.memory_space<vmem>>
    %dma_wait3A_425 = tpu.memref_squeeze %dma_wait3A_424 : memref<1x32xf32, #tpu.memory_space<vmem>> -> memref<32xf32, #tpu.memory_space<vmem>>
    %dma_wait3A_426 = arith.constant 0 : i32
    %dma_wait3A_427 = tpu.memref_slice %arg5[%dma_wait3A_421, %dma_wait3A_426] : memref<32x32xi32, #tpu.memory_space<vmem>> -> memref<1x32xi32, #tpu.memory_space<vmem>>
    %dma_wait3A_428 = tpu.memref_squeeze %dma_wait3A_427 : memref<1x32xi32, #tpu.memory_space<vmem>> -> memref<32xi32, #tpu.memory_space<vmem>>
    %dma_wait3A_429 = arith.constant 0 : i32
    %dma_wait3A_430 = tpu.memref_slice %arg2[%dma_wait3A_429] : memref<8388608xf32, #tpu.memory_space<hbm>> -> memref<8388608xf32, #tpu.memory_space<hbm>>
    tpu.wait_indirect_dma semaphore(%arg7 : memref<!tpu.dma_semaphore, #tpu.memory_space<semaphore_mem>>) src(%dma_wait3A_430 : memref<8388608xf32, #tpu.memory_space<hbm>>) dst(%dma_wait3A_425 : memref<32xf32, #tpu.memory_space<vmem>>)
    %dma_wait3A_431 = arith.constant 11 : i32
    %dma_wait3A_432 = arith.constant 11 : i32
    %dma_wait3A_433 = arith.constant 0 : i32
    %dma_wait3A_434 = tpu.memref_slice %arg6[%dma_wait3A_432, %dma_wait3A_433] : memref<32x32xf32, #tpu.memory_space<vmem>> -> memref<1x32xf32, #tpu.memory_space<vmem>>
    %dma_wait3A_435 = tpu.memref_squeeze %dma_wait3A_434 : memref<1x32xf32, #tpu.memory_space<vmem>> -> memref<32xf32, #tpu.memory_space<vmem>>
    %dma_wait3A_436 = arith.constant 0 : i32
    %dma_wait3A_437 = tpu.memref_slice %arg5[%dma_wait3A_431, %dma_wait3A_436] : memref<32x32xi32, #tpu.memory_space<vmem>> -> memref<1x32xi32, #tpu.memory_space<vmem>>
    %dma_wait3A_438 = tpu.memref_squeeze %dma_wait3A_437 : memref<1x32xi32, #tpu.memory_space<vmem>> -> memref<32xi32, #tpu.memory_space<vmem>>
    %dma_wait3A_439 = arith.constant 0 : i32
    %dma_wait3A_440 = tpu.memref_slice %arg2[%dma_wait3A_439] : memref<8388608xf32, #tpu.memory_space<hbm>> -> memref<8388608xf32, #tpu.memory_space<hbm>>
    tpu.wait_indirect_dma semaphore(%arg7 : memref<!tpu.dma_semaphore, #tpu.memory_space<semaphore_mem>>) src(%dma_wait3A_440 : memref<8388608xf32, #tpu.memory_space<hbm>>) dst(%dma_wait3A_435 : memref<32xf32, #tpu.memory_space<vmem>>)
    %dma_wait3A_441 = arith.constant 12 : i32
    %dma_wait3A_442 = arith.constant 12 : i32
    %dma_wait3A_443 = arith.constant 0 : i32
    %dma_wait3A_444 = tpu.memref_slice %arg6[%dma_wait3A_442, %dma_wait3A_443] : memref<32x32xf32, #tpu.memory_space<vmem>> -> memref<1x32xf32, #tpu.memory_space<vmem>>
    %dma_wait3A_445 = tpu.memref_squeeze %dma_wait3A_444 : memref<1x32xf32, #tpu.memory_space<vmem>> -> memref<32xf32, #tpu.memory_space<vmem>>
    %dma_wait3A_446 = arith.constant 0 : i32
    %dma_wait3A_447 = tpu.memref_slice %arg5[%dma_wait3A_441, %dma_wait3A_446] : memref<32x32xi32, #tpu.memory_space<vmem>> -> memref<1x32xi32, #tpu.memory_space<vmem>>
    %dma_wait3A_448 = tpu.memref_squeeze %dma_wait3A_447 : memref<1x32xi32, #tpu.memory_space<vmem>> -> memref<32xi32, #tpu.memory_space<vmem>>
    %dma_wait3A_449 = arith.constant 0 : i32
    %dma_wait3A_450 = tpu.memref_slice %arg2[%dma_wait3A_449] : memref<8388608xf32, #tpu.memory_space<hbm>> -> memref<8388608xf32, #tpu.memory_space<hbm>>
    tpu.wait_indirect_dma semaphore(%arg7 : memref<!tpu.dma_semaphore, #tpu.memory_space<semaphore_mem>>) src(%dma_wait3A_450 : memref<8388608xf32, #tpu.memory_space<hbm>>) dst(%dma_wait3A_445 : memref<32xf32, #tpu.memory_space<vmem>>)
    %dma_wait3A_451 = arith.constant 13 : i32
    %dma_wait3A_452 = arith.constant 13 : i32
    %dma_wait3A_453 = arith.constant 0 : i32
    %dma_wait3A_454 = tpu.memref_slice %arg6[%dma_wait3A_452, %dma_wait3A_453] : memref<32x32xf32, #tpu.memory_space<vmem>> -> memref<1x32xf32, #tpu.memory_space<vmem>>
    %dma_wait3A_455 = tpu.memref_squeeze %dma_wait3A_454 : memref<1x32xf32, #tpu.memory_space<vmem>> -> memref<32xf32, #tpu.memory_space<vmem>>
    %dma_wait3A_456 = arith.constant 0 : i32
    %dma_wait3A_457 = tpu.memref_slice %arg5[%dma_wait3A_451, %dma_wait3A_456] : memref<32x32xi32, #tpu.memory_space<vmem>> -> memref<1x32xi32, #tpu.memory_space<vmem>>
    %dma_wait3A_458 = tpu.memref_squeeze %dma_wait3A_457 : memref<1x32xi32, #tpu.memory_space<vmem>> -> memref<32xi32, #tpu.memory_space<vmem>>
    %dma_wait3A_459 = arith.constant 0 : i32
    %dma_wait3A_460 = tpu.memref_slice %arg2[%dma_wait3A_459] : memref<8388608xf32, #tpu.memory_space<hbm>> -> memref<8388608xf32, #tpu.memory_space<hbm>>
    tpu.wait_indirect_dma semaphore(%arg7 : memref<!tpu.dma_semaphore, #tpu.memory_space<semaphore_mem>>) src(%dma_wait3A_460 : memref<8388608xf32, #tpu.memory_space<hbm>>) dst(%dma_wait3A_455 : memref<32xf32, #tpu.memory_space<vmem>>)
    %dma_wait3A_461 = arith.constant 14 : i32
    %dma_wait3A_462 = arith.constant 14 : i32
    %dma_wait3A_463 = arith.constant 0 : i32
    %dma_wait3A_464 = tpu.memref_slice %arg6[%dma_wait3A_462, %dma_wait3A_463] : memref<32x32xf32, #tpu.memory_space<vmem>> -> memref<1x32xf32, #tpu.memory_space<vmem>>
    %dma_wait3A_465 = tpu.memref_squeeze %dma_wait3A_464 : memref<1x32xf32, #tpu.memory_space<vmem>> -> memref<32xf32, #tpu.memory_space<vmem>>
    %dma_wait3A_466 = arith.constant 0 : i32
    %dma_wait3A_467 = tpu.memref_slice %arg5[%dma_wait3A_461, %dma_wait3A_466] : memref<32x32xi32, #tpu.memory_space<vmem>> -> memref<1x32xi32, #tpu.memory_space<vmem>>
    %dma_wait3A_468 = tpu.memref_squeeze %dma_wait3A_467 : memref<1x32xi32, #tpu.memory_space<vmem>> -> memref<32xi32, #tpu.memory_space<vmem>>
    %dma_wait3A_469 = arith.constant 0 : i32
    %dma_wait3A_470 = tpu.memref_slice %arg2[%dma_wait3A_469] : memref<8388608xf32, #tpu.memory_space<hbm>> -> memref<8388608xf32, #tpu.memory_space<hbm>>
    tpu.wait_indirect_dma semaphore(%arg7 : memref<!tpu.dma_semaphore, #tpu.memory_space<semaphore_mem>>) src(%dma_wait3A_470 : memref<8388608xf32, #tpu.memory_space<hbm>>) dst(%dma_wait3A_465 : memref<32xf32, #tpu.memory_space<vmem>>)
    %dma_wait3A_471 = arith.constant 15 : i32
    %dma_wait3A_472 = arith.constant 15 : i32
    %dma_wait3A_473 = arith.constant 0 : i32
    %dma_wait3A_474 = tpu.memref_slice %arg6[%dma_wait3A_472, %dma_wait3A_473] : memref<32x32xf32, #tpu.memory_space<vmem>> -> memref<1x32xf32, #tpu.memory_space<vmem>>
    %dma_wait3A_475 = tpu.memref_squeeze %dma_wait3A_474 : memref<1x32xf32, #tpu.memory_space<vmem>> -> memref<32xf32, #tpu.memory_space<vmem>>
    %dma_wait3A_476 = arith.constant 0 : i32
    %dma_wait3A_477 = tpu.memref_slice %arg5[%dma_wait3A_471, %dma_wait3A_476] : memref<32x32xi32, #tpu.memory_space<vmem>> -> memref<1x32xi32, #tpu.memory_space<vmem>>
    %dma_wait3A_478 = tpu.memref_squeeze %dma_wait3A_477 : memref<1x32xi32, #tpu.memory_space<vmem>> -> memref<32xi32, #tpu.memory_space<vmem>>
    %dma_wait3A_479 = arith.constant 0 : i32
    %dma_wait3A_480 = tpu.memref_slice %arg2[%dma_wait3A_479] : memref<8388608xf32, #tpu.memory_space<hbm>> -> memref<8388608xf32, #tpu.memory_space<hbm>>
    tpu.wait_indirect_dma semaphore(%arg7 : memref<!tpu.dma_semaphore, #tpu.memory_space<semaphore_mem>>) src(%dma_wait3A_480 : memref<8388608xf32, #tpu.memory_space<hbm>>) dst(%dma_wait3A_475 : memref<32xf32, #tpu.memory_space<vmem>>)
    %dma_wait3A_481 = arith.constant 16 : i32
    %dma_wait3A_482 = arith.constant 16 : i32
    %dma_wait3A_483 = arith.constant 0 : i32
    %dma_wait3A_484 = tpu.memref_slice %arg6[%dma_wait3A_482, %dma_wait3A_483] : memref<32x32xf32, #tpu.memory_space<vmem>> -> memref<1x32xf32, #tpu.memory_space<vmem>>
    %dma_wait3A_485 = tpu.memref_squeeze %dma_wait3A_484 : memref<1x32xf32, #tpu.memory_space<vmem>> -> memref<32xf32, #tpu.memory_space<vmem>>
    %dma_wait3A_486 = arith.constant 0 : i32
    %dma_wait3A_487 = tpu.memref_slice %arg5[%dma_wait3A_481, %dma_wait3A_486] : memref<32x32xi32, #tpu.memory_space<vmem>> -> memref<1x32xi32, #tpu.memory_space<vmem>>
    %dma_wait3A_488 = tpu.memref_squeeze %dma_wait3A_487 : memref<1x32xi32, #tpu.memory_space<vmem>> -> memref<32xi32, #tpu.memory_space<vmem>>
    %dma_wait3A_489 = arith.constant 0 : i32
    %dma_wait3A_490 = tpu.memref_slice %arg2[%dma_wait3A_489] : memref<8388608xf32, #tpu.memory_space<hbm>> -> memref<8388608xf32, #tpu.memory_space<hbm>>
    tpu.wait_indirect_dma semaphore(%arg7 : memref<!tpu.dma_semaphore, #tpu.memory_space<semaphore_mem>>) src(%dma_wait3A_490 : memref<8388608xf32, #tpu.memory_space<hbm>>) dst(%dma_wait3A_485 : memref<32xf32, #tpu.memory_space<vmem>>)
    %dma_wait3A_491 = arith.constant 17 : i32
    %dma_wait3A_492 = arith.constant 17 : i32
    %dma_wait3A_493 = arith.constant 0 : i32
    %dma_wait3A_494 = tpu.memref_slice %arg6[%dma_wait3A_492, %dma_wait3A_493] : memref<32x32xf32, #tpu.memory_space<vmem>> -> memref<1x32xf32, #tpu.memory_space<vmem>>
    %dma_wait3A_495 = tpu.memref_squeeze %dma_wait3A_494 : memref<1x32xf32, #tpu.memory_space<vmem>> -> memref<32xf32, #tpu.memory_space<vmem>>
    %dma_wait3A_496 = arith.constant 0 : i32
    %dma_wait3A_497 = tpu.memref_slice %arg5[%dma_wait3A_491, %dma_wait3A_496] : memref<32x32xi32, #tpu.memory_space<vmem>> -> memref<1x32xi32, #tpu.memory_space<vmem>>
    %dma_wait3A_498 = tpu.memref_squeeze %dma_wait3A_497 : memref<1x32xi32, #tpu.memory_space<vmem>> -> memref<32xi32, #tpu.memory_space<vmem>>
    %dma_wait3A_499 = arith.constant 0 : i32
    %dma_wait3A_500 = tpu.memref_slice %arg2[%dma_wait3A_499] : memref<8388608xf32, #tpu.memory_space<hbm>> -> memref<8388608xf32, #tpu.memory_space<hbm>>
    tpu.wait_indirect_dma semaphore(%arg7 : memref<!tpu.dma_semaphore, #tpu.memory_space<semaphore_mem>>) src(%dma_wait3A_500 : memref<8388608xf32, #tpu.memory_space<hbm>>) dst(%dma_wait3A_495 : memref<32xf32, #tpu.memory_space<vmem>>)
    %dma_wait3A_501 = arith.constant 18 : i32
    %dma_wait3A_502 = arith.constant 18 : i32
    %dma_wait3A_503 = arith.constant 0 : i32
    %dma_wait3A_504 = tpu.memref_slice %arg6[%dma_wait3A_502, %dma_wait3A_503] : memref<32x32xf32, #tpu.memory_space<vmem>> -> memref<1x32xf32, #tpu.memory_space<vmem>>
    %dma_wait3A_505 = tpu.memref_squeeze %dma_wait3A_504 : memref<1x32xf32, #tpu.memory_space<vmem>> -> memref<32xf32, #tpu.memory_space<vmem>>
    %dma_wait3A_506 = arith.constant 0 : i32
    %dma_wait3A_507 = tpu.memref_slice %arg5[%dma_wait3A_501, %dma_wait3A_506] : memref<32x32xi32, #tpu.memory_space<vmem>> -> memref<1x32xi32, #tpu.memory_space<vmem>>
    %dma_wait3A_508 = tpu.memref_squeeze %dma_wait3A_507 : memref<1x32xi32, #tpu.memory_space<vmem>> -> memref<32xi32, #tpu.memory_space<vmem>>
    %dma_wait3A_509 = arith.constant 0 : i32
    %dma_wait3A_510 = tpu.memref_slice %arg2[%dma_wait3A_509] : memref<8388608xf32, #tpu.memory_space<hbm>> -> memref<8388608xf32, #tpu.memory_space<hbm>>
    tpu.wait_indirect_dma semaphore(%arg7 : memref<!tpu.dma_semaphore, #tpu.memory_space<semaphore_mem>>) src(%dma_wait3A_510 : memref<8388608xf32, #tpu.memory_space<hbm>>) dst(%dma_wait3A_505 : memref<32xf32, #tpu.memory_space<vmem>>)
    %dma_wait3A_511 = arith.constant 19 : i32
    %dma_wait3A_512 = arith.constant 19 : i32
    %dma_wait3A_513 = arith.constant 0 : i32
    %dma_wait3A_514 = tpu.memref_slice %arg6[%dma_wait3A_512, %dma_wait3A_513] : memref<32x32xf32, #tpu.memory_space<vmem>> -> memref<1x32xf32, #tpu.memory_space<vmem>>
    %dma_wait3A_515 = tpu.memref_squeeze %dma_wait3A_514 : memref<1x32xf32, #tpu.memory_space<vmem>> -> memref<32xf32, #tpu.memory_space<vmem>>
    %dma_wait3A_516 = arith.constant 0 : i32
    %dma_wait3A_517 = tpu.memref_slice %arg5[%dma_wait3A_511, %dma_wait3A_516] : memref<32x32xi32, #tpu.memory_space<vmem>> -> memref<1x32xi32, #tpu.memory_space<vmem>>
    %dma_wait3A_518 = tpu.memref_squeeze %dma_wait3A_517 : memref<1x32xi32, #tpu.memory_space<vmem>> -> memref<32xi32, #tpu.memory_space<vmem>>
    %dma_wait3A_519 = arith.constant 0 : i32
    %dma_wait3A_520 = tpu.memref_slice %arg2[%dma_wait3A_519] : memref<8388608xf32, #tpu.memory_space<hbm>> -> memref<8388608xf32, #tpu.memory_space<hbm>>
    tpu.wait_indirect_dma semaphore(%arg7 : memref<!tpu.dma_semaphore, #tpu.memory_space<semaphore_mem>>) src(%dma_wait3A_520 : memref<8388608xf32, #tpu.memory_space<hbm>>) dst(%dma_wait3A_515 : memref<32xf32, #tpu.memory_space<vmem>>)
    %dma_wait3A_521 = arith.constant 20 : i32
    %dma_wait3A_522 = arith.constant 20 : i32
    %dma_wait3A_523 = arith.constant 0 : i32
    %dma_wait3A_524 = tpu.memref_slice %arg6[%dma_wait3A_522, %dma_wait3A_523] : memref<32x32xf32, #tpu.memory_space<vmem>> -> memref<1x32xf32, #tpu.memory_space<vmem>>
    %dma_wait3A_525 = tpu.memref_squeeze %dma_wait3A_524 : memref<1x32xf32, #tpu.memory_space<vmem>> -> memref<32xf32, #tpu.memory_space<vmem>>
    %dma_wait3A_526 = arith.constant 0 : i32
    %dma_wait3A_527 = tpu.memref_slice %arg5[%dma_wait3A_521, %dma_wait3A_526] : memref<32x32xi32, #tpu.memory_space<vmem>> -> memref<1x32xi32, #tpu.memory_space<vmem>>
    %dma_wait3A_528 = tpu.memref_squeeze %dma_wait3A_527 : memref<1x32xi32, #tpu.memory_space<vmem>> -> memref<32xi32, #tpu.memory_space<vmem>>
    %dma_wait3A_529 = arith.constant 0 : i32
    %dma_wait3A_530 = tpu.memref_slice %arg2[%dma_wait3A_529] : memref<8388608xf32, #tpu.memory_space<hbm>> -> memref<8388608xf32, #tpu.memory_space<hbm>>
    tpu.wait_indirect_dma semaphore(%arg7 : memref<!tpu.dma_semaphore, #tpu.memory_space<semaphore_mem>>) src(%dma_wait3A_530 : memref<8388608xf32, #tpu.memory_space<hbm>>) dst(%dma_wait3A_525 : memref<32xf32, #tpu.memory_space<vmem>>)
    %dma_wait3A_531 = arith.constant 21 : i32
    %dma_wait3A_532 = arith.constant 21 : i32
    %dma_wait3A_533 = arith.constant 0 : i32
    %dma_wait3A_534 = tpu.memref_slice %arg6[%dma_wait3A_532, %dma_wait3A_533] : memref<32x32xf32, #tpu.memory_space<vmem>> -> memref<1x32xf32, #tpu.memory_space<vmem>>
    %dma_wait3A_535 = tpu.memref_squeeze %dma_wait3A_534 : memref<1x32xf32, #tpu.memory_space<vmem>> -> memref<32xf32, #tpu.memory_space<vmem>>
    %dma_wait3A_536 = arith.constant 0 : i32
    %dma_wait3A_537 = tpu.memref_slice %arg5[%dma_wait3A_531, %dma_wait3A_536] : memref<32x32xi32, #tpu.memory_space<vmem>> -> memref<1x32xi32, #tpu.memory_space<vmem>>
    %dma_wait3A_538 = tpu.memref_squeeze %dma_wait3A_537 : memref<1x32xi32, #tpu.memory_space<vmem>> -> memref<32xi32, #tpu.memory_space<vmem>>
    %dma_wait3A_539 = arith.constant 0 : i32
    %dma_wait3A_540 = tpu.memref_slice %arg2[%dma_wait3A_539] : memref<8388608xf32, #tpu.memory_space<hbm>> -> memref<8388608xf32, #tpu.memory_space<hbm>>
    tpu.wait_indirect_dma semaphore(%arg7 : memref<!tpu.dma_semaphore, #tpu.memory_space<semaphore_mem>>) src(%dma_wait3A_540 : memref<8388608xf32, #tpu.memory_space<hbm>>) dst(%dma_wait3A_535 : memref<32xf32, #tpu.memory_space<vmem>>)
    %dma_wait3A_541 = arith.constant 22 : i32
    %dma_wait3A_542 = arith.constant 22 : i32
    %dma_wait3A_543 = arith.constant 0 : i32
    %dma_wait3A_544 = tpu.memref_slice %arg6[%dma_wait3A_542, %dma_wait3A_543] : memref<32x32xf32, #tpu.memory_space<vmem>> -> memref<1x32xf32, #tpu.memory_space<vmem>>
    %dma_wait3A_545 = tpu.memref_squeeze %dma_wait3A_544 : memref<1x32xf32, #tpu.memory_space<vmem>> -> memref<32xf32, #tpu.memory_space<vmem>>
    %dma_wait3A_546 = arith.constant 0 : i32
    %dma_wait3A_547 = tpu.memref_slice %arg5[%dma_wait3A_541, %dma_wait3A_546] : memref<32x32xi32, #tpu.memory_space<vmem>> -> memref<1x32xi32, #tpu.memory_space<vmem>>
    %dma_wait3A_548 = tpu.memref_squeeze %dma_wait3A_547 : memref<1x32xi32, #tpu.memory_space<vmem>> -> memref<32xi32, #tpu.memory_space<vmem>>
    %dma_wait3A_549 = arith.constant 0 : i32
    %dma_wait3A_550 = tpu.memref_slice %arg2[%dma_wait3A_549] : memref<8388608xf32, #tpu.memory_space<hbm>> -> memref<8388608xf32, #tpu.memory_space<hbm>>
    tpu.wait_indirect_dma semaphore(%arg7 : memref<!tpu.dma_semaphore, #tpu.memory_space<semaphore_mem>>) src(%dma_wait3A_550 : memref<8388608xf32, #tpu.memory_space<hbm>>) dst(%dma_wait3A_545 : memref<32xf32, #tpu.memory_space<vmem>>)
    %dma_wait3A_551 = arith.constant 23 : i32
    %dma_wait3A_552 = arith.constant 23 : i32
    %dma_wait3A_553 = arith.constant 0 : i32
    %dma_wait3A_554 = tpu.memref_slice %arg6[%dma_wait3A_552, %dma_wait3A_553] : memref<32x32xf32, #tpu.memory_space<vmem>> -> memref<1x32xf32, #tpu.memory_space<vmem>>
    %dma_wait3A_555 = tpu.memref_squeeze %dma_wait3A_554 : memref<1x32xf32, #tpu.memory_space<vmem>> -> memref<32xf32, #tpu.memory_space<vmem>>
    %dma_wait3A_556 = arith.constant 0 : i32
    %dma_wait3A_557 = tpu.memref_slice %arg5[%dma_wait3A_551, %dma_wait3A_556] : memref<32x32xi32, #tpu.memory_space<vmem>> -> memref<1x32xi32, #tpu.memory_space<vmem>>
    %dma_wait3A_558 = tpu.memref_squeeze %dma_wait3A_557 : memref<1x32xi32, #tpu.memory_space<vmem>> -> memref<32xi32, #tpu.memory_space<vmem>>
    %dma_wait3A_559 = arith.constant 0 : i32
    %dma_wait3A_560 = tpu.memref_slice %arg2[%dma_wait3A_559] : memref<8388608xf32, #tpu.memory_space<hbm>> -> memref<8388608xf32, #tpu.memory_space<hbm>>
    tpu.wait_indirect_dma semaphore(%arg7 : memref<!tpu.dma_semaphore, #tpu.memory_space<semaphore_mem>>) src(%dma_wait3A_560 : memref<8388608xf32, #tpu.memory_space<hbm>>) dst(%dma_wait3A_555 : memref<32xf32, #tpu.memory_space<vmem>>)
    %dma_wait3A_561 = arith.constant 24 : i32
    %dma_wait3A_562 = arith.constant 24 : i32
    %dma_wait3A_563 = arith.constant 0 : i32
    %dma_wait3A_564 = tpu.memref_slice %arg6[%dma_wait3A_562, %dma_wait3A_563] : memref<32x32xf32, #tpu.memory_space<vmem>> -> memref<1x32xf32, #tpu.memory_space<vmem>>
    %dma_wait3A_565 = tpu.memref_squeeze %dma_wait3A_564 : memref<1x32xf32, #tpu.memory_space<vmem>> -> memref<32xf32, #tpu.memory_space<vmem>>
    %dma_wait3A_566 = arith.constant 0 : i32
    %dma_wait3A_567 = tpu.memref_slice %arg5[%dma_wait3A_561, %dma_wait3A_566] : memref<32x32xi32, #tpu.memory_space<vmem>> -> memref<1x32xi32, #tpu.memory_space<vmem>>
    %dma_wait3A_568 = tpu.memref_squeeze %dma_wait3A_567 : memref<1x32xi32, #tpu.memory_space<vmem>> -> memref<32xi32, #tpu.memory_space<vmem>>
    %dma_wait3A_569 = arith.constant 0 : i32
    %dma_wait3A_570 = tpu.memref_slice %arg2[%dma_wait3A_569] : memref<8388608xf32, #tpu.memory_space<hbm>> -> memref<8388608xf32, #tpu.memory_space<hbm>>
    tpu.wait_indirect_dma semaphore(%arg7 : memref<!tpu.dma_semaphore, #tpu.memory_space<semaphore_mem>>) src(%dma_wait3A_570 : memref<8388608xf32, #tpu.memory_space<hbm>>) dst(%dma_wait3A_565 : memref<32xf32, #tpu.memory_space<vmem>>)
    %dma_wait3A_571 = arith.constant 25 : i32
    %dma_wait3A_572 = arith.constant 25 : i32
    %dma_wait3A_573 = arith.constant 0 : i32
    %dma_wait3A_574 = tpu.memref_slice %arg6[%dma_wait3A_572, %dma_wait3A_573] : memref<32x32xf32, #tpu.memory_space<vmem>> -> memref<1x32xf32, #tpu.memory_space<vmem>>
    %dma_wait3A_575 = tpu.memref_squeeze %dma_wait3A_574 : memref<1x32xf32, #tpu.memory_space<vmem>> -> memref<32xf32, #tpu.memory_space<vmem>>
    %dma_wait3A_576 = arith.constant 0 : i32
    %dma_wait3A_577 = tpu.memref_slice %arg5[%dma_wait3A_571, %dma_wait3A_576] : memref<32x32xi32, #tpu.memory_space<vmem>> -> memref<1x32xi32, #tpu.memory_space<vmem>>
    %dma_wait3A_578 = tpu.memref_squeeze %dma_wait3A_577 : memref<1x32xi32, #tpu.memory_space<vmem>> -> memref<32xi32, #tpu.memory_space<vmem>>
    %dma_wait3A_579 = arith.constant 0 : i32
    %dma_wait3A_580 = tpu.memref_slice %arg2[%dma_wait3A_579] : memref<8388608xf32, #tpu.memory_space<hbm>> -> memref<8388608xf32, #tpu.memory_space<hbm>>
    tpu.wait_indirect_dma semaphore(%arg7 : memref<!tpu.dma_semaphore, #tpu.memory_space<semaphore_mem>>) src(%dma_wait3A_580 : memref<8388608xf32, #tpu.memory_space<hbm>>) dst(%dma_wait3A_575 : memref<32xf32, #tpu.memory_space<vmem>>)
    %dma_wait3A_581 = arith.constant 26 : i32
    %dma_wait3A_582 = arith.constant 26 : i32
    %dma_wait3A_583 = arith.constant 0 : i32
    %dma_wait3A_584 = tpu.memref_slice %arg6[%dma_wait3A_582, %dma_wait3A_583] : memref<32x32xf32, #tpu.memory_space<vmem>> -> memref<1x32xf32, #tpu.memory_space<vmem>>
    %dma_wait3A_585 = tpu.memref_squeeze %dma_wait3A_584 : memref<1x32xf32, #tpu.memory_space<vmem>> -> memref<32xf32, #tpu.memory_space<vmem>>
    %dma_wait3A_586 = arith.constant 0 : i32
    %dma_wait3A_587 = tpu.memref_slice %arg5[%dma_wait3A_581, %dma_wait3A_586] : memref<32x32xi32, #tpu.memory_space<vmem>> -> memref<1x32xi32, #tpu.memory_space<vmem>>
    %dma_wait3A_588 = tpu.memref_squeeze %dma_wait3A_587 : memref<1x32xi32, #tpu.memory_space<vmem>> -> memref<32xi32, #tpu.memory_space<vmem>>
    %dma_wait3A_589 = arith.constant 0 : i32
    %dma_wait3A_590 = tpu.memref_slice %arg2[%dma_wait3A_589] : memref<8388608xf32, #tpu.memory_space<hbm>> -> memref<8388608xf32, #tpu.memory_space<hbm>>
    tpu.wait_indirect_dma semaphore(%arg7 : memref<!tpu.dma_semaphore, #tpu.memory_space<semaphore_mem>>) src(%dma_wait3A_590 : memref<8388608xf32, #tpu.memory_space<hbm>>) dst(%dma_wait3A_585 : memref<32xf32, #tpu.memory_space<vmem>>)
    %dma_wait3A_591 = arith.constant 27 : i32
    %dma_wait3A_592 = arith.constant 27 : i32
    %dma_wait3A_593 = arith.constant 0 : i32
    %dma_wait3A_594 = tpu.memref_slice %arg6[%dma_wait3A_592, %dma_wait3A_593] : memref<32x32xf32, #tpu.memory_space<vmem>> -> memref<1x32xf32, #tpu.memory_space<vmem>>
    %dma_wait3A_595 = tpu.memref_squeeze %dma_wait3A_594 : memref<1x32xf32, #tpu.memory_space<vmem>> -> memref<32xf32, #tpu.memory_space<vmem>>
    %dma_wait3A_596 = arith.constant 0 : i32
    %dma_wait3A_597 = tpu.memref_slice %arg5[%dma_wait3A_591, %dma_wait3A_596] : memref<32x32xi32, #tpu.memory_space<vmem>> -> memref<1x32xi32, #tpu.memory_space<vmem>>
    %dma_wait3A_598 = tpu.memref_squeeze %dma_wait3A_597 : memref<1x32xi32, #tpu.memory_space<vmem>> -> memref<32xi32, #tpu.memory_space<vmem>>
    %dma_wait3A_599 = arith.constant 0 : i32
    %dma_wait3A_600 = tpu.memref_slice %arg2[%dma_wait3A_599] : memref<8388608xf32, #tpu.memory_space<hbm>> -> memref<8388608xf32, #tpu.memory_space<hbm>>
    tpu.wait_indirect_dma semaphore(%arg7 : memref<!tpu.dma_semaphore, #tpu.memory_space<semaphore_mem>>) src(%dma_wait3A_600 : memref<8388608xf32, #tpu.memory_space<hbm>>) dst(%dma_wait3A_595 : memref<32xf32, #tpu.memory_space<vmem>>)
    %dma_wait3A_601 = arith.constant 28 : i32
    %dma_wait3A_602 = arith.constant 28 : i32
    %dma_wait3A_603 = arith.constant 0 : i32
    %dma_wait3A_604 = tpu.memref_slice %arg6[%dma_wait3A_602, %dma_wait3A_603] : memref<32x32xf32, #tpu.memory_space<vmem>> -> memref<1x32xf32, #tpu.memory_space<vmem>>
    %dma_wait3A_605 = tpu.memref_squeeze %dma_wait3A_604 : memref<1x32xf32, #tpu.memory_space<vmem>> -> memref<32xf32, #tpu.memory_space<vmem>>
    %dma_wait3A_606 = arith.constant 0 : i32
    %dma_wait3A_607 = tpu.memref_slice %arg5[%dma_wait3A_601, %dma_wait3A_606] : memref<32x32xi32, #tpu.memory_space<vmem>> -> memref<1x32xi32, #tpu.memory_space<vmem>>
    %dma_wait3A_608 = tpu.memref_squeeze %dma_wait3A_607 : memref<1x32xi32, #tpu.memory_space<vmem>> -> memref<32xi32, #tpu.memory_space<vmem>>
    %dma_wait3A_609 = arith.constant 0 : i32
    %dma_wait3A_610 = tpu.memref_slice %arg2[%dma_wait3A_609] : memref<8388608xf32, #tpu.memory_space<hbm>> -> memref<8388608xf32, #tpu.memory_space<hbm>>
    tpu.wait_indirect_dma semaphore(%arg7 : memref<!tpu.dma_semaphore, #tpu.memory_space<semaphore_mem>>) src(%dma_wait3A_610 : memref<8388608xf32, #tpu.memory_space<hbm>>) dst(%dma_wait3A_605 : memref<32xf32, #tpu.memory_space<vmem>>)
    %dma_wait3A_611 = arith.constant 29 : i32
    %dma_wait3A_612 = arith.constant 29 : i32
    %dma_wait3A_613 = arith.constant 0 : i32
    %dma_wait3A_614 = tpu.memref_slice %arg6[%dma_wait3A_612, %dma_wait3A_613] : memref<32x32xf32, #tpu.memory_space<vmem>> -> memref<1x32xf32, #tpu.memory_space<vmem>>
    %dma_wait3A_615 = tpu.memref_squeeze %dma_wait3A_614 : memref<1x32xf32, #tpu.memory_space<vmem>> -> memref<32xf32, #tpu.memory_space<vmem>>
    %dma_wait3A_616 = arith.constant 0 : i32
    %dma_wait3A_617 = tpu.memref_slice %arg5[%dma_wait3A_611, %dma_wait3A_616] : memref<32x32xi32, #tpu.memory_space<vmem>> -> memref<1x32xi32, #tpu.memory_space<vmem>>
    %dma_wait3A_618 = tpu.memref_squeeze %dma_wait3A_617 : memref<1x32xi32, #tpu.memory_space<vmem>> -> memref<32xi32, #tpu.memory_space<vmem>>
    %dma_wait3A_619 = arith.constant 0 : i32
    %dma_wait3A_620 = tpu.memref_slice %arg2[%dma_wait3A_619] : memref<8388608xf32, #tpu.memory_space<hbm>> -> memref<8388608xf32, #tpu.memory_space<hbm>>
    tpu.wait_indirect_dma semaphore(%arg7 : memref<!tpu.dma_semaphore, #tpu.memory_space<semaphore_mem>>) src(%dma_wait3A_620 : memref<8388608xf32, #tpu.memory_space<hbm>>) dst(%dma_wait3A_615 : memref<32xf32, #tpu.memory_space<vmem>>)
    %dma_wait3A_621 = arith.constant 30 : i32
    %dma_wait3A_622 = arith.constant 30 : i32
    %dma_wait3A_623 = arith.constant 0 : i32
    %dma_wait3A_624 = tpu.memref_slice %arg6[%dma_wait3A_622, %dma_wait3A_623] : memref<32x32xf32, #tpu.memory_space<vmem>> -> memref<1x32xf32, #tpu.memory_space<vmem>>
    %dma_wait3A_625 = tpu.memref_squeeze %dma_wait3A_624 : memref<1x32xf32, #tpu.memory_space<vmem>> -> memref<32xf32, #tpu.memory_space<vmem>>
    %dma_wait3A_626 = arith.constant 0 : i32
    %dma_wait3A_627 = tpu.memref_slice %arg5[%dma_wait3A_621, %dma_wait3A_626] : memref<32x32xi32, #tpu.memory_space<vmem>> -> memref<1x32xi32, #tpu.memory_space<vmem>>
    %dma_wait3A_628 = tpu.memref_squeeze %dma_wait3A_627 : memref<1x32xi32, #tpu.memory_space<vmem>> -> memref<32xi32, #tpu.memory_space<vmem>>
    %dma_wait3A_629 = arith.constant 0 : i32
    %dma_wait3A_630 = tpu.memref_slice %arg2[%dma_wait3A_629] : memref<8388608xf32, #tpu.memory_space<hbm>> -> memref<8388608xf32, #tpu.memory_space<hbm>>
    tpu.wait_indirect_dma semaphore(%arg7 : memref<!tpu.dma_semaphore, #tpu.memory_space<semaphore_mem>>) src(%dma_wait3A_630 : memref<8388608xf32, #tpu.memory_space<hbm>>) dst(%dma_wait3A_625 : memref<32xf32, #tpu.memory_space<vmem>>)
    %dma_wait3A_631 = arith.constant 31 : i32
    %dma_wait3A_632 = arith.constant 31 : i32
    %dma_wait3A_633 = arith.constant 0 : i32
    %dma_wait3A_634 = tpu.memref_slice %arg6[%dma_wait3A_632, %dma_wait3A_633] : memref<32x32xf32, #tpu.memory_space<vmem>> -> memref<1x32xf32, #tpu.memory_space<vmem>>
    %dma_wait3A_635 = tpu.memref_squeeze %dma_wait3A_634 : memref<1x32xf32, #tpu.memory_space<vmem>> -> memref<32xf32, #tpu.memory_space<vmem>>
    %dma_wait3A_636 = arith.constant 0 : i32
    %dma_wait3A_637 = tpu.memref_slice %arg5[%dma_wait3A_631, %dma_wait3A_636] : memref<32x32xi32, #tpu.memory_space<vmem>> -> memref<1x32xi32, #tpu.memory_space<vmem>>
    %dma_wait3A_638 = tpu.memref_squeeze %dma_wait3A_637 : memref<1x32xi32, #tpu.memory_space<vmem>> -> memref<32xi32, #tpu.memory_space<vmem>>
    %dma_wait3A_639 = arith.constant 0 : i32
    %dma_wait3A_640 = tpu.memref_slice %arg2[%dma_wait3A_639] : memref<8388608xf32, #tpu.memory_space<hbm>> -> memref<8388608xf32, #tpu.memory_space<hbm>>
    tpu.wait_indirect_dma semaphore(%arg7 : memref<!tpu.dma_semaphore, #tpu.memory_space<semaphore_mem>>) src(%dma_wait3A_640 : memref<8388608xf32, #tpu.memory_space<hbm>>) dst(%dma_wait3A_635 : memref<32xf32, #tpu.memory_space<vmem>>)
    "tpu.region"() ({
      %run_scoped3A = tpu.sem_alloc : memref<!tpu.dma_semaphore, #tpu.memory_space<semaphore_mem>>
      %dma_start3A_641 = arith.constant 0 : i32
      %dma_start3A_642 = tpu.memref_slice %arg4[%mul3A_2, %dma_start3A_641] : memref<1024x32xf32, #tpu.memory_space<hbm>> -> memref<32x32xf32, #tpu.memory_space<hbm>>
      %dma_start3A_643 = arith.constant 0 : i32
      %dma_start3A_644 = tpu.memref_slice %arg4[%mul3A_2, %dma_start3A_643] : memref<1024x32xf32, #tpu.memory_space<hbm>> -> memref<32x32xf32, #tpu.memory_space<hbm>>
      tpu.enqueue_dma source(%arg6 : memref<32x32xf32, #tpu.memory_space<vmem>>) target(%dma_start3A_644 : memref<32x32xf32, #tpu.memory_space<hbm>>) target_semaphore(%run_scoped3A : memref<!tpu.dma_semaphore, #tpu.memory_space<semaphore_mem>>)
      %dma_wait3A_645 = arith.constant 0 : i32
      %dma_wait3A_646 = tpu.memref_slice %arg4[%mul3A_2, %dma_wait3A_645] : memref<1024x32xf32, #tpu.memory_space<hbm>> -> memref<32x32xf32, #tpu.memory_space<hbm>>
      %dma_wait3A_647 = arith.constant 0 : i32
      %dma_wait3A_648 = tpu.memref_slice %arg4[%mul3A_2, %dma_wait3A_647] : memref<1024x32xf32, #tpu.memory_space<hbm>> -> memref<32x32xf32, #tpu.memory_space<hbm>>
      tpu.wait_dma2 semaphore(%run_scoped3A : memref<!tpu.dma_semaphore, #tpu.memory_space<semaphore_mem>>) src(%arg6 : memref<32x32xf32, #tpu.memory_space<vmem>>) dst(%dma_wait3A_648 : memref<32x32xf32, #tpu.memory_space<hbm>>)
      tpu.yield
    }) : () -> ()
    return
  }
}

#map = affine_map<(d0, d1) -> (0, 0)>
module attributes {stable_mosaic.version = 14 : i64} {
  func.func @_sc_gather(%arg0: i32, %arg1: i32, %arg2: memref<65536x128xf32, #tpu.memory_space<hbm>>, %arg3: memref<1024x16xi32, #tpu.memory_space<hbm>>, %arg4: memref<1024x512xf32, #tpu.memory_space<hbm>>, %arg5: memref<32x16xi32, #tpu.memory_space<vmem>>, %arg6: memref<32x16x128xf32, #tpu.memory_space<vmem>>, %arg7: memref<32x512xf32, #tpu.memory_space<vmem>>, %arg8: memref<!tpu.dma_semaphore, #tpu.memory_space<semaphore_mem>>) attributes {dimension_semantics = [#tpu.dimension_semantics<core_parallel>, #tpu.dimension_semantics<subcore_parallel>], iteration_bounds = array<i64: 2, 16>, scalar_prefetch = 0 : i64, scratch_operands = 4 : i64, tpu.core_type = #tpu.core_type<sc_vector_subcore>, window_params = [{transform_indices = #map}, {transform_indices = #map}, {transform_indices = #map}]} {
    %mul3A = arith.constant 2 : i32
    %mul3A_0 = arith.muli %arg1, %mul3A : i32
    %add3A = arith.addi %mul3A_0, %arg0 : i32
    %mul3A_1 = arith.constant 32 : i32
    %mul3A_2 = arith.muli %add3A, %mul3A_1 : i32
    "tpu.region"() ({
      %run_scoped3A = tpu.sem_alloc : memref<!tpu.dma_semaphore, #tpu.memory_space<semaphore_mem>>
      %dma_start3A_774 = arith.constant 0 : i32
      %dma_start3A_775 = tpu.memref_slice %arg3[%mul3A_2, %dma_start3A_774] : memref<1024x16xi32, #tpu.memory_space<hbm>> -> memref<32x16xi32, #tpu.memory_space<hbm>>
      %dma_start3A_776 = arith.constant 0 : i32
      %dma_start3A_777 = tpu.memref_slice %arg3[%mul3A_2, %dma_start3A_776] : memref<1024x16xi32, #tpu.memory_space<hbm>> -> memref<32x16xi32, #tpu.memory_space<hbm>>
      tpu.enqueue_dma source(%dma_start3A_777 : memref<32x16xi32, #tpu.memory_space<hbm>>) target(%arg5 : memref<32x16xi32, #tpu.memory_space<vmem>>) target_semaphore(%run_scoped3A : memref<!tpu.dma_semaphore, #tpu.memory_space<semaphore_mem>>)
      %dma_wait3A_778 = arith.constant 0 : i32
      %dma_wait3A_779 = tpu.memref_slice %arg3[%mul3A_2, %dma_wait3A_778] : memref<1024x16xi32, #tpu.memory_space<hbm>> -> memref<32x16xi32, #tpu.memory_space<hbm>>
      %dma_wait3A_780 = arith.constant 0 : i32
      %dma_wait3A_781 = tpu.memref_slice %arg3[%mul3A_2, %dma_wait3A_780] : memref<1024x16xi32, #tpu.memory_space<hbm>> -> memref<32x16xi32, #tpu.memory_space<hbm>>
      tpu.wait_dma2 semaphore(%run_scoped3A : memref<!tpu.dma_semaphore, #tpu.memory_space<semaphore_mem>>) src(%dma_wait3A_781 : memref<32x16xi32, #tpu.memory_space<hbm>>) dst(%arg5 : memref<32x16xi32, #tpu.memory_space<vmem>>)
      tpu.yield
    }) : () -> ()
    %dma_start3A = arith.constant 0 : i32
    %dma_start3A_3 = arith.constant 0 : i32
    %dma_start3A_4 = arith.constant 0 : i32
    %dma_start3A_5 = arith.constant 0 : i32
    %dma_start3A_6 = tpu.memref_slice %arg6[%dma_start3A_3, %dma_start3A_4, %dma_start3A_5] : memref<32x16x128xf32, #tpu.memory_space<vmem>> -> memref<1x16x128xf32, #tpu.memory_space<vmem>>
    %dma_start3A_7 = tpu.memref_squeeze %dma_start3A_6 : memref<1x16x128xf32, #tpu.memory_space<vmem>> -> memref<16x128xf32, #tpu.memory_space<vmem>>
    %dma_start3A_8 = arith.constant 0 : i32
    %dma_start3A_9 = tpu.memref_slice %arg5[%dma_start3A, %dma_start3A_8] : memref<32x16xi32, #tpu.memory_space<vmem>> -> memref<1x16xi32, #tpu.memory_space<vmem>>
    %dma_start3A_10 = tpu.memref_squeeze %dma_start3A_9 : memref<1x16xi32, #tpu.memory_space<vmem>> -> memref<16xi32, #tpu.memory_space<vmem>>
    %dma_start3A_11 = arith.constant 0 : i32
    %dma_start3A_12 = arith.constant 0 : i32
    %dma_start3A_13 = tpu.memref_slice %arg2[%dma_start3A_11, %dma_start3A_12] : memref<65536x128xf32, #tpu.memory_space<hbm>> -> memref<65536x128xf32, #tpu.memory_space<hbm>>
    tpu.enqueue_indirect_dma source(%dma_start3A_13 : memref<65536x128xf32, #tpu.memory_space<hbm>>) target(%dma_start3A_7 : memref<16x128xf32, #tpu.memory_space<vmem>>) offsets(%dma_start3A_10 : memref<16xi32, #tpu.memory_space<vmem>>) semaphore(%arg8 : memref<!tpu.dma_semaphore, #tpu.memory_space<semaphore_mem>>)
    %dma_start3A_14 = arith.constant 1 : i32
    %dma_start3A_15 = arith.constant 1 : i32
    %dma_start3A_16 = arith.constant 0 : i32
    %dma_start3A_17 = arith.constant 0 : i32
    %dma_start3A_18 = tpu.memref_slice %arg6[%dma_start3A_15, %dma_start3A_16, %dma_start3A_17] : memref<32x16x128xf32, #tpu.memory_space<vmem>> -> memref<1x16x128xf32, #tpu.memory_space<vmem>>
    %dma_start3A_19 = tpu.memref_squeeze %dma_start3A_18 : memref<1x16x128xf32, #tpu.memory_space<vmem>> -> memref<16x128xf32, #tpu.memory_space<vmem>>
    %dma_start3A_20 = arith.constant 0 : i32
    %dma_start3A_21 = tpu.memref_slice %arg5[%dma_start3A_14, %dma_start3A_20] : memref<32x16xi32, #tpu.memory_space<vmem>> -> memref<1x16xi32, #tpu.memory_space<vmem>>
    %dma_start3A_22 = tpu.memref_squeeze %dma_start3A_21 : memref<1x16xi32, #tpu.memory_space<vmem>> -> memref<16xi32, #tpu.memory_space<vmem>>
    %dma_start3A_23 = arith.constant 0 : i32
    %dma_start3A_24 = arith.constant 0 : i32
    %dma_start3A_25 = tpu.memref_slice %arg2[%dma_start3A_23, %dma_start3A_24] : memref<65536x128xf32, #tpu.memory_space<hbm>> -> memref<65536x128xf32, #tpu.memory_space<hbm>>
    tpu.enqueue_indirect_dma source(%dma_start3A_25 : memref<65536x128xf32, #tpu.memory_space<hbm>>) target(%dma_start3A_19 : memref<16x128xf32, #tpu.memory_space<vmem>>) offsets(%dma_start3A_22 : memref<16xi32, #tpu.memory_space<vmem>>) semaphore(%arg8 : memref<!tpu.dma_semaphore, #tpu.memory_space<semaphore_mem>>)
    %dma_start3A_26 = arith.constant 2 : i32
    %dma_start3A_27 = arith.constant 2 : i32
    %dma_start3A_28 = arith.constant 0 : i32
    %dma_start3A_29 = arith.constant 0 : i32
    %dma_start3A_30 = tpu.memref_slice %arg6[%dma_start3A_27, %dma_start3A_28, %dma_start3A_29] : memref<32x16x128xf32, #tpu.memory_space<vmem>> -> memref<1x16x128xf32, #tpu.memory_space<vmem>>
    %dma_start3A_31 = tpu.memref_squeeze %dma_start3A_30 : memref<1x16x128xf32, #tpu.memory_space<vmem>> -> memref<16x128xf32, #tpu.memory_space<vmem>>
    %dma_start3A_32 = arith.constant 0 : i32
    %dma_start3A_33 = tpu.memref_slice %arg5[%dma_start3A_26, %dma_start3A_32] : memref<32x16xi32, #tpu.memory_space<vmem>> -> memref<1x16xi32, #tpu.memory_space<vmem>>
    %dma_start3A_34 = tpu.memref_squeeze %dma_start3A_33 : memref<1x16xi32, #tpu.memory_space<vmem>> -> memref<16xi32, #tpu.memory_space<vmem>>
    %dma_start3A_35 = arith.constant 0 : i32
    %dma_start3A_36 = arith.constant 0 : i32
    %dma_start3A_37 = tpu.memref_slice %arg2[%dma_start3A_35, %dma_start3A_36] : memref<65536x128xf32, #tpu.memory_space<hbm>> -> memref<65536x128xf32, #tpu.memory_space<hbm>>
    tpu.enqueue_indirect_dma source(%dma_start3A_37 : memref<65536x128xf32, #tpu.memory_space<hbm>>) target(%dma_start3A_31 : memref<16x128xf32, #tpu.memory_space<vmem>>) offsets(%dma_start3A_34 : memref<16xi32, #tpu.memory_space<vmem>>) semaphore(%arg8 : memref<!tpu.dma_semaphore, #tpu.memory_space<semaphore_mem>>)
    %dma_start3A_38 = arith.constant 3 : i32
    %dma_start3A_39 = arith.constant 3 : i32
    %dma_start3A_40 = arith.constant 0 : i32
    %dma_start3A_41 = arith.constant 0 : i32
    %dma_start3A_42 = tpu.memref_slice %arg6[%dma_start3A_39, %dma_start3A_40, %dma_start3A_41] : memref<32x16x128xf32, #tpu.memory_space<vmem>> -> memref<1x16x128xf32, #tpu.memory_space<vmem>>
    %dma_start3A_43 = tpu.memref_squeeze %dma_start3A_42 : memref<1x16x128xf32, #tpu.memory_space<vmem>> -> memref<16x128xf32, #tpu.memory_space<vmem>>
    %dma_start3A_44 = arith.constant 0 : i32
    %dma_start3A_45 = tpu.memref_slice %arg5[%dma_start3A_38, %dma_start3A_44] : memref<32x16xi32, #tpu.memory_space<vmem>> -> memref<1x16xi32, #tpu.memory_space<vmem>>
    %dma_start3A_46 = tpu.memref_squeeze %dma_start3A_45 : memref<1x16xi32, #tpu.memory_space<vmem>> -> memref<16xi32, #tpu.memory_space<vmem>>
    %dma_start3A_47 = arith.constant 0 : i32
    %dma_start3A_48 = arith.constant 0 : i32
    %dma_start3A_49 = tpu.memref_slice %arg2[%dma_start3A_47, %dma_start3A_48] : memref<65536x128xf32, #tpu.memory_space<hbm>> -> memref<65536x128xf32, #tpu.memory_space<hbm>>
    tpu.enqueue_indirect_dma source(%dma_start3A_49 : memref<65536x128xf32, #tpu.memory_space<hbm>>) target(%dma_start3A_43 : memref<16x128xf32, #tpu.memory_space<vmem>>) offsets(%dma_start3A_46 : memref<16xi32, #tpu.memory_space<vmem>>) semaphore(%arg8 : memref<!tpu.dma_semaphore, #tpu.memory_space<semaphore_mem>>)
    %dma_start3A_50 = arith.constant 4 : i32
    %dma_start3A_51 = arith.constant 4 : i32
    %dma_start3A_52 = arith.constant 0 : i32
    %dma_start3A_53 = arith.constant 0 : i32
    %dma_start3A_54 = tpu.memref_slice %arg6[%dma_start3A_51, %dma_start3A_52, %dma_start3A_53] : memref<32x16x128xf32, #tpu.memory_space<vmem>> -> memref<1x16x128xf32, #tpu.memory_space<vmem>>
    %dma_start3A_55 = tpu.memref_squeeze %dma_start3A_54 : memref<1x16x128xf32, #tpu.memory_space<vmem>> -> memref<16x128xf32, #tpu.memory_space<vmem>>
    %dma_start3A_56 = arith.constant 0 : i32
    %dma_start3A_57 = tpu.memref_slice %arg5[%dma_start3A_50, %dma_start3A_56] : memref<32x16xi32, #tpu.memory_space<vmem>> -> memref<1x16xi32, #tpu.memory_space<vmem>>
    %dma_start3A_58 = tpu.memref_squeeze %dma_start3A_57 : memref<1x16xi32, #tpu.memory_space<vmem>> -> memref<16xi32, #tpu.memory_space<vmem>>
    %dma_start3A_59 = arith.constant 0 : i32
    %dma_start3A_60 = arith.constant 0 : i32
    %dma_start3A_61 = tpu.memref_slice %arg2[%dma_start3A_59, %dma_start3A_60] : memref<65536x128xf32, #tpu.memory_space<hbm>> -> memref<65536x128xf32, #tpu.memory_space<hbm>>
    tpu.enqueue_indirect_dma source(%dma_start3A_61 : memref<65536x128xf32, #tpu.memory_space<hbm>>) target(%dma_start3A_55 : memref<16x128xf32, #tpu.memory_space<vmem>>) offsets(%dma_start3A_58 : memref<16xi32, #tpu.memory_space<vmem>>) semaphore(%arg8 : memref<!tpu.dma_semaphore, #tpu.memory_space<semaphore_mem>>)
    %dma_start3A_62 = arith.constant 5 : i32
    %dma_start3A_63 = arith.constant 5 : i32
    %dma_start3A_64 = arith.constant 0 : i32
    %dma_start3A_65 = arith.constant 0 : i32
    %dma_start3A_66 = tpu.memref_slice %arg6[%dma_start3A_63, %dma_start3A_64, %dma_start3A_65] : memref<32x16x128xf32, #tpu.memory_space<vmem>> -> memref<1x16x128xf32, #tpu.memory_space<vmem>>
    %dma_start3A_67 = tpu.memref_squeeze %dma_start3A_66 : memref<1x16x128xf32, #tpu.memory_space<vmem>> -> memref<16x128xf32, #tpu.memory_space<vmem>>
    %dma_start3A_68 = arith.constant 0 : i32
    %dma_start3A_69 = tpu.memref_slice %arg5[%dma_start3A_62, %dma_start3A_68] : memref<32x16xi32, #tpu.memory_space<vmem>> -> memref<1x16xi32, #tpu.memory_space<vmem>>
    %dma_start3A_70 = tpu.memref_squeeze %dma_start3A_69 : memref<1x16xi32, #tpu.memory_space<vmem>> -> memref<16xi32, #tpu.memory_space<vmem>>
    %dma_start3A_71 = arith.constant 0 : i32
    %dma_start3A_72 = arith.constant 0 : i32
    %dma_start3A_73 = tpu.memref_slice %arg2[%dma_start3A_71, %dma_start3A_72] : memref<65536x128xf32, #tpu.memory_space<hbm>> -> memref<65536x128xf32, #tpu.memory_space<hbm>>
    tpu.enqueue_indirect_dma source(%dma_start3A_73 : memref<65536x128xf32, #tpu.memory_space<hbm>>) target(%dma_start3A_67 : memref<16x128xf32, #tpu.memory_space<vmem>>) offsets(%dma_start3A_70 : memref<16xi32, #tpu.memory_space<vmem>>) semaphore(%arg8 : memref<!tpu.dma_semaphore, #tpu.memory_space<semaphore_mem>>)
    %dma_start3A_74 = arith.constant 6 : i32
    %dma_start3A_75 = arith.constant 6 : i32
    %dma_start3A_76 = arith.constant 0 : i32
    %dma_start3A_77 = arith.constant 0 : i32
    %dma_start3A_78 = tpu.memref_slice %arg6[%dma_start3A_75, %dma_start3A_76, %dma_start3A_77] : memref<32x16x128xf32, #tpu.memory_space<vmem>> -> memref<1x16x128xf32, #tpu.memory_space<vmem>>
    %dma_start3A_79 = tpu.memref_squeeze %dma_start3A_78 : memref<1x16x128xf32, #tpu.memory_space<vmem>> -> memref<16x128xf32, #tpu.memory_space<vmem>>
    %dma_start3A_80 = arith.constant 0 : i32
    %dma_start3A_81 = tpu.memref_slice %arg5[%dma_start3A_74, %dma_start3A_80] : memref<32x16xi32, #tpu.memory_space<vmem>> -> memref<1x16xi32, #tpu.memory_space<vmem>>
    %dma_start3A_82 = tpu.memref_squeeze %dma_start3A_81 : memref<1x16xi32, #tpu.memory_space<vmem>> -> memref<16xi32, #tpu.memory_space<vmem>>
    %dma_start3A_83 = arith.constant 0 : i32
    %dma_start3A_84 = arith.constant 0 : i32
    %dma_start3A_85 = tpu.memref_slice %arg2[%dma_start3A_83, %dma_start3A_84] : memref<65536x128xf32, #tpu.memory_space<hbm>> -> memref<65536x128xf32, #tpu.memory_space<hbm>>
    tpu.enqueue_indirect_dma source(%dma_start3A_85 : memref<65536x128xf32, #tpu.memory_space<hbm>>) target(%dma_start3A_79 : memref<16x128xf32, #tpu.memory_space<vmem>>) offsets(%dma_start3A_82 : memref<16xi32, #tpu.memory_space<vmem>>) semaphore(%arg8 : memref<!tpu.dma_semaphore, #tpu.memory_space<semaphore_mem>>)
    %dma_start3A_86 = arith.constant 7 : i32
    %dma_start3A_87 = arith.constant 7 : i32
    %dma_start3A_88 = arith.constant 0 : i32
    %dma_start3A_89 = arith.constant 0 : i32
    %dma_start3A_90 = tpu.memref_slice %arg6[%dma_start3A_87, %dma_start3A_88, %dma_start3A_89] : memref<32x16x128xf32, #tpu.memory_space<vmem>> -> memref<1x16x128xf32, #tpu.memory_space<vmem>>
    %dma_start3A_91 = tpu.memref_squeeze %dma_start3A_90 : memref<1x16x128xf32, #tpu.memory_space<vmem>> -> memref<16x128xf32, #tpu.memory_space<vmem>>
    %dma_start3A_92 = arith.constant 0 : i32
    %dma_start3A_93 = tpu.memref_slice %arg5[%dma_start3A_86, %dma_start3A_92] : memref<32x16xi32, #tpu.memory_space<vmem>> -> memref<1x16xi32, #tpu.memory_space<vmem>>
    %dma_start3A_94 = tpu.memref_squeeze %dma_start3A_93 : memref<1x16xi32, #tpu.memory_space<vmem>> -> memref<16xi32, #tpu.memory_space<vmem>>
    %dma_start3A_95 = arith.constant 0 : i32
    %dma_start3A_96 = arith.constant 0 : i32
    %dma_start3A_97 = tpu.memref_slice %arg2[%dma_start3A_95, %dma_start3A_96] : memref<65536x128xf32, #tpu.memory_space<hbm>> -> memref<65536x128xf32, #tpu.memory_space<hbm>>
    tpu.enqueue_indirect_dma source(%dma_start3A_97 : memref<65536x128xf32, #tpu.memory_space<hbm>>) target(%dma_start3A_91 : memref<16x128xf32, #tpu.memory_space<vmem>>) offsets(%dma_start3A_94 : memref<16xi32, #tpu.memory_space<vmem>>) semaphore(%arg8 : memref<!tpu.dma_semaphore, #tpu.memory_space<semaphore_mem>>)
    %dma_start3A_98 = arith.constant 8 : i32
    %dma_start3A_99 = arith.constant 8 : i32
    %dma_start3A_100 = arith.constant 0 : i32
    %dma_start3A_101 = arith.constant 0 : i32
    %dma_start3A_102 = tpu.memref_slice %arg6[%dma_start3A_99, %dma_start3A_100, %dma_start3A_101] : memref<32x16x128xf32, #tpu.memory_space<vmem>> -> memref<1x16x128xf32, #tpu.memory_space<vmem>>
    %dma_start3A_103 = tpu.memref_squeeze %dma_start3A_102 : memref<1x16x128xf32, #tpu.memory_space<vmem>> -> memref<16x128xf32, #tpu.memory_space<vmem>>
    %dma_start3A_104 = arith.constant 0 : i32
    %dma_start3A_105 = tpu.memref_slice %arg5[%dma_start3A_98, %dma_start3A_104] : memref<32x16xi32, #tpu.memory_space<vmem>> -> memref<1x16xi32, #tpu.memory_space<vmem>>
    %dma_start3A_106 = tpu.memref_squeeze %dma_start3A_105 : memref<1x16xi32, #tpu.memory_space<vmem>> -> memref<16xi32, #tpu.memory_space<vmem>>
    %dma_start3A_107 = arith.constant 0 : i32
    %dma_start3A_108 = arith.constant 0 : i32
    %dma_start3A_109 = tpu.memref_slice %arg2[%dma_start3A_107, %dma_start3A_108] : memref<65536x128xf32, #tpu.memory_space<hbm>> -> memref<65536x128xf32, #tpu.memory_space<hbm>>
    tpu.enqueue_indirect_dma source(%dma_start3A_109 : memref<65536x128xf32, #tpu.memory_space<hbm>>) target(%dma_start3A_103 : memref<16x128xf32, #tpu.memory_space<vmem>>) offsets(%dma_start3A_106 : memref<16xi32, #tpu.memory_space<vmem>>) semaphore(%arg8 : memref<!tpu.dma_semaphore, #tpu.memory_space<semaphore_mem>>)
    %dma_start3A_110 = arith.constant 9 : i32
    %dma_start3A_111 = arith.constant 9 : i32
    %dma_start3A_112 = arith.constant 0 : i32
    %dma_start3A_113 = arith.constant 0 : i32
    %dma_start3A_114 = tpu.memref_slice %arg6[%dma_start3A_111, %dma_start3A_112, %dma_start3A_113] : memref<32x16x128xf32, #tpu.memory_space<vmem>> -> memref<1x16x128xf32, #tpu.memory_space<vmem>>
    %dma_start3A_115 = tpu.memref_squeeze %dma_start3A_114 : memref<1x16x128xf32, #tpu.memory_space<vmem>> -> memref<16x128xf32, #tpu.memory_space<vmem>>
    %dma_start3A_116 = arith.constant 0 : i32
    %dma_start3A_117 = tpu.memref_slice %arg5[%dma_start3A_110, %dma_start3A_116] : memref<32x16xi32, #tpu.memory_space<vmem>> -> memref<1x16xi32, #tpu.memory_space<vmem>>
    %dma_start3A_118 = tpu.memref_squeeze %dma_start3A_117 : memref<1x16xi32, #tpu.memory_space<vmem>> -> memref<16xi32, #tpu.memory_space<vmem>>
    %dma_start3A_119 = arith.constant 0 : i32
    %dma_start3A_120 = arith.constant 0 : i32
    %dma_start3A_121 = tpu.memref_slice %arg2[%dma_start3A_119, %dma_start3A_120] : memref<65536x128xf32, #tpu.memory_space<hbm>> -> memref<65536x128xf32, #tpu.memory_space<hbm>>
    tpu.enqueue_indirect_dma source(%dma_start3A_121 : memref<65536x128xf32, #tpu.memory_space<hbm>>) target(%dma_start3A_115 : memref<16x128xf32, #tpu.memory_space<vmem>>) offsets(%dma_start3A_118 : memref<16xi32, #tpu.memory_space<vmem>>) semaphore(%arg8 : memref<!tpu.dma_semaphore, #tpu.memory_space<semaphore_mem>>)
    %dma_start3A_122 = arith.constant 10 : i32
    %dma_start3A_123 = arith.constant 10 : i32
    %dma_start3A_124 = arith.constant 0 : i32
    %dma_start3A_125 = arith.constant 0 : i32
    %dma_start3A_126 = tpu.memref_slice %arg6[%dma_start3A_123, %dma_start3A_124, %dma_start3A_125] : memref<32x16x128xf32, #tpu.memory_space<vmem>> -> memref<1x16x128xf32, #tpu.memory_space<vmem>>
    %dma_start3A_127 = tpu.memref_squeeze %dma_start3A_126 : memref<1x16x128xf32, #tpu.memory_space<vmem>> -> memref<16x128xf32, #tpu.memory_space<vmem>>
    %dma_start3A_128 = arith.constant 0 : i32
    %dma_start3A_129 = tpu.memref_slice %arg5[%dma_start3A_122, %dma_start3A_128] : memref<32x16xi32, #tpu.memory_space<vmem>> -> memref<1x16xi32, #tpu.memory_space<vmem>>
    %dma_start3A_130 = tpu.memref_squeeze %dma_start3A_129 : memref<1x16xi32, #tpu.memory_space<vmem>> -> memref<16xi32, #tpu.memory_space<vmem>>
    %dma_start3A_131 = arith.constant 0 : i32
    %dma_start3A_132 = arith.constant 0 : i32
    %dma_start3A_133 = tpu.memref_slice %arg2[%dma_start3A_131, %dma_start3A_132] : memref<65536x128xf32, #tpu.memory_space<hbm>> -> memref<65536x128xf32, #tpu.memory_space<hbm>>
    tpu.enqueue_indirect_dma source(%dma_start3A_133 : memref<65536x128xf32, #tpu.memory_space<hbm>>) target(%dma_start3A_127 : memref<16x128xf32, #tpu.memory_space<vmem>>) offsets(%dma_start3A_130 : memref<16xi32, #tpu.memory_space<vmem>>) semaphore(%arg8 : memref<!tpu.dma_semaphore, #tpu.memory_space<semaphore_mem>>)
    %dma_start3A_134 = arith.constant 11 : i32
    %dma_start3A_135 = arith.constant 11 : i32
    %dma_start3A_136 = arith.constant 0 : i32
    %dma_start3A_137 = arith.constant 0 : i32
    %dma_start3A_138 = tpu.memref_slice %arg6[%dma_start3A_135, %dma_start3A_136, %dma_start3A_137] : memref<32x16x128xf32, #tpu.memory_space<vmem>> -> memref<1x16x128xf32, #tpu.memory_space<vmem>>
    %dma_start3A_139 = tpu.memref_squeeze %dma_start3A_138 : memref<1x16x128xf32, #tpu.memory_space<vmem>> -> memref<16x128xf32, #tpu.memory_space<vmem>>
    %dma_start3A_140 = arith.constant 0 : i32
    %dma_start3A_141 = tpu.memref_slice %arg5[%dma_start3A_134, %dma_start3A_140] : memref<32x16xi32, #tpu.memory_space<vmem>> -> memref<1x16xi32, #tpu.memory_space<vmem>>
    %dma_start3A_142 = tpu.memref_squeeze %dma_start3A_141 : memref<1x16xi32, #tpu.memory_space<vmem>> -> memref<16xi32, #tpu.memory_space<vmem>>
    %dma_start3A_143 = arith.constant 0 : i32
    %dma_start3A_144 = arith.constant 0 : i32
    %dma_start3A_145 = tpu.memref_slice %arg2[%dma_start3A_143, %dma_start3A_144] : memref<65536x128xf32, #tpu.memory_space<hbm>> -> memref<65536x128xf32, #tpu.memory_space<hbm>>
    tpu.enqueue_indirect_dma source(%dma_start3A_145 : memref<65536x128xf32, #tpu.memory_space<hbm>>) target(%dma_start3A_139 : memref<16x128xf32, #tpu.memory_space<vmem>>) offsets(%dma_start3A_142 : memref<16xi32, #tpu.memory_space<vmem>>) semaphore(%arg8 : memref<!tpu.dma_semaphore, #tpu.memory_space<semaphore_mem>>)
    %dma_start3A_146 = arith.constant 12 : i32
    %dma_start3A_147 = arith.constant 12 : i32
    %dma_start3A_148 = arith.constant 0 : i32
    %dma_start3A_149 = arith.constant 0 : i32
    %dma_start3A_150 = tpu.memref_slice %arg6[%dma_start3A_147, %dma_start3A_148, %dma_start3A_149] : memref<32x16x128xf32, #tpu.memory_space<vmem>> -> memref<1x16x128xf32, #tpu.memory_space<vmem>>
    %dma_start3A_151 = tpu.memref_squeeze %dma_start3A_150 : memref<1x16x128xf32, #tpu.memory_space<vmem>> -> memref<16x128xf32, #tpu.memory_space<vmem>>
    %dma_start3A_152 = arith.constant 0 : i32
    %dma_start3A_153 = tpu.memref_slice %arg5[%dma_start3A_146, %dma_start3A_152] : memref<32x16xi32, #tpu.memory_space<vmem>> -> memref<1x16xi32, #tpu.memory_space<vmem>>
    %dma_start3A_154 = tpu.memref_squeeze %dma_start3A_153 : memref<1x16xi32, #tpu.memory_space<vmem>> -> memref<16xi32, #tpu.memory_space<vmem>>
    %dma_start3A_155 = arith.constant 0 : i32
    %dma_start3A_156 = arith.constant 0 : i32
    %dma_start3A_157 = tpu.memref_slice %arg2[%dma_start3A_155, %dma_start3A_156] : memref<65536x128xf32, #tpu.memory_space<hbm>> -> memref<65536x128xf32, #tpu.memory_space<hbm>>
    tpu.enqueue_indirect_dma source(%dma_start3A_157 : memref<65536x128xf32, #tpu.memory_space<hbm>>) target(%dma_start3A_151 : memref<16x128xf32, #tpu.memory_space<vmem>>) offsets(%dma_start3A_154 : memref<16xi32, #tpu.memory_space<vmem>>) semaphore(%arg8 : memref<!tpu.dma_semaphore, #tpu.memory_space<semaphore_mem>>)
    %dma_start3A_158 = arith.constant 13 : i32
    %dma_start3A_159 = arith.constant 13 : i32
    %dma_start3A_160 = arith.constant 0 : i32
    %dma_start3A_161 = arith.constant 0 : i32
    %dma_start3A_162 = tpu.memref_slice %arg6[%dma_start3A_159, %dma_start3A_160, %dma_start3A_161] : memref<32x16x128xf32, #tpu.memory_space<vmem>> -> memref<1x16x128xf32, #tpu.memory_space<vmem>>
    %dma_start3A_163 = tpu.memref_squeeze %dma_start3A_162 : memref<1x16x128xf32, #tpu.memory_space<vmem>> -> memref<16x128xf32, #tpu.memory_space<vmem>>
    %dma_start3A_164 = arith.constant 0 : i32
    %dma_start3A_165 = tpu.memref_slice %arg5[%dma_start3A_158, %dma_start3A_164] : memref<32x16xi32, #tpu.memory_space<vmem>> -> memref<1x16xi32, #tpu.memory_space<vmem>>
    %dma_start3A_166 = tpu.memref_squeeze %dma_start3A_165 : memref<1x16xi32, #tpu.memory_space<vmem>> -> memref<16xi32, #tpu.memory_space<vmem>>
    %dma_start3A_167 = arith.constant 0 : i32
    %dma_start3A_168 = arith.constant 0 : i32
    %dma_start3A_169 = tpu.memref_slice %arg2[%dma_start3A_167, %dma_start3A_168] : memref<65536x128xf32, #tpu.memory_space<hbm>> -> memref<65536x128xf32, #tpu.memory_space<hbm>>
    tpu.enqueue_indirect_dma source(%dma_start3A_169 : memref<65536x128xf32, #tpu.memory_space<hbm>>) target(%dma_start3A_163 : memref<16x128xf32, #tpu.memory_space<vmem>>) offsets(%dma_start3A_166 : memref<16xi32, #tpu.memory_space<vmem>>) semaphore(%arg8 : memref<!tpu.dma_semaphore, #tpu.memory_space<semaphore_mem>>)
    %dma_start3A_170 = arith.constant 14 : i32
    %dma_start3A_171 = arith.constant 14 : i32
    %dma_start3A_172 = arith.constant 0 : i32
    %dma_start3A_173 = arith.constant 0 : i32
    %dma_start3A_174 = tpu.memref_slice %arg6[%dma_start3A_171, %dma_start3A_172, %dma_start3A_173] : memref<32x16x128xf32, #tpu.memory_space<vmem>> -> memref<1x16x128xf32, #tpu.memory_space<vmem>>
    %dma_start3A_175 = tpu.memref_squeeze %dma_start3A_174 : memref<1x16x128xf32, #tpu.memory_space<vmem>> -> memref<16x128xf32, #tpu.memory_space<vmem>>
    %dma_start3A_176 = arith.constant 0 : i32
    %dma_start3A_177 = tpu.memref_slice %arg5[%dma_start3A_170, %dma_start3A_176] : memref<32x16xi32, #tpu.memory_space<vmem>> -> memref<1x16xi32, #tpu.memory_space<vmem>>
    %dma_start3A_178 = tpu.memref_squeeze %dma_start3A_177 : memref<1x16xi32, #tpu.memory_space<vmem>> -> memref<16xi32, #tpu.memory_space<vmem>>
    %dma_start3A_179 = arith.constant 0 : i32
    %dma_start3A_180 = arith.constant 0 : i32
    %dma_start3A_181 = tpu.memref_slice %arg2[%dma_start3A_179, %dma_start3A_180] : memref<65536x128xf32, #tpu.memory_space<hbm>> -> memref<65536x128xf32, #tpu.memory_space<hbm>>
    tpu.enqueue_indirect_dma source(%dma_start3A_181 : memref<65536x128xf32, #tpu.memory_space<hbm>>) target(%dma_start3A_175 : memref<16x128xf32, #tpu.memory_space<vmem>>) offsets(%dma_start3A_178 : memref<16xi32, #tpu.memory_space<vmem>>) semaphore(%arg8 : memref<!tpu.dma_semaphore, #tpu.memory_space<semaphore_mem>>)
    %dma_start3A_182 = arith.constant 15 : i32
    %dma_start3A_183 = arith.constant 15 : i32
    %dma_start3A_184 = arith.constant 0 : i32
    %dma_start3A_185 = arith.constant 0 : i32
    %dma_start3A_186 = tpu.memref_slice %arg6[%dma_start3A_183, %dma_start3A_184, %dma_start3A_185] : memref<32x16x128xf32, #tpu.memory_space<vmem>> -> memref<1x16x128xf32, #tpu.memory_space<vmem>>
    %dma_start3A_187 = tpu.memref_squeeze %dma_start3A_186 : memref<1x16x128xf32, #tpu.memory_space<vmem>> -> memref<16x128xf32, #tpu.memory_space<vmem>>
    %dma_start3A_188 = arith.constant 0 : i32
    %dma_start3A_189 = tpu.memref_slice %arg5[%dma_start3A_182, %dma_start3A_188] : memref<32x16xi32, #tpu.memory_space<vmem>> -> memref<1x16xi32, #tpu.memory_space<vmem>>
    %dma_start3A_190 = tpu.memref_squeeze %dma_start3A_189 : memref<1x16xi32, #tpu.memory_space<vmem>> -> memref<16xi32, #tpu.memory_space<vmem>>
    %dma_start3A_191 = arith.constant 0 : i32
    %dma_start3A_192 = arith.constant 0 : i32
    %dma_start3A_193 = tpu.memref_slice %arg2[%dma_start3A_191, %dma_start3A_192] : memref<65536x128xf32, #tpu.memory_space<hbm>> -> memref<65536x128xf32, #tpu.memory_space<hbm>>
    tpu.enqueue_indirect_dma source(%dma_start3A_193 : memref<65536x128xf32, #tpu.memory_space<hbm>>) target(%dma_start3A_187 : memref<16x128xf32, #tpu.memory_space<vmem>>) offsets(%dma_start3A_190 : memref<16xi32, #tpu.memory_space<vmem>>) semaphore(%arg8 : memref<!tpu.dma_semaphore, #tpu.memory_space<semaphore_mem>>)
    %dma_start3A_194 = arith.constant 16 : i32
    %dma_start3A_195 = arith.constant 16 : i32
    %dma_start3A_196 = arith.constant 0 : i32
    %dma_start3A_197 = arith.constant 0 : i32
    %dma_start3A_198 = tpu.memref_slice %arg6[%dma_start3A_195, %dma_start3A_196, %dma_start3A_197] : memref<32x16x128xf32, #tpu.memory_space<vmem>> -> memref<1x16x128xf32, #tpu.memory_space<vmem>>
    %dma_start3A_199 = tpu.memref_squeeze %dma_start3A_198 : memref<1x16x128xf32, #tpu.memory_space<vmem>> -> memref<16x128xf32, #tpu.memory_space<vmem>>
    %dma_start3A_200 = arith.constant 0 : i32
    %dma_start3A_201 = tpu.memref_slice %arg5[%dma_start3A_194, %dma_start3A_200] : memref<32x16xi32, #tpu.memory_space<vmem>> -> memref<1x16xi32, #tpu.memory_space<vmem>>
    %dma_start3A_202 = tpu.memref_squeeze %dma_start3A_201 : memref<1x16xi32, #tpu.memory_space<vmem>> -> memref<16xi32, #tpu.memory_space<vmem>>
    %dma_start3A_203 = arith.constant 0 : i32
    %dma_start3A_204 = arith.constant 0 : i32
    %dma_start3A_205 = tpu.memref_slice %arg2[%dma_start3A_203, %dma_start3A_204] : memref<65536x128xf32, #tpu.memory_space<hbm>> -> memref<65536x128xf32, #tpu.memory_space<hbm>>
    tpu.enqueue_indirect_dma source(%dma_start3A_205 : memref<65536x128xf32, #tpu.memory_space<hbm>>) target(%dma_start3A_199 : memref<16x128xf32, #tpu.memory_space<vmem>>) offsets(%dma_start3A_202 : memref<16xi32, #tpu.memory_space<vmem>>) semaphore(%arg8 : memref<!tpu.dma_semaphore, #tpu.memory_space<semaphore_mem>>)
    %dma_start3A_206 = arith.constant 17 : i32
    %dma_start3A_207 = arith.constant 17 : i32
    %dma_start3A_208 = arith.constant 0 : i32
    %dma_start3A_209 = arith.constant 0 : i32
    %dma_start3A_210 = tpu.memref_slice %arg6[%dma_start3A_207, %dma_start3A_208, %dma_start3A_209] : memref<32x16x128xf32, #tpu.memory_space<vmem>> -> memref<1x16x128xf32, #tpu.memory_space<vmem>>
    %dma_start3A_211 = tpu.memref_squeeze %dma_start3A_210 : memref<1x16x128xf32, #tpu.memory_space<vmem>> -> memref<16x128xf32, #tpu.memory_space<vmem>>
    %dma_start3A_212 = arith.constant 0 : i32
    %dma_start3A_213 = tpu.memref_slice %arg5[%dma_start3A_206, %dma_start3A_212] : memref<32x16xi32, #tpu.memory_space<vmem>> -> memref<1x16xi32, #tpu.memory_space<vmem>>
    %dma_start3A_214 = tpu.memref_squeeze %dma_start3A_213 : memref<1x16xi32, #tpu.memory_space<vmem>> -> memref<16xi32, #tpu.memory_space<vmem>>
    %dma_start3A_215 = arith.constant 0 : i32
    %dma_start3A_216 = arith.constant 0 : i32
    %dma_start3A_217 = tpu.memref_slice %arg2[%dma_start3A_215, %dma_start3A_216] : memref<65536x128xf32, #tpu.memory_space<hbm>> -> memref<65536x128xf32, #tpu.memory_space<hbm>>
    tpu.enqueue_indirect_dma source(%dma_start3A_217 : memref<65536x128xf32, #tpu.memory_space<hbm>>) target(%dma_start3A_211 : memref<16x128xf32, #tpu.memory_space<vmem>>) offsets(%dma_start3A_214 : memref<16xi32, #tpu.memory_space<vmem>>) semaphore(%arg8 : memref<!tpu.dma_semaphore, #tpu.memory_space<semaphore_mem>>)
    %dma_start3A_218 = arith.constant 18 : i32
    %dma_start3A_219 = arith.constant 18 : i32
    %dma_start3A_220 = arith.constant 0 : i32
    %dma_start3A_221 = arith.constant 0 : i32
    %dma_start3A_222 = tpu.memref_slice %arg6[%dma_start3A_219, %dma_start3A_220, %dma_start3A_221] : memref<32x16x128xf32, #tpu.memory_space<vmem>> -> memref<1x16x128xf32, #tpu.memory_space<vmem>>
    %dma_start3A_223 = tpu.memref_squeeze %dma_start3A_222 : memref<1x16x128xf32, #tpu.memory_space<vmem>> -> memref<16x128xf32, #tpu.memory_space<vmem>>
    %dma_start3A_224 = arith.constant 0 : i32
    %dma_start3A_225 = tpu.memref_slice %arg5[%dma_start3A_218, %dma_start3A_224] : memref<32x16xi32, #tpu.memory_space<vmem>> -> memref<1x16xi32, #tpu.memory_space<vmem>>
    %dma_start3A_226 = tpu.memref_squeeze %dma_start3A_225 : memref<1x16xi32, #tpu.memory_space<vmem>> -> memref<16xi32, #tpu.memory_space<vmem>>
    %dma_start3A_227 = arith.constant 0 : i32
    %dma_start3A_228 = arith.constant 0 : i32
    %dma_start3A_229 = tpu.memref_slice %arg2[%dma_start3A_227, %dma_start3A_228] : memref<65536x128xf32, #tpu.memory_space<hbm>> -> memref<65536x128xf32, #tpu.memory_space<hbm>>
    tpu.enqueue_indirect_dma source(%dma_start3A_229 : memref<65536x128xf32, #tpu.memory_space<hbm>>) target(%dma_start3A_223 : memref<16x128xf32, #tpu.memory_space<vmem>>) offsets(%dma_start3A_226 : memref<16xi32, #tpu.memory_space<vmem>>) semaphore(%arg8 : memref<!tpu.dma_semaphore, #tpu.memory_space<semaphore_mem>>)
    %dma_start3A_230 = arith.constant 19 : i32
    %dma_start3A_231 = arith.constant 19 : i32
    %dma_start3A_232 = arith.constant 0 : i32
    %dma_start3A_233 = arith.constant 0 : i32
    %dma_start3A_234 = tpu.memref_slice %arg6[%dma_start3A_231, %dma_start3A_232, %dma_start3A_233] : memref<32x16x128xf32, #tpu.memory_space<vmem>> -> memref<1x16x128xf32, #tpu.memory_space<vmem>>
    %dma_start3A_235 = tpu.memref_squeeze %dma_start3A_234 : memref<1x16x128xf32, #tpu.memory_space<vmem>> -> memref<16x128xf32, #tpu.memory_space<vmem>>
    %dma_start3A_236 = arith.constant 0 : i32
    %dma_start3A_237 = tpu.memref_slice %arg5[%dma_start3A_230, %dma_start3A_236] : memref<32x16xi32, #tpu.memory_space<vmem>> -> memref<1x16xi32, #tpu.memory_space<vmem>>
    %dma_start3A_238 = tpu.memref_squeeze %dma_start3A_237 : memref<1x16xi32, #tpu.memory_space<vmem>> -> memref<16xi32, #tpu.memory_space<vmem>>
    %dma_start3A_239 = arith.constant 0 : i32
    %dma_start3A_240 = arith.constant 0 : i32
    %dma_start3A_241 = tpu.memref_slice %arg2[%dma_start3A_239, %dma_start3A_240] : memref<65536x128xf32, #tpu.memory_space<hbm>> -> memref<65536x128xf32, #tpu.memory_space<hbm>>
    tpu.enqueue_indirect_dma source(%dma_start3A_241 : memref<65536x128xf32, #tpu.memory_space<hbm>>) target(%dma_start3A_235 : memref<16x128xf32, #tpu.memory_space<vmem>>) offsets(%dma_start3A_238 : memref<16xi32, #tpu.memory_space<vmem>>) semaphore(%arg8 : memref<!tpu.dma_semaphore, #tpu.memory_space<semaphore_mem>>)
    %dma_start3A_242 = arith.constant 20 : i32
    %dma_start3A_243 = arith.constant 20 : i32
    %dma_start3A_244 = arith.constant 0 : i32
    %dma_start3A_245 = arith.constant 0 : i32
    %dma_start3A_246 = tpu.memref_slice %arg6[%dma_start3A_243, %dma_start3A_244, %dma_start3A_245] : memref<32x16x128xf32, #tpu.memory_space<vmem>> -> memref<1x16x128xf32, #tpu.memory_space<vmem>>
    %dma_start3A_247 = tpu.memref_squeeze %dma_start3A_246 : memref<1x16x128xf32, #tpu.memory_space<vmem>> -> memref<16x128xf32, #tpu.memory_space<vmem>>
    %dma_start3A_248 = arith.constant 0 : i32
    %dma_start3A_249 = tpu.memref_slice %arg5[%dma_start3A_242, %dma_start3A_248] : memref<32x16xi32, #tpu.memory_space<vmem>> -> memref<1x16xi32, #tpu.memory_space<vmem>>
    %dma_start3A_250 = tpu.memref_squeeze %dma_start3A_249 : memref<1x16xi32, #tpu.memory_space<vmem>> -> memref<16xi32, #tpu.memory_space<vmem>>
    %dma_start3A_251 = arith.constant 0 : i32
    %dma_start3A_252 = arith.constant 0 : i32
    %dma_start3A_253 = tpu.memref_slice %arg2[%dma_start3A_251, %dma_start3A_252] : memref<65536x128xf32, #tpu.memory_space<hbm>> -> memref<65536x128xf32, #tpu.memory_space<hbm>>
    tpu.enqueue_indirect_dma source(%dma_start3A_253 : memref<65536x128xf32, #tpu.memory_space<hbm>>) target(%dma_start3A_247 : memref<16x128xf32, #tpu.memory_space<vmem>>) offsets(%dma_start3A_250 : memref<16xi32, #tpu.memory_space<vmem>>) semaphore(%arg8 : memref<!tpu.dma_semaphore, #tpu.memory_space<semaphore_mem>>)
    %dma_start3A_254 = arith.constant 21 : i32
    %dma_start3A_255 = arith.constant 21 : i32
    %dma_start3A_256 = arith.constant 0 : i32
    %dma_start3A_257 = arith.constant 0 : i32
    %dma_start3A_258 = tpu.memref_slice %arg6[%dma_start3A_255, %dma_start3A_256, %dma_start3A_257] : memref<32x16x128xf32, #tpu.memory_space<vmem>> -> memref<1x16x128xf32, #tpu.memory_space<vmem>>
    %dma_start3A_259 = tpu.memref_squeeze %dma_start3A_258 : memref<1x16x128xf32, #tpu.memory_space<vmem>> -> memref<16x128xf32, #tpu.memory_space<vmem>>
    %dma_start3A_260 = arith.constant 0 : i32
    %dma_start3A_261 = tpu.memref_slice %arg5[%dma_start3A_254, %dma_start3A_260] : memref<32x16xi32, #tpu.memory_space<vmem>> -> memref<1x16xi32, #tpu.memory_space<vmem>>
    %dma_start3A_262 = tpu.memref_squeeze %dma_start3A_261 : memref<1x16xi32, #tpu.memory_space<vmem>> -> memref<16xi32, #tpu.memory_space<vmem>>
    %dma_start3A_263 = arith.constant 0 : i32
    %dma_start3A_264 = arith.constant 0 : i32
    %dma_start3A_265 = tpu.memref_slice %arg2[%dma_start3A_263, %dma_start3A_264] : memref<65536x128xf32, #tpu.memory_space<hbm>> -> memref<65536x128xf32, #tpu.memory_space<hbm>>
    tpu.enqueue_indirect_dma source(%dma_start3A_265 : memref<65536x128xf32, #tpu.memory_space<hbm>>) target(%dma_start3A_259 : memref<16x128xf32, #tpu.memory_space<vmem>>) offsets(%dma_start3A_262 : memref<16xi32, #tpu.memory_space<vmem>>) semaphore(%arg8 : memref<!tpu.dma_semaphore, #tpu.memory_space<semaphore_mem>>)
    %dma_start3A_266 = arith.constant 22 : i32
    %dma_start3A_267 = arith.constant 22 : i32
    %dma_start3A_268 = arith.constant 0 : i32
    %dma_start3A_269 = arith.constant 0 : i32
    %dma_start3A_270 = tpu.memref_slice %arg6[%dma_start3A_267, %dma_start3A_268, %dma_start3A_269] : memref<32x16x128xf32, #tpu.memory_space<vmem>> -> memref<1x16x128xf32, #tpu.memory_space<vmem>>
    %dma_start3A_271 = tpu.memref_squeeze %dma_start3A_270 : memref<1x16x128xf32, #tpu.memory_space<vmem>> -> memref<16x128xf32, #tpu.memory_space<vmem>>
    %dma_start3A_272 = arith.constant 0 : i32
    %dma_start3A_273 = tpu.memref_slice %arg5[%dma_start3A_266, %dma_start3A_272] : memref<32x16xi32, #tpu.memory_space<vmem>> -> memref<1x16xi32, #tpu.memory_space<vmem>>
    %dma_start3A_274 = tpu.memref_squeeze %dma_start3A_273 : memref<1x16xi32, #tpu.memory_space<vmem>> -> memref<16xi32, #tpu.memory_space<vmem>>
    %dma_start3A_275 = arith.constant 0 : i32
    %dma_start3A_276 = arith.constant 0 : i32
    %dma_start3A_277 = tpu.memref_slice %arg2[%dma_start3A_275, %dma_start3A_276] : memref<65536x128xf32, #tpu.memory_space<hbm>> -> memref<65536x128xf32, #tpu.memory_space<hbm>>
    tpu.enqueue_indirect_dma source(%dma_start3A_277 : memref<65536x128xf32, #tpu.memory_space<hbm>>) target(%dma_start3A_271 : memref<16x128xf32, #tpu.memory_space<vmem>>) offsets(%dma_start3A_274 : memref<16xi32, #tpu.memory_space<vmem>>) semaphore(%arg8 : memref<!tpu.dma_semaphore, #tpu.memory_space<semaphore_mem>>)
    %dma_start3A_278 = arith.constant 23 : i32
    %dma_start3A_279 = arith.constant 23 : i32
    %dma_start3A_280 = arith.constant 0 : i32
    %dma_start3A_281 = arith.constant 0 : i32
    %dma_start3A_282 = tpu.memref_slice %arg6[%dma_start3A_279, %dma_start3A_280, %dma_start3A_281] : memref<32x16x128xf32, #tpu.memory_space<vmem>> -> memref<1x16x128xf32, #tpu.memory_space<vmem>>
    %dma_start3A_283 = tpu.memref_squeeze %dma_start3A_282 : memref<1x16x128xf32, #tpu.memory_space<vmem>> -> memref<16x128xf32, #tpu.memory_space<vmem>>
    %dma_start3A_284 = arith.constant 0 : i32
    %dma_start3A_285 = tpu.memref_slice %arg5[%dma_start3A_278, %dma_start3A_284] : memref<32x16xi32, #tpu.memory_space<vmem>> -> memref<1x16xi32, #tpu.memory_space<vmem>>
    %dma_start3A_286 = tpu.memref_squeeze %dma_start3A_285 : memref<1x16xi32, #tpu.memory_space<vmem>> -> memref<16xi32, #tpu.memory_space<vmem>>
    %dma_start3A_287 = arith.constant 0 : i32
    %dma_start3A_288 = arith.constant 0 : i32
    %dma_start3A_289 = tpu.memref_slice %arg2[%dma_start3A_287, %dma_start3A_288] : memref<65536x128xf32, #tpu.memory_space<hbm>> -> memref<65536x128xf32, #tpu.memory_space<hbm>>
    tpu.enqueue_indirect_dma source(%dma_start3A_289 : memref<65536x128xf32, #tpu.memory_space<hbm>>) target(%dma_start3A_283 : memref<16x128xf32, #tpu.memory_space<vmem>>) offsets(%dma_start3A_286 : memref<16xi32, #tpu.memory_space<vmem>>) semaphore(%arg8 : memref<!tpu.dma_semaphore, #tpu.memory_space<semaphore_mem>>)
    %dma_start3A_290 = arith.constant 24 : i32
    %dma_start3A_291 = arith.constant 24 : i32
    %dma_start3A_292 = arith.constant 0 : i32
    %dma_start3A_293 = arith.constant 0 : i32
    %dma_start3A_294 = tpu.memref_slice %arg6[%dma_start3A_291, %dma_start3A_292, %dma_start3A_293] : memref<32x16x128xf32, #tpu.memory_space<vmem>> -> memref<1x16x128xf32, #tpu.memory_space<vmem>>
    %dma_start3A_295 = tpu.memref_squeeze %dma_start3A_294 : memref<1x16x128xf32, #tpu.memory_space<vmem>> -> memref<16x128xf32, #tpu.memory_space<vmem>>
    %dma_start3A_296 = arith.constant 0 : i32
    %dma_start3A_297 = tpu.memref_slice %arg5[%dma_start3A_290, %dma_start3A_296] : memref<32x16xi32, #tpu.memory_space<vmem>> -> memref<1x16xi32, #tpu.memory_space<vmem>>
    %dma_start3A_298 = tpu.memref_squeeze %dma_start3A_297 : memref<1x16xi32, #tpu.memory_space<vmem>> -> memref<16xi32, #tpu.memory_space<vmem>>
    %dma_start3A_299 = arith.constant 0 : i32
    %dma_start3A_300 = arith.constant 0 : i32
    %dma_start3A_301 = tpu.memref_slice %arg2[%dma_start3A_299, %dma_start3A_300] : memref<65536x128xf32, #tpu.memory_space<hbm>> -> memref<65536x128xf32, #tpu.memory_space<hbm>>
    tpu.enqueue_indirect_dma source(%dma_start3A_301 : memref<65536x128xf32, #tpu.memory_space<hbm>>) target(%dma_start3A_295 : memref<16x128xf32, #tpu.memory_space<vmem>>) offsets(%dma_start3A_298 : memref<16xi32, #tpu.memory_space<vmem>>) semaphore(%arg8 : memref<!tpu.dma_semaphore, #tpu.memory_space<semaphore_mem>>)
    %dma_start3A_302 = arith.constant 25 : i32
    %dma_start3A_303 = arith.constant 25 : i32
    %dma_start3A_304 = arith.constant 0 : i32
    %dma_start3A_305 = arith.constant 0 : i32
    %dma_start3A_306 = tpu.memref_slice %arg6[%dma_start3A_303, %dma_start3A_304, %dma_start3A_305] : memref<32x16x128xf32, #tpu.memory_space<vmem>> -> memref<1x16x128xf32, #tpu.memory_space<vmem>>
    %dma_start3A_307 = tpu.memref_squeeze %dma_start3A_306 : memref<1x16x128xf32, #tpu.memory_space<vmem>> -> memref<16x128xf32, #tpu.memory_space<vmem>>
    %dma_start3A_308 = arith.constant 0 : i32
    %dma_start3A_309 = tpu.memref_slice %arg5[%dma_start3A_302, %dma_start3A_308] : memref<32x16xi32, #tpu.memory_space<vmem>> -> memref<1x16xi32, #tpu.memory_space<vmem>>
    %dma_start3A_310 = tpu.memref_squeeze %dma_start3A_309 : memref<1x16xi32, #tpu.memory_space<vmem>> -> memref<16xi32, #tpu.memory_space<vmem>>
    %dma_start3A_311 = arith.constant 0 : i32
    %dma_start3A_312 = arith.constant 0 : i32
    %dma_start3A_313 = tpu.memref_slice %arg2[%dma_start3A_311, %dma_start3A_312] : memref<65536x128xf32, #tpu.memory_space<hbm>> -> memref<65536x128xf32, #tpu.memory_space<hbm>>
    tpu.enqueue_indirect_dma source(%dma_start3A_313 : memref<65536x128xf32, #tpu.memory_space<hbm>>) target(%dma_start3A_307 : memref<16x128xf32, #tpu.memory_space<vmem>>) offsets(%dma_start3A_310 : memref<16xi32, #tpu.memory_space<vmem>>) semaphore(%arg8 : memref<!tpu.dma_semaphore, #tpu.memory_space<semaphore_mem>>)
    %dma_start3A_314 = arith.constant 26 : i32
    %dma_start3A_315 = arith.constant 26 : i32
    %dma_start3A_316 = arith.constant 0 : i32
    %dma_start3A_317 = arith.constant 0 : i32
    %dma_start3A_318 = tpu.memref_slice %arg6[%dma_start3A_315, %dma_start3A_316, %dma_start3A_317] : memref<32x16x128xf32, #tpu.memory_space<vmem>> -> memref<1x16x128xf32, #tpu.memory_space<vmem>>
    %dma_start3A_319 = tpu.memref_squeeze %dma_start3A_318 : memref<1x16x128xf32, #tpu.memory_space<vmem>> -> memref<16x128xf32, #tpu.memory_space<vmem>>
    %dma_start3A_320 = arith.constant 0 : i32
    %dma_start3A_321 = tpu.memref_slice %arg5[%dma_start3A_314, %dma_start3A_320] : memref<32x16xi32, #tpu.memory_space<vmem>> -> memref<1x16xi32, #tpu.memory_space<vmem>>
    %dma_start3A_322 = tpu.memref_squeeze %dma_start3A_321 : memref<1x16xi32, #tpu.memory_space<vmem>> -> memref<16xi32, #tpu.memory_space<vmem>>
    %dma_start3A_323 = arith.constant 0 : i32
    %dma_start3A_324 = arith.constant 0 : i32
    %dma_start3A_325 = tpu.memref_slice %arg2[%dma_start3A_323, %dma_start3A_324] : memref<65536x128xf32, #tpu.memory_space<hbm>> -> memref<65536x128xf32, #tpu.memory_space<hbm>>
    tpu.enqueue_indirect_dma source(%dma_start3A_325 : memref<65536x128xf32, #tpu.memory_space<hbm>>) target(%dma_start3A_319 : memref<16x128xf32, #tpu.memory_space<vmem>>) offsets(%dma_start3A_322 : memref<16xi32, #tpu.memory_space<vmem>>) semaphore(%arg8 : memref<!tpu.dma_semaphore, #tpu.memory_space<semaphore_mem>>)
    %dma_start3A_326 = arith.constant 27 : i32
    %dma_start3A_327 = arith.constant 27 : i32
    %dma_start3A_328 = arith.constant 0 : i32
    %dma_start3A_329 = arith.constant 0 : i32
    %dma_start3A_330 = tpu.memref_slice %arg6[%dma_start3A_327, %dma_start3A_328, %dma_start3A_329] : memref<32x16x128xf32, #tpu.memory_space<vmem>> -> memref<1x16x128xf32, #tpu.memory_space<vmem>>
    %dma_start3A_331 = tpu.memref_squeeze %dma_start3A_330 : memref<1x16x128xf32, #tpu.memory_space<vmem>> -> memref<16x128xf32, #tpu.memory_space<vmem>>
    %dma_start3A_332 = arith.constant 0 : i32
    %dma_start3A_333 = tpu.memref_slice %arg5[%dma_start3A_326, %dma_start3A_332] : memref<32x16xi32, #tpu.memory_space<vmem>> -> memref<1x16xi32, #tpu.memory_space<vmem>>
    %dma_start3A_334 = tpu.memref_squeeze %dma_start3A_333 : memref<1x16xi32, #tpu.memory_space<vmem>> -> memref<16xi32, #tpu.memory_space<vmem>>
    %dma_start3A_335 = arith.constant 0 : i32
    %dma_start3A_336 = arith.constant 0 : i32
    %dma_start3A_337 = tpu.memref_slice %arg2[%dma_start3A_335, %dma_start3A_336] : memref<65536x128xf32, #tpu.memory_space<hbm>> -> memref<65536x128xf32, #tpu.memory_space<hbm>>
    tpu.enqueue_indirect_dma source(%dma_start3A_337 : memref<65536x128xf32, #tpu.memory_space<hbm>>) target(%dma_start3A_331 : memref<16x128xf32, #tpu.memory_space<vmem>>) offsets(%dma_start3A_334 : memref<16xi32, #tpu.memory_space<vmem>>) semaphore(%arg8 : memref<!tpu.dma_semaphore, #tpu.memory_space<semaphore_mem>>)
    %dma_start3A_338 = arith.constant 28 : i32
    %dma_start3A_339 = arith.constant 28 : i32
    %dma_start3A_340 = arith.constant 0 : i32
    %dma_start3A_341 = arith.constant 0 : i32
    %dma_start3A_342 = tpu.memref_slice %arg6[%dma_start3A_339, %dma_start3A_340, %dma_start3A_341] : memref<32x16x128xf32, #tpu.memory_space<vmem>> -> memref<1x16x128xf32, #tpu.memory_space<vmem>>
    %dma_start3A_343 = tpu.memref_squeeze %dma_start3A_342 : memref<1x16x128xf32, #tpu.memory_space<vmem>> -> memref<16x128xf32, #tpu.memory_space<vmem>>
    %dma_start3A_344 = arith.constant 0 : i32
    %dma_start3A_345 = tpu.memref_slice %arg5[%dma_start3A_338, %dma_start3A_344] : memref<32x16xi32, #tpu.memory_space<vmem>> -> memref<1x16xi32, #tpu.memory_space<vmem>>
    %dma_start3A_346 = tpu.memref_squeeze %dma_start3A_345 : memref<1x16xi32, #tpu.memory_space<vmem>> -> memref<16xi32, #tpu.memory_space<vmem>>
    %dma_start3A_347 = arith.constant 0 : i32
    %dma_start3A_348 = arith.constant 0 : i32
    %dma_start3A_349 = tpu.memref_slice %arg2[%dma_start3A_347, %dma_start3A_348] : memref<65536x128xf32, #tpu.memory_space<hbm>> -> memref<65536x128xf32, #tpu.memory_space<hbm>>
    tpu.enqueue_indirect_dma source(%dma_start3A_349 : memref<65536x128xf32, #tpu.memory_space<hbm>>) target(%dma_start3A_343 : memref<16x128xf32, #tpu.memory_space<vmem>>) offsets(%dma_start3A_346 : memref<16xi32, #tpu.memory_space<vmem>>) semaphore(%arg8 : memref<!tpu.dma_semaphore, #tpu.memory_space<semaphore_mem>>)
    %dma_start3A_350 = arith.constant 29 : i32
    %dma_start3A_351 = arith.constant 29 : i32
    %dma_start3A_352 = arith.constant 0 : i32
    %dma_start3A_353 = arith.constant 0 : i32
    %dma_start3A_354 = tpu.memref_slice %arg6[%dma_start3A_351, %dma_start3A_352, %dma_start3A_353] : memref<32x16x128xf32, #tpu.memory_space<vmem>> -> memref<1x16x128xf32, #tpu.memory_space<vmem>>
    %dma_start3A_355 = tpu.memref_squeeze %dma_start3A_354 : memref<1x16x128xf32, #tpu.memory_space<vmem>> -> memref<16x128xf32, #tpu.memory_space<vmem>>
    %dma_start3A_356 = arith.constant 0 : i32
    %dma_start3A_357 = tpu.memref_slice %arg5[%dma_start3A_350, %dma_start3A_356] : memref<32x16xi32, #tpu.memory_space<vmem>> -> memref<1x16xi32, #tpu.memory_space<vmem>>
    %dma_start3A_358 = tpu.memref_squeeze %dma_start3A_357 : memref<1x16xi32, #tpu.memory_space<vmem>> -> memref<16xi32, #tpu.memory_space<vmem>>
    %dma_start3A_359 = arith.constant 0 : i32
    %dma_start3A_360 = arith.constant 0 : i32
    %dma_start3A_361 = tpu.memref_slice %arg2[%dma_start3A_359, %dma_start3A_360] : memref<65536x128xf32, #tpu.memory_space<hbm>> -> memref<65536x128xf32, #tpu.memory_space<hbm>>
    tpu.enqueue_indirect_dma source(%dma_start3A_361 : memref<65536x128xf32, #tpu.memory_space<hbm>>) target(%dma_start3A_355 : memref<16x128xf32, #tpu.memory_space<vmem>>) offsets(%dma_start3A_358 : memref<16xi32, #tpu.memory_space<vmem>>) semaphore(%arg8 : memref<!tpu.dma_semaphore, #tpu.memory_space<semaphore_mem>>)
    %dma_start3A_362 = arith.constant 30 : i32
    %dma_start3A_363 = arith.constant 30 : i32
    %dma_start3A_364 = arith.constant 0 : i32
    %dma_start3A_365 = arith.constant 0 : i32
    %dma_start3A_366 = tpu.memref_slice %arg6[%dma_start3A_363, %dma_start3A_364, %dma_start3A_365] : memref<32x16x128xf32, #tpu.memory_space<vmem>> -> memref<1x16x128xf32, #tpu.memory_space<vmem>>
    %dma_start3A_367 = tpu.memref_squeeze %dma_start3A_366 : memref<1x16x128xf32, #tpu.memory_space<vmem>> -> memref<16x128xf32, #tpu.memory_space<vmem>>
    %dma_start3A_368 = arith.constant 0 : i32
    %dma_start3A_369 = tpu.memref_slice %arg5[%dma_start3A_362, %dma_start3A_368] : memref<32x16xi32, #tpu.memory_space<vmem>> -> memref<1x16xi32, #tpu.memory_space<vmem>>
    %dma_start3A_370 = tpu.memref_squeeze %dma_start3A_369 : memref<1x16xi32, #tpu.memory_space<vmem>> -> memref<16xi32, #tpu.memory_space<vmem>>
    %dma_start3A_371 = arith.constant 0 : i32
    %dma_start3A_372 = arith.constant 0 : i32
    %dma_start3A_373 = tpu.memref_slice %arg2[%dma_start3A_371, %dma_start3A_372] : memref<65536x128xf32, #tpu.memory_space<hbm>> -> memref<65536x128xf32, #tpu.memory_space<hbm>>
    tpu.enqueue_indirect_dma source(%dma_start3A_373 : memref<65536x128xf32, #tpu.memory_space<hbm>>) target(%dma_start3A_367 : memref<16x128xf32, #tpu.memory_space<vmem>>) offsets(%dma_start3A_370 : memref<16xi32, #tpu.memory_space<vmem>>) semaphore(%arg8 : memref<!tpu.dma_semaphore, #tpu.memory_space<semaphore_mem>>)
    %dma_start3A_374 = arith.constant 31 : i32
    %dma_start3A_375 = arith.constant 31 : i32
    %dma_start3A_376 = arith.constant 0 : i32
    %dma_start3A_377 = arith.constant 0 : i32
    %dma_start3A_378 = tpu.memref_slice %arg6[%dma_start3A_375, %dma_start3A_376, %dma_start3A_377] : memref<32x16x128xf32, #tpu.memory_space<vmem>> -> memref<1x16x128xf32, #tpu.memory_space<vmem>>
    %dma_start3A_379 = tpu.memref_squeeze %dma_start3A_378 : memref<1x16x128xf32, #tpu.memory_space<vmem>> -> memref<16x128xf32, #tpu.memory_space<vmem>>
    %dma_start3A_380 = arith.constant 0 : i32
    %dma_start3A_381 = tpu.memref_slice %arg5[%dma_start3A_374, %dma_start3A_380] : memref<32x16xi32, #tpu.memory_space<vmem>> -> memref<1x16xi32, #tpu.memory_space<vmem>>
    %dma_start3A_382 = tpu.memref_squeeze %dma_start3A_381 : memref<1x16xi32, #tpu.memory_space<vmem>> -> memref<16xi32, #tpu.memory_space<vmem>>
    %dma_start3A_383 = arith.constant 0 : i32
    %dma_start3A_384 = arith.constant 0 : i32
    %dma_start3A_385 = tpu.memref_slice %arg2[%dma_start3A_383, %dma_start3A_384] : memref<65536x128xf32, #tpu.memory_space<hbm>> -> memref<65536x128xf32, #tpu.memory_space<hbm>>
    tpu.enqueue_indirect_dma source(%dma_start3A_385 : memref<65536x128xf32, #tpu.memory_space<hbm>>) target(%dma_start3A_379 : memref<16x128xf32, #tpu.memory_space<vmem>>) offsets(%dma_start3A_382 : memref<16xi32, #tpu.memory_space<vmem>>) semaphore(%arg8 : memref<!tpu.dma_semaphore, #tpu.memory_space<semaphore_mem>>)
    %dma_wait3A = arith.constant 0 : i32
    %dma_wait3A_386 = arith.constant 0 : i32
    %dma_wait3A_387 = arith.constant 0 : i32
    %dma_wait3A_388 = arith.constant 0 : i32
    %dma_wait3A_389 = tpu.memref_slice %arg6[%dma_wait3A_386, %dma_wait3A_387, %dma_wait3A_388] : memref<32x16x128xf32, #tpu.memory_space<vmem>> -> memref<1x16x128xf32, #tpu.memory_space<vmem>>
    %dma_wait3A_390 = tpu.memref_squeeze %dma_wait3A_389 : memref<1x16x128xf32, #tpu.memory_space<vmem>> -> memref<16x128xf32, #tpu.memory_space<vmem>>
    %dma_wait3A_391 = arith.constant 0 : i32
    %dma_wait3A_392 = tpu.memref_slice %arg5[%dma_wait3A, %dma_wait3A_391] : memref<32x16xi32, #tpu.memory_space<vmem>> -> memref<1x16xi32, #tpu.memory_space<vmem>>
    %dma_wait3A_393 = tpu.memref_squeeze %dma_wait3A_392 : memref<1x16xi32, #tpu.memory_space<vmem>> -> memref<16xi32, #tpu.memory_space<vmem>>
    %dma_wait3A_394 = arith.constant 0 : i32
    %dma_wait3A_395 = arith.constant 0 : i32
    %dma_wait3A_396 = tpu.memref_slice %arg2[%dma_wait3A_394, %dma_wait3A_395] : memref<65536x128xf32, #tpu.memory_space<hbm>> -> memref<65536x128xf32, #tpu.memory_space<hbm>>
    tpu.wait_indirect_dma semaphore(%arg8 : memref<!tpu.dma_semaphore, #tpu.memory_space<semaphore_mem>>) src(%dma_wait3A_396 : memref<65536x128xf32, #tpu.memory_space<hbm>>) dst(%dma_wait3A_390 : memref<16x128xf32, #tpu.memory_space<vmem>>)
    %dma_wait3A_397 = arith.constant 1 : i32
    %dma_wait3A_398 = arith.constant 1 : i32
    %dma_wait3A_399 = arith.constant 0 : i32
    %dma_wait3A_400 = arith.constant 0 : i32
    %dma_wait3A_401 = tpu.memref_slice %arg6[%dma_wait3A_398, %dma_wait3A_399, %dma_wait3A_400] : memref<32x16x128xf32, #tpu.memory_space<vmem>> -> memref<1x16x128xf32, #tpu.memory_space<vmem>>
    %dma_wait3A_402 = tpu.memref_squeeze %dma_wait3A_401 : memref<1x16x128xf32, #tpu.memory_space<vmem>> -> memref<16x128xf32, #tpu.memory_space<vmem>>
    %dma_wait3A_403 = arith.constant 0 : i32
    %dma_wait3A_404 = tpu.memref_slice %arg5[%dma_wait3A_397, %dma_wait3A_403] : memref<32x16xi32, #tpu.memory_space<vmem>> -> memref<1x16xi32, #tpu.memory_space<vmem>>
    %dma_wait3A_405 = tpu.memref_squeeze %dma_wait3A_404 : memref<1x16xi32, #tpu.memory_space<vmem>> -> memref<16xi32, #tpu.memory_space<vmem>>
    %dma_wait3A_406 = arith.constant 0 : i32
    %dma_wait3A_407 = arith.constant 0 : i32
    %dma_wait3A_408 = tpu.memref_slice %arg2[%dma_wait3A_406, %dma_wait3A_407] : memref<65536x128xf32, #tpu.memory_space<hbm>> -> memref<65536x128xf32, #tpu.memory_space<hbm>>
    tpu.wait_indirect_dma semaphore(%arg8 : memref<!tpu.dma_semaphore, #tpu.memory_space<semaphore_mem>>) src(%dma_wait3A_408 : memref<65536x128xf32, #tpu.memory_space<hbm>>) dst(%dma_wait3A_402 : memref<16x128xf32, #tpu.memory_space<vmem>>)
    %dma_wait3A_409 = arith.constant 2 : i32
    %dma_wait3A_410 = arith.constant 2 : i32
    %dma_wait3A_411 = arith.constant 0 : i32
    %dma_wait3A_412 = arith.constant 0 : i32
    %dma_wait3A_413 = tpu.memref_slice %arg6[%dma_wait3A_410, %dma_wait3A_411, %dma_wait3A_412] : memref<32x16x128xf32, #tpu.memory_space<vmem>> -> memref<1x16x128xf32, #tpu.memory_space<vmem>>
    %dma_wait3A_414 = tpu.memref_squeeze %dma_wait3A_413 : memref<1x16x128xf32, #tpu.memory_space<vmem>> -> memref<16x128xf32, #tpu.memory_space<vmem>>
    %dma_wait3A_415 = arith.constant 0 : i32
    %dma_wait3A_416 = tpu.memref_slice %arg5[%dma_wait3A_409, %dma_wait3A_415] : memref<32x16xi32, #tpu.memory_space<vmem>> -> memref<1x16xi32, #tpu.memory_space<vmem>>
    %dma_wait3A_417 = tpu.memref_squeeze %dma_wait3A_416 : memref<1x16xi32, #tpu.memory_space<vmem>> -> memref<16xi32, #tpu.memory_space<vmem>>
    %dma_wait3A_418 = arith.constant 0 : i32
    %dma_wait3A_419 = arith.constant 0 : i32
    %dma_wait3A_420 = tpu.memref_slice %arg2[%dma_wait3A_418, %dma_wait3A_419] : memref<65536x128xf32, #tpu.memory_space<hbm>> -> memref<65536x128xf32, #tpu.memory_space<hbm>>
    tpu.wait_indirect_dma semaphore(%arg8 : memref<!tpu.dma_semaphore, #tpu.memory_space<semaphore_mem>>) src(%dma_wait3A_420 : memref<65536x128xf32, #tpu.memory_space<hbm>>) dst(%dma_wait3A_414 : memref<16x128xf32, #tpu.memory_space<vmem>>)
    %dma_wait3A_421 = arith.constant 3 : i32
    %dma_wait3A_422 = arith.constant 3 : i32
    %dma_wait3A_423 = arith.constant 0 : i32
    %dma_wait3A_424 = arith.constant 0 : i32
    %dma_wait3A_425 = tpu.memref_slice %arg6[%dma_wait3A_422, %dma_wait3A_423, %dma_wait3A_424] : memref<32x16x128xf32, #tpu.memory_space<vmem>> -> memref<1x16x128xf32, #tpu.memory_space<vmem>>
    %dma_wait3A_426 = tpu.memref_squeeze %dma_wait3A_425 : memref<1x16x128xf32, #tpu.memory_space<vmem>> -> memref<16x128xf32, #tpu.memory_space<vmem>>
    %dma_wait3A_427 = arith.constant 0 : i32
    %dma_wait3A_428 = tpu.memref_slice %arg5[%dma_wait3A_421, %dma_wait3A_427] : memref<32x16xi32, #tpu.memory_space<vmem>> -> memref<1x16xi32, #tpu.memory_space<vmem>>
    %dma_wait3A_429 = tpu.memref_squeeze %dma_wait3A_428 : memref<1x16xi32, #tpu.memory_space<vmem>> -> memref<16xi32, #tpu.memory_space<vmem>>
    %dma_wait3A_430 = arith.constant 0 : i32
    %dma_wait3A_431 = arith.constant 0 : i32
    %dma_wait3A_432 = tpu.memref_slice %arg2[%dma_wait3A_430, %dma_wait3A_431] : memref<65536x128xf32, #tpu.memory_space<hbm>> -> memref<65536x128xf32, #tpu.memory_space<hbm>>
    tpu.wait_indirect_dma semaphore(%arg8 : memref<!tpu.dma_semaphore, #tpu.memory_space<semaphore_mem>>) src(%dma_wait3A_432 : memref<65536x128xf32, #tpu.memory_space<hbm>>) dst(%dma_wait3A_426 : memref<16x128xf32, #tpu.memory_space<vmem>>)
    %dma_wait3A_433 = arith.constant 4 : i32
    %dma_wait3A_434 = arith.constant 4 : i32
    %dma_wait3A_435 = arith.constant 0 : i32
    %dma_wait3A_436 = arith.constant 0 : i32
    %dma_wait3A_437 = tpu.memref_slice %arg6[%dma_wait3A_434, %dma_wait3A_435, %dma_wait3A_436] : memref<32x16x128xf32, #tpu.memory_space<vmem>> -> memref<1x16x128xf32, #tpu.memory_space<vmem>>
    %dma_wait3A_438 = tpu.memref_squeeze %dma_wait3A_437 : memref<1x16x128xf32, #tpu.memory_space<vmem>> -> memref<16x128xf32, #tpu.memory_space<vmem>>
    %dma_wait3A_439 = arith.constant 0 : i32
    %dma_wait3A_440 = tpu.memref_slice %arg5[%dma_wait3A_433, %dma_wait3A_439] : memref<32x16xi32, #tpu.memory_space<vmem>> -> memref<1x16xi32, #tpu.memory_space<vmem>>
    %dma_wait3A_441 = tpu.memref_squeeze %dma_wait3A_440 : memref<1x16xi32, #tpu.memory_space<vmem>> -> memref<16xi32, #tpu.memory_space<vmem>>
    %dma_wait3A_442 = arith.constant 0 : i32
    %dma_wait3A_443 = arith.constant 0 : i32
    %dma_wait3A_444 = tpu.memref_slice %arg2[%dma_wait3A_442, %dma_wait3A_443] : memref<65536x128xf32, #tpu.memory_space<hbm>> -> memref<65536x128xf32, #tpu.memory_space<hbm>>
    tpu.wait_indirect_dma semaphore(%arg8 : memref<!tpu.dma_semaphore, #tpu.memory_space<semaphore_mem>>) src(%dma_wait3A_444 : memref<65536x128xf32, #tpu.memory_space<hbm>>) dst(%dma_wait3A_438 : memref<16x128xf32, #tpu.memory_space<vmem>>)
    %dma_wait3A_445 = arith.constant 5 : i32
    %dma_wait3A_446 = arith.constant 5 : i32
    %dma_wait3A_447 = arith.constant 0 : i32
    %dma_wait3A_448 = arith.constant 0 : i32
    %dma_wait3A_449 = tpu.memref_slice %arg6[%dma_wait3A_446, %dma_wait3A_447, %dma_wait3A_448] : memref<32x16x128xf32, #tpu.memory_space<vmem>> -> memref<1x16x128xf32, #tpu.memory_space<vmem>>
    %dma_wait3A_450 = tpu.memref_squeeze %dma_wait3A_449 : memref<1x16x128xf32, #tpu.memory_space<vmem>> -> memref<16x128xf32, #tpu.memory_space<vmem>>
    %dma_wait3A_451 = arith.constant 0 : i32
    %dma_wait3A_452 = tpu.memref_slice %arg5[%dma_wait3A_445, %dma_wait3A_451] : memref<32x16xi32, #tpu.memory_space<vmem>> -> memref<1x16xi32, #tpu.memory_space<vmem>>
    %dma_wait3A_453 = tpu.memref_squeeze %dma_wait3A_452 : memref<1x16xi32, #tpu.memory_space<vmem>> -> memref<16xi32, #tpu.memory_space<vmem>>
    %dma_wait3A_454 = arith.constant 0 : i32
    %dma_wait3A_455 = arith.constant 0 : i32
    %dma_wait3A_456 = tpu.memref_slice %arg2[%dma_wait3A_454, %dma_wait3A_455] : memref<65536x128xf32, #tpu.memory_space<hbm>> -> memref<65536x128xf32, #tpu.memory_space<hbm>>
    tpu.wait_indirect_dma semaphore(%arg8 : memref<!tpu.dma_semaphore, #tpu.memory_space<semaphore_mem>>) src(%dma_wait3A_456 : memref<65536x128xf32, #tpu.memory_space<hbm>>) dst(%dma_wait3A_450 : memref<16x128xf32, #tpu.memory_space<vmem>>)
    %dma_wait3A_457 = arith.constant 6 : i32
    %dma_wait3A_458 = arith.constant 6 : i32
    %dma_wait3A_459 = arith.constant 0 : i32
    %dma_wait3A_460 = arith.constant 0 : i32
    %dma_wait3A_461 = tpu.memref_slice %arg6[%dma_wait3A_458, %dma_wait3A_459, %dma_wait3A_460] : memref<32x16x128xf32, #tpu.memory_space<vmem>> -> memref<1x16x128xf32, #tpu.memory_space<vmem>>
    %dma_wait3A_462 = tpu.memref_squeeze %dma_wait3A_461 : memref<1x16x128xf32, #tpu.memory_space<vmem>> -> memref<16x128xf32, #tpu.memory_space<vmem>>
    %dma_wait3A_463 = arith.constant 0 : i32
    %dma_wait3A_464 = tpu.memref_slice %arg5[%dma_wait3A_457, %dma_wait3A_463] : memref<32x16xi32, #tpu.memory_space<vmem>> -> memref<1x16xi32, #tpu.memory_space<vmem>>
    %dma_wait3A_465 = tpu.memref_squeeze %dma_wait3A_464 : memref<1x16xi32, #tpu.memory_space<vmem>> -> memref<16xi32, #tpu.memory_space<vmem>>
    %dma_wait3A_466 = arith.constant 0 : i32
    %dma_wait3A_467 = arith.constant 0 : i32
    %dma_wait3A_468 = tpu.memref_slice %arg2[%dma_wait3A_466, %dma_wait3A_467] : memref<65536x128xf32, #tpu.memory_space<hbm>> -> memref<65536x128xf32, #tpu.memory_space<hbm>>
    tpu.wait_indirect_dma semaphore(%arg8 : memref<!tpu.dma_semaphore, #tpu.memory_space<semaphore_mem>>) src(%dma_wait3A_468 : memref<65536x128xf32, #tpu.memory_space<hbm>>) dst(%dma_wait3A_462 : memref<16x128xf32, #tpu.memory_space<vmem>>)
    %dma_wait3A_469 = arith.constant 7 : i32
    %dma_wait3A_470 = arith.constant 7 : i32
    %dma_wait3A_471 = arith.constant 0 : i32
    %dma_wait3A_472 = arith.constant 0 : i32
    %dma_wait3A_473 = tpu.memref_slice %arg6[%dma_wait3A_470, %dma_wait3A_471, %dma_wait3A_472] : memref<32x16x128xf32, #tpu.memory_space<vmem>> -> memref<1x16x128xf32, #tpu.memory_space<vmem>>
    %dma_wait3A_474 = tpu.memref_squeeze %dma_wait3A_473 : memref<1x16x128xf32, #tpu.memory_space<vmem>> -> memref<16x128xf32, #tpu.memory_space<vmem>>
    %dma_wait3A_475 = arith.constant 0 : i32
    %dma_wait3A_476 = tpu.memref_slice %arg5[%dma_wait3A_469, %dma_wait3A_475] : memref<32x16xi32, #tpu.memory_space<vmem>> -> memref<1x16xi32, #tpu.memory_space<vmem>>
    %dma_wait3A_477 = tpu.memref_squeeze %dma_wait3A_476 : memref<1x16xi32, #tpu.memory_space<vmem>> -> memref<16xi32, #tpu.memory_space<vmem>>
    %dma_wait3A_478 = arith.constant 0 : i32
    %dma_wait3A_479 = arith.constant 0 : i32
    %dma_wait3A_480 = tpu.memref_slice %arg2[%dma_wait3A_478, %dma_wait3A_479] : memref<65536x128xf32, #tpu.memory_space<hbm>> -> memref<65536x128xf32, #tpu.memory_space<hbm>>
    tpu.wait_indirect_dma semaphore(%arg8 : memref<!tpu.dma_semaphore, #tpu.memory_space<semaphore_mem>>) src(%dma_wait3A_480 : memref<65536x128xf32, #tpu.memory_space<hbm>>) dst(%dma_wait3A_474 : memref<16x128xf32, #tpu.memory_space<vmem>>)
    %dma_wait3A_481 = arith.constant 8 : i32
    %dma_wait3A_482 = arith.constant 8 : i32
    %dma_wait3A_483 = arith.constant 0 : i32
    %dma_wait3A_484 = arith.constant 0 : i32
    %dma_wait3A_485 = tpu.memref_slice %arg6[%dma_wait3A_482, %dma_wait3A_483, %dma_wait3A_484] : memref<32x16x128xf32, #tpu.memory_space<vmem>> -> memref<1x16x128xf32, #tpu.memory_space<vmem>>
    %dma_wait3A_486 = tpu.memref_squeeze %dma_wait3A_485 : memref<1x16x128xf32, #tpu.memory_space<vmem>> -> memref<16x128xf32, #tpu.memory_space<vmem>>
    %dma_wait3A_487 = arith.constant 0 : i32
    %dma_wait3A_488 = tpu.memref_slice %arg5[%dma_wait3A_481, %dma_wait3A_487] : memref<32x16xi32, #tpu.memory_space<vmem>> -> memref<1x16xi32, #tpu.memory_space<vmem>>
    %dma_wait3A_489 = tpu.memref_squeeze %dma_wait3A_488 : memref<1x16xi32, #tpu.memory_space<vmem>> -> memref<16xi32, #tpu.memory_space<vmem>>
    %dma_wait3A_490 = arith.constant 0 : i32
    %dma_wait3A_491 = arith.constant 0 : i32
    %dma_wait3A_492 = tpu.memref_slice %arg2[%dma_wait3A_490, %dma_wait3A_491] : memref<65536x128xf32, #tpu.memory_space<hbm>> -> memref<65536x128xf32, #tpu.memory_space<hbm>>
    tpu.wait_indirect_dma semaphore(%arg8 : memref<!tpu.dma_semaphore, #tpu.memory_space<semaphore_mem>>) src(%dma_wait3A_492 : memref<65536x128xf32, #tpu.memory_space<hbm>>) dst(%dma_wait3A_486 : memref<16x128xf32, #tpu.memory_space<vmem>>)
    %dma_wait3A_493 = arith.constant 9 : i32
    %dma_wait3A_494 = arith.constant 9 : i32
    %dma_wait3A_495 = arith.constant 0 : i32
    %dma_wait3A_496 = arith.constant 0 : i32
    %dma_wait3A_497 = tpu.memref_slice %arg6[%dma_wait3A_494, %dma_wait3A_495, %dma_wait3A_496] : memref<32x16x128xf32, #tpu.memory_space<vmem>> -> memref<1x16x128xf32, #tpu.memory_space<vmem>>
    %dma_wait3A_498 = tpu.memref_squeeze %dma_wait3A_497 : memref<1x16x128xf32, #tpu.memory_space<vmem>> -> memref<16x128xf32, #tpu.memory_space<vmem>>
    %dma_wait3A_499 = arith.constant 0 : i32
    %dma_wait3A_500 = tpu.memref_slice %arg5[%dma_wait3A_493, %dma_wait3A_499] : memref<32x16xi32, #tpu.memory_space<vmem>> -> memref<1x16xi32, #tpu.memory_space<vmem>>
    %dma_wait3A_501 = tpu.memref_squeeze %dma_wait3A_500 : memref<1x16xi32, #tpu.memory_space<vmem>> -> memref<16xi32, #tpu.memory_space<vmem>>
    %dma_wait3A_502 = arith.constant 0 : i32
    %dma_wait3A_503 = arith.constant 0 : i32
    %dma_wait3A_504 = tpu.memref_slice %arg2[%dma_wait3A_502, %dma_wait3A_503] : memref<65536x128xf32, #tpu.memory_space<hbm>> -> memref<65536x128xf32, #tpu.memory_space<hbm>>
    tpu.wait_indirect_dma semaphore(%arg8 : memref<!tpu.dma_semaphore, #tpu.memory_space<semaphore_mem>>) src(%dma_wait3A_504 : memref<65536x128xf32, #tpu.memory_space<hbm>>) dst(%dma_wait3A_498 : memref<16x128xf32, #tpu.memory_space<vmem>>)
    %dma_wait3A_505 = arith.constant 10 : i32
    %dma_wait3A_506 = arith.constant 10 : i32
    %dma_wait3A_507 = arith.constant 0 : i32
    %dma_wait3A_508 = arith.constant 0 : i32
    %dma_wait3A_509 = tpu.memref_slice %arg6[%dma_wait3A_506, %dma_wait3A_507, %dma_wait3A_508] : memref<32x16x128xf32, #tpu.memory_space<vmem>> -> memref<1x16x128xf32, #tpu.memory_space<vmem>>
    %dma_wait3A_510 = tpu.memref_squeeze %dma_wait3A_509 : memref<1x16x128xf32, #tpu.memory_space<vmem>> -> memref<16x128xf32, #tpu.memory_space<vmem>>
    %dma_wait3A_511 = arith.constant 0 : i32
    %dma_wait3A_512 = tpu.memref_slice %arg5[%dma_wait3A_505, %dma_wait3A_511] : memref<32x16xi32, #tpu.memory_space<vmem>> -> memref<1x16xi32, #tpu.memory_space<vmem>>
    %dma_wait3A_513 = tpu.memref_squeeze %dma_wait3A_512 : memref<1x16xi32, #tpu.memory_space<vmem>> -> memref<16xi32, #tpu.memory_space<vmem>>
    %dma_wait3A_514 = arith.constant 0 : i32
    %dma_wait3A_515 = arith.constant 0 : i32
    %dma_wait3A_516 = tpu.memref_slice %arg2[%dma_wait3A_514, %dma_wait3A_515] : memref<65536x128xf32, #tpu.memory_space<hbm>> -> memref<65536x128xf32, #tpu.memory_space<hbm>>
    tpu.wait_indirect_dma semaphore(%arg8 : memref<!tpu.dma_semaphore, #tpu.memory_space<semaphore_mem>>) src(%dma_wait3A_516 : memref<65536x128xf32, #tpu.memory_space<hbm>>) dst(%dma_wait3A_510 : memref<16x128xf32, #tpu.memory_space<vmem>>)
    %dma_wait3A_517 = arith.constant 11 : i32
    %dma_wait3A_518 = arith.constant 11 : i32
    %dma_wait3A_519 = arith.constant 0 : i32
    %dma_wait3A_520 = arith.constant 0 : i32
    %dma_wait3A_521 = tpu.memref_slice %arg6[%dma_wait3A_518, %dma_wait3A_519, %dma_wait3A_520] : memref<32x16x128xf32, #tpu.memory_space<vmem>> -> memref<1x16x128xf32, #tpu.memory_space<vmem>>
    %dma_wait3A_522 = tpu.memref_squeeze %dma_wait3A_521 : memref<1x16x128xf32, #tpu.memory_space<vmem>> -> memref<16x128xf32, #tpu.memory_space<vmem>>
    %dma_wait3A_523 = arith.constant 0 : i32
    %dma_wait3A_524 = tpu.memref_slice %arg5[%dma_wait3A_517, %dma_wait3A_523] : memref<32x16xi32, #tpu.memory_space<vmem>> -> memref<1x16xi32, #tpu.memory_space<vmem>>
    %dma_wait3A_525 = tpu.memref_squeeze %dma_wait3A_524 : memref<1x16xi32, #tpu.memory_space<vmem>> -> memref<16xi32, #tpu.memory_space<vmem>>
    %dma_wait3A_526 = arith.constant 0 : i32
    %dma_wait3A_527 = arith.constant 0 : i32
    %dma_wait3A_528 = tpu.memref_slice %arg2[%dma_wait3A_526, %dma_wait3A_527] : memref<65536x128xf32, #tpu.memory_space<hbm>> -> memref<65536x128xf32, #tpu.memory_space<hbm>>
    tpu.wait_indirect_dma semaphore(%arg8 : memref<!tpu.dma_semaphore, #tpu.memory_space<semaphore_mem>>) src(%dma_wait3A_528 : memref<65536x128xf32, #tpu.memory_space<hbm>>) dst(%dma_wait3A_522 : memref<16x128xf32, #tpu.memory_space<vmem>>)
    %dma_wait3A_529 = arith.constant 12 : i32
    %dma_wait3A_530 = arith.constant 12 : i32
    %dma_wait3A_531 = arith.constant 0 : i32
    %dma_wait3A_532 = arith.constant 0 : i32
    %dma_wait3A_533 = tpu.memref_slice %arg6[%dma_wait3A_530, %dma_wait3A_531, %dma_wait3A_532] : memref<32x16x128xf32, #tpu.memory_space<vmem>> -> memref<1x16x128xf32, #tpu.memory_space<vmem>>
    %dma_wait3A_534 = tpu.memref_squeeze %dma_wait3A_533 : memref<1x16x128xf32, #tpu.memory_space<vmem>> -> memref<16x128xf32, #tpu.memory_space<vmem>>
    %dma_wait3A_535 = arith.constant 0 : i32
    %dma_wait3A_536 = tpu.memref_slice %arg5[%dma_wait3A_529, %dma_wait3A_535] : memref<32x16xi32, #tpu.memory_space<vmem>> -> memref<1x16xi32, #tpu.memory_space<vmem>>
    %dma_wait3A_537 = tpu.memref_squeeze %dma_wait3A_536 : memref<1x16xi32, #tpu.memory_space<vmem>> -> memref<16xi32, #tpu.memory_space<vmem>>
    %dma_wait3A_538 = arith.constant 0 : i32
    %dma_wait3A_539 = arith.constant 0 : i32
    %dma_wait3A_540 = tpu.memref_slice %arg2[%dma_wait3A_538, %dma_wait3A_539] : memref<65536x128xf32, #tpu.memory_space<hbm>> -> memref<65536x128xf32, #tpu.memory_space<hbm>>
    tpu.wait_indirect_dma semaphore(%arg8 : memref<!tpu.dma_semaphore, #tpu.memory_space<semaphore_mem>>) src(%dma_wait3A_540 : memref<65536x128xf32, #tpu.memory_space<hbm>>) dst(%dma_wait3A_534 : memref<16x128xf32, #tpu.memory_space<vmem>>)
    %dma_wait3A_541 = arith.constant 13 : i32
    %dma_wait3A_542 = arith.constant 13 : i32
    %dma_wait3A_543 = arith.constant 0 : i32
    %dma_wait3A_544 = arith.constant 0 : i32
    %dma_wait3A_545 = tpu.memref_slice %arg6[%dma_wait3A_542, %dma_wait3A_543, %dma_wait3A_544] : memref<32x16x128xf32, #tpu.memory_space<vmem>> -> memref<1x16x128xf32, #tpu.memory_space<vmem>>
    %dma_wait3A_546 = tpu.memref_squeeze %dma_wait3A_545 : memref<1x16x128xf32, #tpu.memory_space<vmem>> -> memref<16x128xf32, #tpu.memory_space<vmem>>
    %dma_wait3A_547 = arith.constant 0 : i32
    %dma_wait3A_548 = tpu.memref_slice %arg5[%dma_wait3A_541, %dma_wait3A_547] : memref<32x16xi32, #tpu.memory_space<vmem>> -> memref<1x16xi32, #tpu.memory_space<vmem>>
    %dma_wait3A_549 = tpu.memref_squeeze %dma_wait3A_548 : memref<1x16xi32, #tpu.memory_space<vmem>> -> memref<16xi32, #tpu.memory_space<vmem>>
    %dma_wait3A_550 = arith.constant 0 : i32
    %dma_wait3A_551 = arith.constant 0 : i32
    %dma_wait3A_552 = tpu.memref_slice %arg2[%dma_wait3A_550, %dma_wait3A_551] : memref<65536x128xf32, #tpu.memory_space<hbm>> -> memref<65536x128xf32, #tpu.memory_space<hbm>>
    tpu.wait_indirect_dma semaphore(%arg8 : memref<!tpu.dma_semaphore, #tpu.memory_space<semaphore_mem>>) src(%dma_wait3A_552 : memref<65536x128xf32, #tpu.memory_space<hbm>>) dst(%dma_wait3A_546 : memref<16x128xf32, #tpu.memory_space<vmem>>)
    %dma_wait3A_553 = arith.constant 14 : i32
    %dma_wait3A_554 = arith.constant 14 : i32
    %dma_wait3A_555 = arith.constant 0 : i32
    %dma_wait3A_556 = arith.constant 0 : i32
    %dma_wait3A_557 = tpu.memref_slice %arg6[%dma_wait3A_554, %dma_wait3A_555, %dma_wait3A_556] : memref<32x16x128xf32, #tpu.memory_space<vmem>> -> memref<1x16x128xf32, #tpu.memory_space<vmem>>
    %dma_wait3A_558 = tpu.memref_squeeze %dma_wait3A_557 : memref<1x16x128xf32, #tpu.memory_space<vmem>> -> memref<16x128xf32, #tpu.memory_space<vmem>>
    %dma_wait3A_559 = arith.constant 0 : i32
    %dma_wait3A_560 = tpu.memref_slice %arg5[%dma_wait3A_553, %dma_wait3A_559] : memref<32x16xi32, #tpu.memory_space<vmem>> -> memref<1x16xi32, #tpu.memory_space<vmem>>
    %dma_wait3A_561 = tpu.memref_squeeze %dma_wait3A_560 : memref<1x16xi32, #tpu.memory_space<vmem>> -> memref<16xi32, #tpu.memory_space<vmem>>
    %dma_wait3A_562 = arith.constant 0 : i32
    %dma_wait3A_563 = arith.constant 0 : i32
    %dma_wait3A_564 = tpu.memref_slice %arg2[%dma_wait3A_562, %dma_wait3A_563] : memref<65536x128xf32, #tpu.memory_space<hbm>> -> memref<65536x128xf32, #tpu.memory_space<hbm>>
    tpu.wait_indirect_dma semaphore(%arg8 : memref<!tpu.dma_semaphore, #tpu.memory_space<semaphore_mem>>) src(%dma_wait3A_564 : memref<65536x128xf32, #tpu.memory_space<hbm>>) dst(%dma_wait3A_558 : memref<16x128xf32, #tpu.memory_space<vmem>>)
    %dma_wait3A_565 = arith.constant 15 : i32
    %dma_wait3A_566 = arith.constant 15 : i32
    %dma_wait3A_567 = arith.constant 0 : i32
    %dma_wait3A_568 = arith.constant 0 : i32
    %dma_wait3A_569 = tpu.memref_slice %arg6[%dma_wait3A_566, %dma_wait3A_567, %dma_wait3A_568] : memref<32x16x128xf32, #tpu.memory_space<vmem>> -> memref<1x16x128xf32, #tpu.memory_space<vmem>>
    %dma_wait3A_570 = tpu.memref_squeeze %dma_wait3A_569 : memref<1x16x128xf32, #tpu.memory_space<vmem>> -> memref<16x128xf32, #tpu.memory_space<vmem>>
    %dma_wait3A_571 = arith.constant 0 : i32
    %dma_wait3A_572 = tpu.memref_slice %arg5[%dma_wait3A_565, %dma_wait3A_571] : memref<32x16xi32, #tpu.memory_space<vmem>> -> memref<1x16xi32, #tpu.memory_space<vmem>>
    %dma_wait3A_573 = tpu.memref_squeeze %dma_wait3A_572 : memref<1x16xi32, #tpu.memory_space<vmem>> -> memref<16xi32, #tpu.memory_space<vmem>>
    %dma_wait3A_574 = arith.constant 0 : i32
    %dma_wait3A_575 = arith.constant 0 : i32
    %dma_wait3A_576 = tpu.memref_slice %arg2[%dma_wait3A_574, %dma_wait3A_575] : memref<65536x128xf32, #tpu.memory_space<hbm>> -> memref<65536x128xf32, #tpu.memory_space<hbm>>
    tpu.wait_indirect_dma semaphore(%arg8 : memref<!tpu.dma_semaphore, #tpu.memory_space<semaphore_mem>>) src(%dma_wait3A_576 : memref<65536x128xf32, #tpu.memory_space<hbm>>) dst(%dma_wait3A_570 : memref<16x128xf32, #tpu.memory_space<vmem>>)
    %dma_wait3A_577 = arith.constant 16 : i32
    %dma_wait3A_578 = arith.constant 16 : i32
    %dma_wait3A_579 = arith.constant 0 : i32
    %dma_wait3A_580 = arith.constant 0 : i32
    %dma_wait3A_581 = tpu.memref_slice %arg6[%dma_wait3A_578, %dma_wait3A_579, %dma_wait3A_580] : memref<32x16x128xf32, #tpu.memory_space<vmem>> -> memref<1x16x128xf32, #tpu.memory_space<vmem>>
    %dma_wait3A_582 = tpu.memref_squeeze %dma_wait3A_581 : memref<1x16x128xf32, #tpu.memory_space<vmem>> -> memref<16x128xf32, #tpu.memory_space<vmem>>
    %dma_wait3A_583 = arith.constant 0 : i32
    %dma_wait3A_584 = tpu.memref_slice %arg5[%dma_wait3A_577, %dma_wait3A_583] : memref<32x16xi32, #tpu.memory_space<vmem>> -> memref<1x16xi32, #tpu.memory_space<vmem>>
    %dma_wait3A_585 = tpu.memref_squeeze %dma_wait3A_584 : memref<1x16xi32, #tpu.memory_space<vmem>> -> memref<16xi32, #tpu.memory_space<vmem>>
    %dma_wait3A_586 = arith.constant 0 : i32
    %dma_wait3A_587 = arith.constant 0 : i32
    %dma_wait3A_588 = tpu.memref_slice %arg2[%dma_wait3A_586, %dma_wait3A_587] : memref<65536x128xf32, #tpu.memory_space<hbm>> -> memref<65536x128xf32, #tpu.memory_space<hbm>>
    tpu.wait_indirect_dma semaphore(%arg8 : memref<!tpu.dma_semaphore, #tpu.memory_space<semaphore_mem>>) src(%dma_wait3A_588 : memref<65536x128xf32, #tpu.memory_space<hbm>>) dst(%dma_wait3A_582 : memref<16x128xf32, #tpu.memory_space<vmem>>)
    %dma_wait3A_589 = arith.constant 17 : i32
    %dma_wait3A_590 = arith.constant 17 : i32
    %dma_wait3A_591 = arith.constant 0 : i32
    %dma_wait3A_592 = arith.constant 0 : i32
    %dma_wait3A_593 = tpu.memref_slice %arg6[%dma_wait3A_590, %dma_wait3A_591, %dma_wait3A_592] : memref<32x16x128xf32, #tpu.memory_space<vmem>> -> memref<1x16x128xf32, #tpu.memory_space<vmem>>
    %dma_wait3A_594 = tpu.memref_squeeze %dma_wait3A_593 : memref<1x16x128xf32, #tpu.memory_space<vmem>> -> memref<16x128xf32, #tpu.memory_space<vmem>>
    %dma_wait3A_595 = arith.constant 0 : i32
    %dma_wait3A_596 = tpu.memref_slice %arg5[%dma_wait3A_589, %dma_wait3A_595] : memref<32x16xi32, #tpu.memory_space<vmem>> -> memref<1x16xi32, #tpu.memory_space<vmem>>
    %dma_wait3A_597 = tpu.memref_squeeze %dma_wait3A_596 : memref<1x16xi32, #tpu.memory_space<vmem>> -> memref<16xi32, #tpu.memory_space<vmem>>
    %dma_wait3A_598 = arith.constant 0 : i32
    %dma_wait3A_599 = arith.constant 0 : i32
    %dma_wait3A_600 = tpu.memref_slice %arg2[%dma_wait3A_598, %dma_wait3A_599] : memref<65536x128xf32, #tpu.memory_space<hbm>> -> memref<65536x128xf32, #tpu.memory_space<hbm>>
    tpu.wait_indirect_dma semaphore(%arg8 : memref<!tpu.dma_semaphore, #tpu.memory_space<semaphore_mem>>) src(%dma_wait3A_600 : memref<65536x128xf32, #tpu.memory_space<hbm>>) dst(%dma_wait3A_594 : memref<16x128xf32, #tpu.memory_space<vmem>>)
    %dma_wait3A_601 = arith.constant 18 : i32
    %dma_wait3A_602 = arith.constant 18 : i32
    %dma_wait3A_603 = arith.constant 0 : i32
    %dma_wait3A_604 = arith.constant 0 : i32
    %dma_wait3A_605 = tpu.memref_slice %arg6[%dma_wait3A_602, %dma_wait3A_603, %dma_wait3A_604] : memref<32x16x128xf32, #tpu.memory_space<vmem>> -> memref<1x16x128xf32, #tpu.memory_space<vmem>>
    %dma_wait3A_606 = tpu.memref_squeeze %dma_wait3A_605 : memref<1x16x128xf32, #tpu.memory_space<vmem>> -> memref<16x128xf32, #tpu.memory_space<vmem>>
    %dma_wait3A_607 = arith.constant 0 : i32
    %dma_wait3A_608 = tpu.memref_slice %arg5[%dma_wait3A_601, %dma_wait3A_607] : memref<32x16xi32, #tpu.memory_space<vmem>> -> memref<1x16xi32, #tpu.memory_space<vmem>>
    %dma_wait3A_609 = tpu.memref_squeeze %dma_wait3A_608 : memref<1x16xi32, #tpu.memory_space<vmem>> -> memref<16xi32, #tpu.memory_space<vmem>>
    %dma_wait3A_610 = arith.constant 0 : i32
    %dma_wait3A_611 = arith.constant 0 : i32
    %dma_wait3A_612 = tpu.memref_slice %arg2[%dma_wait3A_610, %dma_wait3A_611] : memref<65536x128xf32, #tpu.memory_space<hbm>> -> memref<65536x128xf32, #tpu.memory_space<hbm>>
    tpu.wait_indirect_dma semaphore(%arg8 : memref<!tpu.dma_semaphore, #tpu.memory_space<semaphore_mem>>) src(%dma_wait3A_612 : memref<65536x128xf32, #tpu.memory_space<hbm>>) dst(%dma_wait3A_606 : memref<16x128xf32, #tpu.memory_space<vmem>>)
    %dma_wait3A_613 = arith.constant 19 : i32
    %dma_wait3A_614 = arith.constant 19 : i32
    %dma_wait3A_615 = arith.constant 0 : i32
    %dma_wait3A_616 = arith.constant 0 : i32
    %dma_wait3A_617 = tpu.memref_slice %arg6[%dma_wait3A_614, %dma_wait3A_615, %dma_wait3A_616] : memref<32x16x128xf32, #tpu.memory_space<vmem>> -> memref<1x16x128xf32, #tpu.memory_space<vmem>>
    %dma_wait3A_618 = tpu.memref_squeeze %dma_wait3A_617 : memref<1x16x128xf32, #tpu.memory_space<vmem>> -> memref<16x128xf32, #tpu.memory_space<vmem>>
    %dma_wait3A_619 = arith.constant 0 : i32
    %dma_wait3A_620 = tpu.memref_slice %arg5[%dma_wait3A_613, %dma_wait3A_619] : memref<32x16xi32, #tpu.memory_space<vmem>> -> memref<1x16xi32, #tpu.memory_space<vmem>>
    %dma_wait3A_621 = tpu.memref_squeeze %dma_wait3A_620 : memref<1x16xi32, #tpu.memory_space<vmem>> -> memref<16xi32, #tpu.memory_space<vmem>>
    %dma_wait3A_622 = arith.constant 0 : i32
    %dma_wait3A_623 = arith.constant 0 : i32
    %dma_wait3A_624 = tpu.memref_slice %arg2[%dma_wait3A_622, %dma_wait3A_623] : memref<65536x128xf32, #tpu.memory_space<hbm>> -> memref<65536x128xf32, #tpu.memory_space<hbm>>
    tpu.wait_indirect_dma semaphore(%arg8 : memref<!tpu.dma_semaphore, #tpu.memory_space<semaphore_mem>>) src(%dma_wait3A_624 : memref<65536x128xf32, #tpu.memory_space<hbm>>) dst(%dma_wait3A_618 : memref<16x128xf32, #tpu.memory_space<vmem>>)
    %dma_wait3A_625 = arith.constant 20 : i32
    %dma_wait3A_626 = arith.constant 20 : i32
    %dma_wait3A_627 = arith.constant 0 : i32
    %dma_wait3A_628 = arith.constant 0 : i32
    %dma_wait3A_629 = tpu.memref_slice %arg6[%dma_wait3A_626, %dma_wait3A_627, %dma_wait3A_628] : memref<32x16x128xf32, #tpu.memory_space<vmem>> -> memref<1x16x128xf32, #tpu.memory_space<vmem>>
    %dma_wait3A_630 = tpu.memref_squeeze %dma_wait3A_629 : memref<1x16x128xf32, #tpu.memory_space<vmem>> -> memref<16x128xf32, #tpu.memory_space<vmem>>
    %dma_wait3A_631 = arith.constant 0 : i32
    %dma_wait3A_632 = tpu.memref_slice %arg5[%dma_wait3A_625, %dma_wait3A_631] : memref<32x16xi32, #tpu.memory_space<vmem>> -> memref<1x16xi32, #tpu.memory_space<vmem>>
    %dma_wait3A_633 = tpu.memref_squeeze %dma_wait3A_632 : memref<1x16xi32, #tpu.memory_space<vmem>> -> memref<16xi32, #tpu.memory_space<vmem>>
    %dma_wait3A_634 = arith.constant 0 : i32
    %dma_wait3A_635 = arith.constant 0 : i32
    %dma_wait3A_636 = tpu.memref_slice %arg2[%dma_wait3A_634, %dma_wait3A_635] : memref<65536x128xf32, #tpu.memory_space<hbm>> -> memref<65536x128xf32, #tpu.memory_space<hbm>>
    tpu.wait_indirect_dma semaphore(%arg8 : memref<!tpu.dma_semaphore, #tpu.memory_space<semaphore_mem>>) src(%dma_wait3A_636 : memref<65536x128xf32, #tpu.memory_space<hbm>>) dst(%dma_wait3A_630 : memref<16x128xf32, #tpu.memory_space<vmem>>)
    %dma_wait3A_637 = arith.constant 21 : i32
    %dma_wait3A_638 = arith.constant 21 : i32
    %dma_wait3A_639 = arith.constant 0 : i32
    %dma_wait3A_640 = arith.constant 0 : i32
    %dma_wait3A_641 = tpu.memref_slice %arg6[%dma_wait3A_638, %dma_wait3A_639, %dma_wait3A_640] : memref<32x16x128xf32, #tpu.memory_space<vmem>> -> memref<1x16x128xf32, #tpu.memory_space<vmem>>
    %dma_wait3A_642 = tpu.memref_squeeze %dma_wait3A_641 : memref<1x16x128xf32, #tpu.memory_space<vmem>> -> memref<16x128xf32, #tpu.memory_space<vmem>>
    %dma_wait3A_643 = arith.constant 0 : i32
    %dma_wait3A_644 = tpu.memref_slice %arg5[%dma_wait3A_637, %dma_wait3A_643] : memref<32x16xi32, #tpu.memory_space<vmem>> -> memref<1x16xi32, #tpu.memory_space<vmem>>
    %dma_wait3A_645 = tpu.memref_squeeze %dma_wait3A_644 : memref<1x16xi32, #tpu.memory_space<vmem>> -> memref<16xi32, #tpu.memory_space<vmem>>
    %dma_wait3A_646 = arith.constant 0 : i32
    %dma_wait3A_647 = arith.constant 0 : i32
    %dma_wait3A_648 = tpu.memref_slice %arg2[%dma_wait3A_646, %dma_wait3A_647] : memref<65536x128xf32, #tpu.memory_space<hbm>> -> memref<65536x128xf32, #tpu.memory_space<hbm>>
    tpu.wait_indirect_dma semaphore(%arg8 : memref<!tpu.dma_semaphore, #tpu.memory_space<semaphore_mem>>) src(%dma_wait3A_648 : memref<65536x128xf32, #tpu.memory_space<hbm>>) dst(%dma_wait3A_642 : memref<16x128xf32, #tpu.memory_space<vmem>>)
    %dma_wait3A_649 = arith.constant 22 : i32
    %dma_wait3A_650 = arith.constant 22 : i32
    %dma_wait3A_651 = arith.constant 0 : i32
    %dma_wait3A_652 = arith.constant 0 : i32
    %dma_wait3A_653 = tpu.memref_slice %arg6[%dma_wait3A_650, %dma_wait3A_651, %dma_wait3A_652] : memref<32x16x128xf32, #tpu.memory_space<vmem>> -> memref<1x16x128xf32, #tpu.memory_space<vmem>>
    %dma_wait3A_654 = tpu.memref_squeeze %dma_wait3A_653 : memref<1x16x128xf32, #tpu.memory_space<vmem>> -> memref<16x128xf32, #tpu.memory_space<vmem>>
    %dma_wait3A_655 = arith.constant 0 : i32
    %dma_wait3A_656 = tpu.memref_slice %arg5[%dma_wait3A_649, %dma_wait3A_655] : memref<32x16xi32, #tpu.memory_space<vmem>> -> memref<1x16xi32, #tpu.memory_space<vmem>>
    %dma_wait3A_657 = tpu.memref_squeeze %dma_wait3A_656 : memref<1x16xi32, #tpu.memory_space<vmem>> -> memref<16xi32, #tpu.memory_space<vmem>>
    %dma_wait3A_658 = arith.constant 0 : i32
    %dma_wait3A_659 = arith.constant 0 : i32
    %dma_wait3A_660 = tpu.memref_slice %arg2[%dma_wait3A_658, %dma_wait3A_659] : memref<65536x128xf32, #tpu.memory_space<hbm>> -> memref<65536x128xf32, #tpu.memory_space<hbm>>
    tpu.wait_indirect_dma semaphore(%arg8 : memref<!tpu.dma_semaphore, #tpu.memory_space<semaphore_mem>>) src(%dma_wait3A_660 : memref<65536x128xf32, #tpu.memory_space<hbm>>) dst(%dma_wait3A_654 : memref<16x128xf32, #tpu.memory_space<vmem>>)
    %dma_wait3A_661 = arith.constant 23 : i32
    %dma_wait3A_662 = arith.constant 23 : i32
    %dma_wait3A_663 = arith.constant 0 : i32
    %dma_wait3A_664 = arith.constant 0 : i32
    %dma_wait3A_665 = tpu.memref_slice %arg6[%dma_wait3A_662, %dma_wait3A_663, %dma_wait3A_664] : memref<32x16x128xf32, #tpu.memory_space<vmem>> -> memref<1x16x128xf32, #tpu.memory_space<vmem>>
    %dma_wait3A_666 = tpu.memref_squeeze %dma_wait3A_665 : memref<1x16x128xf32, #tpu.memory_space<vmem>> -> memref<16x128xf32, #tpu.memory_space<vmem>>
    %dma_wait3A_667 = arith.constant 0 : i32
    %dma_wait3A_668 = tpu.memref_slice %arg5[%dma_wait3A_661, %dma_wait3A_667] : memref<32x16xi32, #tpu.memory_space<vmem>> -> memref<1x16xi32, #tpu.memory_space<vmem>>
    %dma_wait3A_669 = tpu.memref_squeeze %dma_wait3A_668 : memref<1x16xi32, #tpu.memory_space<vmem>> -> memref<16xi32, #tpu.memory_space<vmem>>
    %dma_wait3A_670 = arith.constant 0 : i32
    %dma_wait3A_671 = arith.constant 0 : i32
    %dma_wait3A_672 = tpu.memref_slice %arg2[%dma_wait3A_670, %dma_wait3A_671] : memref<65536x128xf32, #tpu.memory_space<hbm>> -> memref<65536x128xf32, #tpu.memory_space<hbm>>
    tpu.wait_indirect_dma semaphore(%arg8 : memref<!tpu.dma_semaphore, #tpu.memory_space<semaphore_mem>>) src(%dma_wait3A_672 : memref<65536x128xf32, #tpu.memory_space<hbm>>) dst(%dma_wait3A_666 : memref<16x128xf32, #tpu.memory_space<vmem>>)
    %dma_wait3A_673 = arith.constant 24 : i32
    %dma_wait3A_674 = arith.constant 24 : i32
    %dma_wait3A_675 = arith.constant 0 : i32
    %dma_wait3A_676 = arith.constant 0 : i32
    %dma_wait3A_677 = tpu.memref_slice %arg6[%dma_wait3A_674, %dma_wait3A_675, %dma_wait3A_676] : memref<32x16x128xf32, #tpu.memory_space<vmem>> -> memref<1x16x128xf32, #tpu.memory_space<vmem>>
    %dma_wait3A_678 = tpu.memref_squeeze %dma_wait3A_677 : memref<1x16x128xf32, #tpu.memory_space<vmem>> -> memref<16x128xf32, #tpu.memory_space<vmem>>
    %dma_wait3A_679 = arith.constant 0 : i32
    %dma_wait3A_680 = tpu.memref_slice %arg5[%dma_wait3A_673, %dma_wait3A_679] : memref<32x16xi32, #tpu.memory_space<vmem>> -> memref<1x16xi32, #tpu.memory_space<vmem>>
    %dma_wait3A_681 = tpu.memref_squeeze %dma_wait3A_680 : memref<1x16xi32, #tpu.memory_space<vmem>> -> memref<16xi32, #tpu.memory_space<vmem>>
    %dma_wait3A_682 = arith.constant 0 : i32
    %dma_wait3A_683 = arith.constant 0 : i32
    %dma_wait3A_684 = tpu.memref_slice %arg2[%dma_wait3A_682, %dma_wait3A_683] : memref<65536x128xf32, #tpu.memory_space<hbm>> -> memref<65536x128xf32, #tpu.memory_space<hbm>>
    tpu.wait_indirect_dma semaphore(%arg8 : memref<!tpu.dma_semaphore, #tpu.memory_space<semaphore_mem>>) src(%dma_wait3A_684 : memref<65536x128xf32, #tpu.memory_space<hbm>>) dst(%dma_wait3A_678 : memref<16x128xf32, #tpu.memory_space<vmem>>)
    %dma_wait3A_685 = arith.constant 25 : i32
    %dma_wait3A_686 = arith.constant 25 : i32
    %dma_wait3A_687 = arith.constant 0 : i32
    %dma_wait3A_688 = arith.constant 0 : i32
    %dma_wait3A_689 = tpu.memref_slice %arg6[%dma_wait3A_686, %dma_wait3A_687, %dma_wait3A_688] : memref<32x16x128xf32, #tpu.memory_space<vmem>> -> memref<1x16x128xf32, #tpu.memory_space<vmem>>
    %dma_wait3A_690 = tpu.memref_squeeze %dma_wait3A_689 : memref<1x16x128xf32, #tpu.memory_space<vmem>> -> memref<16x128xf32, #tpu.memory_space<vmem>>
    %dma_wait3A_691 = arith.constant 0 : i32
    %dma_wait3A_692 = tpu.memref_slice %arg5[%dma_wait3A_685, %dma_wait3A_691] : memref<32x16xi32, #tpu.memory_space<vmem>> -> memref<1x16xi32, #tpu.memory_space<vmem>>
    %dma_wait3A_693 = tpu.memref_squeeze %dma_wait3A_692 : memref<1x16xi32, #tpu.memory_space<vmem>> -> memref<16xi32, #tpu.memory_space<vmem>>
    %dma_wait3A_694 = arith.constant 0 : i32
    %dma_wait3A_695 = arith.constant 0 : i32
    %dma_wait3A_696 = tpu.memref_slice %arg2[%dma_wait3A_694, %dma_wait3A_695] : memref<65536x128xf32, #tpu.memory_space<hbm>> -> memref<65536x128xf32, #tpu.memory_space<hbm>>
    tpu.wait_indirect_dma semaphore(%arg8 : memref<!tpu.dma_semaphore, #tpu.memory_space<semaphore_mem>>) src(%dma_wait3A_696 : memref<65536x128xf32, #tpu.memory_space<hbm>>) dst(%dma_wait3A_690 : memref<16x128xf32, #tpu.memory_space<vmem>>)
    %dma_wait3A_697 = arith.constant 26 : i32
    %dma_wait3A_698 = arith.constant 26 : i32
    %dma_wait3A_699 = arith.constant 0 : i32
    %dma_wait3A_700 = arith.constant 0 : i32
    %dma_wait3A_701 = tpu.memref_slice %arg6[%dma_wait3A_698, %dma_wait3A_699, %dma_wait3A_700] : memref<32x16x128xf32, #tpu.memory_space<vmem>> -> memref<1x16x128xf32, #tpu.memory_space<vmem>>
    %dma_wait3A_702 = tpu.memref_squeeze %dma_wait3A_701 : memref<1x16x128xf32, #tpu.memory_space<vmem>> -> memref<16x128xf32, #tpu.memory_space<vmem>>
    %dma_wait3A_703 = arith.constant 0 : i32
    %dma_wait3A_704 = tpu.memref_slice %arg5[%dma_wait3A_697, %dma_wait3A_703] : memref<32x16xi32, #tpu.memory_space<vmem>> -> memref<1x16xi32, #tpu.memory_space<vmem>>
    %dma_wait3A_705 = tpu.memref_squeeze %dma_wait3A_704 : memref<1x16xi32, #tpu.memory_space<vmem>> -> memref<16xi32, #tpu.memory_space<vmem>>
    %dma_wait3A_706 = arith.constant 0 : i32
    %dma_wait3A_707 = arith.constant 0 : i32
    %dma_wait3A_708 = tpu.memref_slice %arg2[%dma_wait3A_706, %dma_wait3A_707] : memref<65536x128xf32, #tpu.memory_space<hbm>> -> memref<65536x128xf32, #tpu.memory_space<hbm>>
    tpu.wait_indirect_dma semaphore(%arg8 : memref<!tpu.dma_semaphore, #tpu.memory_space<semaphore_mem>>) src(%dma_wait3A_708 : memref<65536x128xf32, #tpu.memory_space<hbm>>) dst(%dma_wait3A_702 : memref<16x128xf32, #tpu.memory_space<vmem>>)
    %dma_wait3A_709 = arith.constant 27 : i32
    %dma_wait3A_710 = arith.constant 27 : i32
    %dma_wait3A_711 = arith.constant 0 : i32
    %dma_wait3A_712 = arith.constant 0 : i32
    %dma_wait3A_713 = tpu.memref_slice %arg6[%dma_wait3A_710, %dma_wait3A_711, %dma_wait3A_712] : memref<32x16x128xf32, #tpu.memory_space<vmem>> -> memref<1x16x128xf32, #tpu.memory_space<vmem>>
    %dma_wait3A_714 = tpu.memref_squeeze %dma_wait3A_713 : memref<1x16x128xf32, #tpu.memory_space<vmem>> -> memref<16x128xf32, #tpu.memory_space<vmem>>
    %dma_wait3A_715 = arith.constant 0 : i32
    %dma_wait3A_716 = tpu.memref_slice %arg5[%dma_wait3A_709, %dma_wait3A_715] : memref<32x16xi32, #tpu.memory_space<vmem>> -> memref<1x16xi32, #tpu.memory_space<vmem>>
    %dma_wait3A_717 = tpu.memref_squeeze %dma_wait3A_716 : memref<1x16xi32, #tpu.memory_space<vmem>> -> memref<16xi32, #tpu.memory_space<vmem>>
    %dma_wait3A_718 = arith.constant 0 : i32
    %dma_wait3A_719 = arith.constant 0 : i32
    %dma_wait3A_720 = tpu.memref_slice %arg2[%dma_wait3A_718, %dma_wait3A_719] : memref<65536x128xf32, #tpu.memory_space<hbm>> -> memref<65536x128xf32, #tpu.memory_space<hbm>>
    tpu.wait_indirect_dma semaphore(%arg8 : memref<!tpu.dma_semaphore, #tpu.memory_space<semaphore_mem>>) src(%dma_wait3A_720 : memref<65536x128xf32, #tpu.memory_space<hbm>>) dst(%dma_wait3A_714 : memref<16x128xf32, #tpu.memory_space<vmem>>)
    %dma_wait3A_721 = arith.constant 28 : i32
    %dma_wait3A_722 = arith.constant 28 : i32
    %dma_wait3A_723 = arith.constant 0 : i32
    %dma_wait3A_724 = arith.constant 0 : i32
    %dma_wait3A_725 = tpu.memref_slice %arg6[%dma_wait3A_722, %dma_wait3A_723, %dma_wait3A_724] : memref<32x16x128xf32, #tpu.memory_space<vmem>> -> memref<1x16x128xf32, #tpu.memory_space<vmem>>
    %dma_wait3A_726 = tpu.memref_squeeze %dma_wait3A_725 : memref<1x16x128xf32, #tpu.memory_space<vmem>> -> memref<16x128xf32, #tpu.memory_space<vmem>>
    %dma_wait3A_727 = arith.constant 0 : i32
    %dma_wait3A_728 = tpu.memref_slice %arg5[%dma_wait3A_721, %dma_wait3A_727] : memref<32x16xi32, #tpu.memory_space<vmem>> -> memref<1x16xi32, #tpu.memory_space<vmem>>
    %dma_wait3A_729 = tpu.memref_squeeze %dma_wait3A_728 : memref<1x16xi32, #tpu.memory_space<vmem>> -> memref<16xi32, #tpu.memory_space<vmem>>
    %dma_wait3A_730 = arith.constant 0 : i32
    %dma_wait3A_731 = arith.constant 0 : i32
    %dma_wait3A_732 = tpu.memref_slice %arg2[%dma_wait3A_730, %dma_wait3A_731] : memref<65536x128xf32, #tpu.memory_space<hbm>> -> memref<65536x128xf32, #tpu.memory_space<hbm>>
    tpu.wait_indirect_dma semaphore(%arg8 : memref<!tpu.dma_semaphore, #tpu.memory_space<semaphore_mem>>) src(%dma_wait3A_732 : memref<65536x128xf32, #tpu.memory_space<hbm>>) dst(%dma_wait3A_726 : memref<16x128xf32, #tpu.memory_space<vmem>>)
    %dma_wait3A_733 = arith.constant 29 : i32
    %dma_wait3A_734 = arith.constant 29 : i32
    %dma_wait3A_735 = arith.constant 0 : i32
    %dma_wait3A_736 = arith.constant 0 : i32
    %dma_wait3A_737 = tpu.memref_slice %arg6[%dma_wait3A_734, %dma_wait3A_735, %dma_wait3A_736] : memref<32x16x128xf32, #tpu.memory_space<vmem>> -> memref<1x16x128xf32, #tpu.memory_space<vmem>>
    %dma_wait3A_738 = tpu.memref_squeeze %dma_wait3A_737 : memref<1x16x128xf32, #tpu.memory_space<vmem>> -> memref<16x128xf32, #tpu.memory_space<vmem>>
    %dma_wait3A_739 = arith.constant 0 : i32
    %dma_wait3A_740 = tpu.memref_slice %arg5[%dma_wait3A_733, %dma_wait3A_739] : memref<32x16xi32, #tpu.memory_space<vmem>> -> memref<1x16xi32, #tpu.memory_space<vmem>>
    %dma_wait3A_741 = tpu.memref_squeeze %dma_wait3A_740 : memref<1x16xi32, #tpu.memory_space<vmem>> -> memref<16xi32, #tpu.memory_space<vmem>>
    %dma_wait3A_742 = arith.constant 0 : i32
    %dma_wait3A_743 = arith.constant 0 : i32
    %dma_wait3A_744 = tpu.memref_slice %arg2[%dma_wait3A_742, %dma_wait3A_743] : memref<65536x128xf32, #tpu.memory_space<hbm>> -> memref<65536x128xf32, #tpu.memory_space<hbm>>
    tpu.wait_indirect_dma semaphore(%arg8 : memref<!tpu.dma_semaphore, #tpu.memory_space<semaphore_mem>>) src(%dma_wait3A_744 : memref<65536x128xf32, #tpu.memory_space<hbm>>) dst(%dma_wait3A_738 : memref<16x128xf32, #tpu.memory_space<vmem>>)
    %dma_wait3A_745 = arith.constant 30 : i32
    %dma_wait3A_746 = arith.constant 30 : i32
    %dma_wait3A_747 = arith.constant 0 : i32
    %dma_wait3A_748 = arith.constant 0 : i32
    %dma_wait3A_749 = tpu.memref_slice %arg6[%dma_wait3A_746, %dma_wait3A_747, %dma_wait3A_748] : memref<32x16x128xf32, #tpu.memory_space<vmem>> -> memref<1x16x128xf32, #tpu.memory_space<vmem>>
    %dma_wait3A_750 = tpu.memref_squeeze %dma_wait3A_749 : memref<1x16x128xf32, #tpu.memory_space<vmem>> -> memref<16x128xf32, #tpu.memory_space<vmem>>
    %dma_wait3A_751 = arith.constant 0 : i32
    %dma_wait3A_752 = tpu.memref_slice %arg5[%dma_wait3A_745, %dma_wait3A_751] : memref<32x16xi32, #tpu.memory_space<vmem>> -> memref<1x16xi32, #tpu.memory_space<vmem>>
    %dma_wait3A_753 = tpu.memref_squeeze %dma_wait3A_752 : memref<1x16xi32, #tpu.memory_space<vmem>> -> memref<16xi32, #tpu.memory_space<vmem>>
    %dma_wait3A_754 = arith.constant 0 : i32
    %dma_wait3A_755 = arith.constant 0 : i32
    %dma_wait3A_756 = tpu.memref_slice %arg2[%dma_wait3A_754, %dma_wait3A_755] : memref<65536x128xf32, #tpu.memory_space<hbm>> -> memref<65536x128xf32, #tpu.memory_space<hbm>>
    tpu.wait_indirect_dma semaphore(%arg8 : memref<!tpu.dma_semaphore, #tpu.memory_space<semaphore_mem>>) src(%dma_wait3A_756 : memref<65536x128xf32, #tpu.memory_space<hbm>>) dst(%dma_wait3A_750 : memref<16x128xf32, #tpu.memory_space<vmem>>)
    %dma_wait3A_757 = arith.constant 31 : i32
    %dma_wait3A_758 = arith.constant 31 : i32
    %dma_wait3A_759 = arith.constant 0 : i32
    %dma_wait3A_760 = arith.constant 0 : i32
    %dma_wait3A_761 = tpu.memref_slice %arg6[%dma_wait3A_758, %dma_wait3A_759, %dma_wait3A_760] : memref<32x16x128xf32, #tpu.memory_space<vmem>> -> memref<1x16x128xf32, #tpu.memory_space<vmem>>
    %dma_wait3A_762 = tpu.memref_squeeze %dma_wait3A_761 : memref<1x16x128xf32, #tpu.memory_space<vmem>> -> memref<16x128xf32, #tpu.memory_space<vmem>>
    %dma_wait3A_763 = arith.constant 0 : i32
    %dma_wait3A_764 = tpu.memref_slice %arg5[%dma_wait3A_757, %dma_wait3A_763] : memref<32x16xi32, #tpu.memory_space<vmem>> -> memref<1x16xi32, #tpu.memory_space<vmem>>
    %dma_wait3A_765 = tpu.memref_squeeze %dma_wait3A_764 : memref<1x16xi32, #tpu.memory_space<vmem>> -> memref<16xi32, #tpu.memory_space<vmem>>
    %dma_wait3A_766 = arith.constant 0 : i32
    %dma_wait3A_767 = arith.constant 0 : i32
    %dma_wait3A_768 = tpu.memref_slice %arg2[%dma_wait3A_766, %dma_wait3A_767] : memref<65536x128xf32, #tpu.memory_space<hbm>> -> memref<65536x128xf32, #tpu.memory_space<hbm>>
    tpu.wait_indirect_dma semaphore(%arg8 : memref<!tpu.dma_semaphore, #tpu.memory_space<semaphore_mem>>) src(%dma_wait3A_768 : memref<65536x128xf32, #tpu.memory_space<hbm>>) dst(%dma_wait3A_762 : memref<16x128xf32, #tpu.memory_space<vmem>>)
    %scan3A = arith.constant 0 : i32
    %scan3A_769 = arith.constant 0 : i32
    %scan3A_770 = arith.constant 32 : i32
    %scan3A_771 = arith.addi %scan3A_769, %scan3A_770 : i32
    %scan3A_772 = arith.constant 1 : i32
    scf.for %scan3A_774 = %scan3A_769 to %scan3A_771 step %scan3A_772  : i32 {
      %get3A = arith.constant 0 : i32
      %get3A_775 = arith.index_cast %scan3A_774 : i32 to index
      %get3A_776 = arith.index_cast %get3A : i32 to index
      %get3A_777 = arith.constant 0 : index
      %get3A_778 = tpu.vector_load %arg6[%get3A_775, %get3A_776, %get3A_777] {strides = array<i32>} : memref<32x16x128xf32, #tpu.memory_space<vmem>>, vector<1x1x16xf32>,
      %get3A_779 = vector.shape_cast %get3A_778 : vector<1x1x16xf32> to vector<16xf32>
      %swap3A = arith.index_cast %scan3A_774 : i32 to index
      %swap3A_780 = arith.constant 0 : index
      %swap3A_781 = tpu.vector_load %arg7[%swap3A, %swap3A_780] {strides = array<i32>} : memref<32x512xf32, #tpu.memory_space<vmem>>, vector<1x16xf32>,
      %swap3A_782 = vector.shape_cast %swap3A_781 : vector<1x16xf32> to vector<16xf32>
      %swap3A_783 = vector.shape_cast %get3A_779 : vector<16xf32> to vector<1x16xf32>
      tpu.vector_store %arg7[%swap3A, %swap3A_780], %swap3A_783 {strides = array<i32>} : memref<32x512xf32, #tpu.memory_space<vmem>>, vector<1x16xf32>,
      %get3A_784 = arith.constant 0 : i32
      %get3A_785 = arith.index_cast %scan3A_774 : i32 to index
      %get3A_786 = arith.index_cast %get3A_784 : i32 to index
      %get3A_787 = arith.constant 16 : index
      %get3A_788 = tpu.vector_load %arg6[%get3A_785, %get3A_786, %get3A_787] {strides = array<i32>} : memref<32x16x128xf32, #tpu.memory_space<vmem>>, vector<1x1x16xf32>,
      %get3A_789 = vector.shape_cast %get3A_788 : vector<1x1x16xf32> to vector<16xf32>
      %swap3A_790 = arith.index_cast %scan3A_774 : i32 to index
      %swap3A_791 = arith.constant 16 : index
      %swap3A_792 = tpu.vector_load %arg7[%swap3A_790, %swap3A_791] {strides = array<i32>} : memref<32x512xf32, #tpu.memory_space<vmem>>, vector<1x16xf32>,
      %swap3A_793 = vector.shape_cast %swap3A_792 : vector<1x16xf32> to vector<16xf32>
      %swap3A_794 = vector.shape_cast %get3A_789 : vector<16xf32> to vector<1x16xf32>
      tpu.vector_store %arg7[%swap3A_790, %swap3A_791], %swap3A_794 {strides = array<i32>} : memref<32x512xf32, #tpu.memory_space<vmem>>, vector<1x16xf32>,
      %get3A_795 = arith.constant 0 : i32
      %get3A_796 = arith.index_cast %scan3A_774 : i32 to index
      %get3A_797 = arith.index_cast %get3A_795 : i32 to index
      %get3A_798 = arith.constant 32 : index
      %get3A_799 = tpu.vector_load %arg6[%get3A_796, %get3A_797, %get3A_798] {strides = array<i32>} : memref<32x16x128xf32, #tpu.memory_space<vmem>>, vector<1x1x16xf32>,
      %get3A_800 = vector.shape_cast %get3A_799 : vector<1x1x16xf32> to vector<16xf32>
      %swap3A_801 = arith.index_cast %scan3A_774 : i32 to index
      %swap3A_802 = arith.constant 32 : index
      %swap3A_803 = tpu.vector_load %arg7[%swap3A_801, %swap3A_802] {strides = array<i32>} : memref<32x512xf32, #tpu.memory_space<vmem>>, vector<1x16xf32>,
      %swap3A_804 = vector.shape_cast %swap3A_803 : vector<1x16xf32> to vector<16xf32>
      %swap3A_805 = vector.shape_cast %get3A_800 : vector<16xf32> to vector<1x16xf32>
      tpu.vector_store %arg7[%swap3A_801, %swap3A_802], %swap3A_805 {strides = array<i32>} : memref<32x512xf32, #tpu.memory_space<vmem>>, vector<1x16xf32>,
      %get3A_806 = arith.constant 0 : i32
      %get3A_807 = arith.index_cast %scan3A_774 : i32 to index
      %get3A_808 = arith.index_cast %get3A_806 : i32 to index
      %get3A_809 = arith.constant 48 : index
      %get3A_810 = tpu.vector_load %arg6[%get3A_807, %get3A_808, %get3A_809] {strides = array<i32>} : memref<32x16x128xf32, #tpu.memory_space<vmem>>, vector<1x1x16xf32>,
      %get3A_811 = vector.shape_cast %get3A_810 : vector<1x1x16xf32> to vector<16xf32>
      %swap3A_812 = arith.index_cast %scan3A_774 : i32 to index
      %swap3A_813 = arith.constant 48 : index
      %swap3A_814 = tpu.vector_load %arg7[%swap3A_812, %swap3A_813] {strides = array<i32>} : memref<32x512xf32, #tpu.memory_space<vmem>>, vector<1x16xf32>,
      %swap3A_815 = vector.shape_cast %swap3A_814 : vector<1x16xf32> to vector<16xf32>
      %swap3A_816 = vector.shape_cast %get3A_811 : vector<16xf32> to vector<1x16xf32>
      tpu.vector_store %arg7[%swap3A_812, %swap3A_813], %swap3A_816 {strides = array<i32>} : memref<32x512xf32, #tpu.memory_space<vmem>>, vector<1x16xf32>,
      %get3A_817 = arith.constant 1 : i32
      %get3A_818 = arith.index_cast %scan3A_774 : i32 to index
      %get3A_819 = arith.index_cast %get3A_817 : i32 to index
      %get3A_820 = arith.constant 0 : index
      %get3A_821 = tpu.vector_load %arg6[%get3A_818, %get3A_819, %get3A_820] {strides = array<i32>} : memref<32x16x128xf32, #tpu.memory_space<vmem>>, vector<1x1x16xf32>,
      %get3A_822 = vector.shape_cast %get3A_821 : vector<1x1x16xf32> to vector<16xf32>
      %swap3A_823 = arith.index_cast %scan3A_774 : i32 to index
      %swap3A_824 = arith.constant 64 : index
      %swap3A_825 = tpu.vector_load %arg7[%swap3A_823, %swap3A_824] {strides = array<i32>} : memref<32x512xf32, #tpu.memory_space<vmem>>, vector<1x16xf32>,
      %swap3A_826 = vector.shape_cast %swap3A_825 : vector<1x16xf32> to vector<16xf32>
      %swap3A_827 = vector.shape_cast %get3A_822 : vector<16xf32> to vector<1x16xf32>
      tpu.vector_store %arg7[%swap3A_823, %swap3A_824], %swap3A_827 {strides = array<i32>} : memref<32x512xf32, #tpu.memory_space<vmem>>, vector<1x16xf32>,
      %get3A_828 = arith.constant 1 : i32
      %get3A_829 = arith.index_cast %scan3A_774 : i32 to index
      %get3A_830 = arith.index_cast %get3A_828 : i32 to index
      %get3A_831 = arith.constant 16 : index
      %get3A_832 = tpu.vector_load %arg6[%get3A_829, %get3A_830, %get3A_831] {strides = array<i32>} : memref<32x16x128xf32, #tpu.memory_space<vmem>>, vector<1x1x16xf32>,
      %get3A_833 = vector.shape_cast %get3A_832 : vector<1x1x16xf32> to vector<16xf32>
      %swap3A_834 = arith.index_cast %scan3A_774 : i32 to index
      %swap3A_835 = arith.constant 80 : index
      %swap3A_836 = tpu.vector_load %arg7[%swap3A_834, %swap3A_835] {strides = array<i32>} : memref<32x512xf32, #tpu.memory_space<vmem>>, vector<1x16xf32>,
      %swap3A_837 = vector.shape_cast %swap3A_836 : vector<1x16xf32> to vector<16xf32>
      %swap3A_838 = vector.shape_cast %get3A_833 : vector<16xf32> to vector<1x16xf32>
      tpu.vector_store %arg7[%swap3A_834, %swap3A_835], %swap3A_838 {strides = array<i32>} : memref<32x512xf32, #tpu.memory_space<vmem>>, vector<1x16xf32>,
      %get3A_839 = arith.constant 1 : i32
      %get3A_840 = arith.index_cast %scan3A_774 : i32 to index
      %get3A_841 = arith.index_cast %get3A_839 : i32 to index
      %get3A_842 = arith.constant 32 : index
      %get3A_843 = tpu.vector_load %arg6[%get3A_840, %get3A_841, %get3A_842] {strides = array<i32>} : memref<32x16x128xf32, #tpu.memory_space<vmem>>, vector<1x1x16xf32>,
      %get3A_844 = vector.shape_cast %get3A_843 : vector<1x1x16xf32> to vector<16xf32>
      %swap3A_845 = arith.index_cast %scan3A_774 : i32 to index
      %swap3A_846 = arith.constant 96 : index
      %swap3A_847 = tpu.vector_load %arg7[%swap3A_845, %swap3A_846] {strides = array<i32>} : memref<32x512xf32, #tpu.memory_space<vmem>>, vector<1x16xf32>,
      %swap3A_848 = vector.shape_cast %swap3A_847 : vector<1x16xf32> to vector<16xf32>
      %swap3A_849 = vector.shape_cast %get3A_844 : vector<16xf32> to vector<1x16xf32>
      tpu.vector_store %arg7[%swap3A_845, %swap3A_846], %swap3A_849 {strides = array<i32>} : memref<32x512xf32, #tpu.memory_space<vmem>>, vector<1x16xf32>,
      %get3A_850 = arith.constant 1 : i32
      %get3A_851 = arith.index_cast %scan3A_774 : i32 to index
      %get3A_852 = arith.index_cast %get3A_850 : i32 to index
      %get3A_853 = arith.constant 48 : index
      %get3A_854 = tpu.vector_load %arg6[%get3A_851, %get3A_852, %get3A_853] {strides = array<i32>} : memref<32x16x128xf32, #tpu.memory_space<vmem>>, vector<1x1x16xf32>,
      %get3A_855 = vector.shape_cast %get3A_854 : vector<1x1x16xf32> to vector<16xf32>
      %swap3A_856 = arith.index_cast %scan3A_774 : i32 to index
      %swap3A_857 = arith.constant 112 : index
      %swap3A_858 = tpu.vector_load %arg7[%swap3A_856, %swap3A_857] {strides = array<i32>} : memref<32x512xf32, #tpu.memory_space<vmem>>, vector<1x16xf32>,
      %swap3A_859 = vector.shape_cast %swap3A_858 : vector<1x16xf32> to vector<16xf32>
      %swap3A_860 = vector.shape_cast %get3A_855 : vector<16xf32> to vector<1x16xf32>
      tpu.vector_store %arg7[%swap3A_856, %swap3A_857], %swap3A_860 {strides = array<i32>} : memref<32x512xf32, #tpu.memory_space<vmem>>, vector<1x16xf32>,
      %get3A_861 = arith.constant 2 : i32
      %get3A_862 = arith.index_cast %scan3A_774 : i32 to index
      %get3A_863 = arith.index_cast %get3A_861 : i32 to index
      %get3A_864 = arith.constant 0 : index
      %get3A_865 = tpu.vector_load %arg6[%get3A_862, %get3A_863, %get3A_864] {strides = array<i32>} : memref<32x16x128xf32, #tpu.memory_space<vmem>>, vector<1x1x16xf32>,
      %get3A_866 = vector.shape_cast %get3A_865 : vector<1x1x16xf32> to vector<16xf32>
      %swap3A_867 = arith.index_cast %scan3A_774 : i32 to index
      %swap3A_868 = arith.constant 128 : index
      %swap3A_869 = tpu.vector_load %arg7[%swap3A_867, %swap3A_868] {strides = array<i32>} : memref<32x512xf32, #tpu.memory_space<vmem>>, vector<1x16xf32>,
      %swap3A_870 = vector.shape_cast %swap3A_869 : vector<1x16xf32> to vector<16xf32>
      %swap3A_871 = vector.shape_cast %get3A_866 : vector<16xf32> to vector<1x16xf32>
      tpu.vector_store %arg7[%swap3A_867, %swap3A_868], %swap3A_871 {strides = array<i32>} : memref<32x512xf32, #tpu.memory_space<vmem>>, vector<1x16xf32>,
      %get3A_872 = arith.constant 2 : i32
      %get3A_873 = arith.index_cast %scan3A_774 : i32 to index
      %get3A_874 = arith.index_cast %get3A_872 : i32 to index
      %get3A_875 = arith.constant 16 : index
      %get3A_876 = tpu.vector_load %arg6[%get3A_873, %get3A_874, %get3A_875] {strides = array<i32>} : memref<32x16x128xf32, #tpu.memory_space<vmem>>, vector<1x1x16xf32>,
      %get3A_877 = vector.shape_cast %get3A_876 : vector<1x1x16xf32> to vector<16xf32>
      %swap3A_878 = arith.index_cast %scan3A_774 : i32 to index
      %swap3A_879 = arith.constant 144 : index
      %swap3A_880 = tpu.vector_load %arg7[%swap3A_878, %swap3A_879] {strides = array<i32>} : memref<32x512xf32, #tpu.memory_space<vmem>>, vector<1x16xf32>,
      %swap3A_881 = vector.shape_cast %swap3A_880 : vector<1x16xf32> to vector<16xf32>
      %swap3A_882 = vector.shape_cast %get3A_877 : vector<16xf32> to vector<1x16xf32>
      tpu.vector_store %arg7[%swap3A_878, %swap3A_879], %swap3A_882 {strides = array<i32>} : memref<32x512xf32, #tpu.memory_space<vmem>>, vector<1x16xf32>,
      %get3A_883 = arith.constant 2 : i32
      %get3A_884 = arith.index_cast %scan3A_774 : i32 to index
      %get3A_885 = arith.index_cast %get3A_883 : i32 to index
      %get3A_886 = arith.constant 32 : index
      %get3A_887 = tpu.vector_load %arg6[%get3A_884, %get3A_885, %get3A_886] {strides = array<i32>} : memref<32x16x128xf32, #tpu.memory_space<vmem>>, vector<1x1x16xf32>,
      %get3A_888 = vector.shape_cast %get3A_887 : vector<1x1x16xf32> to vector<16xf32>
      %swap3A_889 = arith.index_cast %scan3A_774 : i32 to index
      %swap3A_890 = arith.constant 160 : index
      %swap3A_891 = tpu.vector_load %arg7[%swap3A_889, %swap3A_890] {strides = array<i32>} : memref<32x512xf32, #tpu.memory_space<vmem>>, vector<1x16xf32>,
      %swap3A_892 = vector.shape_cast %swap3A_891 : vector<1x16xf32> to vector<16xf32>
      %swap3A_893 = vector.shape_cast %get3A_888 : vector<16xf32> to vector<1x16xf32>
      tpu.vector_store %arg7[%swap3A_889, %swap3A_890], %swap3A_893 {strides = array<i32>} : memref<32x512xf32, #tpu.memory_space<vmem>>, vector<1x16xf32>,
      %get3A_894 = arith.constant 2 : i32
      %get3A_895 = arith.index_cast %scan3A_774 : i32 to index
      %get3A_896 = arith.index_cast %get3A_894 : i32 to index
      %get3A_897 = arith.constant 48 : index
      %get3A_898 = tpu.vector_load %arg6[%get3A_895, %get3A_896, %get3A_897] {strides = array<i32>} : memref<32x16x128xf32, #tpu.memory_space<vmem>>, vector<1x1x16xf32>,
      %get3A_899 = vector.shape_cast %get3A_898 : vector<1x1x16xf32> to vector<16xf32>
      %swap3A_900 = arith.index_cast %scan3A_774 : i32 to index
      %swap3A_901 = arith.constant 176 : index
      %swap3A_902 = tpu.vector_load %arg7[%swap3A_900, %swap3A_901] {strides = array<i32>} : memref<32x512xf32, #tpu.memory_space<vmem>>, vector<1x16xf32>,
      %swap3A_903 = vector.shape_cast %swap3A_902 : vector<1x16xf32> to vector<16xf32>
      %swap3A_904 = vector.shape_cast %get3A_899 : vector<16xf32> to vector<1x16xf32>
      tpu.vector_store %arg7[%swap3A_900, %swap3A_901], %swap3A_904 {strides = array<i32>} : memref<32x512xf32, #tpu.memory_space<vmem>>, vector<1x16xf32>,
      %get3A_905 = arith.constant 3 : i32
      %get3A_906 = arith.index_cast %scan3A_774 : i32 to index
      %get3A_907 = arith.index_cast %get3A_905 : i32 to index
      %get3A_908 = arith.constant 0 : index
      %get3A_909 = tpu.vector_load %arg6[%get3A_906, %get3A_907, %get3A_908] {strides = array<i32>} : memref<32x16x128xf32, #tpu.memory_space<vmem>>, vector<1x1x16xf32>,
      %get3A_910 = vector.shape_cast %get3A_909 : vector<1x1x16xf32> to vector<16xf32>
      %swap3A_911 = arith.index_cast %scan3A_774 : i32 to index
      %swap3A_912 = arith.constant 192 : index
      %swap3A_913 = tpu.vector_load %arg7[%swap3A_911, %swap3A_912] {strides = array<i32>} : memref<32x512xf32, #tpu.memory_space<vmem>>, vector<1x16xf32>,
      %swap3A_914 = vector.shape_cast %swap3A_913 : vector<1x16xf32> to vector<16xf32>
      %swap3A_915 = vector.shape_cast %get3A_910 : vector<16xf32> to vector<1x16xf32>
      tpu.vector_store %arg7[%swap3A_911, %swap3A_912], %swap3A_915 {strides = array<i32>} : memref<32x512xf32, #tpu.memory_space<vmem>>, vector<1x16xf32>,
      %get3A_916 = arith.constant 3 : i32
      %get3A_917 = arith.index_cast %scan3A_774 : i32 to index
      %get3A_918 = arith.index_cast %get3A_916 : i32 to index
      %get3A_919 = arith.constant 16 : index
      %get3A_920 = tpu.vector_load %arg6[%get3A_917, %get3A_918, %get3A_919] {strides = array<i32>} : memref<32x16x128xf32, #tpu.memory_space<vmem>>, vector<1x1x16xf32>,
      %get3A_921 = vector.shape_cast %get3A_920 : vector<1x1x16xf32> to vector<16xf32>
      %swap3A_922 = arith.index_cast %scan3A_774 : i32 to index
      %swap3A_923 = arith.constant 208 : index
      %swap3A_924 = tpu.vector_load %arg7[%swap3A_922, %swap3A_923] {strides = array<i32>} : memref<32x512xf32, #tpu.memory_space<vmem>>, vector<1x16xf32>,
      %swap3A_925 = vector.shape_cast %swap3A_924 : vector<1x16xf32> to vector<16xf32>
      %swap3A_926 = vector.shape_cast %get3A_921 : vector<16xf32> to vector<1x16xf32>
      tpu.vector_store %arg7[%swap3A_922, %swap3A_923], %swap3A_926 {strides = array<i32>} : memref<32x512xf32, #tpu.memory_space<vmem>>, vector<1x16xf32>,
      %get3A_927 = arith.constant 3 : i32
      %get3A_928 = arith.index_cast %scan3A_774 : i32 to index
      %get3A_929 = arith.index_cast %get3A_927 : i32 to index
      %get3A_930 = arith.constant 32 : index
      %get3A_931 = tpu.vector_load %arg6[%get3A_928, %get3A_929, %get3A_930] {strides = array<i32>} : memref<32x16x128xf32, #tpu.memory_space<vmem>>, vector<1x1x16xf32>,
      %get3A_932 = vector.shape_cast %get3A_931 : vector<1x1x16xf32> to vector<16xf32>
      %swap3A_933 = arith.index_cast %scan3A_774 : i32 to index
      %swap3A_934 = arith.constant 224 : index
      %swap3A_935 = tpu.vector_load %arg7[%swap3A_933, %swap3A_934] {strides = array<i32>} : memref<32x512xf32, #tpu.memory_space<vmem>>, vector<1x16xf32>,
      %swap3A_936 = vector.shape_cast %swap3A_935 : vector<1x16xf32> to vector<16xf32>
      %swap3A_937 = vector.shape_cast %get3A_932 : vector<16xf32> to vector<1x16xf32>
      tpu.vector_store %arg7[%swap3A_933, %swap3A_934], %swap3A_937 {strides = array<i32>} : memref<32x512xf32, #tpu.memory_space<vmem>>, vector<1x16xf32>,
      %get3A_938 = arith.constant 3 : i32
      %get3A_939 = arith.index_cast %scan3A_774 : i32 to index
      %get3A_940 = arith.index_cast %get3A_938 : i32 to index
      %get3A_941 = arith.constant 48 : index
      %get3A_942 = tpu.vector_load %arg6[%get3A_939, %get3A_940, %get3A_941] {strides = array<i32>} : memref<32x16x128xf32, #tpu.memory_space<vmem>>, vector<1x1x16xf32>,
      %get3A_943 = vector.shape_cast %get3A_942 : vector<1x1x16xf32> to vector<16xf32>
      %swap3A_944 = arith.index_cast %scan3A_774 : i32 to index
      %swap3A_945 = arith.constant 240 : index
      %swap3A_946 = tpu.vector_load %arg7[%swap3A_944, %swap3A_945] {strides = array<i32>} : memref<32x512xf32, #tpu.memory_space<vmem>>, vector<1x16xf32>,
      %swap3A_947 = vector.shape_cast %swap3A_946 : vector<1x16xf32> to vector<16xf32>
      %swap3A_948 = vector.shape_cast %get3A_943 : vector<16xf32> to vector<1x16xf32>
      tpu.vector_store %arg7[%swap3A_944, %swap3A_945], %swap3A_948 {strides = array<i32>} : memref<32x512xf32, #tpu.memory_space<vmem>>, vector<1x16xf32>,
      %get3A_949 = arith.constant 4 : i32
      %get3A_950 = arith.index_cast %scan3A_774 : i32 to index
      %get3A_951 = arith.index_cast %get3A_949 : i32 to index
      %get3A_952 = arith.constant 0 : index
      %get3A_953 = tpu.vector_load %arg6[%get3A_950, %get3A_951, %get3A_952] {strides = array<i32>} : memref<32x16x128xf32, #tpu.memory_space<vmem>>, vector<1x1x16xf32>,
      %get3A_954 = vector.shape_cast %get3A_953 : vector<1x1x16xf32> to vector<16xf32>
      %swap3A_955 = arith.index_cast %scan3A_774 : i32 to index
      %swap3A_956 = arith.constant 256 : index
      %swap3A_957 = tpu.vector_load %arg7[%swap3A_955, %swap3A_956] {strides = array<i32>} : memref<32x512xf32, #tpu.memory_space<vmem>>, vector<1x16xf32>,
      %swap3A_958 = vector.shape_cast %swap3A_957 : vector<1x16xf32> to vector<16xf32>
      %swap3A_959 = vector.shape_cast %get3A_954 : vector<16xf32> to vector<1x16xf32>
      tpu.vector_store %arg7[%swap3A_955, %swap3A_956], %swap3A_959 {strides = array<i32>} : memref<32x512xf32, #tpu.memory_space<vmem>>, vector<1x16xf32>,
      %get3A_960 = arith.constant 4 : i32
      %get3A_961 = arith.index_cast %scan3A_774 : i32 to index
      %get3A_962 = arith.index_cast %get3A_960 : i32 to index
      %get3A_963 = arith.constant 16 : index
      %get3A_964 = tpu.vector_load %arg6[%get3A_961, %get3A_962, %get3A_963] {strides = array<i32>} : memref<32x16x128xf32, #tpu.memory_space<vmem>>, vector<1x1x16xf32>,
      %get3A_965 = vector.shape_cast %get3A_964 : vector<1x1x16xf32> to vector<16xf32>
      %swap3A_966 = arith.index_cast %scan3A_774 : i32 to index
      %swap3A_967 = arith.constant 272 : index
      %swap3A_968 = tpu.vector_load %arg7[%swap3A_966, %swap3A_967] {strides = array<i32>} : memref<32x512xf32, #tpu.memory_space<vmem>>, vector<1x16xf32>,
      %swap3A_969 = vector.shape_cast %swap3A_968 : vector<1x16xf32> to vector<16xf32>
      %swap3A_970 = vector.shape_cast %get3A_965 : vector<16xf32> to vector<1x16xf32>
      tpu.vector_store %arg7[%swap3A_966, %swap3A_967], %swap3A_970 {strides = array<i32>} : memref<32x512xf32, #tpu.memory_space<vmem>>, vector<1x16xf32>,
      %get3A_971 = arith.constant 4 : i32
      %get3A_972 = arith.index_cast %scan3A_774 : i32 to index
      %get3A_973 = arith.index_cast %get3A_971 : i32 to index
      %get3A_974 = arith.constant 32 : index
      %get3A_975 = tpu.vector_load %arg6[%get3A_972, %get3A_973, %get3A_974] {strides = array<i32>} : memref<32x16x128xf32, #tpu.memory_space<vmem>>, vector<1x1x16xf32>,
      %get3A_976 = vector.shape_cast %get3A_975 : vector<1x1x16xf32> to vector<16xf32>
      %swap3A_977 = arith.index_cast %scan3A_774 : i32 to index
      %swap3A_978 = arith.constant 288 : index
      %swap3A_979 = tpu.vector_load %arg7[%swap3A_977, %swap3A_978] {strides = array<i32>} : memref<32x512xf32, #tpu.memory_space<vmem>>, vector<1x16xf32>,
      %swap3A_980 = vector.shape_cast %swap3A_979 : vector<1x16xf32> to vector<16xf32>
      %swap3A_981 = vector.shape_cast %get3A_976 : vector<16xf32> to vector<1x16xf32>
      tpu.vector_store %arg7[%swap3A_977, %swap3A_978], %swap3A_981 {strides = array<i32>} : memref<32x512xf32, #tpu.memory_space<vmem>>, vector<1x16xf32>,
      %get3A_982 = arith.constant 4 : i32
      %get3A_983 = arith.index_cast %scan3A_774 : i32 to index
      %get3A_984 = arith.index_cast %get3A_982 : i32 to index
      %get3A_985 = arith.constant 48 : index
      %get3A_986 = tpu.vector_load %arg6[%get3A_983, %get3A_984, %get3A_985] {strides = array<i32>} : memref<32x16x128xf32, #tpu.memory_space<vmem>>, vector<1x1x16xf32>,
      %get3A_987 = vector.shape_cast %get3A_986 : vector<1x1x16xf32> to vector<16xf32>
      %swap3A_988 = arith.index_cast %scan3A_774 : i32 to index
      %swap3A_989 = arith.constant 304 : index
      %swap3A_990 = tpu.vector_load %arg7[%swap3A_988, %swap3A_989] {strides = array<i32>} : memref<32x512xf32, #tpu.memory_space<vmem>>, vector<1x16xf32>,
      %swap3A_991 = vector.shape_cast %swap3A_990 : vector<1x16xf32> to vector<16xf32>
      %swap3A_992 = vector.shape_cast %get3A_987 : vector<16xf32> to vector<1x16xf32>
      tpu.vector_store %arg7[%swap3A_988, %swap3A_989], %swap3A_992 {strides = array<i32>} : memref<32x512xf32, #tpu.memory_space<vmem>>, vector<1x16xf32>,
      %get3A_993 = arith.constant 5 : i32
      %get3A_994 = arith.index_cast %scan3A_774 : i32 to index
      %get3A_995 = arith.index_cast %get3A_993 : i32 to index
      %get3A_996 = arith.constant 0 : index
      %get3A_997 = tpu.vector_load %arg6[%get3A_994, %get3A_995, %get3A_996] {strides = array<i32>} : memref<32x16x128xf32, #tpu.memory_space<vmem>>, vector<1x1x16xf32>,
      %get3A_998 = vector.shape_cast %get3A_997 : vector<1x1x16xf32> to vector<16xf32>
      %swap3A_999 = arith.index_cast %scan3A_774 : i32 to index
      %swap3A_1000 = arith.constant 320 : index
      %swap3A_1001 = tpu.vector_load %arg7[%swap3A_999, %swap3A_1000] {strides = array<i32>} : memref<32x512xf32, #tpu.memory_space<vmem>>, vector<1x16xf32>,
      %swap3A_1002 = vector.shape_cast %swap3A_1001 : vector<1x16xf32> to vector<16xf32>
      %swap3A_1003 = vector.shape_cast %get3A_998 : vector<16xf32> to vector<1x16xf32>
      tpu.vector_store %arg7[%swap3A_999, %swap3A_1000], %swap3A_1003 {strides = array<i32>} : memref<32x512xf32, #tpu.memory_space<vmem>>, vector<1x16xf32>,
      %get3A_1004 = arith.constant 5 : i32
      %get3A_1005 = arith.index_cast %scan3A_774 : i32 to index
      %get3A_1006 = arith.index_cast %get3A_1004 : i32 to index
      %get3A_1007 = arith.constant 16 : index
      %get3A_1008 = tpu.vector_load %arg6[%get3A_1005, %get3A_1006, %get3A_1007] {strides = array<i32>} : memref<32x16x128xf32, #tpu.memory_space<vmem>>, vector<1x1x16xf32>,
      %get3A_1009 = vector.shape_cast %get3A_1008 : vector<1x1x16xf32> to vector<16xf32>
      %swap3A_1010 = arith.index_cast %scan3A_774 : i32 to index
      %swap3A_1011 = arith.constant 336 : index
      %swap3A_1012 = tpu.vector_load %arg7[%swap3A_1010, %swap3A_1011] {strides = array<i32>} : memref<32x512xf32, #tpu.memory_space<vmem>>, vector<1x16xf32>,
      %swap3A_1013 = vector.shape_cast %swap3A_1012 : vector<1x16xf32> to vector<16xf32>
      %swap3A_1014 = vector.shape_cast %get3A_1009 : vector<16xf32> to vector<1x16xf32>
      tpu.vector_store %arg7[%swap3A_1010, %swap3A_1011], %swap3A_1014 {strides = array<i32>} : memref<32x512xf32, #tpu.memory_space<vmem>>, vector<1x16xf32>,
      %get3A_1015 = arith.constant 5 : i32
      %get3A_1016 = arith.index_cast %scan3A_774 : i32 to index
      %get3A_1017 = arith.index_cast %get3A_1015 : i32 to index
      %get3A_1018 = arith.constant 32 : index
      %get3A_1019 = tpu.vector_load %arg6[%get3A_1016, %get3A_1017, %get3A_1018] {strides = array<i32>} : memref<32x16x128xf32, #tpu.memory_space<vmem>>, vector<1x1x16xf32>,
      %get3A_1020 = vector.shape_cast %get3A_1019 : vector<1x1x16xf32> to vector<16xf32>
      %swap3A_1021 = arith.index_cast %scan3A_774 : i32 to index
      %swap3A_1022 = arith.constant 352 : index
      %swap3A_1023 = tpu.vector_load %arg7[%swap3A_1021, %swap3A_1022] {strides = array<i32>} : memref<32x512xf32, #tpu.memory_space<vmem>>, vector<1x16xf32>,
      %swap3A_1024 = vector.shape_cast %swap3A_1023 : vector<1x16xf32> to vector<16xf32>
      %swap3A_1025 = vector.shape_cast %get3A_1020 : vector<16xf32> to vector<1x16xf32>
      tpu.vector_store %arg7[%swap3A_1021, %swap3A_1022], %swap3A_1025 {strides = array<i32>} : memref<32x512xf32, #tpu.memory_space<vmem>>, vector<1x16xf32>,
      %get3A_1026 = arith.constant 5 : i32
      %get3A_1027 = arith.index_cast %scan3A_774 : i32 to index
      %get3A_1028 = arith.index_cast %get3A_1026 : i32 to index
      %get3A_1029 = arith.constant 48 : index
      %get3A_1030 = tpu.vector_load %arg6[%get3A_1027, %get3A_1028, %get3A_1029] {strides = array<i32>} : memref<32x16x128xf32, #tpu.memory_space<vmem>>, vector<1x1x16xf32>,
      %get3A_1031 = vector.shape_cast %get3A_1030 : vector<1x1x16xf32> to vector<16xf32>
      %swap3A_1032 = arith.index_cast %scan3A_774 : i32 to index
      %swap3A_1033 = arith.constant 368 : index
      %swap3A_1034 = tpu.vector_load %arg7[%swap3A_1032, %swap3A_1033] {strides = array<i32>} : memref<32x512xf32, #tpu.memory_space<vmem>>, vector<1x16xf32>,
      %swap3A_1035 = vector.shape_cast %swap3A_1034 : vector<1x16xf32> to vector<16xf32>
      %swap3A_1036 = vector.shape_cast %get3A_1031 : vector<16xf32> to vector<1x16xf32>
      tpu.vector_store %arg7[%swap3A_1032, %swap3A_1033], %swap3A_1036 {strides = array<i32>} : memref<32x512xf32, #tpu.memory_space<vmem>>, vector<1x16xf32>,
      %get3A_1037 = arith.constant 6 : i32
      %get3A_1038 = arith.index_cast %scan3A_774 : i32 to index
      %get3A_1039 = arith.index_cast %get3A_1037 : i32 to index
      %get3A_1040 = arith.constant 0 : index
      %get3A_1041 = tpu.vector_load %arg6[%get3A_1038, %get3A_1039, %get3A_1040] {strides = array<i32>} : memref<32x16x128xf32, #tpu.memory_space<vmem>>, vector<1x1x16xf32>,
      %get3A_1042 = vector.shape_cast %get3A_1041 : vector<1x1x16xf32> to vector<16xf32>
      %swap3A_1043 = arith.index_cast %scan3A_774 : i32 to index
      %swap3A_1044 = arith.constant 384 : index
      %swap3A_1045 = tpu.vector_load %arg7[%swap3A_1043, %swap3A_1044] {strides = array<i32>} : memref<32x512xf32, #tpu.memory_space<vmem>>, vector<1x16xf32>,
      %swap3A_1046 = vector.shape_cast %swap3A_1045 : vector<1x16xf32> to vector<16xf32>
      %swap3A_1047 = vector.shape_cast %get3A_1042 : vector<16xf32> to vector<1x16xf32>
      tpu.vector_store %arg7[%swap3A_1043, %swap3A_1044], %swap3A_1047 {strides = array<i32>} : memref<32x512xf32, #tpu.memory_space<vmem>>, vector<1x16xf32>,
      %get3A_1048 = arith.constant 6 : i32
      %get3A_1049 = arith.index_cast %scan3A_774 : i32 to index
      %get3A_1050 = arith.index_cast %get3A_1048 : i32 to index
      %get3A_1051 = arith.constant 16 : index
      %get3A_1052 = tpu.vector_load %arg6[%get3A_1049, %get3A_1050, %get3A_1051] {strides = array<i32>} : memref<32x16x128xf32, #tpu.memory_space<vmem>>, vector<1x1x16xf32>,
      %get3A_1053 = vector.shape_cast %get3A_1052 : vector<1x1x16xf32> to vector<16xf32>
      %swap3A_1054 = arith.index_cast %scan3A_774 : i32 to index
      %swap3A_1055 = arith.constant 400 : index
      %swap3A_1056 = tpu.vector_load %arg7[%swap3A_1054, %swap3A_1055] {strides = array<i32>} : memref<32x512xf32, #tpu.memory_space<vmem>>, vector<1x16xf32>,
      %swap3A_1057 = vector.shape_cast %swap3A_1056 : vector<1x16xf32> to vector<16xf32>
      %swap3A_1058 = vector.shape_cast %get3A_1053 : vector<16xf32> to vector<1x16xf32>
      tpu.vector_store %arg7[%swap3A_1054, %swap3A_1055], %swap3A_1058 {strides = array<i32>} : memref<32x512xf32, #tpu.memory_space<vmem>>, vector<1x16xf32>,
      %get3A_1059 = arith.constant 6 : i32
      %get3A_1060 = arith.index_cast %scan3A_774 : i32 to index
      %get3A_1061 = arith.index_cast %get3A_1059 : i32 to index
      %get3A_1062 = arith.constant 32 : index
      %get3A_1063 = tpu.vector_load %arg6[%get3A_1060, %get3A_1061, %get3A_1062] {strides = array<i32>} : memref<32x16x128xf32, #tpu.memory_space<vmem>>, vector<1x1x16xf32>,
      %get3A_1064 = vector.shape_cast %get3A_1063 : vector<1x1x16xf32> to vector<16xf32>
      %swap3A_1065 = arith.index_cast %scan3A_774 : i32 to index
      %swap3A_1066 = arith.constant 416 : index
      %swap3A_1067 = tpu.vector_load %arg7[%swap3A_1065, %swap3A_1066] {strides = array<i32>} : memref<32x512xf32, #tpu.memory_space<vmem>>, vector<1x16xf32>,
      %swap3A_1068 = vector.shape_cast %swap3A_1067 : vector<1x16xf32> to vector<16xf32>
      %swap3A_1069 = vector.shape_cast %get3A_1064 : vector<16xf32> to vector<1x16xf32>
      tpu.vector_store %arg7[%swap3A_1065, %swap3A_1066], %swap3A_1069 {strides = array<i32>} : memref<32x512xf32, #tpu.memory_space<vmem>>, vector<1x16xf32>,
      %get3A_1070 = arith.constant 6 : i32
      %get3A_1071 = arith.index_cast %scan3A_774 : i32 to index
      %get3A_1072 = arith.index_cast %get3A_1070 : i32 to index
      %get3A_1073 = arith.constant 48 : index
      %get3A_1074 = tpu.vector_load %arg6[%get3A_1071, %get3A_1072, %get3A_1073] {strides = array<i32>} : memref<32x16x128xf32, #tpu.memory_space<vmem>>, vector<1x1x16xf32>,
      %get3A_1075 = vector.shape_cast %get3A_1074 : vector<1x1x16xf32> to vector<16xf32>
      %swap3A_1076 = arith.index_cast %scan3A_774 : i32 to index
      %swap3A_1077 = arith.constant 432 : index
      %swap3A_1078 = tpu.vector_load %arg7[%swap3A_1076, %swap3A_1077] {strides = array<i32>} : memref<32x512xf32, #tpu.memory_space<vmem>>, vector<1x16xf32>,
      %swap3A_1079 = vector.shape_cast %swap3A_1078 : vector<1x16xf32> to vector<16xf32>
      %swap3A_1080 = vector.shape_cast %get3A_1075 : vector<16xf32> to vector<1x16xf32>
      tpu.vector_store %arg7[%swap3A_1076, %swap3A_1077], %swap3A_1080 {strides = array<i32>} : memref<32x512xf32, #tpu.memory_space<vmem>>, vector<1x16xf32>,
      %get3A_1081 = arith.constant 7 : i32
      %get3A_1082 = arith.index_cast %scan3A_774 : i32 to index
      %get3A_1083 = arith.index_cast %get3A_1081 : i32 to index
      %get3A_1084 = arith.constant 0 : index
      %get3A_1085 = tpu.vector_load %arg6[%get3A_1082, %get3A_1083, %get3A_1084] {strides = array<i32>} : memref<32x16x128xf32, #tpu.memory_space<vmem>>, vector<1x1x16xf32>,
      %get3A_1086 = vector.shape_cast %get3A_1085 : vector<1x1x16xf32> to vector<16xf32>
      %swap3A_1087 = arith.index_cast %scan3A_774 : i32 to index
      %swap3A_1088 = arith.constant 448 : index
      %swap3A_1089 = tpu.vector_load %arg7[%swap3A_1087, %swap3A_1088] {strides = array<i32>} : memref<32x512xf32, #tpu.memory_space<vmem>>, vector<1x16xf32>,
      %swap3A_1090 = vector.shape_cast %swap3A_1089 : vector<1x16xf32> to vector<16xf32>
      %swap3A_1091 = vector.shape_cast %get3A_1086 : vector<16xf32> to vector<1x16xf32>
      tpu.vector_store %arg7[%swap3A_1087, %swap3A_1088], %swap3A_1091 {strides = array<i32>} : memref<32x512xf32, #tpu.memory_space<vmem>>, vector<1x16xf32>,
      %get3A_1092 = arith.constant 7 : i32
      %get3A_1093 = arith.index_cast %scan3A_774 : i32 to index
      %get3A_1094 = arith.index_cast %get3A_1092 : i32 to index
      %get3A_1095 = arith.constant 16 : index
      %get3A_1096 = tpu.vector_load %arg6[%get3A_1093, %get3A_1094, %get3A_1095] {strides = array<i32>} : memref<32x16x128xf32, #tpu.memory_space<vmem>>, vector<1x1x16xf32>,
      %get3A_1097 = vector.shape_cast %get3A_1096 : vector<1x1x16xf32> to vector<16xf32>
      %swap3A_1098 = arith.index_cast %scan3A_774 : i32 to index
      %swap3A_1099 = arith.constant 464 : index
      %swap3A_1100 = tpu.vector_load %arg7[%swap3A_1098, %swap3A_1099] {strides = array<i32>} : memref<32x512xf32, #tpu.memory_space<vmem>>, vector<1x16xf32>,
      %swap3A_1101 = vector.shape_cast %swap3A_1100 : vector<1x16xf32> to vector<16xf32>
      %swap3A_1102 = vector.shape_cast %get3A_1097 : vector<16xf32> to vector<1x16xf32>
      tpu.vector_store %arg7[%swap3A_1098, %swap3A_1099], %swap3A_1102 {strides = array<i32>} : memref<32x512xf32, #tpu.memory_space<vmem>>, vector<1x16xf32>,
      %get3A_1103 = arith.constant 7 : i32
      %get3A_1104 = arith.index_cast %scan3A_774 : i32 to index
      %get3A_1105 = arith.index_cast %get3A_1103 : i32 to index
      %get3A_1106 = arith.constant 32 : index
      %get3A_1107 = tpu.vector_load %arg6[%get3A_1104, %get3A_1105, %get3A_1106] {strides = array<i32>} : memref<32x16x128xf32, #tpu.memory_space<vmem>>, vector<1x1x16xf32>,
      %get3A_1108 = vector.shape_cast %get3A_1107 : vector<1x1x16xf32> to vector<16xf32>
      %swap3A_1109 = arith.index_cast %scan3A_774 : i32 to index
      %swap3A_1110 = arith.constant 480 : index
      %swap3A_1111 = tpu.vector_load %arg7[%swap3A_1109, %swap3A_1110] {strides = array<i32>} : memref<32x512xf32, #tpu.memory_space<vmem>>, vector<1x16xf32>,
      %swap3A_1112 = vector.shape_cast %swap3A_1111 : vector<1x16xf32> to vector<16xf32>
      %swap3A_1113 = vector.shape_cast %get3A_1108 : vector<16xf32> to vector<1x16xf32>
      tpu.vector_store %arg7[%swap3A_1109, %swap3A_1110], %swap3A_1113 {strides = array<i32>} : memref<32x512xf32, #tpu.memory_space<vmem>>, vector<1x16xf32>,
      %get3A_1114 = arith.constant 7 : i32
      %get3A_1115 = arith.index_cast %scan3A_774 : i32 to index
      %get3A_1116 = arith.index_cast %get3A_1114 : i32 to index
      %get3A_1117 = arith.constant 48 : index
      %get3A_1118 = tpu.vector_load %arg6[%get3A_1115, %get3A_1116, %get3A_1117] {strides = array<i32>} : memref<32x16x128xf32, #tpu.memory_space<vmem>>, vector<1x1x16xf32>,
      %get3A_1119 = vector.shape_cast %get3A_1118 : vector<1x1x16xf32> to vector<16xf32>
      %swap3A_1120 = arith.index_cast %scan3A_774 : i32 to index
      %swap3A_1121 = arith.constant 496 : index
      %swap3A_1122 = tpu.vector_load %arg7[%swap3A_1120, %swap3A_1121] {strides = array<i32>} : memref<32x512xf32, #tpu.memory_space<vmem>>, vector<1x16xf32>,
      %swap3A_1123 = vector.shape_cast %swap3A_1122 : vector<1x16xf32> to vector<16xf32>
      %swap3A_1124 = vector.shape_cast %get3A_1119 : vector<16xf32> to vector<1x16xf32>
      tpu.vector_store %arg7[%swap3A_1120, %swap3A_1121], %swap3A_1124 {strides = array<i32>} : memref<32x512xf32, #tpu.memory_space<vmem>>, vector<1x16xf32>,
    }
    %scan3A_773 = arith.constant 32 : i32
    "tpu.region"() ({
      %run_scoped3A = tpu.sem_alloc : memref<!tpu.dma_semaphore, #tpu.memory_space<semaphore_mem>>
      %dma_start3A_774 = arith.constant 0 : i32
      %dma_start3A_775 = tpu.memref_slice %arg4[%mul3A_2, %dma_start3A_774] : memref<1024x512xf32, #tpu.memory_space<hbm>> -> memref<32x512xf32, #tpu.memory_space<hbm>>
      %dma_start3A_776 = arith.constant 0 : i32
      %dma_start3A_777 = tpu.memref_slice %arg4[%mul3A_2, %dma_start3A_776] : memref<1024x512xf32, #tpu.memory_space<hbm>> -> memref<32x512xf32, #tpu.memory_space<hbm>>
      tpu.enqueue_dma source(%arg7 : memref<32x512xf32, #tpu.memory_space<vmem>>) target(%dma_start3A_777 : memref<32x512xf32, #tpu.memory_space<hbm>>) target_semaphore(%run_scoped3A : memref<!tpu.dma_semaphore, #tpu.memory_space<semaphore_mem>>)
      %dma_wait3A_778 = arith.constant 0 : i32
      %dma_wait3A_779 = tpu.memref_slice %arg4[%mul3A_2, %dma_wait3A_778] : memref<1024x512xf32, #tpu.memory_space<hbm>> -> memref<32x512xf32, #tpu.memory_space<hbm>>
      %dma_wait3A_780 = arith.constant 0 : i32
      %dma_wait3A_781 = tpu.memref_slice %arg4[%mul3A_2, %dma_wait3A_780] : memref<1024x512xf32, #tpu.memory_space<hbm>> -> memref<32x512xf32, #tpu.memory_space<hbm>>
      tpu.wait_dma2 semaphore(%run_scoped3A : memref<!tpu.dma_semaphore, #tpu.memory_space<semaphore_mem>>) src(%arg7 : memref<32x512xf32, #tpu.memory_space<vmem>>) dst(%dma_wait3A_781 : memref<32x512xf32, #tpu.memory_space<hbm>>)
      tpu.yield
    }) : () -> ()
    return
  }
}

module attributes {stable_mosaic.version = 14 : i64} {
  func.func @_main_body(%arg0: i32, %arg1: i32, %arg2: memref<128x1664xf32, #tpu.memory_space<vmem>>, %arg3: memref<128x8xf32, #tpu.memory_space<vmem>>, %arg4: memref<1664x1000xf32, #tpu.memory_space<vmem>>, %arg5: memref<8x1000xf32, #tpu.memory_space<vmem>>, %arg6: memref<1x1000xf32, #tpu.memory_space<vmem>>, %arg7: memref<1000x64xf32, #tpu.memory_space<vmem>>, %arg8: memref<1x64xf32, #tpu.memory_space<vmem>>, %arg9: memref<64x4096xf32, #tpu.memory_space<vmem>>, %arg10: memref<128x32xi32, #tpu.memory_space<vmem>>, %arg11: memref<128x64xi32, #tpu.memory_space<vmem>>, %arg12: memref<64x128x128xf32, #tpu.memory_space<vmem>>, %arg13: memref<128x16xi32, #tpu.memory_space<vmem>>, %arg14: memref<128x32xi32, #tpu.memory_space<vmem>>, %arg15: memref<1x1xf32, #tpu.memory_space<smem>>, %arg16: memref<1024x1000xf32, #tpu.memory_space<vmem>>) attributes {dimension_semantics = [#tpu.dimension_semantics<arbitrary>, #tpu.dimension_semantics<arbitrary>], iteration_bounds = array<i64: 3, 8>, scalar_prefetch = 0 : i64, scratch_operands = 1 : i64, tpu.core_type = #tpu.core_type<tc>, window_params = [{transform_indices = @transform_0, window_bounds = array<i64: 128, 1664>}, {transform_indices = @transform_1, window_bounds = array<i64: 128, 8>}, {transform_indices = @transform_2, window_bounds = array<i64: 1664, 1000>}, {pipeline_mode = #tpu.pipeline_mode<synchronous>, transform_indices = @transform_3, window_bounds = array<i64: 8, 1000>}, {pipeline_mode = #tpu.pipeline_mode<synchronous>, transform_indices = @transform_4, window_bounds = array<i64: 1, 1000>}, {pipeline_mode = #tpu.pipeline_mode<synchronous>, transform_indices = @transform_5, window_bounds = array<i64: 1000, 64>}, {pipeline_mode = #tpu.pipeline_mode<synchronous>, transform_indices = @transform_6, window_bounds = array<i64: 1, 64>}, {pipeline_mode = #tpu.pipeline_mode<synchronous>, transform_indices = @transform_7, window_bounds = array<i64: 64, 4096>}, {transform_indices = @transform_8, window_bounds = array<i64: 128, 32>}, {transform_indices = @transform_9, window_bounds = array<i64: 128, 64>}, {transform_indices = @transform_10, window_bounds = array<i64: 64, 128, 128>}, {transform_indices = @transform_11, window_bounds = array<i64: 128, 16>}, {transform_indices = @transform_12, window_bounds = array<i64: 128, 32>}, {transform_indices = @transform_13, window_bounds = array<i64: 1, 1>}]} {
    %mul3A = arith.constant 128 : i32
    %mul3A_0 = arith.muli %arg1, %mul3A : i32
    %eq3A = arith.constant 0 : i32
    %eq3A_1 = arith.cmpi eq, %arg0, %eq3A : i32
    %convert_element_type3A = arith.extui %eq3A_1 : i1 to i32
    %cond3A = arith.constant 0 : i32
    %cond3A_2 = arith.cmpi ne, %convert_element_type3A, %cond3A : i32
    scf.if %cond3A_2 {
      %broadcast_in_dim3A = arith.constant 0.000000e+00 : f32
      %broadcast_in_dim3A_19 = vector.broadcast %broadcast_in_dim3A : f32 to vector<128x1000xf32>
      %swap3A_20 = arith.index_cast %mul3A_0 : i32 to index
      %swap3A_21 = arith.constant 0 : index
      %swap3A_22 = vector.load %arg16[%swap3A_20, %swap3A_21] : memref<1024x1000xf32, #tpu.memory_space<vmem>>, vector<128x1000xf32>
      tpu.vector_store %arg16[%swap3A_20, %swap3A_21], %broadcast_in_dim3A_19 {strides = array<i32>} : memref<1024x1000xf32, #tpu.memory_space<vmem>>, vector<128x1000xf32>,
    } else {
    }
    %get3A = arith.index_cast %mul3A_0 : i32 to index
    %get3A_3 = arith.constant 0 : index
    %get3A_4 = vector.load %arg16[%get3A, %get3A_3] : memref<1024x1000xf32, #tpu.memory_space<vmem>>, vector<128x1000xf32>
    %get3A_5 = arith.constant 0 : index
    %get3A_6 = arith.constant 0 : index
    %get3A_7 = vector.load %arg2[%get3A_5, %get3A_6] : memref<128x1664xf32, #tpu.memory_space<vmem>>, vector<128x1664xf32>
    %get3A_8 = arith.constant 0 : index
    %get3A_9 = arith.constant 0 : index
    %get3A_10 = vector.load %arg4[%get3A_8, %get3A_9] : memref<1664x1000xf32, #tpu.memory_space<vmem>>, vector<1664x1000xf32>
    %dot_general3A = arith.constant dense<0.000000e+00> : vector<128x1000xf32>
    %dot_general3A_11 = tpu.matmul %get3A_7, %get3A_10, %dot_general3A {dimension_numbers = #tpu.dot_dimension_numbers<[1], [0], [0], [1], [0, 0, 1, 1], [], []>, transpose_lhs_hint = false} : vector<128x1664xf32>, vector<1664x1000xf32>, vector<128x1000xf32> -> vector<128x1000xf32>
    %add3A = arith.addf %get3A_4, %dot_general3A_11 : vector<128x1000xf32>
    %swap3A = arith.index_cast %mul3A_0 : i32 to index
    %swap3A_12 = arith.constant 0 : index
    %swap3A_13 = vector.load %arg16[%swap3A, %swap3A_12] : memref<1024x1000xf32, #tpu.memory_space<vmem>>, vector<128x1000xf32>
    tpu.vector_store %arg16[%swap3A, %swap3A_12], %add3A {strides = array<i32>} : memref<1024x1000xf32, #tpu.memory_space<vmem>>, vector<128x1000xf32>,
    %eq3A_14 = arith.constant 2 : i32
    %eq3A_15 = arith.cmpi eq, %arg0, %eq3A_14 : i32
    %convert_element_type3A_16 = arith.extui %eq3A_15 : i1 to i32
    %cond3A_17 = arith.constant 0 : i32
    %cond3A_18 = arith.cmpi ne, %convert_element_type3A_16, %cond3A_17 : i32
    scf.if %cond3A_18 {
      %get3A_19 = arith.index_cast %mul3A_0 : i32 to index
      %get3A_20 = arith.constant 0 : index
      %get3A_21 = vector.load %arg16[%get3A_19, %get3A_20] : memref<1024x1000xf32, #tpu.memory_space<vmem>>, vector<128x1000xf32>
      %get3A_22 = arith.constant 0 : index
      %get3A_23 = arith.constant 0 : index
      %get3A_24 = vector.load %arg3[%get3A_22, %get3A_23] : memref<128x8xf32, #tpu.memory_space<vmem>>, vector<128x8xf32>
      %get3A_25 = arith.constant 0 : index
      %get3A_26 = arith.constant 0 : index
      %get3A_27 = vector.load %arg5[%get3A_25, %get3A_26] : memref<8x1000xf32, #tpu.memory_space<vmem>>, vector<8x1000xf32>
      %dot_general3A_28 = arith.constant dense<0.000000e+00> : vector<128x1000xf32>
      %dot_general3A_29 = tpu.matmul %get3A_24, %get3A_27, %dot_general3A_28 {dimension_numbers = #tpu.dot_dimension_numbers<[1], [0], [0], [1], [0, 0, 1, 1], [], []>, transpose_lhs_hint = false} : vector<128x8xf32>, vector<8x1000xf32>, vector<128x1000xf32> -> vector<128x1000xf32>
      %add3A_30 = arith.addf %get3A_21, %dot_general3A_29 : vector<128x1000xf32>
      %get3A_31 = arith.constant 0 : index
      %get3A_32 = arith.constant 0 : index
      %get3A_33 = vector.load %arg6[%get3A_31, %get3A_32] : memref<1x1000xf32, #tpu.memory_space<vmem>>, vector<1x1000xf32>
      %add3A_34 = vector.broadcast %get3A_33 : vector<1x1000xf32> to vector<128x1000xf32>
      %add3A_35 = arith.addf %add3A_30, %add3A_34 : vector<128x1000xf32>
      %max3A = arith.constant 0.000000e+00 : f32
      %max3A_36 = vector.broadcast %max3A : f32 to vector<128x1000xf32>
      %max3A_37 = arith.maximumf %add3A_35, %max3A_36 : vector<128x1000xf32>
      %get3A_38 = arith.constant 0 : index
      %get3A_39 = arith.constant 0 : index
      %get3A_40 = vector.load %arg7[%get3A_38, %get3A_39] : memref<1000x64xf32, #tpu.memory_space<vmem>>, vector<1000x64xf32>
      %dot_general3A_41 = arith.constant dense<0.000000e+00> : vector<128x64xf32>
      %dot_general3A_42 = tpu.matmul %max3A_37, %get3A_40, %dot_general3A_41 {dimension_numbers = #tpu.dot_dimension_numbers<[1], [0], [0], [1], [0, 0, 1, 1], [], []>, transpose_lhs_hint = false} : vector<128x1000xf32>, vector<1000x64xf32>, vector<128x64xf32> -> vector<128x64xf32>
      %get3A_43 = arith.constant 0 : index
      %get3A_44 = arith.constant 0 : index
      %get3A_45 = vector.load %arg8[%get3A_43, %get3A_44] : memref<1x64xf32, #tpu.memory_space<vmem>>, vector<1x64xf32>
      %add3A_46 = vector.broadcast %get3A_45 : vector<1x64xf32> to vector<128x64xf32>
      %add3A_47 = arith.addf %dot_general3A_42, %add3A_46 : vector<128x64xf32>
      %neg3A = arith.constant 0.000000e+00 : f32
      %neg3A_48 = vector.broadcast %neg3A : f32 to vector<128x64xf32>
      %neg3A_49 = arith.subf %neg3A_48, %add3A_47 : vector<128x64xf32>
      %exp3A = math.exp %neg3A_49 : vector<128x64xf32>
      %add3A_50 = arith.constant 1.000000e+00 : f32
      %add3A_51 = vector.broadcast %add3A_50 : f32 to vector<128x64xf32>
      %add3A_52 = arith.addf %add3A_51, %exp3A : vector<128x64xf32>
      %div3A = arith.constant 1.000000e+00 : f32
      %div3A_53 = vector.broadcast %div3A : f32 to vector<128x64xf32>
      %div3A_54 = arith.divf %div3A_53, %add3A_52 : vector<128x64xf32>
      %iota3A = tpu.iota {dimensions = array<i32: 1>} : vector<128x64xi32>
      %reduce_max3A = arith.constant dense<0xFF800000> : vector<128xf32>
      %reduce_max3A_55 = vector.multi_reduction <maximumf>, %div3A_54, %reduce_max3A [1] : vector<128x64xf32> to vector<128xf32>
      %broadcast_in_dim3A = vector.shape_cast %reduce_max3A_55 : vector<128xf32> to vector<128x1xf32>
      %eq3A_56 = vector.broadcast %broadcast_in_dim3A : vector<128x1xf32> to vector<128x64xf32>
      %eq3A_57 = arith.cmpf oeq, %div3A_54, %eq3A_56 : vector<128x64xf32>
      %jit3A = arith.constant 64 : i32
      %broadcast_in_dim3A_58 = vector.broadcast %jit3A : i32 to vector<128x64xi32>
      %select_n3A = arith.select %eq3A_57, %iota3A, %broadcast_in_dim3A_58 : vector<128x64xi1>, vector<128x64xi32>
      %reduce_min3A = arith.constant dense<2147483647> : vector<128xi32>
      %reduce_min3A_59 = vector.multi_reduction <minsi>, %select_n3A, %reduce_min3A [1] : vector<128x64xi32> to vector<128xi32>
      %broadcast_in_dim3A_60 = vector.shape_cast %reduce_min3A_59 : vector<128xi32> to vector<128x1xi32>
      %eq3A_61 = vector.broadcast %broadcast_in_dim3A_60 : vector<128x1xi32> to vector<128x64xi32>
      %eq3A_62 = arith.cmpi eq, %iota3A, %eq3A_61 : vector<128x64xi32>
      %jit3A_63 = arith.constant -1.000000e+00 : f32
      %broadcast_in_dim3A_64 = vector.broadcast %jit3A_63 : f32 to vector<128x64xf32>
      %select_n3A_65 = arith.select %eq3A_62, %broadcast_in_dim3A_64, %div3A_54 : vector<128x64xi1>, vector<128x64xf32>
      %reduce_max3A_66 = arith.constant dense<0xFF800000> : vector<128xf32>
      %reduce_max3A_67 = vector.multi_reduction <maximumf>, %select_n3A_65, %reduce_max3A_66 [1] : vector<128x64xf32> to vector<128xf32>
      %broadcast_in_dim3A_68 = vector.shape_cast %reduce_max3A_67 : vector<128xf32> to vector<128x1xf32>
      %eq3A_69 = vector.broadcast %broadcast_in_dim3A_68 : vector<128x1xf32> to vector<128x64xf32>
      %eq3A_70 = arith.cmpf oeq, %select_n3A_65, %eq3A_69 : vector<128x64xf32>
      %jit3A_71 = arith.constant 64 : i32
      %broadcast_in_dim3A_72 = vector.broadcast %jit3A_71 : i32 to vector<128x64xi32>
      %select_n3A_73 = arith.select %eq3A_70, %iota3A, %broadcast_in_dim3A_72 : vector<128x64xi1>, vector<128x64xi32>
      %reduce_min3A_74 = arith.constant dense<2147483647> : vector<128xi32>
      %reduce_min3A_75 = vector.multi_reduction <minsi>, %select_n3A_73, %reduce_min3A_74 [1] : vector<128x64xi32> to vector<128xi32>
      %broadcast_in_dim3A_76 = vector.shape_cast %reduce_min3A_75 : vector<128xi32> to vector<128x1xi32>
      %eq3A_77 = vector.broadcast %broadcast_in_dim3A_76 : vector<128x1xi32> to vector<128x64xi32>
      %eq3A_78 = arith.cmpi eq, %iota3A, %eq3A_77 : vector<128x64xi32>
      %jit3A_79 = arith.constant -1.000000e+00 : f32
      %broadcast_in_dim3A_80 = vector.broadcast %jit3A_79 : f32 to vector<128x64xf32>
      %select_n3A_81 = arith.select %eq3A_78, %broadcast_in_dim3A_80, %select_n3A_65 : vector<128x64xi1>, vector<128x64xf32>
      %reduce_max3A_82 = arith.constant dense<0xFF800000> : vector<128xf32>
      %reduce_max3A_83 = vector.multi_reduction <maximumf>, %select_n3A_81, %reduce_max3A_82 [1] : vector<128x64xf32> to vector<128xf32>
      %broadcast_in_dim3A_84 = vector.shape_cast %reduce_max3A_83 : vector<128xf32> to vector<128x1xf32>
      %eq3A_85 = vector.broadcast %broadcast_in_dim3A_84 : vector<128x1xf32> to vector<128x64xf32>
      %eq3A_86 = arith.cmpf oeq, %select_n3A_81, %eq3A_85 : vector<128x64xf32>
      %jit3A_87 = arith.constant 64 : i32
      %broadcast_in_dim3A_88 = vector.broadcast %jit3A_87 : i32 to vector<128x64xi32>
      %select_n3A_89 = arith.select %eq3A_86, %iota3A, %broadcast_in_dim3A_88 : vector<128x64xi1>, vector<128x64xi32>
      %reduce_min3A_90 = arith.constant dense<2147483647> : vector<128xi32>
      %reduce_min3A_91 = vector.multi_reduction <minsi>, %select_n3A_89, %reduce_min3A_90 [1] : vector<128x64xi32> to vector<128xi32>
      %broadcast_in_dim3A_92 = vector.shape_cast %reduce_min3A_91 : vector<128xi32> to vector<128x1xi32>
      %eq3A_93 = vector.broadcast %broadcast_in_dim3A_92 : vector<128x1xi32> to vector<128x64xi32>
      %eq3A_94 = arith.cmpi eq, %iota3A, %eq3A_93 : vector<128x64xi32>
      %jit3A_95 = arith.constant -1.000000e+00 : f32
      %broadcast_in_dim3A_96 = vector.broadcast %jit3A_95 : f32 to vector<128x64xf32>
      %select_n3A_97 = arith.select %eq3A_94, %broadcast_in_dim3A_96, %select_n3A_81 : vector<128x64xi1>, vector<128x64xf32>
      %reduce_max3A_98 = arith.constant dense<0xFF800000> : vector<128xf32>
      %reduce_max3A_99 = vector.multi_reduction <maximumf>, %select_n3A_97, %reduce_max3A_98 [1] : vector<128x64xf32> to vector<128xf32>
      %broadcast_in_dim3A_100 = vector.shape_cast %reduce_max3A_99 : vector<128xf32> to vector<128x1xf32>
      %eq3A_101 = vector.broadcast %broadcast_in_dim3A_100 : vector<128x1xf32> to vector<128x64xf32>
      %eq3A_102 = arith.cmpf oeq, %select_n3A_97, %eq3A_101 : vector<128x64xf32>
      %jit3A_103 = arith.constant 64 : i32
      %broadcast_in_dim3A_104 = vector.broadcast %jit3A_103 : i32 to vector<128x64xi32>
      %select_n3A_105 = arith.select %eq3A_102, %iota3A, %broadcast_in_dim3A_104 : vector<128x64xi1>, vector<128x64xi32>
      %reduce_min3A_106 = arith.constant dense<2147483647> : vector<128xi32>
      %reduce_min3A_107 = vector.multi_reduction <minsi>, %select_n3A_105, %reduce_min3A_106 [1] : vector<128x64xi32> to vector<128xi32>
      %broadcast_in_dim3A_108 = vector.shape_cast %reduce_min3A_107 : vector<128xi32> to vector<128x1xi32>
      %eq3A_109 = vector.broadcast %broadcast_in_dim3A_108 : vector<128x1xi32> to vector<128x64xi32>
      %eq3A_110 = arith.cmpi eq, %iota3A, %eq3A_109 : vector<128x64xi32>
      %jit3A_111 = arith.constant -1.000000e+00 : f32
      %broadcast_in_dim3A_112 = vector.broadcast %jit3A_111 : f32 to vector<128x64xf32>
      %select_n3A_113 = arith.select %eq3A_110, %broadcast_in_dim3A_112, %select_n3A_97 : vector<128x64xi1>, vector<128x64xf32>
      %reduce_max3A_114 = arith.constant dense<0xFF800000> : vector<128xf32>
      %reduce_max3A_115 = vector.multi_reduction <maximumf>, %select_n3A_113, %reduce_max3A_114 [1] : vector<128x64xf32> to vector<128xf32>
      %broadcast_in_dim3A_116 = vector.shape_cast %reduce_max3A_115 : vector<128xf32> to vector<128x1xf32>
      %eq3A_117 = vector.broadcast %broadcast_in_dim3A_116 : vector<128x1xf32> to vector<128x64xf32>
      %eq3A_118 = arith.cmpf oeq, %select_n3A_113, %eq3A_117 : vector<128x64xf32>
      %jit3A_119 = arith.constant 64 : i32
      %broadcast_in_dim3A_120 = vector.broadcast %jit3A_119 : i32 to vector<128x64xi32>
      %select_n3A_121 = arith.select %eq3A_118, %iota3A, %broadcast_in_dim3A_120 : vector<128x64xi1>, vector<128x64xi32>
      %reduce_min3A_122 = arith.constant dense<2147483647> : vector<128xi32>
      %reduce_min3A_123 = vector.multi_reduction <minsi>, %select_n3A_121, %reduce_min3A_122 [1] : vector<128x64xi32> to vector<128xi32>
      %broadcast_in_dim3A_124 = vector.shape_cast %reduce_min3A_123 : vector<128xi32> to vector<128x1xi32>
      %eq3A_125 = vector.broadcast %broadcast_in_dim3A_124 : vector<128x1xi32> to vector<128x64xi32>
      %eq3A_126 = arith.cmpi eq, %iota3A, %eq3A_125 : vector<128x64xi32>
      %jit3A_127 = arith.constant -1.000000e+00 : f32
      %broadcast_in_dim3A_128 = vector.broadcast %jit3A_127 : f32 to vector<128x64xf32>
      %select_n3A_129 = arith.select %eq3A_126, %broadcast_in_dim3A_128, %select_n3A_113 : vector<128x64xi1>, vector<128x64xf32>
      %reduce_max3A_130 = arith.constant dense<0xFF800000> : vector<128xf32>
      %reduce_max3A_131 = vector.multi_reduction <maximumf>, %select_n3A_129, %reduce_max3A_130 [1] : vector<128x64xf32> to vector<128xf32>
      %broadcast_in_dim3A_132 = vector.shape_cast %reduce_max3A_131 : vector<128xf32> to vector<128x1xf32>
      %eq3A_133 = vector.broadcast %broadcast_in_dim3A_132 : vector<128x1xf32> to vector<128x64xf32>
      %eq3A_134 = arith.cmpf oeq, %select_n3A_129, %eq3A_133 : vector<128x64xf32>
      %jit3A_135 = arith.constant 64 : i32
      %broadcast_in_dim3A_136 = vector.broadcast %jit3A_135 : i32 to vector<128x64xi32>
      %select_n3A_137 = arith.select %eq3A_134, %iota3A, %broadcast_in_dim3A_136 : vector<128x64xi1>, vector<128x64xi32>
      %reduce_min3A_138 = arith.constant dense<2147483647> : vector<128xi32>
      %reduce_min3A_139 = vector.multi_reduction <minsi>, %select_n3A_137, %reduce_min3A_138 [1] : vector<128x64xi32> to vector<128xi32>
      %broadcast_in_dim3A_140 = vector.shape_cast %reduce_min3A_139 : vector<128xi32> to vector<128x1xi32>
      %eq3A_141 = vector.broadcast %broadcast_in_dim3A_140 : vector<128x1xi32> to vector<128x64xi32>
      %eq3A_142 = arith.cmpi eq, %iota3A, %eq3A_141 : vector<128x64xi32>
      %jit3A_143 = arith.constant -1.000000e+00 : f32
      %broadcast_in_dim3A_144 = vector.broadcast %jit3A_143 : f32 to vector<128x64xf32>
      %select_n3A_145 = arith.select %eq3A_142, %broadcast_in_dim3A_144, %select_n3A_129 : vector<128x64xi1>, vector<128x64xf32>
      %reduce_max3A_146 = arith.constant dense<0xFF800000> : vector<128xf32>
      %reduce_max3A_147 = vector.multi_reduction <maximumf>, %select_n3A_145, %reduce_max3A_146 [1] : vector<128x64xf32> to vector<128xf32>
      %broadcast_in_dim3A_148 = vector.shape_cast %reduce_max3A_147 : vector<128xf32> to vector<128x1xf32>
      %eq3A_149 = vector.broadcast %broadcast_in_dim3A_148 : vector<128x1xf32> to vector<128x64xf32>
      %eq3A_150 = arith.cmpf oeq, %select_n3A_145, %eq3A_149 : vector<128x64xf32>
      %jit3A_151 = arith.constant 64 : i32
      %broadcast_in_dim3A_152 = vector.broadcast %jit3A_151 : i32 to vector<128x64xi32>
      %select_n3A_153 = arith.select %eq3A_150, %iota3A, %broadcast_in_dim3A_152 : vector<128x64xi1>, vector<128x64xi32>
      %reduce_min3A_154 = arith.constant dense<2147483647> : vector<128xi32>
      %reduce_min3A_155 = vector.multi_reduction <minsi>, %select_n3A_153, %reduce_min3A_154 [1] : vector<128x64xi32> to vector<128xi32>
      %broadcast_in_dim3A_156 = vector.shape_cast %reduce_min3A_155 : vector<128xi32> to vector<128x1xi32>
      %eq3A_157 = vector.broadcast %broadcast_in_dim3A_156 : vector<128x1xi32> to vector<128x64xi32>
      %eq3A_158 = arith.cmpi eq, %iota3A, %eq3A_157 : vector<128x64xi32>
      %jit3A_159 = arith.constant -1.000000e+00 : f32
      %broadcast_in_dim3A_160 = vector.broadcast %jit3A_159 : f32 to vector<128x64xf32>
      %select_n3A_161 = arith.select %eq3A_158, %broadcast_in_dim3A_160, %select_n3A_145 : vector<128x64xi1>, vector<128x64xf32>
      %reduce_max3A_162 = arith.constant dense<0xFF800000> : vector<128xf32>
      %reduce_max3A_163 = vector.multi_reduction <maximumf>, %select_n3A_161, %reduce_max3A_162 [1] : vector<128x64xf32> to vector<128xf32>
      %broadcast_in_dim3A_164 = vector.shape_cast %reduce_max3A_163 : vector<128xf32> to vector<128x1xf32>
      %eq3A_165 = vector.broadcast %broadcast_in_dim3A_164 : vector<128x1xf32> to vector<128x64xf32>
      %eq3A_166 = arith.cmpf oeq, %select_n3A_161, %eq3A_165 : vector<128x64xf32>
      %jit3A_167 = arith.constant 64 : i32
      %broadcast_in_dim3A_168 = vector.broadcast %jit3A_167 : i32 to vector<128x64xi32>
      %select_n3A_169 = arith.select %eq3A_166, %iota3A, %broadcast_in_dim3A_168 : vector<128x64xi1>, vector<128x64xi32>
      %reduce_min3A_170 = arith.constant dense<2147483647> : vector<128xi32>
      %reduce_min3A_171 = vector.multi_reduction <minsi>, %select_n3A_169, %reduce_min3A_170 [1] : vector<128x64xi32> to vector<128xi32>
      %broadcast_in_dim3A_172 = vector.shape_cast %reduce_min3A_171 : vector<128xi32> to vector<128x1xi32>
      %iota3A_173 = tpu.iota {dimensions = array<i32: 0>} : vector<128x1xi32>
      %mul3A_174 = arith.constant 128 : i32
      %mul3A_175 = arith.muli %arg1, %mul3A_174 : i32
      %add3A_176 = vector.broadcast %mul3A_175 : i32 to vector<128x1xi32>
      %add3A_177 = arith.addi %iota3A_173, %add3A_176 : vector<128x1xi32>
      %iota3A_178 = tpu.iota {dimensions = array<i32: 1>} : vector<128x16xi32>
      %broadcast_in_dim3A_179 = vector.shape_cast %add3A_177 : vector<128x1xi32> to vector<128x1xi32>
      %broadcast_in_dim3A_180 = vector.broadcast %broadcast_in_dim3A_179 : vector<128x1xi32> to vector<128x16xi32>
      %eq3A_181 = arith.constant 0 : i32
      %eq3A_182 = vector.broadcast %eq3A_181 : i32 to vector<128x16xi32>
      %eq3A_183 = arith.cmpi eq, %iota3A_178, %eq3A_182 : vector<128x16xi32>
      %mul3A_184 = arith.constant 1024 : i32
      %mul3A_185 = vector.broadcast %mul3A_184 : i32 to vector<128x1xi32>
      %mul3A_186 = arith.muli %broadcast_in_dim3A_60, %mul3A_185 : vector<128x1xi32>
      %add3A_187 = arith.addi %mul3A_186, %add3A_177 : vector<128x1xi32>
      %broadcast_in_dim3A_188 = vector.shape_cast %add3A_187 : vector<128x1xi32> to vector<128x1xi32>
      %broadcast_in_dim3A_189 = vector.broadcast %broadcast_in_dim3A_188 : vector<128x1xi32> to vector<128x16xi32>
      %select_n3A_190 = arith.select %eq3A_183, %broadcast_in_dim3A_189, %broadcast_in_dim3A_180 : vector<128x16xi1>, vector<128x16xi32>
      %eq3A_191 = arith.constant 1 : i32
      %eq3A_192 = vector.broadcast %eq3A_191 : i32 to vector<128x16xi32>
      %eq3A_193 = arith.cmpi eq, %iota3A_178, %eq3A_192 : vector<128x16xi32>
      %mul3A_194 = arith.constant 1024 : i32
      %mul3A_195 = vector.broadcast %mul3A_194 : i32 to vector<128x1xi32>
      %mul3A_196 = arith.muli %broadcast_in_dim3A_76, %mul3A_195 : vector<128x1xi32>
      %add3A_197 = arith.addi %mul3A_196, %add3A_177 : vector<128x1xi32>
      %broadcast_in_dim3A_198 = vector.shape_cast %add3A_197 : vector<128x1xi32> to vector<128x1xi32>
      %broadcast_in_dim3A_199 = vector.broadcast %broadcast_in_dim3A_198 : vector<128x1xi32> to vector<128x16xi32>
      %select_n3A_200 = arith.select %eq3A_193, %broadcast_in_dim3A_199, %select_n3A_190 : vector<128x16xi1>, vector<128x16xi32>
      %eq3A_201 = arith.constant 2 : i32
      %eq3A_202 = vector.broadcast %eq3A_201 : i32 to vector<128x16xi32>
      %eq3A_203 = arith.cmpi eq, %iota3A_178, %eq3A_202 : vector<128x16xi32>
      %mul3A_204 = arith.constant 1024 : i32
      %mul3A_205 = vector.broadcast %mul3A_204 : i32 to vector<128x1xi32>
      %mul3A_206 = arith.muli %broadcast_in_dim3A_92, %mul3A_205 : vector<128x1xi32>
      %add3A_207 = arith.addi %mul3A_206, %add3A_177 : vector<128x1xi32>
      %broadcast_in_dim3A_208 = vector.shape_cast %add3A_207 : vector<128x1xi32> to vector<128x1xi32>
      %broadcast_in_dim3A_209 = vector.broadcast %broadcast_in_dim3A_208 : vector<128x1xi32> to vector<128x16xi32>
      %select_n3A_210 = arith.select %eq3A_203, %broadcast_in_dim3A_209, %select_n3A_200 : vector<128x16xi1>, vector<128x16xi32>
      %eq3A_211 = arith.constant 3 : i32
      %eq3A_212 = vector.broadcast %eq3A_211 : i32 to vector<128x16xi32>
      %eq3A_213 = arith.cmpi eq, %iota3A_178, %eq3A_212 : vector<128x16xi32>
      %mul3A_214 = arith.constant 1024 : i32
      %mul3A_215 = vector.broadcast %mul3A_214 : i32 to vector<128x1xi32>
      %mul3A_216 = arith.muli %broadcast_in_dim3A_108, %mul3A_215 : vector<128x1xi32>
      %add3A_217 = arith.addi %mul3A_216, %add3A_177 : vector<128x1xi32>
      %broadcast_in_dim3A_218 = vector.shape_cast %add3A_217 : vector<128x1xi32> to vector<128x1xi32>
      %broadcast_in_dim3A_219 = vector.broadcast %broadcast_in_dim3A_218 : vector<128x1xi32> to vector<128x16xi32>
      %select_n3A_220 = arith.select %eq3A_213, %broadcast_in_dim3A_219, %select_n3A_210 : vector<128x16xi1>, vector<128x16xi32>
      %eq3A_221 = arith.constant 4 : i32
      %eq3A_222 = vector.broadcast %eq3A_221 : i32 to vector<128x16xi32>
      %eq3A_223 = arith.cmpi eq, %iota3A_178, %eq3A_222 : vector<128x16xi32>
      %mul3A_224 = arith.constant 1024 : i32
      %mul3A_225 = vector.broadcast %mul3A_224 : i32 to vector<128x1xi32>
      %mul3A_226 = arith.muli %broadcast_in_dim3A_124, %mul3A_225 : vector<128x1xi32>
      %add3A_227 = arith.addi %mul3A_226, %add3A_177 : vector<128x1xi32>
      %broadcast_in_dim3A_228 = vector.shape_cast %add3A_227 : vector<128x1xi32> to vector<128x1xi32>
      %broadcast_in_dim3A_229 = vector.broadcast %broadcast_in_dim3A_228 : vector<128x1xi32> to vector<128x16xi32>
      %select_n3A_230 = arith.select %eq3A_223, %broadcast_in_dim3A_229, %select_n3A_220 : vector<128x16xi1>, vector<128x16xi32>
      %eq3A_231 = arith.constant 5 : i32
      %eq3A_232 = vector.broadcast %eq3A_231 : i32 to vector<128x16xi32>
      %eq3A_233 = arith.cmpi eq, %iota3A_178, %eq3A_232 : vector<128x16xi32>
      %mul3A_234 = arith.constant 1024 : i32
      %mul3A_235 = vector.broadcast %mul3A_234 : i32 to vector<128x1xi32>
      %mul3A_236 = arith.muli %broadcast_in_dim3A_140, %mul3A_235 : vector<128x1xi32>
      %add3A_237 = arith.addi %mul3A_236, %add3A_177 : vector<128x1xi32>
      %broadcast_in_dim3A_238 = vector.shape_cast %add3A_237 : vector<128x1xi32> to vector<128x1xi32>
      %broadcast_in_dim3A_239 = vector.broadcast %broadcast_in_dim3A_238 : vector<128x1xi32> to vector<128x16xi32>
      %select_n3A_240 = arith.select %eq3A_233, %broadcast_in_dim3A_239, %select_n3A_230 : vector<128x16xi1>, vector<128x16xi32>
      %eq3A_241 = arith.constant 6 : i32
      %eq3A_242 = vector.broadcast %eq3A_241 : i32 to vector<128x16xi32>
      %eq3A_243 = arith.cmpi eq, %iota3A_178, %eq3A_242 : vector<128x16xi32>
      %mul3A_244 = arith.constant 1024 : i32
      %mul3A_245 = vector.broadcast %mul3A_244 : i32 to vector<128x1xi32>
      %mul3A_246 = arith.muli %broadcast_in_dim3A_156, %mul3A_245 : vector<128x1xi32>
      %add3A_247 = arith.addi %mul3A_246, %add3A_177 : vector<128x1xi32>
      %broadcast_in_dim3A_248 = vector.shape_cast %add3A_247 : vector<128x1xi32> to vector<128x1xi32>
      %broadcast_in_dim3A_249 = vector.broadcast %broadcast_in_dim3A_248 : vector<128x1xi32> to vector<128x16xi32>
      %select_n3A_250 = arith.select %eq3A_243, %broadcast_in_dim3A_249, %select_n3A_240 : vector<128x16xi1>, vector<128x16xi32>
      %eq3A_251 = arith.constant 7 : i32
      %eq3A_252 = vector.broadcast %eq3A_251 : i32 to vector<128x16xi32>
      %eq3A_253 = arith.cmpi eq, %iota3A_178, %eq3A_252 : vector<128x16xi32>
      %mul3A_254 = arith.constant 1024 : i32
      %mul3A_255 = vector.broadcast %mul3A_254 : i32 to vector<128x1xi32>
      %mul3A_256 = arith.muli %broadcast_in_dim3A_172, %mul3A_255 : vector<128x1xi32>
      %add3A_257 = arith.addi %mul3A_256, %add3A_177 : vector<128x1xi32>
      %broadcast_in_dim3A_258 = vector.shape_cast %add3A_257 : vector<128x1xi32> to vector<128x1xi32>
      %broadcast_in_dim3A_259 = vector.broadcast %broadcast_in_dim3A_258 : vector<128x1xi32> to vector<128x16xi32>
      %select_n3A_260 = arith.select %eq3A_253, %broadcast_in_dim3A_259, %select_n3A_250 : vector<128x16xi1>, vector<128x16xi32>
      %swap3A_261 = arith.constant 0 : index
      %swap3A_262 = arith.constant 0 : index
      %swap3A_263 = vector.load %arg13[%swap3A_261, %swap3A_262] : memref<128x16xi32, #tpu.memory_space<vmem>>, vector<128x16xi32>
      tpu.vector_store %arg13[%swap3A_261, %swap3A_262], %select_n3A_260 {strides = array<i32>} : memref<128x16xi32, #tpu.memory_space<vmem>>, vector<128x16xi32>,
      %get3A_264 = arith.constant 0 : index
      %get3A_265 = arith.constant 0 : index
      %get3A_266 = vector.load %arg10[%get3A_264, %get3A_265] : memref<128x32xi32, #tpu.memory_space<vmem>>, vector<128x32xi32>
      %shift_right_logical3A = arith.constant 6 : i32
      %shift_right_logical3A_267 = vector.broadcast %shift_right_logical3A : i32 to vector<128x32xi32>
      %shift_right_logical3A_268 = arith.shrui %get3A_266, %shift_right_logical3A_267 : vector<128x32xi32>
      %mul3A_269 = arith.constant 131072 : i32
      %mul3A_270 = vector.broadcast %mul3A_269 : i32 to vector<128x32xi32>
      %mul3A_271 = arith.muli %shift_right_logical3A_268, %mul3A_270 : vector<128x32xi32>
      %mul3A_272 = arith.constant 128 : i32
      %mul3A_273 = vector.broadcast %mul3A_272 : i32 to vector<128x1xi32>
      %mul3A_274 = arith.muli %add3A_177, %mul3A_273 : vector<128x1xi32>
      %add3A_275 = vector.broadcast %mul3A_274 : vector<128x1xi32> to vector<128x32xi32>
      %add3A_276 = arith.addi %mul3A_271, %add3A_275 : vector<128x32xi32>
      %and3A = arith.constant 63 : i32
      %and3A_277 = vector.broadcast %and3A : i32 to vector<128x32xi32>
      %and3A_278 = arith.andi %get3A_266, %and3A_277 : vector<128x32xi32>
      %add3A_279 = arith.addi %add3A_276, %and3A_278 : vector<128x32xi32>
      %swap3A_280 = arith.constant 0 : index
      %swap3A_281 = arith.constant 0 : index
      %swap3A_282 = vector.load %arg14[%swap3A_280, %swap3A_281] : memref<128x32xi32, #tpu.memory_space<vmem>>, vector<128x32xi32>
      tpu.vector_store %arg14[%swap3A_280, %swap3A_281], %add3A_279 {strides = array<i32>} : memref<128x32xi32, #tpu.memory_space<vmem>>, vector<128x32xi32>,
      %get3A_283 = arith.constant 0 : index
      %get3A_284 = arith.constant 0 : index
      %get3A_285 = vector.load %arg9[%get3A_283, %get3A_284] : memref<64x4096xf32, #tpu.memory_space<vmem>>, vector<64x4096xf32>
      %dot_general3A_286 = arith.constant dense<0.000000e+00> : vector<128x4096xf32>
      %dot_general3A_287 = tpu.matmul %div3A_54, %get3A_285, %dot_general3A_286 {dimension_numbers = #tpu.dot_dimension_numbers<[1], [0], [0], [1], [0, 0, 1, 1], [], []>, transpose_lhs_hint = false} : vector<128x64xf32>, vector<64x4096xf32>, vector<128x4096xf32> -> vector<128x4096xf32>
      %slice3A = vector.extract_strided_slice %dot_general3A_287 {offsets = [0, 0], sizes = [128, 64], strides = [1, 1]} : vector<128x4096xf32> to vector<128x64xf32>
      %concatenate3A = tpu.concatenate %slice3A, %slice3A in 1 : vector<128x64xf32>, vector<128x64xf32> -> vector<128x128xf32>
      %swap3A_288 = arith.constant 0 : index
      %swap3A_289 = arith.constant 0 : index
      %swap3A_290 = arith.constant 0 : index
      %swap3A_291 = vector.load %arg12[%swap3A_288, %swap3A_289, %swap3A_290] : memref<64x128x128xf32, #tpu.memory_space<vmem>>, vector<1x128x128xf32>
      %swap3A_292 = vector.shape_cast %swap3A_291 : vector<1x128x128xf32> to vector<128x128xf32>
      %swap3A_293 = vector.shape_cast %concatenate3A : vector<128x128xf32> to vector<1x128x128xf32>
      tpu.vector_store %arg12[%swap3A_288, %swap3A_289, %swap3A_290], %swap3A_293 {strides = array<i32>} : memref<64x128x128xf32, #tpu.memory_space<vmem>>, vector<1x128x128xf32>,
      %slice3A_294 = vector.extract_strided_slice %dot_general3A_287 {offsets = [0, 64], sizes = [128, 64], strides = [1, 1]} : vector<128x4096xf32> to vector<128x64xf32>
      %concatenate3A_295 = tpu.concatenate %slice3A_294, %slice3A_294 in 1 : vector<128x64xf32>, vector<128x64xf32> -> vector<128x128xf32>
      %swap3A_296 = arith.constant 1 : index
      %swap3A_297 = arith.constant 0 : index
      %swap3A_298 = arith.constant 0 : index
      %swap3A_299 = vector.load %arg12[%swap3A_296, %swap3A_297, %swap3A_298] : memref<64x128x128xf32, #tpu.memory_space<vmem>>, vector<1x128x128xf32>
      %swap3A_300 = vector.shape_cast %swap3A_299 : vector<1x128x128xf32> to vector<128x128xf32>
      %swap3A_301 = vector.shape_cast %concatenate3A_295 : vector<128x128xf32> to vector<1x128x128xf32>
      tpu.vector_store %arg12[%swap3A_296, %swap3A_297, %swap3A_298], %swap3A_301 {strides = array<i32>} : memref<64x128x128xf32, #tpu.memory_space<vmem>>, vector<1x128x128xf32>,
      %slice3A_302 = vector.extract_strided_slice %dot_general3A_287 {offsets = [0, 128], sizes = [128, 64], strides = [1, 1]} : vector<128x4096xf32> to vector<128x64xf32>
      %concatenate3A_303 = tpu.concatenate %slice3A_302, %slice3A_302 in 1 : vector<128x64xf32>, vector<128x64xf32> -> vector<128x128xf32>
      %swap3A_304 = arith.constant 2 : index
      %swap3A_305 = arith.constant 0 : index
      %swap3A_306 = arith.constant 0 : index
      %swap3A_307 = vector.load %arg12[%swap3A_304, %swap3A_305, %swap3A_306] : memref<64x128x128xf32, #tpu.memory_space<vmem>>, vector<1x128x128xf32>
      %swap3A_308 = vector.shape_cast %swap3A_307 : vector<1x128x128xf32> to vector<128x128xf32>
      %swap3A_309 = vector.shape_cast %concatenate3A_303 : vector<128x128xf32> to vector<1x128x128xf32>
      tpu.vector_store %arg12[%swap3A_304, %swap3A_305, %swap3A_306], %swap3A_309 {strides = array<i32>} : memref<64x128x128xf32, #tpu.memory_space<vmem>>, vector<1x128x128xf32>,
      %slice3A_310 = vector.extract_strided_slice %dot_general3A_287 {offsets = [0, 192], sizes = [128, 64], strides = [1, 1]} : vector<128x4096xf32> to vector<128x64xf32>
      %concatenate3A_311 = tpu.concatenate %slice3A_310, %slice3A_310 in 1 : vector<128x64xf32>, vector<128x64xf32> -> vector<128x128xf32>
      %swap3A_312 = arith.constant 3 : index
      %swap3A_313 = arith.constant 0 : index
      %swap3A_314 = arith.constant 0 : index
      %swap3A_315 = vector.load %arg12[%swap3A_312, %swap3A_313, %swap3A_314] : memref<64x128x128xf32, #tpu.memory_space<vmem>>, vector<1x128x128xf32>
      %swap3A_316 = vector.shape_cast %swap3A_315 : vector<1x128x128xf32> to vector<128x128xf32>
      %swap3A_317 = vector.shape_cast %concatenate3A_311 : vector<128x128xf32> to vector<1x128x128xf32>
      tpu.vector_store %arg12[%swap3A_312, %swap3A_313, %swap3A_314], %swap3A_317 {strides = array<i32>} : memref<64x128x128xf32, #tpu.memory_space<vmem>>, vector<1x128x128xf32>,
      %slice3A_318 = vector.extract_strided_slice %dot_general3A_287 {offsets = [0, 256], sizes = [128, 64], strides = [1, 1]} : vector<128x4096xf32> to vector<128x64xf32>
      %concatenate3A_319 = tpu.concatenate %slice3A_318, %slice3A_318 in 1 : vector<128x64xf32>, vector<128x64xf32> -> vector<128x128xf32>
      %swap3A_320 = arith.constant 4 : index
      %swap3A_321 = arith.constant 0 : index
      %swap3A_322 = arith.constant 0 : index
      %swap3A_323 = vector.load %arg12[%swap3A_320, %swap3A_321, %swap3A_322] : memref<64x128x128xf32, #tpu.memory_space<vmem>>, vector<1x128x128xf32>
      %swap3A_324 = vector.shape_cast %swap3A_323 : vector<1x128x128xf32> to vector<128x128xf32>
      %swap3A_325 = vector.shape_cast %concatenate3A_319 : vector<128x128xf32> to vector<1x128x128xf32>
      tpu.vector_store %arg12[%swap3A_320, %swap3A_321, %swap3A_322], %swap3A_325 {strides = array<i32>} : memref<64x128x128xf32, #tpu.memory_space<vmem>>, vector<1x128x128xf32>,
      %slice3A_326 = vector.extract_strided_slice %dot_general3A_287 {offsets = [0, 320], sizes = [128, 64], strides = [1, 1]} : vector<128x4096xf32> to vector<128x64xf32>
      %concatenate3A_327 = tpu.concatenate %slice3A_326, %slice3A_326 in 1 : vector<128x64xf32>, vector<128x64xf32> -> vector<128x128xf32>
      %swap3A_328 = arith.constant 5 : index
      %swap3A_329 = arith.constant 0 : index
      %swap3A_330 = arith.constant 0 : index
      %swap3A_331 = vector.load %arg12[%swap3A_328, %swap3A_329, %swap3A_330] : memref<64x128x128xf32, #tpu.memory_space<vmem>>, vector<1x128x128xf32>
      %swap3A_332 = vector.shape_cast %swap3A_331 : vector<1x128x128xf32> to vector<128x128xf32>
      %swap3A_333 = vector.shape_cast %concatenate3A_327 : vector<128x128xf32> to vector<1x128x128xf32>
      tpu.vector_store %arg12[%swap3A_328, %swap3A_329, %swap3A_330], %swap3A_333 {strides = array<i32>} : memref<64x128x128xf32, #tpu.memory_space<vmem>>, vector<1x128x128xf32>,
      %slice3A_334 = vector.extract_strided_slice %dot_general3A_287 {offsets = [0, 384], sizes = [128, 64], strides = [1, 1]} : vector<128x4096xf32> to vector<128x64xf32>
      %concatenate3A_335 = tpu.concatenate %slice3A_334, %slice3A_334 in 1 : vector<128x64xf32>, vector<128x64xf32> -> vector<128x128xf32>
      %swap3A_336 = arith.constant 6 : index
      %swap3A_337 = arith.constant 0 : index
      %swap3A_338 = arith.constant 0 : index
      %swap3A_339 = vector.load %arg12[%swap3A_336, %swap3A_337, %swap3A_338] : memref<64x128x128xf32, #tpu.memory_space<vmem>>, vector<1x128x128xf32>
      %swap3A_340 = vector.shape_cast %swap3A_339 : vector<1x128x128xf32> to vector<128x128xf32>
      %swap3A_341 = vector.shape_cast %concatenate3A_335 : vector<128x128xf32> to vector<1x128x128xf32>
      tpu.vector_store %arg12[%swap3A_336, %swap3A_337, %swap3A_338], %swap3A_341 {strides = array<i32>} : memref<64x128x128xf32, #tpu.memory_space<vmem>>, vector<1x128x128xf32>,
      %slice3A_342 = vector.extract_strided_slice %dot_general3A_287 {offsets = [0, 448], sizes = [128, 64], strides = [1, 1]} : vector<128x4096xf32> to vector<128x64xf32>
      %concatenate3A_343 = tpu.concatenate %slice3A_342, %slice3A_342 in 1 : vector<128x64xf32>, vector<128x64xf32> -> vector<128x128xf32>
      %swap3A_344 = arith.constant 7 : index
      %swap3A_345 = arith.constant 0 : index
      %swap3A_346 = arith.constant 0 : index
      %swap3A_347 = vector.load %arg12[%swap3A_344, %swap3A_345, %swap3A_346] : memref<64x128x128xf32, #tpu.memory_space<vmem>>, vector<1x128x128xf32>
      %swap3A_348 = vector.shape_cast %swap3A_347 : vector<1x128x128xf32> to vector<128x128xf32>
      %swap3A_349 = vector.shape_cast %concatenate3A_343 : vector<128x128xf32> to vector<1x128x128xf32>
      tpu.vector_store %arg12[%swap3A_344, %swap3A_345, %swap3A_346], %swap3A_349 {strides = array<i32>} : memref<64x128x128xf32, #tpu.memory_space<vmem>>, vector<1x128x128xf32>,
      %slice3A_350 = vector.extract_strided_slice %dot_general3A_287 {offsets = [0, 512], sizes = [128, 64], strides = [1, 1]} : vector<128x4096xf32> to vector<128x64xf32>
      %concatenate3A_351 = tpu.concatenate %slice3A_350, %slice3A_350 in 1 : vector<128x64xf32>, vector<128x64xf32> -> vector<128x128xf32>
      %swap3A_352 = arith.constant 8 : index
      %swap3A_353 = arith.constant 0 : index
      %swap3A_354 = arith.constant 0 : index
      %swap3A_355 = vector.load %arg12[%swap3A_352, %swap3A_353, %swap3A_354] : memref<64x128x128xf32, #tpu.memory_space<vmem>>, vector<1x128x128xf32>
      %swap3A_356 = vector.shape_cast %swap3A_355 : vector<1x128x128xf32> to vector<128x128xf32>
      %swap3A_357 = vector.shape_cast %concatenate3A_351 : vector<128x128xf32> to vector<1x128x128xf32>
      tpu.vector_store %arg12[%swap3A_352, %swap3A_353, %swap3A_354], %swap3A_357 {strides = array<i32>} : memref<64x128x128xf32, #tpu.memory_space<vmem>>, vector<1x128x128xf32>,
      %slice3A_358 = vector.extract_strided_slice %dot_general3A_287 {offsets = [0, 576], sizes = [128, 64], strides = [1, 1]} : vector<128x4096xf32> to vector<128x64xf32>
      %concatenate3A_359 = tpu.concatenate %slice3A_358, %slice3A_358 in 1 : vector<128x64xf32>, vector<128x64xf32> -> vector<128x128xf32>
      %swap3A_360 = arith.constant 9 : index
      %swap3A_361 = arith.constant 0 : index
      %swap3A_362 = arith.constant 0 : index
      %swap3A_363 = vector.load %arg12[%swap3A_360, %swap3A_361, %swap3A_362] : memref<64x128x128xf32, #tpu.memory_space<vmem>>, vector<1x128x128xf32>
      %swap3A_364 = vector.shape_cast %swap3A_363 : vector<1x128x128xf32> to vector<128x128xf32>
      %swap3A_365 = vector.shape_cast %concatenate3A_359 : vector<128x128xf32> to vector<1x128x128xf32>
      tpu.vector_store %arg12[%swap3A_360, %swap3A_361, %swap3A_362], %swap3A_365 {strides = array<i32>} : memref<64x128x128xf32, #tpu.memory_space<vmem>>, vector<1x128x128xf32>,
      %slice3A_366 = vector.extract_strided_slice %dot_general3A_287 {offsets = [0, 640], sizes = [128, 64], strides = [1, 1]} : vector<128x4096xf32> to vector<128x64xf32>
      %concatenate3A_367 = tpu.concatenate %slice3A_366, %slice3A_366 in 1 : vector<128x64xf32>, vector<128x64xf32> -> vector<128x128xf32>
      %swap3A_368 = arith.constant 10 : index
      %swap3A_369 = arith.constant 0 : index
      %swap3A_370 = arith.constant 0 : index
      %swap3A_371 = vector.load %arg12[%swap3A_368, %swap3A_369, %swap3A_370] : memref<64x128x128xf32, #tpu.memory_space<vmem>>, vector<1x128x128xf32>
      %swap3A_372 = vector.shape_cast %swap3A_371 : vector<1x128x128xf32> to vector<128x128xf32>
      %swap3A_373 = vector.shape_cast %concatenate3A_367 : vector<128x128xf32> to vector<1x128x128xf32>
      tpu.vector_store %arg12[%swap3A_368, %swap3A_369, %swap3A_370], %swap3A_373 {strides = array<i32>} : memref<64x128x128xf32, #tpu.memory_space<vmem>>, vector<1x128x128xf32>,
      %slice3A_374 = vector.extract_strided_slice %dot_general3A_287 {offsets = [0, 704], sizes = [128, 64], strides = [1, 1]} : vector<128x4096xf32> to vector<128x64xf32>
      %concatenate3A_375 = tpu.concatenate %slice3A_374, %slice3A_374 in 1 : vector<128x64xf32>, vector<128x64xf32> -> vector<128x128xf32>
      %swap3A_376 = arith.constant 11 : index
      %swap3A_377 = arith.constant 0 : index
      %swap3A_378 = arith.constant 0 : index
      %swap3A_379 = vector.load %arg12[%swap3A_376, %swap3A_377, %swap3A_378] : memref<64x128x128xf32, #tpu.memory_space<vmem>>, vector<1x128x128xf32>
      %swap3A_380 = vector.shape_cast %swap3A_379 : vector<1x128x128xf32> to vector<128x128xf32>
      %swap3A_381 = vector.shape_cast %concatenate3A_375 : vector<128x128xf32> to vector<1x128x128xf32>
      tpu.vector_store %arg12[%swap3A_376, %swap3A_377, %swap3A_378], %swap3A_381 {strides = array<i32>} : memref<64x128x128xf32, #tpu.memory_space<vmem>>, vector<1x128x128xf32>,
      %slice3A_382 = vector.extract_strided_slice %dot_general3A_287 {offsets = [0, 768], sizes = [128, 64], strides = [1, 1]} : vector<128x4096xf32> to vector<128x64xf32>
      %concatenate3A_383 = tpu.concatenate %slice3A_382, %slice3A_382 in 1 : vector<128x64xf32>, vector<128x64xf32> -> vector<128x128xf32>
      %swap3A_384 = arith.constant 12 : index
      %swap3A_385 = arith.constant 0 : index
      %swap3A_386 = arith.constant 0 : index
      %swap3A_387 = vector.load %arg12[%swap3A_384, %swap3A_385, %swap3A_386] : memref<64x128x128xf32, #tpu.memory_space<vmem>>, vector<1x128x128xf32>
      %swap3A_388 = vector.shape_cast %swap3A_387 : vector<1x128x128xf32> to vector<128x128xf32>
      %swap3A_389 = vector.shape_cast %concatenate3A_383 : vector<128x128xf32> to vector<1x128x128xf32>
      tpu.vector_store %arg12[%swap3A_384, %swap3A_385, %swap3A_386], %swap3A_389 {strides = array<i32>} : memref<64x128x128xf32, #tpu.memory_space<vmem>>, vector<1x128x128xf32>,
      %slice3A_390 = vector.extract_strided_slice %dot_general3A_287 {offsets = [0, 832], sizes = [128, 64], strides = [1, 1]} : vector<128x4096xf32> to vector<128x64xf32>
      %concatenate3A_391 = tpu.concatenate %slice3A_390, %slice3A_390 in 1 : vector<128x64xf32>, vector<128x64xf32> -> vector<128x128xf32>
      %swap3A_392 = arith.constant 13 : index
      %swap3A_393 = arith.constant 0 : index
      %swap3A_394 = arith.constant 0 : index
      %swap3A_395 = vector.load %arg12[%swap3A_392, %swap3A_393, %swap3A_394] : memref<64x128x128xf32, #tpu.memory_space<vmem>>, vector<1x128x128xf32>
      %swap3A_396 = vector.shape_cast %swap3A_395 : vector<1x128x128xf32> to vector<128x128xf32>
      %swap3A_397 = vector.shape_cast %concatenate3A_391 : vector<128x128xf32> to vector<1x128x128xf32>
      tpu.vector_store %arg12[%swap3A_392, %swap3A_393, %swap3A_394], %swap3A_397 {strides = array<i32>} : memref<64x128x128xf32, #tpu.memory_space<vmem>>, vector<1x128x128xf32>,
      %slice3A_398 = vector.extract_strided_slice %dot_general3A_287 {offsets = [0, 896], sizes = [128, 64], strides = [1, 1]} : vector<128x4096xf32> to vector<128x64xf32>
      %concatenate3A_399 = tpu.concatenate %slice3A_398, %slice3A_398 in 1 : vector<128x64xf32>, vector<128x64xf32> -> vector<128x128xf32>
      %swap3A_400 = arith.constant 14 : index
      %swap3A_401 = arith.constant 0 : index
      %swap3A_402 = arith.constant 0 : index
      %swap3A_403 = vector.load %arg12[%swap3A_400, %swap3A_401, %swap3A_402] : memref<64x128x128xf32, #tpu.memory_space<vmem>>, vector<1x128x128xf32>
      %swap3A_404 = vector.shape_cast %swap3A_403 : vector<1x128x128xf32> to vector<128x128xf32>
      %swap3A_405 = vector.shape_cast %concatenate3A_399 : vector<128x128xf32> to vector<1x128x128xf32>
      tpu.vector_store %arg12[%swap3A_400, %swap3A_401, %swap3A_402], %swap3A_405 {strides = array<i32>} : memref<64x128x128xf32, #tpu.memory_space<vmem>>, vector<1x128x128xf32>,
      %slice3A_406 = vector.extract_strided_slice %dot_general3A_287 {offsets = [0, 960], sizes = [128, 64], strides = [1, 1]} : vector<128x4096xf32> to vector<128x64xf32>
      %concatenate3A_407 = tpu.concatenate %slice3A_406, %slice3A_406 in 1 : vector<128x64xf32>, vector<128x64xf32> -> vector<128x128xf32>
      %swap3A_408 = arith.constant 15 : index
      %swap3A_409 = arith.constant 0 : index
      %swap3A_410 = arith.constant 0 : index
      %swap3A_411 = vector.load %arg12[%swap3A_408, %swap3A_409, %swap3A_410] : memref<64x128x128xf32, #tpu.memory_space<vmem>>, vector<1x128x128xf32>
      %swap3A_412 = vector.shape_cast %swap3A_411 : vector<1x128x128xf32> to vector<128x128xf32>
      %swap3A_413 = vector.shape_cast %concatenate3A_407 : vector<128x128xf32> to vector<1x128x128xf32>
      tpu.vector_store %arg12[%swap3A_408, %swap3A_409, %swap3A_410], %swap3A_413 {strides = array<i32>} : memref<64x128x128xf32, #tpu.memory_space<vmem>>, vector<1x128x128xf32>,
      %slice3A_414 = vector.extract_strided_slice %dot_general3A_287 {offsets = [0, 1024], sizes = [128, 64], strides = [1, 1]} : vector<128x4096xf32> to vector<128x64xf32>
      %concatenate3A_415 = tpu.concatenate %slice3A_414, %slice3A_414 in 1 : vector<128x64xf32>, vector<128x64xf32> -> vector<128x128xf32>
      %swap3A_416 = arith.constant 16 : index
      %swap3A_417 = arith.constant 0 : index
      %swap3A_418 = arith.constant 0 : index
      %swap3A_419 = vector.load %arg12[%swap3A_416, %swap3A_417, %swap3A_418] : memref<64x128x128xf32, #tpu.memory_space<vmem>>, vector<1x128x128xf32>
      %swap3A_420 = vector.shape_cast %swap3A_419 : vector<1x128x128xf32> to vector<128x128xf32>
      %swap3A_421 = vector.shape_cast %concatenate3A_415 : vector<128x128xf32> to vector<1x128x128xf32>
      tpu.vector_store %arg12[%swap3A_416, %swap3A_417, %swap3A_418], %swap3A_421 {strides = array<i32>} : memref<64x128x128xf32, #tpu.memory_space<vmem>>, vector<1x128x128xf32>,
      %slice3A_422 = vector.extract_strided_slice %dot_general3A_287 {offsets = [0, 1088], sizes = [128, 64], strides = [1, 1]} : vector<128x4096xf32> to vector<128x64xf32>
      %concatenate3A_423 = tpu.concatenate %slice3A_422, %slice3A_422 in 1 : vector<128x64xf32>, vector<128x64xf32> -> vector<128x128xf32>
      %swap3A_424 = arith.constant 17 : index
      %swap3A_425 = arith.constant 0 : index
      %swap3A_426 = arith.constant 0 : index
      %swap3A_427 = vector.load %arg12[%swap3A_424, %swap3A_425, %swap3A_426] : memref<64x128x128xf32, #tpu.memory_space<vmem>>, vector<1x128x128xf32>
      %swap3A_428 = vector.shape_cast %swap3A_427 : vector<1x128x128xf32> to vector<128x128xf32>
      %swap3A_429 = vector.shape_cast %concatenate3A_423 : vector<128x128xf32> to vector<1x128x128xf32>
      tpu.vector_store %arg12[%swap3A_424, %swap3A_425, %swap3A_426], %swap3A_429 {strides = array<i32>} : memref<64x128x128xf32, #tpu.memory_space<vmem>>, vector<1x128x128xf32>,
      %slice3A_430 = vector.extract_strided_slice %dot_general3A_287 {offsets = [0, 1152], sizes = [128, 64], strides = [1, 1]} : vector<128x4096xf32> to vector<128x64xf32>
      %concatenate3A_431 = tpu.concatenate %slice3A_430, %slice3A_430 in 1 : vector<128x64xf32>, vector<128x64xf32> -> vector<128x128xf32>
      %swap3A_432 = arith.constant 18 : index
      %swap3A_433 = arith.constant 0 : index
      %swap3A_434 = arith.constant 0 : index
      %swap3A_435 = vector.load %arg12[%swap3A_432, %swap3A_433, %swap3A_434] : memref<64x128x128xf32, #tpu.memory_space<vmem>>, vector<1x128x128xf32>
      %swap3A_436 = vector.shape_cast %swap3A_435 : vector<1x128x128xf32> to vector<128x128xf32>
      %swap3A_437 = vector.shape_cast %concatenate3A_431 : vector<128x128xf32> to vector<1x128x128xf32>
      tpu.vector_store %arg12[%swap3A_432, %swap3A_433, %swap3A_434], %swap3A_437 {strides = array<i32>} : memref<64x128x128xf32, #tpu.memory_space<vmem>>, vector<1x128x128xf32>,
      %slice3A_438 = vector.extract_strided_slice %dot_general3A_287 {offsets = [0, 1216], sizes = [128, 64], strides = [1, 1]} : vector<128x4096xf32> to vector<128x64xf32>
      %concatenate3A_439 = tpu.concatenate %slice3A_438, %slice3A_438 in 1 : vector<128x64xf32>, vector<128x64xf32> -> vector<128x128xf32>
      %swap3A_440 = arith.constant 19 : index
      %swap3A_441 = arith.constant 0 : index
      %swap3A_442 = arith.constant 0 : index
      %swap3A_443 = vector.load %arg12[%swap3A_440, %swap3A_441, %swap3A_442] : memref<64x128x128xf32, #tpu.memory_space<vmem>>, vector<1x128x128xf32>
      %swap3A_444 = vector.shape_cast %swap3A_443 : vector<1x128x128xf32> to vector<128x128xf32>
      %swap3A_445 = vector.shape_cast %concatenate3A_439 : vector<128x128xf32> to vector<1x128x128xf32>
      tpu.vector_store %arg12[%swap3A_440, %swap3A_441, %swap3A_442], %swap3A_445 {strides = array<i32>} : memref<64x128x128xf32, #tpu.memory_space<vmem>>, vector<1x128x128xf32>,
      %slice3A_446 = vector.extract_strided_slice %dot_general3A_287 {offsets = [0, 1280], sizes = [128, 64], strides = [1, 1]} : vector<128x4096xf32> to vector<128x64xf32>
      %concatenate3A_447 = tpu.concatenate %slice3A_446, %slice3A_446 in 1 : vector<128x64xf32>, vector<128x64xf32> -> vector<128x128xf32>
      %swap3A_448 = arith.constant 20 : index
      %swap3A_449 = arith.constant 0 : index
      %swap3A_450 = arith.constant 0 : index
      %swap3A_451 = vector.load %arg12[%swap3A_448, %swap3A_449, %swap3A_450] : memref<64x128x128xf32, #tpu.memory_space<vmem>>, vector<1x128x128xf32>
      %swap3A_452 = vector.shape_cast %swap3A_451 : vector<1x128x128xf32> to vector<128x128xf32>
      %swap3A_453 = vector.shape_cast %concatenate3A_447 : vector<128x128xf32> to vector<1x128x128xf32>
      tpu.vector_store %arg12[%swap3A_448, %swap3A_449, %swap3A_450], %swap3A_453 {strides = array<i32>} : memref<64x128x128xf32, #tpu.memory_space<vmem>>, vector<1x128x128xf32>,
      %slice3A_454 = vector.extract_strided_slice %dot_general3A_287 {offsets = [0, 1344], sizes = [128, 64], strides = [1, 1]} : vector<128x4096xf32> to vector<128x64xf32>
      %concatenate3A_455 = tpu.concatenate %slice3A_454, %slice3A_454 in 1 : vector<128x64xf32>, vector<128x64xf32> -> vector<128x128xf32>
      %swap3A_456 = arith.constant 21 : index
      %swap3A_457 = arith.constant 0 : index
      %swap3A_458 = arith.constant 0 : index
      %swap3A_459 = vector.load %arg12[%swap3A_456, %swap3A_457, %swap3A_458] : memref<64x128x128xf32, #tpu.memory_space<vmem>>, vector<1x128x128xf32>
      %swap3A_460 = vector.shape_cast %swap3A_459 : vector<1x128x128xf32> to vector<128x128xf32>
      %swap3A_461 = vector.shape_cast %concatenate3A_455 : vector<128x128xf32> to vector<1x128x128xf32>
      tpu.vector_store %arg12[%swap3A_456, %swap3A_457, %swap3A_458], %swap3A_461 {strides = array<i32>} : memref<64x128x128xf32, #tpu.memory_space<vmem>>, vector<1x128x128xf32>,
      %slice3A_462 = vector.extract_strided_slice %dot_general3A_287 {offsets = [0, 1408], sizes = [128, 64], strides = [1, 1]} : vector<128x4096xf32> to vector<128x64xf32>
      %concatenate3A_463 = tpu.concatenate %slice3A_462, %slice3A_462 in 1 : vector<128x64xf32>, vector<128x64xf32> -> vector<128x128xf32>
      %swap3A_464 = arith.constant 22 : index
      %swap3A_465 = arith.constant 0 : index
      %swap3A_466 = arith.constant 0 : index
      %swap3A_467 = vector.load %arg12[%swap3A_464, %swap3A_465, %swap3A_466] : memref<64x128x128xf32, #tpu.memory_space<vmem>>, vector<1x128x128xf32>
      %swap3A_468 = vector.shape_cast %swap3A_467 : vector<1x128x128xf32> to vector<128x128xf32>
      %swap3A_469 = vector.shape_cast %concatenate3A_463 : vector<128x128xf32> to vector<1x128x128xf32>
      tpu.vector_store %arg12[%swap3A_464, %swap3A_465, %swap3A_466], %swap3A_469 {strides = array<i32>} : memref<64x128x128xf32, #tpu.memory_space<vmem>>, vector<1x128x128xf32>,
      %slice3A_470 = vector.extract_strided_slice %dot_general3A_287 {offsets = [0, 1472], sizes = [128, 64], strides = [1, 1]} : vector<128x4096xf32> to vector<128x64xf32>
      %concatenate3A_471 = tpu.concatenate %slice3A_470, %slice3A_470 in 1 : vector<128x64xf32>, vector<128x64xf32> -> vector<128x128xf32>
      %swap3A_472 = arith.constant 23 : index
      %swap3A_473 = arith.constant 0 : index
      %swap3A_474 = arith.constant 0 : index
      %swap3A_475 = vector.load %arg12[%swap3A_472, %swap3A_473, %swap3A_474] : memref<64x128x128xf32, #tpu.memory_space<vmem>>, vector<1x128x128xf32>
      %swap3A_476 = vector.shape_cast %swap3A_475 : vector<1x128x128xf32> to vector<128x128xf32>
      %swap3A_477 = vector.shape_cast %concatenate3A_471 : vector<128x128xf32> to vector<1x128x128xf32>
      tpu.vector_store %arg12[%swap3A_472, %swap3A_473, %swap3A_474], %swap3A_477 {strides = array<i32>} : memref<64x128x128xf32, #tpu.memory_space<vmem>>, vector<1x128x128xf32>,
      %slice3A_478 = vector.extract_strided_slice %dot_general3A_287 {offsets = [0, 1536], sizes = [128, 64], strides = [1, 1]} : vector<128x4096xf32> to vector<128x64xf32>
      %concatenate3A_479 = tpu.concatenate %slice3A_478, %slice3A_478 in 1 : vector<128x64xf32>, vector<128x64xf32> -> vector<128x128xf32>
      %swap3A_480 = arith.constant 24 : index
      %swap3A_481 = arith.constant 0 : index
      %swap3A_482 = arith.constant 0 : index
      %swap3A_483 = vector.load %arg12[%swap3A_480, %swap3A_481, %swap3A_482] : memref<64x128x128xf32, #tpu.memory_space<vmem>>, vector<1x128x128xf32>
      %swap3A_484 = vector.shape_cast %swap3A_483 : vector<1x128x128xf32> to vector<128x128xf32>
      %swap3A_485 = vector.shape_cast %concatenate3A_479 : vector<128x128xf32> to vector<1x128x128xf32>
      tpu.vector_store %arg12[%swap3A_480, %swap3A_481, %swap3A_482], %swap3A_485 {strides = array<i32>} : memref<64x128x128xf32, #tpu.memory_space<vmem>>, vector<1x128x128xf32>,
      %slice3A_486 = vector.extract_strided_slice %dot_general3A_287 {offsets = [0, 1600], sizes = [128, 64], strides = [1, 1]} : vector<128x4096xf32> to vector<128x64xf32>
      %concatenate3A_487 = tpu.concatenate %slice3A_486, %slice3A_486 in 1 : vector<128x64xf32>, vector<128x64xf32> -> vector<128x128xf32>
      %swap3A_488 = arith.constant 25 : index
      %swap3A_489 = arith.constant 0 : index
      %swap3A_490 = arith.constant 0 : index
      %swap3A_491 = vector.load %arg12[%swap3A_488, %swap3A_489, %swap3A_490] : memref<64x128x128xf32, #tpu.memory_space<vmem>>, vector<1x128x128xf32>
      %swap3A_492 = vector.shape_cast %swap3A_491 : vector<1x128x128xf32> to vector<128x128xf32>
      %swap3A_493 = vector.shape_cast %concatenate3A_487 : vector<128x128xf32> to vector<1x128x128xf32>
      tpu.vector_store %arg12[%swap3A_488, %swap3A_489, %swap3A_490], %swap3A_493 {strides = array<i32>} : memref<64x128x128xf32, #tpu.memory_space<vmem>>, vector<1x128x128xf32>,
      %slice3A_494 = vector.extract_strided_slice %dot_general3A_287 {offsets = [0, 1664], sizes = [128, 64], strides = [1, 1]} : vector<128x4096xf32> to vector<128x64xf32>
      %concatenate3A_495 = tpu.concatenate %slice3A_494, %slice3A_494 in 1 : vector<128x64xf32>, vector<128x64xf32> -> vector<128x128xf32>
      %swap3A_496 = arith.constant 26 : index
      %swap3A_497 = arith.constant 0 : index
      %swap3A_498 = arith.constant 0 : index
      %swap3A_499 = vector.load %arg12[%swap3A_496, %swap3A_497, %swap3A_498] : memref<64x128x128xf32, #tpu.memory_space<vmem>>, vector<1x128x128xf32>
      %swap3A_500 = vector.shape_cast %swap3A_499 : vector<1x128x128xf32> to vector<128x128xf32>
      %swap3A_501 = vector.shape_cast %concatenate3A_495 : vector<128x128xf32> to vector<1x128x128xf32>
      tpu.vector_store %arg12[%swap3A_496, %swap3A_497, %swap3A_498], %swap3A_501 {strides = array<i32>} : memref<64x128x128xf32, #tpu.memory_space<vmem>>, vector<1x128x128xf32>,
      %slice3A_502 = vector.extract_strided_slice %dot_general3A_287 {offsets = [0, 1728], sizes = [128, 64], strides = [1, 1]} : vector<128x4096xf32> to vector<128x64xf32>
      %concatenate3A_503 = tpu.concatenate %slice3A_502, %slice3A_502 in 1 : vector<128x64xf32>, vector<128x64xf32> -> vector<128x128xf32>
      %swap3A_504 = arith.constant 27 : index
      %swap3A_505 = arith.constant 0 : index
      %swap3A_506 = arith.constant 0 : index
      %swap3A_507 = vector.load %arg12[%swap3A_504, %swap3A_505, %swap3A_506] : memref<64x128x128xf32, #tpu.memory_space<vmem>>, vector<1x128x128xf32>
      %swap3A_508 = vector.shape_cast %swap3A_507 : vector<1x128x128xf32> to vector<128x128xf32>
      %swap3A_509 = vector.shape_cast %concatenate3A_503 : vector<128x128xf32> to vector<1x128x128xf32>
      tpu.vector_store %arg12[%swap3A_504, %swap3A_505, %swap3A_506], %swap3A_509 {strides = array<i32>} : memref<64x128x128xf32, #tpu.memory_space<vmem>>, vector<1x128x128xf32>,
      %slice3A_510 = vector.extract_strided_slice %dot_general3A_287 {offsets = [0, 1792], sizes = [128, 64], strides = [1, 1]} : vector<128x4096xf32> to vector<128x64xf32>
      %concatenate3A_511 = tpu.concatenate %slice3A_510, %slice3A_510 in 1 : vector<128x64xf32>, vector<128x64xf32> -> vector<128x128xf32>
      %swap3A_512 = arith.constant 28 : index
      %swap3A_513 = arith.constant 0 : index
      %swap3A_514 = arith.constant 0 : index
      %swap3A_515 = vector.load %arg12[%swap3A_512, %swap3A_513, %swap3A_514] : memref<64x128x128xf32, #tpu.memory_space<vmem>>, vector<1x128x128xf32>
      %swap3A_516 = vector.shape_cast %swap3A_515 : vector<1x128x128xf32> to vector<128x128xf32>
      %swap3A_517 = vector.shape_cast %concatenate3A_511 : vector<128x128xf32> to vector<1x128x128xf32>
      tpu.vector_store %arg12[%swap3A_512, %swap3A_513, %swap3A_514], %swap3A_517 {strides = array<i32>} : memref<64x128x128xf32, #tpu.memory_space<vmem>>, vector<1x128x128xf32>,
      %slice3A_518 = vector.extract_strided_slice %dot_general3A_287 {offsets = [0, 1856], sizes = [128, 64], strides = [1, 1]} : vector<128x4096xf32> to vector<128x64xf32>
      %concatenate3A_519 = tpu.concatenate %slice3A_518, %slice3A_518 in 1 : vector<128x64xf32>, vector<128x64xf32> -> vector<128x128xf32>
      %swap3A_520 = arith.constant 29 : index
      %swap3A_521 = arith.constant 0 : index
      %swap3A_522 = arith.constant 0 : index
      %swap3A_523 = vector.load %arg12[%swap3A_520, %swap3A_521, %swap3A_522] : memref<64x128x128xf32, #tpu.memory_space<vmem>>, vector<1x128x128xf32>
      %swap3A_524 = vector.shape_cast %swap3A_523 : vector<1x128x128xf32> to vector<128x128xf32>
      %swap3A_525 = vector.shape_cast %concatenate3A_519 : vector<128x128xf32> to vector<1x128x128xf32>
      tpu.vector_store %arg12[%swap3A_520, %swap3A_521, %swap3A_522], %swap3A_525 {strides = array<i32>} : memref<64x128x128xf32, #tpu.memory_space<vmem>>, vector<1x128x128xf32>,
      %slice3A_526 = vector.extract_strided_slice %dot_general3A_287 {offsets = [0, 1920], sizes = [128, 64], strides = [1, 1]} : vector<128x4096xf32> to vector<128x64xf32>
      %concatenate3A_527 = tpu.concatenate %slice3A_526, %slice3A_526 in 1 : vector<128x64xf32>, vector<128x64xf32> -> vector<128x128xf32>
      %swap3A_528 = arith.constant 30 : index
      %swap3A_529 = arith.constant 0 : index
      %swap3A_530 = arith.constant 0 : index
      %swap3A_531 = vector.load %arg12[%swap3A_528, %swap3A_529, %swap3A_530] : memref<64x128x128xf32, #tpu.memory_space<vmem>>, vector<1x128x128xf32>
      %swap3A_532 = vector.shape_cast %swap3A_531 : vector<1x128x128xf32> to vector<128x128xf32>
      %swap3A_533 = vector.shape_cast %concatenate3A_527 : vector<128x128xf32> to vector<1x128x128xf32>
      tpu.vector_store %arg12[%swap3A_528, %swap3A_529, %swap3A_530], %swap3A_533 {strides = array<i32>} : memref<64x128x128xf32, #tpu.memory_space<vmem>>, vector<1x128x128xf32>,
      %slice3A_534 = vector.extract_strided_slice %dot_general3A_287 {offsets = [0, 1984], sizes = [128, 64], strides = [1, 1]} : vector<128x4096xf32> to vector<128x64xf32>
      %concatenate3A_535 = tpu.concatenate %slice3A_534, %slice3A_534 in 1 : vector<128x64xf32>, vector<128x64xf32> -> vector<128x128xf32>
      %swap3A_536 = arith.constant 31 : index
      %swap3A_537 = arith.constant 0 : index
      %swap3A_538 = arith.constant 0 : index
      %swap3A_539 = vector.load %arg12[%swap3A_536, %swap3A_537, %swap3A_538] : memref<64x128x128xf32, #tpu.memory_space<vmem>>, vector<1x128x128xf32>
      %swap3A_540 = vector.shape_cast %swap3A_539 : vector<1x128x128xf32> to vector<128x128xf32>
      %swap3A_541 = vector.shape_cast %concatenate3A_535 : vector<128x128xf32> to vector<1x128x128xf32>
      tpu.vector_store %arg12[%swap3A_536, %swap3A_537, %swap3A_538], %swap3A_541 {strides = array<i32>} : memref<64x128x128xf32, #tpu.memory_space<vmem>>, vector<1x128x128xf32>,
      %slice3A_542 = vector.extract_strided_slice %dot_general3A_287 {offsets = [0, 2048], sizes = [128, 64], strides = [1, 1]} : vector<128x4096xf32> to vector<128x64xf32>
      %concatenate3A_543 = tpu.concatenate %slice3A_542, %slice3A_542 in 1 : vector<128x64xf32>, vector<128x64xf32> -> vector<128x128xf32>
      %swap3A_544 = arith.constant 32 : index
      %swap3A_545 = arith.constant 0 : index
      %swap3A_546 = arith.constant 0 : index
      %swap3A_547 = vector.load %arg12[%swap3A_544, %swap3A_545, %swap3A_546] : memref<64x128x128xf32, #tpu.memory_space<vmem>>, vector<1x128x128xf32>
      %swap3A_548 = vector.shape_cast %swap3A_547 : vector<1x128x128xf32> to vector<128x128xf32>
      %swap3A_549 = vector.shape_cast %concatenate3A_543 : vector<128x128xf32> to vector<1x128x128xf32>
      tpu.vector_store %arg12[%swap3A_544, %swap3A_545, %swap3A_546], %swap3A_549 {strides = array<i32>} : memref<64x128x128xf32, #tpu.memory_space<vmem>>, vector<1x128x128xf32>,
      %slice3A_550 = vector.extract_strided_slice %dot_general3A_287 {offsets = [0, 2112], sizes = [128, 64], strides = [1, 1]} : vector<128x4096xf32> to vector<128x64xf32>
      %concatenate3A_551 = tpu.concatenate %slice3A_550, %slice3A_550 in 1 : vector<128x64xf32>, vector<128x64xf32> -> vector<128x128xf32>
      %swap3A_552 = arith.constant 33 : index
      %swap3A_553 = arith.constant 0 : index
      %swap3A_554 = arith.constant 0 : index
      %swap3A_555 = vector.load %arg12[%swap3A_552, %swap3A_553, %swap3A_554] : memref<64x128x128xf32, #tpu.memory_space<vmem>>, vector<1x128x128xf32>
      %swap3A_556 = vector.shape_cast %swap3A_555 : vector<1x128x128xf32> to vector<128x128xf32>
      %swap3A_557 = vector.shape_cast %concatenate3A_551 : vector<128x128xf32> to vector<1x128x128xf32>
      tpu.vector_store %arg12[%swap3A_552, %swap3A_553, %swap3A_554], %swap3A_557 {strides = array<i32>} : memref<64x128x128xf32, #tpu.memory_space<vmem>>, vector<1x128x128xf32>,
      %slice3A_558 = vector.extract_strided_slice %dot_general3A_287 {offsets = [0, 2176], sizes = [128, 64], strides = [1, 1]} : vector<128x4096xf32> to vector<128x64xf32>
      %concatenate3A_559 = tpu.concatenate %slice3A_558, %slice3A_558 in 1 : vector<128x64xf32>, vector<128x64xf32> -> vector<128x128xf32>
      %swap3A_560 = arith.constant 34 : index
      %swap3A_561 = arith.constant 0 : index
      %swap3A_562 = arith.constant 0 : index
      %swap3A_563 = vector.load %arg12[%swap3A_560, %swap3A_561, %swap3A_562] : memref<64x128x128xf32, #tpu.memory_space<vmem>>, vector<1x128x128xf32>
      %swap3A_564 = vector.shape_cast %swap3A_563 : vector<1x128x128xf32> to vector<128x128xf32>
      %swap3A_565 = vector.shape_cast %concatenate3A_559 : vector<128x128xf32> to vector<1x128x128xf32>
      tpu.vector_store %arg12[%swap3A_560, %swap3A_561, %swap3A_562], %swap3A_565 {strides = array<i32>} : memref<64x128x128xf32, #tpu.memory_space<vmem>>, vector<1x128x128xf32>,
      %slice3A_566 = vector.extract_strided_slice %dot_general3A_287 {offsets = [0, 2240], sizes = [128, 64], strides = [1, 1]} : vector<128x4096xf32> to vector<128x64xf32>
      %concatenate3A_567 = tpu.concatenate %slice3A_566, %slice3A_566 in 1 : vector<128x64xf32>, vector<128x64xf32> -> vector<128x128xf32>
      %swap3A_568 = arith.constant 35 : index
      %swap3A_569 = arith.constant 0 : index
      %swap3A_570 = arith.constant 0 : index
      %swap3A_571 = vector.load %arg12[%swap3A_568, %swap3A_569, %swap3A_570] : memref<64x128x128xf32, #tpu.memory_space<vmem>>, vector<1x128x128xf32>
      %swap3A_572 = vector.shape_cast %swap3A_571 : vector<1x128x128xf32> to vector<128x128xf32>
      %swap3A_573 = vector.shape_cast %concatenate3A_567 : vector<128x128xf32> to vector<1x128x128xf32>
      tpu.vector_store %arg12[%swap3A_568, %swap3A_569, %swap3A_570], %swap3A_573 {strides = array<i32>} : memref<64x128x128xf32, #tpu.memory_space<vmem>>, vector<1x128x128xf32>,
      %slice3A_574 = vector.extract_strided_slice %dot_general3A_287 {offsets = [0, 2304], sizes = [128, 64], strides = [1, 1]} : vector<128x4096xf32> to vector<128x64xf32>
      %concatenate3A_575 = tpu.concatenate %slice3A_574, %slice3A_574 in 1 : vector<128x64xf32>, vector<128x64xf32> -> vector<128x128xf32>
      %swap3A_576 = arith.constant 36 : index
      %swap3A_577 = arith.constant 0 : index
      %swap3A_578 = arith.constant 0 : index
      %swap3A_579 = vector.load %arg12[%swap3A_576, %swap3A_577, %swap3A_578] : memref<64x128x128xf32, #tpu.memory_space<vmem>>, vector<1x128x128xf32>
      %swap3A_580 = vector.shape_cast %swap3A_579 : vector<1x128x128xf32> to vector<128x128xf32>
      %swap3A_581 = vector.shape_cast %concatenate3A_575 : vector<128x128xf32> to vector<1x128x128xf32>
      tpu.vector_store %arg12[%swap3A_576, %swap3A_577, %swap3A_578], %swap3A_581 {strides = array<i32>} : memref<64x128x128xf32, #tpu.memory_space<vmem>>, vector<1x128x128xf32>,
      %slice3A_582 = vector.extract_strided_slice %dot_general3A_287 {offsets = [0, 2368], sizes = [128, 64], strides = [1, 1]} : vector<128x4096xf32> to vector<128x64xf32>
      %concatenate3A_583 = tpu.concatenate %slice3A_582, %slice3A_582 in 1 : vector<128x64xf32>, vector<128x64xf32> -> vector<128x128xf32>
      %swap3A_584 = arith.constant 37 : index
      %swap3A_585 = arith.constant 0 : index
      %swap3A_586 = arith.constant 0 : index
      %swap3A_587 = vector.load %arg12[%swap3A_584, %swap3A_585, %swap3A_586] : memref<64x128x128xf32, #tpu.memory_space<vmem>>, vector<1x128x128xf32>
      %swap3A_588 = vector.shape_cast %swap3A_587 : vector<1x128x128xf32> to vector<128x128xf32>
      %swap3A_589 = vector.shape_cast %concatenate3A_583 : vector<128x128xf32> to vector<1x128x128xf32>
      tpu.vector_store %arg12[%swap3A_584, %swap3A_585, %swap3A_586], %swap3A_589 {strides = array<i32>} : memref<64x128x128xf32, #tpu.memory_space<vmem>>, vector<1x128x128xf32>,
      %slice3A_590 = vector.extract_strided_slice %dot_general3A_287 {offsets = [0, 2432], sizes = [128, 64], strides = [1, 1]} : vector<128x4096xf32> to vector<128x64xf32>
      %concatenate3A_591 = tpu.concatenate %slice3A_590, %slice3A_590 in 1 : vector<128x64xf32>, vector<128x64xf32> -> vector<128x128xf32>
      %swap3A_592 = arith.constant 38 : index
      %swap3A_593 = arith.constant 0 : index
      %swap3A_594 = arith.constant 0 : index
      %swap3A_595 = vector.load %arg12[%swap3A_592, %swap3A_593, %swap3A_594] : memref<64x128x128xf32, #tpu.memory_space<vmem>>, vector<1x128x128xf32>
      %swap3A_596 = vector.shape_cast %swap3A_595 : vector<1x128x128xf32> to vector<128x128xf32>
      %swap3A_597 = vector.shape_cast %concatenate3A_591 : vector<128x128xf32> to vector<1x128x128xf32>
      tpu.vector_store %arg12[%swap3A_592, %swap3A_593, %swap3A_594], %swap3A_597 {strides = array<i32>} : memref<64x128x128xf32, #tpu.memory_space<vmem>>, vector<1x128x128xf32>,
      %slice3A_598 = vector.extract_strided_slice %dot_general3A_287 {offsets = [0, 2496], sizes = [128, 64], strides = [1, 1]} : vector<128x4096xf32> to vector<128x64xf32>
      %concatenate3A_599 = tpu.concatenate %slice3A_598, %slice3A_598 in 1 : vector<128x64xf32>, vector<128x64xf32> -> vector<128x128xf32>
      %swap3A_600 = arith.constant 39 : index
      %swap3A_601 = arith.constant 0 : index
      %swap3A_602 = arith.constant 0 : index
      %swap3A_603 = vector.load %arg12[%swap3A_600, %swap3A_601, %swap3A_602] : memref<64x128x128xf32, #tpu.memory_space<vmem>>, vector<1x128x128xf32>
      %swap3A_604 = vector.shape_cast %swap3A_603 : vector<1x128x128xf32> to vector<128x128xf32>
      %swap3A_605 = vector.shape_cast %concatenate3A_599 : vector<128x128xf32> to vector<1x128x128xf32>
      tpu.vector_store %arg12[%swap3A_600, %swap3A_601, %swap3A_602], %swap3A_605 {strides = array<i32>} : memref<64x128x128xf32, #tpu.memory_space<vmem>>, vector<1x128x128xf32>,
      %slice3A_606 = vector.extract_strided_slice %dot_general3A_287 {offsets = [0, 2560], sizes = [128, 64], strides = [1, 1]} : vector<128x4096xf32> to vector<128x64xf32>
      %concatenate3A_607 = tpu.concatenate %slice3A_606, %slice3A_606 in 1 : vector<128x64xf32>, vector<128x64xf32> -> vector<128x128xf32>
      %swap3A_608 = arith.constant 40 : index
      %swap3A_609 = arith.constant 0 : index
      %swap3A_610 = arith.constant 0 : index
      %swap3A_611 = vector.load %arg12[%swap3A_608, %swap3A_609, %swap3A_610] : memref<64x128x128xf32, #tpu.memory_space<vmem>>, vector<1x128x128xf32>
      %swap3A_612 = vector.shape_cast %swap3A_611 : vector<1x128x128xf32> to vector<128x128xf32>
      %swap3A_613 = vector.shape_cast %concatenate3A_607 : vector<128x128xf32> to vector<1x128x128xf32>
      tpu.vector_store %arg12[%swap3A_608, %swap3A_609, %swap3A_610], %swap3A_613 {strides = array<i32>} : memref<64x128x128xf32, #tpu.memory_space<vmem>>, vector<1x128x128xf32>,
      %slice3A_614 = vector.extract_strided_slice %dot_general3A_287 {offsets = [0, 2624], sizes = [128, 64], strides = [1, 1]} : vector<128x4096xf32> to vector<128x64xf32>
      %concatenate3A_615 = tpu.concatenate %slice3A_614, %slice3A_614 in 1 : vector<128x64xf32>, vector<128x64xf32> -> vector<128x128xf32>
      %swap3A_616 = arith.constant 41 : index
      %swap3A_617 = arith.constant 0 : index
      %swap3A_618 = arith.constant 0 : index
      %swap3A_619 = vector.load %arg12[%swap3A_616, %swap3A_617, %swap3A_618] : memref<64x128x128xf32, #tpu.memory_space<vmem>>, vector<1x128x128xf32>
      %swap3A_620 = vector.shape_cast %swap3A_619 : vector<1x128x128xf32> to vector<128x128xf32>
      %swap3A_621 = vector.shape_cast %concatenate3A_615 : vector<128x128xf32> to vector<1x128x128xf32>
      tpu.vector_store %arg12[%swap3A_616, %swap3A_617, %swap3A_618], %swap3A_621 {strides = array<i32>} : memref<64x128x128xf32, #tpu.memory_space<vmem>>, vector<1x128x128xf32>,
      %slice3A_622 = vector.extract_strided_slice %dot_general3A_287 {offsets = [0, 2688], sizes = [128, 64], strides = [1, 1]} : vector<128x4096xf32> to vector<128x64xf32>
      %concatenate3A_623 = tpu.concatenate %slice3A_622, %slice3A_622 in 1 : vector<128x64xf32>, vector<128x64xf32> -> vector<128x128xf32>
      %swap3A_624 = arith.constant 42 : index
      %swap3A_625 = arith.constant 0 : index
      %swap3A_626 = arith.constant 0 : index
      %swap3A_627 = vector.load %arg12[%swap3A_624, %swap3A_625, %swap3A_626] : memref<64x128x128xf32, #tpu.memory_space<vmem>>, vector<1x128x128xf32>
      %swap3A_628 = vector.shape_cast %swap3A_627 : vector<1x128x128xf32> to vector<128x128xf32>
      %swap3A_629 = vector.shape_cast %concatenate3A_623 : vector<128x128xf32> to vector<1x128x128xf32>
      tpu.vector_store %arg12[%swap3A_624, %swap3A_625, %swap3A_626], %swap3A_629 {strides = array<i32>} : memref<64x128x128xf32, #tpu.memory_space<vmem>>, vector<1x128x128xf32>,
      %slice3A_630 = vector.extract_strided_slice %dot_general3A_287 {offsets = [0, 2752], sizes = [128, 64], strides = [1, 1]} : vector<128x4096xf32> to vector<128x64xf32>
      %concatenate3A_631 = tpu.concatenate %slice3A_630, %slice3A_630 in 1 : vector<128x64xf32>, vector<128x64xf32> -> vector<128x128xf32>
      %swap3A_632 = arith.constant 43 : index
      %swap3A_633 = arith.constant 0 : index
      %swap3A_634 = arith.constant 0 : index
      %swap3A_635 = vector.load %arg12[%swap3A_632, %swap3A_633, %swap3A_634] : memref<64x128x128xf32, #tpu.memory_space<vmem>>, vector<1x128x128xf32>
      %swap3A_636 = vector.shape_cast %swap3A_635 : vector<1x128x128xf32> to vector<128x128xf32>
      %swap3A_637 = vector.shape_cast %concatenate3A_631 : vector<128x128xf32> to vector<1x128x128xf32>
      tpu.vector_store %arg12[%swap3A_632, %swap3A_633, %swap3A_634], %swap3A_637 {strides = array<i32>} : memref<64x128x128xf32, #tpu.memory_space<vmem>>, vector<1x128x128xf32>,
      %slice3A_638 = vector.extract_strided_slice %dot_general3A_287 {offsets = [0, 2816], sizes = [128, 64], strides = [1, 1]} : vector<128x4096xf32> to vector<128x64xf32>
      %concatenate3A_639 = tpu.concatenate %slice3A_638, %slice3A_638 in 1 : vector<128x64xf32>, vector<128x64xf32> -> vector<128x128xf32>
      %swap3A_640 = arith.constant 44 : index
      %swap3A_641 = arith.constant 0 : index
      %swap3A_642 = arith.constant 0 : index
      %swap3A_643 = vector.load %arg12[%swap3A_640, %swap3A_641, %swap3A_642] : memref<64x128x128xf32, #tpu.memory_space<vmem>>, vector<1x128x128xf32>
      %swap3A_644 = vector.shape_cast %swap3A_643 : vector<1x128x128xf32> to vector<128x128xf32>
      %swap3A_645 = vector.shape_cast %concatenate3A_639 : vector<128x128xf32> to vector<1x128x128xf32>
      tpu.vector_store %arg12[%swap3A_640, %swap3A_641, %swap3A_642], %swap3A_645 {strides = array<i32>} : memref<64x128x128xf32, #tpu.memory_space<vmem>>, vector<1x128x128xf32>,
      %slice3A_646 = vector.extract_strided_slice %dot_general3A_287 {offsets = [0, 2880], sizes = [128, 64], strides = [1, 1]} : vector<128x4096xf32> to vector<128x64xf32>
      %concatenate3A_647 = tpu.concatenate %slice3A_646, %slice3A_646 in 1 : vector<128x64xf32>, vector<128x64xf32> -> vector<128x128xf32>
      %swap3A_648 = arith.constant 45 : index
      %swap3A_649 = arith.constant 0 : index
      %swap3A_650 = arith.constant 0 : index
      %swap3A_651 = vector.load %arg12[%swap3A_648, %swap3A_649, %swap3A_650] : memref<64x128x128xf32, #tpu.memory_space<vmem>>, vector<1x128x128xf32>
      %swap3A_652 = vector.shape_cast %swap3A_651 : vector<1x128x128xf32> to vector<128x128xf32>
      %swap3A_653 = vector.shape_cast %concatenate3A_647 : vector<128x128xf32> to vector<1x128x128xf32>
      tpu.vector_store %arg12[%swap3A_648, %swap3A_649, %swap3A_650], %swap3A_653 {strides = array<i32>} : memref<64x128x128xf32, #tpu.memory_space<vmem>>, vector<1x128x128xf32>,
      %slice3A_654 = vector.extract_strided_slice %dot_general3A_287 {offsets = [0, 2944], sizes = [128, 64], strides = [1, 1]} : vector<128x4096xf32> to vector<128x64xf32>
      %concatenate3A_655 = tpu.concatenate %slice3A_654, %slice3A_654 in 1 : vector<128x64xf32>, vector<128x64xf32> -> vector<128x128xf32>
      %swap3A_656 = arith.constant 46 : index
      %swap3A_657 = arith.constant 0 : index
      %swap3A_658 = arith.constant 0 : index
      %swap3A_659 = vector.load %arg12[%swap3A_656, %swap3A_657, %swap3A_658] : memref<64x128x128xf32, #tpu.memory_space<vmem>>, vector<1x128x128xf32>
      %swap3A_660 = vector.shape_cast %swap3A_659 : vector<1x128x128xf32> to vector<128x128xf32>
      %swap3A_661 = vector.shape_cast %concatenate3A_655 : vector<128x128xf32> to vector<1x128x128xf32>
      tpu.vector_store %arg12[%swap3A_656, %swap3A_657, %swap3A_658], %swap3A_661 {strides = array<i32>} : memref<64x128x128xf32, #tpu.memory_space<vmem>>, vector<1x128x128xf32>,
      %slice3A_662 = vector.extract_strided_slice %dot_general3A_287 {offsets = [0, 3008], sizes = [128, 64], strides = [1, 1]} : vector<128x4096xf32> to vector<128x64xf32>
      %concatenate3A_663 = tpu.concatenate %slice3A_662, %slice3A_662 in 1 : vector<128x64xf32>, vector<128x64xf32> -> vector<128x128xf32>
      %swap3A_664 = arith.constant 47 : index
      %swap3A_665 = arith.constant 0 : index
      %swap3A_666 = arith.constant 0 : index
      %swap3A_667 = vector.load %arg12[%swap3A_664, %swap3A_665, %swap3A_666] : memref<64x128x128xf32, #tpu.memory_space<vmem>>, vector<1x128x128xf32>
      %swap3A_668 = vector.shape_cast %swap3A_667 : vector<1x128x128xf32> to vector<128x128xf32>
      %swap3A_669 = vector.shape_cast %concatenate3A_663 : vector<128x128xf32> to vector<1x128x128xf32>
      tpu.vector_store %arg12[%swap3A_664, %swap3A_665, %swap3A_666], %swap3A_669 {strides = array<i32>} : memref<64x128x128xf32, #tpu.memory_space<vmem>>, vector<1x128x128xf32>,
      %slice3A_670 = vector.extract_strided_slice %dot_general3A_287 {offsets = [0, 3072], sizes = [128, 64], strides = [1, 1]} : vector<128x4096xf32> to vector<128x64xf32>
      %concatenate3A_671 = tpu.concatenate %slice3A_670, %slice3A_670 in 1 : vector<128x64xf32>, vector<128x64xf32> -> vector<128x128xf32>
      %swap3A_672 = arith.constant 48 : index
      %swap3A_673 = arith.constant 0 : index
      %swap3A_674 = arith.constant 0 : index
      %swap3A_675 = vector.load %arg12[%swap3A_672, %swap3A_673, %swap3A_674] : memref<64x128x128xf32, #tpu.memory_space<vmem>>, vector<1x128x128xf32>
      %swap3A_676 = vector.shape_cast %swap3A_675 : vector<1x128x128xf32> to vector<128x128xf32>
      %swap3A_677 = vector.shape_cast %concatenate3A_671 : vector<128x128xf32> to vector<1x128x128xf32>
      tpu.vector_store %arg12[%swap3A_672, %swap3A_673, %swap3A_674], %swap3A_677 {strides = array<i32>} : memref<64x128x128xf32, #tpu.memory_space<vmem>>, vector<1x128x128xf32>,
      %slice3A_678 = vector.extract_strided_slice %dot_general3A_287 {offsets = [0, 3136], sizes = [128, 64], strides = [1, 1]} : vector<128x4096xf32> to vector<128x64xf32>
      %concatenate3A_679 = tpu.concatenate %slice3A_678, %slice3A_678 in 1 : vector<128x64xf32>, vector<128x64xf32> -> vector<128x128xf32>
      %swap3A_680 = arith.constant 49 : index
      %swap3A_681 = arith.constant 0 : index
      %swap3A_682 = arith.constant 0 : index
      %swap3A_683 = vector.load %arg12[%swap3A_680, %swap3A_681, %swap3A_682] : memref<64x128x128xf32, #tpu.memory_space<vmem>>, vector<1x128x128xf32>
      %swap3A_684 = vector.shape_cast %swap3A_683 : vector<1x128x128xf32> to vector<128x128xf32>
      %swap3A_685 = vector.shape_cast %concatenate3A_679 : vector<128x128xf32> to vector<1x128x128xf32>
      tpu.vector_store %arg12[%swap3A_680, %swap3A_681, %swap3A_682], %swap3A_685 {strides = array<i32>} : memref<64x128x128xf32, #tpu.memory_space<vmem>>, vector<1x128x128xf32>,
      %slice3A_686 = vector.extract_strided_slice %dot_general3A_287 {offsets = [0, 3200], sizes = [128, 64], strides = [1, 1]} : vector<128x4096xf32> to vector<128x64xf32>
      %concatenate3A_687 = tpu.concatenate %slice3A_686, %slice3A_686 in 1 : vector<128x64xf32>, vector<128x64xf32> -> vector<128x128xf32>
      %swap3A_688 = arith.constant 50 : index
      %swap3A_689 = arith.constant 0 : index
      %swap3A_690 = arith.constant 0 : index
      %swap3A_691 = vector.load %arg12[%swap3A_688, %swap3A_689, %swap3A_690] : memref<64x128x128xf32, #tpu.memory_space<vmem>>, vector<1x128x128xf32>
      %swap3A_692 = vector.shape_cast %swap3A_691 : vector<1x128x128xf32> to vector<128x128xf32>
      %swap3A_693 = vector.shape_cast %concatenate3A_687 : vector<128x128xf32> to vector<1x128x128xf32>
      tpu.vector_store %arg12[%swap3A_688, %swap3A_689, %swap3A_690], %swap3A_693 {strides = array<i32>} : memref<64x128x128xf32, #tpu.memory_space<vmem>>, vector<1x128x128xf32>,
      %slice3A_694 = vector.extract_strided_slice %dot_general3A_287 {offsets = [0, 3264], sizes = [128, 64], strides = [1, 1]} : vector<128x4096xf32> to vector<128x64xf32>
      %concatenate3A_695 = tpu.concatenate %slice3A_694, %slice3A_694 in 1 : vector<128x64xf32>, vector<128x64xf32> -> vector<128x128xf32>
      %swap3A_696 = arith.constant 51 : index
      %swap3A_697 = arith.constant 0 : index
      %swap3A_698 = arith.constant 0 : index
      %swap3A_699 = vector.load %arg12[%swap3A_696, %swap3A_697, %swap3A_698] : memref<64x128x128xf32, #tpu.memory_space<vmem>>, vector<1x128x128xf32>
      %swap3A_700 = vector.shape_cast %swap3A_699 : vector<1x128x128xf32> to vector<128x128xf32>
      %swap3A_701 = vector.shape_cast %concatenate3A_695 : vector<128x128xf32> to vector<1x128x128xf32>
      tpu.vector_store %arg12[%swap3A_696, %swap3A_697, %swap3A_698], %swap3A_701 {strides = array<i32>} : memref<64x128x128xf32, #tpu.memory_space<vmem>>, vector<1x128x128xf32>,
      %slice3A_702 = vector.extract_strided_slice %dot_general3A_287 {offsets = [0, 3328], sizes = [128, 64], strides = [1, 1]} : vector<128x4096xf32> to vector<128x64xf32>
      %concatenate3A_703 = tpu.concatenate %slice3A_702, %slice3A_702 in 1 : vector<128x64xf32>, vector<128x64xf32> -> vector<128x128xf32>
      %swap3A_704 = arith.constant 52 : index
      %swap3A_705 = arith.constant 0 : index
      %swap3A_706 = arith.constant 0 : index
      %swap3A_707 = vector.load %arg12[%swap3A_704, %swap3A_705, %swap3A_706] : memref<64x128x128xf32, #tpu.memory_space<vmem>>, vector<1x128x128xf32>
      %swap3A_708 = vector.shape_cast %swap3A_707 : vector<1x128x128xf32> to vector<128x128xf32>
      %swap3A_709 = vector.shape_cast %concatenate3A_703 : vector<128x128xf32> to vector<1x128x128xf32>
      tpu.vector_store %arg12[%swap3A_704, %swap3A_705, %swap3A_706], %swap3A_709 {strides = array<i32>} : memref<64x128x128xf32, #tpu.memory_space<vmem>>, vector<1x128x128xf32>,
      %slice3A_710 = vector.extract_strided_slice %dot_general3A_287 {offsets = [0, 3392], sizes = [128, 64], strides = [1, 1]} : vector<128x4096xf32> to vector<128x64xf32>
      %concatenate3A_711 = tpu.concatenate %slice3A_710, %slice3A_710 in 1 : vector<128x64xf32>, vector<128x64xf32> -> vector<128x128xf32>
      %swap3A_712 = arith.constant 53 : index
      %swap3A_713 = arith.constant 0 : index
      %swap3A_714 = arith.constant 0 : index
      %swap3A_715 = vector.load %arg12[%swap3A_712, %swap3A_713, %swap3A_714] : memref<64x128x128xf32, #tpu.memory_space<vmem>>, vector<1x128x128xf32>
      %swap3A_716 = vector.shape_cast %swap3A_715 : vector<1x128x128xf32> to vector<128x128xf32>
      %swap3A_717 = vector.shape_cast %concatenate3A_711 : vector<128x128xf32> to vector<1x128x128xf32>
      tpu.vector_store %arg12[%swap3A_712, %swap3A_713, %swap3A_714], %swap3A_717 {strides = array<i32>} : memref<64x128x128xf32, #tpu.memory_space<vmem>>, vector<1x128x128xf32>,
      %slice3A_718 = vector.extract_strided_slice %dot_general3A_287 {offsets = [0, 3456], sizes = [128, 64], strides = [1, 1]} : vector<128x4096xf32> to vector<128x64xf32>
      %concatenate3A_719 = tpu.concatenate %slice3A_718, %slice3A_718 in 1 : vector<128x64xf32>, vector<128x64xf32> -> vector<128x128xf32>
      %swap3A_720 = arith.constant 54 : index
      %swap3A_721 = arith.constant 0 : index
      %swap3A_722 = arith.constant 0 : index
      %swap3A_723 = vector.load %arg12[%swap3A_720, %swap3A_721, %swap3A_722] : memref<64x128x128xf32, #tpu.memory_space<vmem>>, vector<1x128x128xf32>
      %swap3A_724 = vector.shape_cast %swap3A_723 : vector<1x128x128xf32> to vector<128x128xf32>
      %swap3A_725 = vector.shape_cast %concatenate3A_719 : vector<128x128xf32> to vector<1x128x128xf32>
      tpu.vector_store %arg12[%swap3A_720, %swap3A_721, %swap3A_722], %swap3A_725 {strides = array<i32>} : memref<64x128x128xf32, #tpu.memory_space<vmem>>, vector<1x128x128xf32>,
      %slice3A_726 = vector.extract_strided_slice %dot_general3A_287 {offsets = [0, 3520], sizes = [128, 64], strides = [1, 1]} : vector<128x4096xf32> to vector<128x64xf32>
      %concatenate3A_727 = tpu.concatenate %slice3A_726, %slice3A_726 in 1 : vector<128x64xf32>, vector<128x64xf32> -> vector<128x128xf32>
      %swap3A_728 = arith.constant 55 : index
      %swap3A_729 = arith.constant 0 : index
      %swap3A_730 = arith.constant 0 : index
      %swap3A_731 = vector.load %arg12[%swap3A_728, %swap3A_729, %swap3A_730] : memref<64x128x128xf32, #tpu.memory_space<vmem>>, vector<1x128x128xf32>
      %swap3A_732 = vector.shape_cast %swap3A_731 : vector<1x128x128xf32> to vector<128x128xf32>
      %swap3A_733 = vector.shape_cast %concatenate3A_727 : vector<128x128xf32> to vector<1x128x128xf32>
      tpu.vector_store %arg12[%swap3A_728, %swap3A_729, %swap3A_730], %swap3A_733 {strides = array<i32>} : memref<64x128x128xf32, #tpu.memory_space<vmem>>, vector<1x128x128xf32>,
      %slice3A_734 = vector.extract_strided_slice %dot_general3A_287 {offsets = [0, 3584], sizes = [128, 64], strides = [1, 1]} : vector<128x4096xf32> to vector<128x64xf32>
      %concatenate3A_735 = tpu.concatenate %slice3A_734, %slice3A_734 in 1 : vector<128x64xf32>, vector<128x64xf32> -> vector<128x128xf32>
      %swap3A_736 = arith.constant 56 : index
      %swap3A_737 = arith.constant 0 : index
      %swap3A_738 = arith.constant 0 : index
      %swap3A_739 = vector.load %arg12[%swap3A_736, %swap3A_737, %swap3A_738] : memref<64x128x128xf32, #tpu.memory_space<vmem>>, vector<1x128x128xf32>
      %swap3A_740 = vector.shape_cast %swap3A_739 : vector<1x128x128xf32> to vector<128x128xf32>
      %swap3A_741 = vector.shape_cast %concatenate3A_735 : vector<128x128xf32> to vector<1x128x128xf32>
      tpu.vector_store %arg12[%swap3A_736, %swap3A_737, %swap3A_738], %swap3A_741 {strides = array<i32>} : memref<64x128x128xf32, #tpu.memory_space<vmem>>, vector<1x128x128xf32>,
      %slice3A_742 = vector.extract_strided_slice %dot_general3A_287 {offsets = [0, 3648], sizes = [128, 64], strides = [1, 1]} : vector<128x4096xf32> to vector<128x64xf32>
      %concatenate3A_743 = tpu.concatenate %slice3A_742, %slice3A_742 in 1 : vector<128x64xf32>, vector<128x64xf32> -> vector<128x128xf32>
      %swap3A_744 = arith.constant 57 : index
      %swap3A_745 = arith.constant 0 : index
      %swap3A_746 = arith.constant 0 : index
      %swap3A_747 = vector.load %arg12[%swap3A_744, %swap3A_745, %swap3A_746] : memref<64x128x128xf32, #tpu.memory_space<vmem>>, vector<1x128x128xf32>
      %swap3A_748 = vector.shape_cast %swap3A_747 : vector<1x128x128xf32> to vector<128x128xf32>
      %swap3A_749 = vector.shape_cast %concatenate3A_743 : vector<128x128xf32> to vector<1x128x128xf32>
      tpu.vector_store %arg12[%swap3A_744, %swap3A_745, %swap3A_746], %swap3A_749 {strides = array<i32>} : memref<64x128x128xf32, #tpu.memory_space<vmem>>, vector<1x128x128xf32>,
      %slice3A_750 = vector.extract_strided_slice %dot_general3A_287 {offsets = [0, 3712], sizes = [128, 64], strides = [1, 1]} : vector<128x4096xf32> to vector<128x64xf32>
      %concatenate3A_751 = tpu.concatenate %slice3A_750, %slice3A_750 in 1 : vector<128x64xf32>, vector<128x64xf32> -> vector<128x128xf32>
      %swap3A_752 = arith.constant 58 : index
      %swap3A_753 = arith.constant 0 : index
      %swap3A_754 = arith.constant 0 : index
      %swap3A_755 = vector.load %arg12[%swap3A_752, %swap3A_753, %swap3A_754] : memref<64x128x128xf32, #tpu.memory_space<vmem>>, vector<1x128x128xf32>
      %swap3A_756 = vector.shape_cast %swap3A_755 : vector<1x128x128xf32> to vector<128x128xf32>
      %swap3A_757 = vector.shape_cast %concatenate3A_751 : vector<128x128xf32> to vector<1x128x128xf32>
      tpu.vector_store %arg12[%swap3A_752, %swap3A_753, %swap3A_754], %swap3A_757 {strides = array<i32>} : memref<64x128x128xf32, #tpu.memory_space<vmem>>, vector<1x128x128xf32>,
      %slice3A_758 = vector.extract_strided_slice %dot_general3A_287 {offsets = [0, 3776], sizes = [128, 64], strides = [1, 1]} : vector<128x4096xf32> to vector<128x64xf32>
      %concatenate3A_759 = tpu.concatenate %slice3A_758, %slice3A_758 in 1 : vector<128x64xf32>, vector<128x64xf32> -> vector<128x128xf32>
      %swap3A_760 = arith.constant 59 : index
      %swap3A_761 = arith.constant 0 : index
      %swap3A_762 = arith.constant 0 : index
      %swap3A_763 = vector.load %arg12[%swap3A_760, %swap3A_761, %swap3A_762] : memref<64x128x128xf32, #tpu.memory_space<vmem>>, vector<1x128x128xf32>
      %swap3A_764 = vector.shape_cast %swap3A_763 : vector<1x128x128xf32> to vector<128x128xf32>
      %swap3A_765 = vector.shape_cast %concatenate3A_759 : vector<128x128xf32> to vector<1x128x128xf32>
      tpu.vector_store %arg12[%swap3A_760, %swap3A_761, %swap3A_762], %swap3A_765 {strides = array<i32>} : memref<64x128x128xf32, #tpu.memory_space<vmem>>, vector<1x128x128xf32>,
      %slice3A_766 = vector.extract_strided_slice %dot_general3A_287 {offsets = [0, 3840], sizes = [128, 64], strides = [1, 1]} : vector<128x4096xf32> to vector<128x64xf32>
      %concatenate3A_767 = tpu.concatenate %slice3A_766, %slice3A_766 in 1 : vector<128x64xf32>, vector<128x64xf32> -> vector<128x128xf32>
      %swap3A_768 = arith.constant 60 : index
      %swap3A_769 = arith.constant 0 : index
      %swap3A_770 = arith.constant 0 : index
      %swap3A_771 = vector.load %arg12[%swap3A_768, %swap3A_769, %swap3A_770] : memref<64x128x128xf32, #tpu.memory_space<vmem>>, vector<1x128x128xf32>
      %swap3A_772 = vector.shape_cast %swap3A_771 : vector<1x128x128xf32> to vector<128x128xf32>
      %swap3A_773 = vector.shape_cast %concatenate3A_767 : vector<128x128xf32> to vector<1x128x128xf32>
      tpu.vector_store %arg12[%swap3A_768, %swap3A_769, %swap3A_770], %swap3A_773 {strides = array<i32>} : memref<64x128x128xf32, #tpu.memory_space<vmem>>, vector<1x128x128xf32>,
      %slice3A_774 = vector.extract_strided_slice %dot_general3A_287 {offsets = [0, 3904], sizes = [128, 64], strides = [1, 1]} : vector<128x4096xf32> to vector<128x64xf32>
      %concatenate3A_775 = tpu.concatenate %slice3A_774, %slice3A_774 in 1 : vector<128x64xf32>, vector<128x64xf32> -> vector<128x128xf32>
      %swap3A_776 = arith.constant 61 : index
      %swap3A_777 = arith.constant 0 : index
      %swap3A_778 = arith.constant 0 : index
      %swap3A_779 = vector.load %arg12[%swap3A_776, %swap3A_777, %swap3A_778] : memref<64x128x128xf32, #tpu.memory_space<vmem>>, vector<1x128x128xf32>
      %swap3A_780 = vector.shape_cast %swap3A_779 : vector<1x128x128xf32> to vector<128x128xf32>
      %swap3A_781 = vector.shape_cast %concatenate3A_775 : vector<128x128xf32> to vector<1x128x128xf32>
      tpu.vector_store %arg12[%swap3A_776, %swap3A_777, %swap3A_778], %swap3A_781 {strides = array<i32>} : memref<64x128x128xf32, #tpu.memory_space<vmem>>, vector<1x128x128xf32>,
      %slice3A_782 = vector.extract_strided_slice %dot_general3A_287 {offsets = [0, 3968], sizes = [128, 64], strides = [1, 1]} : vector<128x4096xf32> to vector<128x64xf32>
      %concatenate3A_783 = tpu.concatenate %slice3A_782, %slice3A_782 in 1 : vector<128x64xf32>, vector<128x64xf32> -> vector<128x128xf32>
      %swap3A_784 = arith.constant 62 : index
      %swap3A_785 = arith.constant 0 : index
      %swap3A_786 = arith.constant 0 : index
      %swap3A_787 = vector.load %arg12[%swap3A_784, %swap3A_785, %swap3A_786] : memref<64x128x128xf32, #tpu.memory_space<vmem>>, vector<1x128x128xf32>
      %swap3A_788 = vector.shape_cast %swap3A_787 : vector<1x128x128xf32> to vector<128x128xf32>
      %swap3A_789 = vector.shape_cast %concatenate3A_783 : vector<128x128xf32> to vector<1x128x128xf32>
      tpu.vector_store %arg12[%swap3A_784, %swap3A_785, %swap3A_786], %swap3A_789 {strides = array<i32>} : memref<64x128x128xf32, #tpu.memory_space<vmem>>, vector<1x128x128xf32>,
      %slice3A_790 = vector.extract_strided_slice %dot_general3A_287 {offsets = [0, 4032], sizes = [128, 64], strides = [1, 1]} : vector<128x4096xf32> to vector<128x64xf32>
      %concatenate3A_791 = tpu.concatenate %slice3A_790, %slice3A_790 in 1 : vector<128x64xf32>, vector<128x64xf32> -> vector<128x128xf32>
      %swap3A_792 = arith.constant 63 : index
      %swap3A_793 = arith.constant 0 : index
      %swap3A_794 = arith.constant 0 : index
      %swap3A_795 = vector.load %arg12[%swap3A_792, %swap3A_793, %swap3A_794] : memref<64x128x128xf32, #tpu.memory_space<vmem>>, vector<1x128x128xf32>
      %swap3A_796 = vector.shape_cast %swap3A_795 : vector<1x128x128xf32> to vector<128x128xf32>
      %swap3A_797 = vector.shape_cast %concatenate3A_791 : vector<128x128xf32> to vector<1x128x128xf32>
      tpu.vector_store %arg12[%swap3A_792, %swap3A_793, %swap3A_794], %swap3A_797 {strides = array<i32>} : memref<64x128x128xf32, #tpu.memory_space<vmem>>, vector<1x128x128xf32>,
      %get3A_798 = arith.constant 0 : index
      %get3A_799 = arith.constant 0 : index
      %get3A_800 = vector.load %arg11[%get3A_798, %get3A_799] : memref<128x64xi32, #tpu.memory_space<vmem>>, vector<128x64xi32>
      %convert_element_type3A_801 = arith.sitofp %get3A_800 : vector<128x64xi32> to vector<128x64xf32>
      %max3A_802 = arith.constant 0.000000e+00 : f32
      %max3A_803 = vector.broadcast %max3A_802 : f32 to vector<128x64xf32>
      %max3A_804 = arith.maximumf %div3A_54, %max3A_803 : vector<128x64xf32>
      %mul3A_805 = arith.mulf %div3A_54, %convert_element_type3A_801 : vector<128x64xf32>
      %sub3A = arith.subf %max3A_804, %mul3A_805 : vector<128x64xf32>
      %abs3A = math.absf %div3A_54 : vector<128x64xf32>
      %neg3A_806 = arith.constant 0.000000e+00 : f32
      %neg3A_807 = vector.broadcast %neg3A_806 : f32 to vector<128x64xf32>
      %neg3A_808 = arith.subf %neg3A_807, %abs3A : vector<128x64xf32>
      %exp3A_809 = math.exp %neg3A_808 : vector<128x64xf32>
      %log1p3A = math.log1p %exp3A_809 : vector<128x64xf32>
      %add3A_810 = arith.addf %sub3A, %log1p3A : vector<128x64xf32>
      %reduce_sum3A = vector.shape_cast %add3A_810 : vector<128x64xf32> to vector<1x128x64xf32>
      %reduce_sum3A_811 = arith.constant dense<0.000000e+00> : vector<1xf32>
      %reduce_sum3A_812 = vector.multi_reduction <add>, %reduce_sum3A, %reduce_sum3A_811 [1, 2] : vector<1x128x64xf32> to vector<1xf32>
      %reduce_sum3A_813 = vector.shape_cast %reduce_sum3A_812 : vector<1xf32> to vector<1x1x1xf32>
      %reduce_sum3A_814 = vector.extract %reduce_sum3A_813[0, 0, 0] : f32 from vector<1x1x1xf32>
      %eq3A_815 = arith.constant 0 : i32
      %eq3A_816 = arith.cmpi eq, %arg1, %eq3A_815 : i32
      %get3A_817 = arith.constant 0 : index
      %get3A_818 = arith.constant 0 : index
      %get3A_819 = memref.load %arg15[%get3A_817, %get3A_818] : memref<1x1xf32, #tpu.memory_space<smem>>
      %jit3A_820 = arith.constant 0.000000e+00 : f32
      %select_n3A_821 = arith.select %eq3A_816, %jit3A_820, %get3A_819 : f32
      %add3A_822 = arith.addf %select_n3A_821, %reduce_sum3A_814 : f32
      %swap3A_823 = arith.constant 0 : index
      %swap3A_824 = arith.constant 0 : index
      %swap3A_825 = memref.load %arg15[%swap3A_823, %swap3A_824] : memref<1x1xf32, #tpu.memory_space<smem>>
      memref.store %add3A_822, %arg15[%swap3A_823, %swap3A_824] : memref<1x1xf32, #tpu.memory_space<smem>>
    } else {
    }
    return
  }
  func.func @transform_0(%arg0: i32, %arg1: i32) -> (i32, i32) {
    %c0_i32 = arith.constant 0 : i32
    return %arg1, %arg0 : i32, i32
  }
  func.func @transform_1(%arg0: i32, %arg1: i32) -> (i32, i32) {
    %c0_i32 = arith.constant 0 : i32
    %c0_i32_0 = arith.constant 0 : i32
    return %arg1, %c0_i32 : i32, i32
  }
  func.func @transform_2(%arg0: i32, %arg1: i32) -> (i32, i32) {
    %c0_i32 = arith.constant 0 : i32
    %c0_i32_0 = arith.constant 0 : i32
    return %arg0, %c0_i32 : i32, i32
  }
  func.func @transform_3(%arg0: i32, %arg1: i32) -> (i32, i32) {
    %c0_i32 = arith.constant 0 : i32
    %c0_i32_0 = arith.constant 0 : i32
    %c0_i32_1 = arith.constant 0 : i32
    return %c0_i32, %c0_i32_0 : i32, i32
  }
  func.func @transform_4(%arg0: i32, %arg1: i32) -> (i32, i32) {
    %c0_i32 = arith.constant 0 : i32
    %c0_i32_0 = arith.constant 0 : i32
    %c0_i32_1 = arith.constant 0 : i32
    return %c0_i32, %c0_i32_0 : i32, i32
  }
  func.func @transform_5(%arg0: i32, %arg1: i32) -> (i32, i32) {
    %c0_i32 = arith.constant 0 : i32
    %c0_i32_0 = arith.constant 0 : i32
    %c0_i32_1 = arith.constant 0 : i32
    return %c0_i32, %c0_i32_0 : i32, i32
  }
  func.func @transform_6(%arg0: i32, %arg1: i32) -> (i32, i32) {
    %c0_i32 = arith.constant 0 : i32
    %c0_i32_0 = arith.constant 0 : i32
    %c0_i32_1 = arith.constant 0 : i32
    return %c0_i32, %c0_i32_0 : i32, i32
  }
  func.func @transform_7(%arg0: i32, %arg1: i32) -> (i32, i32) {
    %c0_i32 = arith.constant 0 : i32
    %c0_i32_0 = arith.constant 0 : i32
    %c0_i32_1 = arith.constant 0 : i32
    return %c0_i32, %c0_i32_0 : i32, i32
  }
  func.func @transform_8(%arg0: i32, %arg1: i32) -> (i32, i32) {
    %c0_i32 = arith.constant 0 : i32
    %c0_i32_0 = arith.constant 0 : i32
    return %arg1, %c0_i32 : i32, i32
  }
  func.func @transform_9(%arg0: i32, %arg1: i32) -> (i32, i32) {
    %c0_i32 = arith.constant 0 : i32
    %c0_i32_0 = arith.constant 0 : i32
    return %arg1, %c0_i32 : i32, i32
  }
  func.func @transform_10(%arg0: i32, %arg1: i32) -> (i32, i32, i32) {
    %c0_i32 = arith.constant 0 : i32
    %c0_i32_0 = arith.constant 0 : i32
    %c0_i32_1 = arith.constant 0 : i32
    return %c0_i32, %arg1, %c0_i32_0 : i32, i32, i32
  }
  func.func @transform_11(%arg0: i32, %arg1: i32) -> (i32, i32) {
    %c0_i32 = arith.constant 0 : i32
    %c0_i32_0 = arith.constant 0 : i32
    return %arg1, %c0_i32 : i32, i32
  }
  func.func @transform_12(%arg0: i32, %arg1: i32) -> (i32, i32) {
    %c0_i32 = arith.constant 0 : i32
    %c0_i32_0 = arith.constant 0 : i32
    return %arg1, %c0_i32 : i32, i32
  }
  func.func @transform_13(%arg0: i32, %arg1: i32) -> (i32, i32) {
    %c0_i32 = arith.constant 0 : i32
    %c0_i32_0 = arith.constant 0 : i32
    %c0_i32_1 = arith.constant 0 : i32
    return %c0_i32, %c0_i32_0 : i32, i32
  }
}

module attributes {stable_mosaic.version = 14 : i64} {
  func.func @_loss_body(%arg0: memref<1024x512xf32, #tpu.memory_space<vmem>>, %arg1: memref<8x1024xi32, #tpu.memory_space<vmem>>, %arg2: memref<32x1024xi32, #tpu.memory_space<vmem>>, %arg3: memref<32x1024xi32, #tpu.memory_space<vmem>>, %arg4: memref<32x1024xf32, #tpu.memory_space<vmem>>, %arg5: memref<1x1xf32, #tpu.memory_space<smem>>, %arg6: memref<1x1xf32, #tpu.memory_space<smem>>) attributes {dimension_semantics = [], scalar_prefetch = 0 : i64, scratch_operands = 0 : i64, tpu.core_type = #tpu.core_type<tc>} {
    %get3A = arith.constant 0 : index
    %get3A_0 = arith.constant 0 : index
    %get3A_1 = vector.load %arg0[%get3A, %get3A_0] : memref<1024x512xf32, #tpu.memory_space<vmem>>, vector<1024x512xf32>
    %get3A_2 = arith.constant 0 : index
    %get3A_3 = arith.constant 0 : index
    %get3A_4 = vector.load %arg2[%get3A_2, %get3A_3] : memref<32x1024xi32, #tpu.memory_space<vmem>>, vector<32x1024xi32>
    %get3A_5 = arith.constant 0 : index
    %get3A_6 = arith.constant 0 : index
    %get3A_7 = vector.load %arg3[%get3A_5, %get3A_6] : memref<32x1024xi32, #tpu.memory_space<vmem>>, vector<32x1024xi32>
    %ne3A = arith.constant 0 : i32
    %ne3A_8 = vector.broadcast %ne3A : i32 to vector<32x1024xi32>
    %ne3A_9 = arith.cmpi ne, %get3A_7, %ne3A_8 : vector<32x1024xi32>
    %iota3A = tpu.iota {dimensions = array<i32: 0>} : vector<32x1024xi32>
    %broadcast_in_dim3A = arith.constant false
    %broadcast_in_dim3A_10 = vector.broadcast %broadcast_in_dim3A : i1 to vector<32x1024xi1>
    %slice3A = vector.extract_strided_slice %get3A_4 {offsets = [0, 0], sizes = [1, 1024], strides = [1, 1]} : vector<32x1024xi32> to vector<1x1024xi32>
    %eq3A = vector.broadcast %slice3A : vector<1x1024xi32> to vector<32x1024xi32>
    %eq3A_11 = arith.cmpi eq, %get3A_4, %eq3A : vector<32x1024xi32>
    %slice3A_12 = vector.extract_strided_slice %ne3A_9 {offsets = [0, 0], sizes = [1, 1024], strides = [1, 1]} : vector<32x1024xi1> to vector<1x1024xi1>
    %and3A = vector.broadcast %slice3A_12 : vector<1x1024xi1> to vector<32x1024xi1>
    %and3A_13 = arith.andi %eq3A_11, %and3A : vector<32x1024xi1>
    %gt3A = arith.constant 0 : i32
    %gt3A_14 = vector.broadcast %gt3A : i32 to vector<32x1024xi32>
    %gt3A_15 = arith.cmpi sgt, %iota3A, %gt3A_14 : vector<32x1024xi32>
    %and3A_16 = arith.andi %and3A_13, %gt3A_15 : vector<32x1024xi1>
    %or3A = arith.ori %broadcast_in_dim3A_10, %and3A_16 : vector<32x1024xi1>
    %slice3A_17 = vector.extract_strided_slice %get3A_4 {offsets = [1, 0], sizes = [1, 1024], strides = [1, 1]} : vector<32x1024xi32> to vector<1x1024xi32>
    %eq3A_18 = vector.broadcast %slice3A_17 : vector<1x1024xi32> to vector<32x1024xi32>
    %eq3A_19 = arith.cmpi eq, %get3A_4, %eq3A_18 : vector<32x1024xi32>
    %slice3A_20 = vector.extract_strided_slice %ne3A_9 {offsets = [1, 0], sizes = [1, 1024], strides = [1, 1]} : vector<32x1024xi1> to vector<1x1024xi1>
    %and3A_21 = vector.broadcast %slice3A_20 : vector<1x1024xi1> to vector<32x1024xi1>
    %and3A_22 = arith.andi %eq3A_19, %and3A_21 : vector<32x1024xi1>
    %gt3A_23 = arith.constant 1 : i32
    %gt3A_24 = vector.broadcast %gt3A_23 : i32 to vector<32x1024xi32>
    %gt3A_25 = arith.cmpi sgt, %iota3A, %gt3A_24 : vector<32x1024xi32>
    %and3A_26 = arith.andi %and3A_22, %gt3A_25 : vector<32x1024xi1>
    %or3A_27 = arith.ori %or3A, %and3A_26 : vector<32x1024xi1>
    %slice3A_28 = vector.extract_strided_slice %get3A_4 {offsets = [2, 0], sizes = [1, 1024], strides = [1, 1]} : vector<32x1024xi32> to vector<1x1024xi32>
    %eq3A_29 = vector.broadcast %slice3A_28 : vector<1x1024xi32> to vector<32x1024xi32>
    %eq3A_30 = arith.cmpi eq, %get3A_4, %eq3A_29 : vector<32x1024xi32>
    %slice3A_31 = vector.extract_strided_slice %ne3A_9 {offsets = [2, 0], sizes = [1, 1024], strides = [1, 1]} : vector<32x1024xi1> to vector<1x1024xi1>
    %and3A_32 = vector.broadcast %slice3A_31 : vector<1x1024xi1> to vector<32x1024xi1>
    %and3A_33 = arith.andi %eq3A_30, %and3A_32 : vector<32x1024xi1>
    %gt3A_34 = arith.constant 2 : i32
    %gt3A_35 = vector.broadcast %gt3A_34 : i32 to vector<32x1024xi32>
    %gt3A_36 = arith.cmpi sgt, %iota3A, %gt3A_35 : vector<32x1024xi32>
    %and3A_37 = arith.andi %and3A_33, %gt3A_36 : vector<32x1024xi1>
    %or3A_38 = arith.ori %or3A_27, %and3A_37 : vector<32x1024xi1>
    %slice3A_39 = vector.extract_strided_slice %get3A_4 {offsets = [3, 0], sizes = [1, 1024], strides = [1, 1]} : vector<32x1024xi32> to vector<1x1024xi32>
    %eq3A_40 = vector.broadcast %slice3A_39 : vector<1x1024xi32> to vector<32x1024xi32>
    %eq3A_41 = arith.cmpi eq, %get3A_4, %eq3A_40 : vector<32x1024xi32>
    %slice3A_42 = vector.extract_strided_slice %ne3A_9 {offsets = [3, 0], sizes = [1, 1024], strides = [1, 1]} : vector<32x1024xi1> to vector<1x1024xi1>
    %and3A_43 = vector.broadcast %slice3A_42 : vector<1x1024xi1> to vector<32x1024xi1>
    %and3A_44 = arith.andi %eq3A_41, %and3A_43 : vector<32x1024xi1>
    %gt3A_45 = arith.constant 3 : i32
    %gt3A_46 = vector.broadcast %gt3A_45 : i32 to vector<32x1024xi32>
    %gt3A_47 = arith.cmpi sgt, %iota3A, %gt3A_46 : vector<32x1024xi32>
    %and3A_48 = arith.andi %and3A_44, %gt3A_47 : vector<32x1024xi1>
    %or3A_49 = arith.ori %or3A_38, %and3A_48 : vector<32x1024xi1>
    %slice3A_50 = vector.extract_strided_slice %get3A_4 {offsets = [4, 0], sizes = [1, 1024], strides = [1, 1]} : vector<32x1024xi32> to vector<1x1024xi32>
    %eq3A_51 = vector.broadcast %slice3A_50 : vector<1x1024xi32> to vector<32x1024xi32>
    %eq3A_52 = arith.cmpi eq, %get3A_4, %eq3A_51 : vector<32x1024xi32>
    %slice3A_53 = vector.extract_strided_slice %ne3A_9 {offsets = [4, 0], sizes = [1, 1024], strides = [1, 1]} : vector<32x1024xi1> to vector<1x1024xi1>
    %and3A_54 = vector.broadcast %slice3A_53 : vector<1x1024xi1> to vector<32x1024xi1>
    %and3A_55 = arith.andi %eq3A_52, %and3A_54 : vector<32x1024xi1>
    %gt3A_56 = arith.constant 4 : i32
    %gt3A_57 = vector.broadcast %gt3A_56 : i32 to vector<32x1024xi32>
    %gt3A_58 = arith.cmpi sgt, %iota3A, %gt3A_57 : vector<32x1024xi32>
    %and3A_59 = arith.andi %and3A_55, %gt3A_58 : vector<32x1024xi1>
    %or3A_60 = arith.ori %or3A_49, %and3A_59 : vector<32x1024xi1>
    %slice3A_61 = vector.extract_strided_slice %get3A_4 {offsets = [5, 0], sizes = [1, 1024], strides = [1, 1]} : vector<32x1024xi32> to vector<1x1024xi32>
    %eq3A_62 = vector.broadcast %slice3A_61 : vector<1x1024xi32> to vector<32x1024xi32>
    %eq3A_63 = arith.cmpi eq, %get3A_4, %eq3A_62 : vector<32x1024xi32>
    %slice3A_64 = vector.extract_strided_slice %ne3A_9 {offsets = [5, 0], sizes = [1, 1024], strides = [1, 1]} : vector<32x1024xi1> to vector<1x1024xi1>
    %and3A_65 = vector.broadcast %slice3A_64 : vector<1x1024xi1> to vector<32x1024xi1>
    %and3A_66 = arith.andi %eq3A_63, %and3A_65 : vector<32x1024xi1>
    %gt3A_67 = arith.constant 5 : i32
    %gt3A_68 = vector.broadcast %gt3A_67 : i32 to vector<32x1024xi32>
    %gt3A_69 = arith.cmpi sgt, %iota3A, %gt3A_68 : vector<32x1024xi32>
    %and3A_70 = arith.andi %and3A_66, %gt3A_69 : vector<32x1024xi1>
    %or3A_71 = arith.ori %or3A_60, %and3A_70 : vector<32x1024xi1>
    %slice3A_72 = vector.extract_strided_slice %get3A_4 {offsets = [6, 0], sizes = [1, 1024], strides = [1, 1]} : vector<32x1024xi32> to vector<1x1024xi32>
    %eq3A_73 = vector.broadcast %slice3A_72 : vector<1x1024xi32> to vector<32x1024xi32>
    %eq3A_74 = arith.cmpi eq, %get3A_4, %eq3A_73 : vector<32x1024xi32>
    %slice3A_75 = vector.extract_strided_slice %ne3A_9 {offsets = [6, 0], sizes = [1, 1024], strides = [1, 1]} : vector<32x1024xi1> to vector<1x1024xi1>
    %and3A_76 = vector.broadcast %slice3A_75 : vector<1x1024xi1> to vector<32x1024xi1>
    %and3A_77 = arith.andi %eq3A_74, %and3A_76 : vector<32x1024xi1>
    %gt3A_78 = arith.constant 6 : i32
    %gt3A_79 = vector.broadcast %gt3A_78 : i32 to vector<32x1024xi32>
    %gt3A_80 = arith.cmpi sgt, %iota3A, %gt3A_79 : vector<32x1024xi32>
    %and3A_81 = arith.andi %and3A_77, %gt3A_80 : vector<32x1024xi1>
    %or3A_82 = arith.ori %or3A_71, %and3A_81 : vector<32x1024xi1>
    %slice3A_83 = vector.extract_strided_slice %get3A_4 {offsets = [7, 0], sizes = [1, 1024], strides = [1, 1]} : vector<32x1024xi32> to vector<1x1024xi32>
    %eq3A_84 = vector.broadcast %slice3A_83 : vector<1x1024xi32> to vector<32x1024xi32>
    %eq3A_85 = arith.cmpi eq, %get3A_4, %eq3A_84 : vector<32x1024xi32>
    %slice3A_86 = vector.extract_strided_slice %ne3A_9 {offsets = [7, 0], sizes = [1, 1024], strides = [1, 1]} : vector<32x1024xi1> to vector<1x1024xi1>
    %and3A_87 = vector.broadcast %slice3A_86 : vector<1x1024xi1> to vector<32x1024xi1>
    %and3A_88 = arith.andi %eq3A_85, %and3A_87 : vector<32x1024xi1>
    %gt3A_89 = arith.constant 7 : i32
    %gt3A_90 = vector.broadcast %gt3A_89 : i32 to vector<32x1024xi32>
    %gt3A_91 = arith.cmpi sgt, %iota3A, %gt3A_90 : vector<32x1024xi32>
    %and3A_92 = arith.andi %and3A_88, %gt3A_91 : vector<32x1024xi1>
    %or3A_93 = arith.ori %or3A_82, %and3A_92 : vector<32x1024xi1>
    %slice3A_94 = vector.extract_strided_slice %get3A_4 {offsets = [8, 0], sizes = [1, 1024], strides = [1, 1]} : vector<32x1024xi32> to vector<1x1024xi32>
    %eq3A_95 = vector.broadcast %slice3A_94 : vector<1x1024xi32> to vector<32x1024xi32>
    %eq3A_96 = arith.cmpi eq, %get3A_4, %eq3A_95 : vector<32x1024xi32>
    %slice3A_97 = vector.extract_strided_slice %ne3A_9 {offsets = [8, 0], sizes = [1, 1024], strides = [1, 1]} : vector<32x1024xi1> to vector<1x1024xi1>
    %and3A_98 = vector.broadcast %slice3A_97 : vector<1x1024xi1> to vector<32x1024xi1>
    %and3A_99 = arith.andi %eq3A_96, %and3A_98 : vector<32x1024xi1>
    %gt3A_100 = arith.constant 8 : i32
    %gt3A_101 = vector.broadcast %gt3A_100 : i32 to vector<32x1024xi32>
    %gt3A_102 = arith.cmpi sgt, %iota3A, %gt3A_101 : vector<32x1024xi32>
    %and3A_103 = arith.andi %and3A_99, %gt3A_102 : vector<32x1024xi1>
    %or3A_104 = arith.ori %or3A_93, %and3A_103 : vector<32x1024xi1>
    %slice3A_105 = vector.extract_strided_slice %get3A_4 {offsets = [9, 0], sizes = [1, 1024], strides = [1, 1]} : vector<32x1024xi32> to vector<1x1024xi32>
    %eq3A_106 = vector.broadcast %slice3A_105 : vector<1x1024xi32> to vector<32x1024xi32>
    %eq3A_107 = arith.cmpi eq, %get3A_4, %eq3A_106 : vector<32x1024xi32>
    %slice3A_108 = vector.extract_strided_slice %ne3A_9 {offsets = [9, 0], sizes = [1, 1024], strides = [1, 1]} : vector<32x1024xi1> to vector<1x1024xi1>
    %and3A_109 = vector.broadcast %slice3A_108 : vector<1x1024xi1> to vector<32x1024xi1>
    %and3A_110 = arith.andi %eq3A_107, %and3A_109 : vector<32x1024xi1>
    %gt3A_111 = arith.constant 9 : i32
    %gt3A_112 = vector.broadcast %gt3A_111 : i32 to vector<32x1024xi32>
    %gt3A_113 = arith.cmpi sgt, %iota3A, %gt3A_112 : vector<32x1024xi32>
    %and3A_114 = arith.andi %and3A_110, %gt3A_113 : vector<32x1024xi1>
    %or3A_115 = arith.ori %or3A_104, %and3A_114 : vector<32x1024xi1>
    %slice3A_116 = vector.extract_strided_slice %get3A_4 {offsets = [10, 0], sizes = [1, 1024], strides = [1, 1]} : vector<32x1024xi32> to vector<1x1024xi32>
    %eq3A_117 = vector.broadcast %slice3A_116 : vector<1x1024xi32> to vector<32x1024xi32>
    %eq3A_118 = arith.cmpi eq, %get3A_4, %eq3A_117 : vector<32x1024xi32>
    %slice3A_119 = vector.extract_strided_slice %ne3A_9 {offsets = [10, 0], sizes = [1, 1024], strides = [1, 1]} : vector<32x1024xi1> to vector<1x1024xi1>
    %and3A_120 = vector.broadcast %slice3A_119 : vector<1x1024xi1> to vector<32x1024xi1>
    %and3A_121 = arith.andi %eq3A_118, %and3A_120 : vector<32x1024xi1>
    %gt3A_122 = arith.constant 10 : i32
    %gt3A_123 = vector.broadcast %gt3A_122 : i32 to vector<32x1024xi32>
    %gt3A_124 = arith.cmpi sgt, %iota3A, %gt3A_123 : vector<32x1024xi32>
    %and3A_125 = arith.andi %and3A_121, %gt3A_124 : vector<32x1024xi1>
    %or3A_126 = arith.ori %or3A_115, %and3A_125 : vector<32x1024xi1>
    %slice3A_127 = vector.extract_strided_slice %get3A_4 {offsets = [11, 0], sizes = [1, 1024], strides = [1, 1]} : vector<32x1024xi32> to vector<1x1024xi32>
    %eq3A_128 = vector.broadcast %slice3A_127 : vector<1x1024xi32> to vector<32x1024xi32>
    %eq3A_129 = arith.cmpi eq, %get3A_4, %eq3A_128 : vector<32x1024xi32>
    %slice3A_130 = vector.extract_strided_slice %ne3A_9 {offsets = [11, 0], sizes = [1, 1024], strides = [1, 1]} : vector<32x1024xi1> to vector<1x1024xi1>
    %and3A_131 = vector.broadcast %slice3A_130 : vector<1x1024xi1> to vector<32x1024xi1>
    %and3A_132 = arith.andi %eq3A_129, %and3A_131 : vector<32x1024xi1>
    %gt3A_133 = arith.constant 11 : i32
    %gt3A_134 = vector.broadcast %gt3A_133 : i32 to vector<32x1024xi32>
    %gt3A_135 = arith.cmpi sgt, %iota3A, %gt3A_134 : vector<32x1024xi32>
    %and3A_136 = arith.andi %and3A_132, %gt3A_135 : vector<32x1024xi1>
    %or3A_137 = arith.ori %or3A_126, %and3A_136 : vector<32x1024xi1>
    %slice3A_138 = vector.extract_strided_slice %get3A_4 {offsets = [12, 0], sizes = [1, 1024], strides = [1, 1]} : vector<32x1024xi32> to vector<1x1024xi32>
    %eq3A_139 = vector.broadcast %slice3A_138 : vector<1x1024xi32> to vector<32x1024xi32>
    %eq3A_140 = arith.cmpi eq, %get3A_4, %eq3A_139 : vector<32x1024xi32>
    %slice3A_141 = vector.extract_strided_slice %ne3A_9 {offsets = [12, 0], sizes = [1, 1024], strides = [1, 1]} : vector<32x1024xi1> to vector<1x1024xi1>
    %and3A_142 = vector.broadcast %slice3A_141 : vector<1x1024xi1> to vector<32x1024xi1>
    %and3A_143 = arith.andi %eq3A_140, %and3A_142 : vector<32x1024xi1>
    %gt3A_144 = arith.constant 12 : i32
    %gt3A_145 = vector.broadcast %gt3A_144 : i32 to vector<32x1024xi32>
    %gt3A_146 = arith.cmpi sgt, %iota3A, %gt3A_145 : vector<32x1024xi32>
    %and3A_147 = arith.andi %and3A_143, %gt3A_146 : vector<32x1024xi1>
    %or3A_148 = arith.ori %or3A_137, %and3A_147 : vector<32x1024xi1>
    %slice3A_149 = vector.extract_strided_slice %get3A_4 {offsets = [13, 0], sizes = [1, 1024], strides = [1, 1]} : vector<32x1024xi32> to vector<1x1024xi32>
    %eq3A_150 = vector.broadcast %slice3A_149 : vector<1x1024xi32> to vector<32x1024xi32>
    %eq3A_151 = arith.cmpi eq, %get3A_4, %eq3A_150 : vector<32x1024xi32>
    %slice3A_152 = vector.extract_strided_slice %ne3A_9 {offsets = [13, 0], sizes = [1, 1024], strides = [1, 1]} : vector<32x1024xi1> to vector<1x1024xi1>
    %and3A_153 = vector.broadcast %slice3A_152 : vector<1x1024xi1> to vector<32x1024xi1>
    %and3A_154 = arith.andi %eq3A_151, %and3A_153 : vector<32x1024xi1>
    %gt3A_155 = arith.constant 13 : i32
    %gt3A_156 = vector.broadcast %gt3A_155 : i32 to vector<32x1024xi32>
    %gt3A_157 = arith.cmpi sgt, %iota3A, %gt3A_156 : vector<32x1024xi32>
    %and3A_158 = arith.andi %and3A_154, %gt3A_157 : vector<32x1024xi1>
    %or3A_159 = arith.ori %or3A_148, %and3A_158 : vector<32x1024xi1>
    %slice3A_160 = vector.extract_strided_slice %get3A_4 {offsets = [14, 0], sizes = [1, 1024], strides = [1, 1]} : vector<32x1024xi32> to vector<1x1024xi32>
    %eq3A_161 = vector.broadcast %slice3A_160 : vector<1x1024xi32> to vector<32x1024xi32>
    %eq3A_162 = arith.cmpi eq, %get3A_4, %eq3A_161 : vector<32x1024xi32>
    %slice3A_163 = vector.extract_strided_slice %ne3A_9 {offsets = [14, 0], sizes = [1, 1024], strides = [1, 1]} : vector<32x1024xi1> to vector<1x1024xi1>
    %and3A_164 = vector.broadcast %slice3A_163 : vector<1x1024xi1> to vector<32x1024xi1>
    %and3A_165 = arith.andi %eq3A_162, %and3A_164 : vector<32x1024xi1>
    %gt3A_166 = arith.constant 14 : i32
    %gt3A_167 = vector.broadcast %gt3A_166 : i32 to vector<32x1024xi32>
    %gt3A_168 = arith.cmpi sgt, %iota3A, %gt3A_167 : vector<32x1024xi32>
    %and3A_169 = arith.andi %and3A_165, %gt3A_168 : vector<32x1024xi1>
    %or3A_170 = arith.ori %or3A_159, %and3A_169 : vector<32x1024xi1>
    %slice3A_171 = vector.extract_strided_slice %get3A_4 {offsets = [15, 0], sizes = [1, 1024], strides = [1, 1]} : vector<32x1024xi32> to vector<1x1024xi32>
    %eq3A_172 = vector.broadcast %slice3A_171 : vector<1x1024xi32> to vector<32x1024xi32>
    %eq3A_173 = arith.cmpi eq, %get3A_4, %eq3A_172 : vector<32x1024xi32>
    %slice3A_174 = vector.extract_strided_slice %ne3A_9 {offsets = [15, 0], sizes = [1, 1024], strides = [1, 1]} : vector<32x1024xi1> to vector<1x1024xi1>
    %and3A_175 = vector.broadcast %slice3A_174 : vector<1x1024xi1> to vector<32x1024xi1>
    %and3A_176 = arith.andi %eq3A_173, %and3A_175 : vector<32x1024xi1>
    %gt3A_177 = arith.constant 15 : i32
    %gt3A_178 = vector.broadcast %gt3A_177 : i32 to vector<32x1024xi32>
    %gt3A_179 = arith.cmpi sgt, %iota3A, %gt3A_178 : vector<32x1024xi32>
    %and3A_180 = arith.andi %and3A_176, %gt3A_179 : vector<32x1024xi1>
    %or3A_181 = arith.ori %or3A_170, %and3A_180 : vector<32x1024xi1>
    %slice3A_182 = vector.extract_strided_slice %get3A_4 {offsets = [16, 0], sizes = [1, 1024], strides = [1, 1]} : vector<32x1024xi32> to vector<1x1024xi32>
    %eq3A_183 = vector.broadcast %slice3A_182 : vector<1x1024xi32> to vector<32x1024xi32>
    %eq3A_184 = arith.cmpi eq, %get3A_4, %eq3A_183 : vector<32x1024xi32>
    %slice3A_185 = vector.extract_strided_slice %ne3A_9 {offsets = [16, 0], sizes = [1, 1024], strides = [1, 1]} : vector<32x1024xi1> to vector<1x1024xi1>
    %and3A_186 = vector.broadcast %slice3A_185 : vector<1x1024xi1> to vector<32x1024xi1>
    %and3A_187 = arith.andi %eq3A_184, %and3A_186 : vector<32x1024xi1>
    %gt3A_188 = arith.constant 16 : i32
    %gt3A_189 = vector.broadcast %gt3A_188 : i32 to vector<32x1024xi32>
    %gt3A_190 = arith.cmpi sgt, %iota3A, %gt3A_189 : vector<32x1024xi32>
    %and3A_191 = arith.andi %and3A_187, %gt3A_190 : vector<32x1024xi1>
    %or3A_192 = arith.ori %or3A_181, %and3A_191 : vector<32x1024xi1>
    %slice3A_193 = vector.extract_strided_slice %get3A_4 {offsets = [17, 0], sizes = [1, 1024], strides = [1, 1]} : vector<32x1024xi32> to vector<1x1024xi32>
    %eq3A_194 = vector.broadcast %slice3A_193 : vector<1x1024xi32> to vector<32x1024xi32>
    %eq3A_195 = arith.cmpi eq, %get3A_4, %eq3A_194 : vector<32x1024xi32>
    %slice3A_196 = vector.extract_strided_slice %ne3A_9 {offsets = [17, 0], sizes = [1, 1024], strides = [1, 1]} : vector<32x1024xi1> to vector<1x1024xi1>
    %and3A_197 = vector.broadcast %slice3A_196 : vector<1x1024xi1> to vector<32x1024xi1>
    %and3A_198 = arith.andi %eq3A_195, %and3A_197 : vector<32x1024xi1>
    %gt3A_199 = arith.constant 17 : i32
    %gt3A_200 = vector.broadcast %gt3A_199 : i32 to vector<32x1024xi32>
    %gt3A_201 = arith.cmpi sgt, %iota3A, %gt3A_200 : vector<32x1024xi32>
    %and3A_202 = arith.andi %and3A_198, %gt3A_201 : vector<32x1024xi1>
    %or3A_203 = arith.ori %or3A_192, %and3A_202 : vector<32x1024xi1>
    %slice3A_204 = vector.extract_strided_slice %get3A_4 {offsets = [18, 0], sizes = [1, 1024], strides = [1, 1]} : vector<32x1024xi32> to vector<1x1024xi32>
    %eq3A_205 = vector.broadcast %slice3A_204 : vector<1x1024xi32> to vector<32x1024xi32>
    %eq3A_206 = arith.cmpi eq, %get3A_4, %eq3A_205 : vector<32x1024xi32>
    %slice3A_207 = vector.extract_strided_slice %ne3A_9 {offsets = [18, 0], sizes = [1, 1024], strides = [1, 1]} : vector<32x1024xi1> to vector<1x1024xi1>
    %and3A_208 = vector.broadcast %slice3A_207 : vector<1x1024xi1> to vector<32x1024xi1>
    %and3A_209 = arith.andi %eq3A_206, %and3A_208 : vector<32x1024xi1>
    %gt3A_210 = arith.constant 18 : i32
    %gt3A_211 = vector.broadcast %gt3A_210 : i32 to vector<32x1024xi32>
    %gt3A_212 = arith.cmpi sgt, %iota3A, %gt3A_211 : vector<32x1024xi32>
    %and3A_213 = arith.andi %and3A_209, %gt3A_212 : vector<32x1024xi1>
    %or3A_214 = arith.ori %or3A_203, %and3A_213 : vector<32x1024xi1>
    %slice3A_215 = vector.extract_strided_slice %get3A_4 {offsets = [19, 0], sizes = [1, 1024], strides = [1, 1]} : vector<32x1024xi32> to vector<1x1024xi32>
    %eq3A_216 = vector.broadcast %slice3A_215 : vector<1x1024xi32> to vector<32x1024xi32>
    %eq3A_217 = arith.cmpi eq, %get3A_4, %eq3A_216 : vector<32x1024xi32>
    %slice3A_218 = vector.extract_strided_slice %ne3A_9 {offsets = [19, 0], sizes = [1, 1024], strides = [1, 1]} : vector<32x1024xi1> to vector<1x1024xi1>
    %and3A_219 = vector.broadcast %slice3A_218 : vector<1x1024xi1> to vector<32x1024xi1>
    %and3A_220 = arith.andi %eq3A_217, %and3A_219 : vector<32x1024xi1>
    %gt3A_221 = arith.constant 19 : i32
    %gt3A_222 = vector.broadcast %gt3A_221 : i32 to vector<32x1024xi32>
    %gt3A_223 = arith.cmpi sgt, %iota3A, %gt3A_222 : vector<32x1024xi32>
    %and3A_224 = arith.andi %and3A_220, %gt3A_223 : vector<32x1024xi1>
    %or3A_225 = arith.ori %or3A_214, %and3A_224 : vector<32x1024xi1>
    %slice3A_226 = vector.extract_strided_slice %get3A_4 {offsets = [20, 0], sizes = [1, 1024], strides = [1, 1]} : vector<32x1024xi32> to vector<1x1024xi32>
    %eq3A_227 = vector.broadcast %slice3A_226 : vector<1x1024xi32> to vector<32x1024xi32>
    %eq3A_228 = arith.cmpi eq, %get3A_4, %eq3A_227 : vector<32x1024xi32>
    %slice3A_229 = vector.extract_strided_slice %ne3A_9 {offsets = [20, 0], sizes = [1, 1024], strides = [1, 1]} : vector<32x1024xi1> to vector<1x1024xi1>
    %and3A_230 = vector.broadcast %slice3A_229 : vector<1x1024xi1> to vector<32x1024xi1>
    %and3A_231 = arith.andi %eq3A_228, %and3A_230 : vector<32x1024xi1>
    %gt3A_232 = arith.constant 20 : i32
    %gt3A_233 = vector.broadcast %gt3A_232 : i32 to vector<32x1024xi32>
    %gt3A_234 = arith.cmpi sgt, %iota3A, %gt3A_233 : vector<32x1024xi32>
    %and3A_235 = arith.andi %and3A_231, %gt3A_234 : vector<32x1024xi1>
    %or3A_236 = arith.ori %or3A_225, %and3A_235 : vector<32x1024xi1>
    %slice3A_237 = vector.extract_strided_slice %get3A_4 {offsets = [21, 0], sizes = [1, 1024], strides = [1, 1]} : vector<32x1024xi32> to vector<1x1024xi32>
    %eq3A_238 = vector.broadcast %slice3A_237 : vector<1x1024xi32> to vector<32x1024xi32>
    %eq3A_239 = arith.cmpi eq, %get3A_4, %eq3A_238 : vector<32x1024xi32>
    %slice3A_240 = vector.extract_strided_slice %ne3A_9 {offsets = [21, 0], sizes = [1, 1024], strides = [1, 1]} : vector<32x1024xi1> to vector<1x1024xi1>
    %and3A_241 = vector.broadcast %slice3A_240 : vector<1x1024xi1> to vector<32x1024xi1>
    %and3A_242 = arith.andi %eq3A_239, %and3A_241 : vector<32x1024xi1>
    %gt3A_243 = arith.constant 21 : i32
    %gt3A_244 = vector.broadcast %gt3A_243 : i32 to vector<32x1024xi32>
    %gt3A_245 = arith.cmpi sgt, %iota3A, %gt3A_244 : vector<32x1024xi32>
    %and3A_246 = arith.andi %and3A_242, %gt3A_245 : vector<32x1024xi1>
    %or3A_247 = arith.ori %or3A_236, %and3A_246 : vector<32x1024xi1>
    %slice3A_248 = vector.extract_strided_slice %get3A_4 {offsets = [22, 0], sizes = [1, 1024], strides = [1, 1]} : vector<32x1024xi32> to vector<1x1024xi32>
    %eq3A_249 = vector.broadcast %slice3A_248 : vector<1x1024xi32> to vector<32x1024xi32>
    %eq3A_250 = arith.cmpi eq, %get3A_4, %eq3A_249 : vector<32x1024xi32>
    %slice3A_251 = vector.extract_strided_slice %ne3A_9 {offsets = [22, 0], sizes = [1, 1024], strides = [1, 1]} : vector<32x1024xi1> to vector<1x1024xi1>
    %and3A_252 = vector.broadcast %slice3A_251 : vector<1x1024xi1> to vector<32x1024xi1>
    %and3A_253 = arith.andi %eq3A_250, %and3A_252 : vector<32x1024xi1>
    %gt3A_254 = arith.constant 22 : i32
    %gt3A_255 = vector.broadcast %gt3A_254 : i32 to vector<32x1024xi32>
    %gt3A_256 = arith.cmpi sgt, %iota3A, %gt3A_255 : vector<32x1024xi32>
    %and3A_257 = arith.andi %and3A_253, %gt3A_256 : vector<32x1024xi1>
    %or3A_258 = arith.ori %or3A_247, %and3A_257 : vector<32x1024xi1>
    %slice3A_259 = vector.extract_strided_slice %get3A_4 {offsets = [23, 0], sizes = [1, 1024], strides = [1, 1]} : vector<32x1024xi32> to vector<1x1024xi32>
    %eq3A_260 = vector.broadcast %slice3A_259 : vector<1x1024xi32> to vector<32x1024xi32>
    %eq3A_261 = arith.cmpi eq, %get3A_4, %eq3A_260 : vector<32x1024xi32>
    %slice3A_262 = vector.extract_strided_slice %ne3A_9 {offsets = [23, 0], sizes = [1, 1024], strides = [1, 1]} : vector<32x1024xi1> to vector<1x1024xi1>
    %and3A_263 = vector.broadcast %slice3A_262 : vector<1x1024xi1> to vector<32x1024xi1>
    %and3A_264 = arith.andi %eq3A_261, %and3A_263 : vector<32x1024xi1>
    %gt3A_265 = arith.constant 23 : i32
    %gt3A_266 = vector.broadcast %gt3A_265 : i32 to vector<32x1024xi32>
    %gt3A_267 = arith.cmpi sgt, %iota3A, %gt3A_266 : vector<32x1024xi32>
    %and3A_268 = arith.andi %and3A_264, %gt3A_267 : vector<32x1024xi1>
    %or3A_269 = arith.ori %or3A_258, %and3A_268 : vector<32x1024xi1>
    %slice3A_270 = vector.extract_strided_slice %get3A_4 {offsets = [24, 0], sizes = [1, 1024], strides = [1, 1]} : vector<32x1024xi32> to vector<1x1024xi32>
    %eq3A_271 = vector.broadcast %slice3A_270 : vector<1x1024xi32> to vector<32x1024xi32>
    %eq3A_272 = arith.cmpi eq, %get3A_4, %eq3A_271 : vector<32x1024xi32>
    %slice3A_273 = vector.extract_strided_slice %ne3A_9 {offsets = [24, 0], sizes = [1, 1024], strides = [1, 1]} : vector<32x1024xi1> to vector<1x1024xi1>
    %and3A_274 = vector.broadcast %slice3A_273 : vector<1x1024xi1> to vector<32x1024xi1>
    %and3A_275 = arith.andi %eq3A_272, %and3A_274 : vector<32x1024xi1>
    %gt3A_276 = arith.constant 24 : i32
    %gt3A_277 = vector.broadcast %gt3A_276 : i32 to vector<32x1024xi32>
    %gt3A_278 = arith.cmpi sgt, %iota3A, %gt3A_277 : vector<32x1024xi32>
    %and3A_279 = arith.andi %and3A_275, %gt3A_278 : vector<32x1024xi1>
    %or3A_280 = arith.ori %or3A_269, %and3A_279 : vector<32x1024xi1>
    %slice3A_281 = vector.extract_strided_slice %get3A_4 {offsets = [25, 0], sizes = [1, 1024], strides = [1, 1]} : vector<32x1024xi32> to vector<1x1024xi32>
    %eq3A_282 = vector.broadcast %slice3A_281 : vector<1x1024xi32> to vector<32x1024xi32>
    %eq3A_283 = arith.cmpi eq, %get3A_4, %eq3A_282 : vector<32x1024xi32>
    %slice3A_284 = vector.extract_strided_slice %ne3A_9 {offsets = [25, 0], sizes = [1, 1024], strides = [1, 1]} : vector<32x1024xi1> to vector<1x1024xi1>
    %and3A_285 = vector.broadcast %slice3A_284 : vector<1x1024xi1> to vector<32x1024xi1>
    %and3A_286 = arith.andi %eq3A_283, %and3A_285 : vector<32x1024xi1>
    %gt3A_287 = arith.constant 25 : i32
    %gt3A_288 = vector.broadcast %gt3A_287 : i32 to vector<32x1024xi32>
    %gt3A_289 = arith.cmpi sgt, %iota3A, %gt3A_288 : vector<32x1024xi32>
    %and3A_290 = arith.andi %and3A_286, %gt3A_289 : vector<32x1024xi1>
    %or3A_291 = arith.ori %or3A_280, %and3A_290 : vector<32x1024xi1>
    %slice3A_292 = vector.extract_strided_slice %get3A_4 {offsets = [26, 0], sizes = [1, 1024], strides = [1, 1]} : vector<32x1024xi32> to vector<1x1024xi32>
    %eq3A_293 = vector.broadcast %slice3A_292 : vector<1x1024xi32> to vector<32x1024xi32>
    %eq3A_294 = arith.cmpi eq, %get3A_4, %eq3A_293 : vector<32x1024xi32>
    %slice3A_295 = vector.extract_strided_slice %ne3A_9 {offsets = [26, 0], sizes = [1, 1024], strides = [1, 1]} : vector<32x1024xi1> to vector<1x1024xi1>
    %and3A_296 = vector.broadcast %slice3A_295 : vector<1x1024xi1> to vector<32x1024xi1>
    %and3A_297 = arith.andi %eq3A_294, %and3A_296 : vector<32x1024xi1>
    %gt3A_298 = arith.constant 26 : i32
    %gt3A_299 = vector.broadcast %gt3A_298 : i32 to vector<32x1024xi32>
    %gt3A_300 = arith.cmpi sgt, %iota3A, %gt3A_299 : vector<32x1024xi32>
    %and3A_301 = arith.andi %and3A_297, %gt3A_300 : vector<32x1024xi1>
    %or3A_302 = arith.ori %or3A_291, %and3A_301 : vector<32x1024xi1>
    %slice3A_303 = vector.extract_strided_slice %get3A_4 {offsets = [27, 0], sizes = [1, 1024], strides = [1, 1]} : vector<32x1024xi32> to vector<1x1024xi32>
    %eq3A_304 = vector.broadcast %slice3A_303 : vector<1x1024xi32> to vector<32x1024xi32>
    %eq3A_305 = arith.cmpi eq, %get3A_4, %eq3A_304 : vector<32x1024xi32>
    %slice3A_306 = vector.extract_strided_slice %ne3A_9 {offsets = [27, 0], sizes = [1, 1024], strides = [1, 1]} : vector<32x1024xi1> to vector<1x1024xi1>
    %and3A_307 = vector.broadcast %slice3A_306 : vector<1x1024xi1> to vector<32x1024xi1>
    %and3A_308 = arith.andi %eq3A_305, %and3A_307 : vector<32x1024xi1>
    %gt3A_309 = arith.constant 27 : i32
    %gt3A_310 = vector.broadcast %gt3A_309 : i32 to vector<32x1024xi32>
    %gt3A_311 = arith.cmpi sgt, %iota3A, %gt3A_310 : vector<32x1024xi32>
    %and3A_312 = arith.andi %and3A_308, %gt3A_311 : vector<32x1024xi1>
    %or3A_313 = arith.ori %or3A_302, %and3A_312 : vector<32x1024xi1>
    %slice3A_314 = vector.extract_strided_slice %get3A_4 {offsets = [28, 0], sizes = [1, 1024], strides = [1, 1]} : vector<32x1024xi32> to vector<1x1024xi32>
    %eq3A_315 = vector.broadcast %slice3A_314 : vector<1x1024xi32> to vector<32x1024xi32>
    %eq3A_316 = arith.cmpi eq, %get3A_4, %eq3A_315 : vector<32x1024xi32>
    %slice3A_317 = vector.extract_strided_slice %ne3A_9 {offsets = [28, 0], sizes = [1, 1024], strides = [1, 1]} : vector<32x1024xi1> to vector<1x1024xi1>
    %and3A_318 = vector.broadcast %slice3A_317 : vector<1x1024xi1> to vector<32x1024xi1>
    %and3A_319 = arith.andi %eq3A_316, %and3A_318 : vector<32x1024xi1>
    %gt3A_320 = arith.constant 28 : i32
    %gt3A_321 = vector.broadcast %gt3A_320 : i32 to vector<32x1024xi32>
    %gt3A_322 = arith.cmpi sgt, %iota3A, %gt3A_321 : vector<32x1024xi32>
    %and3A_323 = arith.andi %and3A_319, %gt3A_322 : vector<32x1024xi1>
    %or3A_324 = arith.ori %or3A_313, %and3A_323 : vector<32x1024xi1>
    %slice3A_325 = vector.extract_strided_slice %get3A_4 {offsets = [29, 0], sizes = [1, 1024], strides = [1, 1]} : vector<32x1024xi32> to vector<1x1024xi32>
    %eq3A_326 = vector.broadcast %slice3A_325 : vector<1x1024xi32> to vector<32x1024xi32>
    %eq3A_327 = arith.cmpi eq, %get3A_4, %eq3A_326 : vector<32x1024xi32>
    %slice3A_328 = vector.extract_strided_slice %ne3A_9 {offsets = [29, 0], sizes = [1, 1024], strides = [1, 1]} : vector<32x1024xi1> to vector<1x1024xi1>
    %and3A_329 = vector.broadcast %slice3A_328 : vector<1x1024xi1> to vector<32x1024xi1>
    %and3A_330 = arith.andi %eq3A_327, %and3A_329 : vector<32x1024xi1>
    %gt3A_331 = arith.constant 29 : i32
    %gt3A_332 = vector.broadcast %gt3A_331 : i32 to vector<32x1024xi32>
    %gt3A_333 = arith.cmpi sgt, %iota3A, %gt3A_332 : vector<32x1024xi32>
    %and3A_334 = arith.andi %and3A_330, %gt3A_333 : vector<32x1024xi1>
    %or3A_335 = arith.ori %or3A_324, %and3A_334 : vector<32x1024xi1>
    %slice3A_336 = vector.extract_strided_slice %get3A_4 {offsets = [30, 0], sizes = [1, 1024], strides = [1, 1]} : vector<32x1024xi32> to vector<1x1024xi32>
    %eq3A_337 = vector.broadcast %slice3A_336 : vector<1x1024xi32> to vector<32x1024xi32>
    %eq3A_338 = arith.cmpi eq, %get3A_4, %eq3A_337 : vector<32x1024xi32>
    %slice3A_339 = vector.extract_strided_slice %ne3A_9 {offsets = [30, 0], sizes = [1, 1024], strides = [1, 1]} : vector<32x1024xi1> to vector<1x1024xi1>
    %and3A_340 = vector.broadcast %slice3A_339 : vector<1x1024xi1> to vector<32x1024xi1>
    %and3A_341 = arith.andi %eq3A_338, %and3A_340 : vector<32x1024xi1>
    %gt3A_342 = arith.constant 30 : i32
    %gt3A_343 = vector.broadcast %gt3A_342 : i32 to vector<32x1024xi32>
    %gt3A_344 = arith.cmpi sgt, %iota3A, %gt3A_343 : vector<32x1024xi32>
    %and3A_345 = arith.andi %and3A_341, %gt3A_344 : vector<32x1024xi1>
    %or3A_346 = arith.ori %or3A_335, %and3A_345 : vector<32x1024xi1>
    %shift_right_logical3A = arith.constant 6 : i32
    %shift_right_logical3A_347 = vector.broadcast %shift_right_logical3A : i32 to vector<32x1024xi32>
    %shift_right_logical3A_348 = arith.shrui %get3A_4, %shift_right_logical3A_347 : vector<32x1024xi32>
    %broadcast_in_dim3A_349 = arith.constant false
    %broadcast_in_dim3A_350 = vector.broadcast %broadcast_in_dim3A_349 : i1 to vector<32x1024xi1>
    %get3A_351 = arith.constant 0 : index
    %get3A_352 = arith.constant 0 : index
    %get3A_353 = vector.load %arg1[%get3A_351, %get3A_352] : memref<8x1024xi32, #tpu.memory_space<vmem>>, vector<1x1024xi32>
    %eq3A_354 = vector.broadcast %get3A_353 : vector<1x1024xi32> to vector<32x1024xi32>
    %eq3A_355 = arith.cmpi eq, %shift_right_logical3A_348, %eq3A_354 : vector<32x1024xi32>
    %or3A_356 = arith.ori %broadcast_in_dim3A_350, %eq3A_355 : vector<32x1024xi1>
    %get3A_357 = arith.constant 1 : index
    %get3A_358 = arith.constant 0 : index
    %get3A_359 = vector.load %arg1[%get3A_357, %get3A_358] : memref<8x1024xi32, #tpu.memory_space<vmem>>, vector<1x1024xi32>
    %eq3A_360 = vector.broadcast %get3A_359 : vector<1x1024xi32> to vector<32x1024xi32>
    %eq3A_361 = arith.cmpi eq, %shift_right_logical3A_348, %eq3A_360 : vector<32x1024xi32>
    %or3A_362 = arith.ori %or3A_356, %eq3A_361 : vector<32x1024xi1>
    %get3A_363 = arith.constant 2 : index
    %get3A_364 = arith.constant 0 : index
    %get3A_365 = vector.load %arg1[%get3A_363, %get3A_364] : memref<8x1024xi32, #tpu.memory_space<vmem>>, vector<1x1024xi32>
    %eq3A_366 = vector.broadcast %get3A_365 : vector<1x1024xi32> to vector<32x1024xi32>
    %eq3A_367 = arith.cmpi eq, %shift_right_logical3A_348, %eq3A_366 : vector<32x1024xi32>
    %or3A_368 = arith.ori %or3A_362, %eq3A_367 : vector<32x1024xi1>
    %get3A_369 = arith.constant 3 : index
    %get3A_370 = arith.constant 0 : index
    %get3A_371 = vector.load %arg1[%get3A_369, %get3A_370] : memref<8x1024xi32, #tpu.memory_space<vmem>>, vector<1x1024xi32>
    %eq3A_372 = vector.broadcast %get3A_371 : vector<1x1024xi32> to vector<32x1024xi32>
    %eq3A_373 = arith.cmpi eq, %shift_right_logical3A_348, %eq3A_372 : vector<32x1024xi32>
    %or3A_374 = arith.ori %or3A_368, %eq3A_373 : vector<32x1024xi1>
    %get3A_375 = arith.constant 4 : index
    %get3A_376 = arith.constant 0 : index
    %get3A_377 = vector.load %arg1[%get3A_375, %get3A_376] : memref<8x1024xi32, #tpu.memory_space<vmem>>, vector<1x1024xi32>
    %eq3A_378 = vector.broadcast %get3A_377 : vector<1x1024xi32> to vector<32x1024xi32>
    %eq3A_379 = arith.cmpi eq, %shift_right_logical3A_348, %eq3A_378 : vector<32x1024xi32>
    %or3A_380 = arith.ori %or3A_374, %eq3A_379 : vector<32x1024xi1>
    %get3A_381 = arith.constant 5 : index
    %get3A_382 = arith.constant 0 : index
    %get3A_383 = vector.load %arg1[%get3A_381, %get3A_382] : memref<8x1024xi32, #tpu.memory_space<vmem>>, vector<1x1024xi32>
    %eq3A_384 = vector.broadcast %get3A_383 : vector<1x1024xi32> to vector<32x1024xi32>
    %eq3A_385 = arith.cmpi eq, %shift_right_logical3A_348, %eq3A_384 : vector<32x1024xi32>
    %or3A_386 = arith.ori %or3A_380, %eq3A_385 : vector<32x1024xi1>
    %get3A_387 = arith.constant 6 : index
    %get3A_388 = arith.constant 0 : index
    %get3A_389 = vector.load %arg1[%get3A_387, %get3A_388] : memref<8x1024xi32, #tpu.memory_space<vmem>>, vector<1x1024xi32>
    %eq3A_390 = vector.broadcast %get3A_389 : vector<1x1024xi32> to vector<32x1024xi32>
    %eq3A_391 = arith.cmpi eq, %shift_right_logical3A_348, %eq3A_390 : vector<32x1024xi32>
    %or3A_392 = arith.ori %or3A_386, %eq3A_391 : vector<32x1024xi1>
    %get3A_393 = arith.constant 7 : index
    %get3A_394 = arith.constant 0 : index
    %get3A_395 = vector.load %arg1[%get3A_393, %get3A_394] : memref<8x1024xi32, #tpu.memory_space<vmem>>, vector<1x1024xi32>
    %eq3A_396 = vector.broadcast %get3A_395 : vector<1x1024xi32> to vector<32x1024xi32>
    %eq3A_397 = arith.cmpi eq, %shift_right_logical3A_348, %eq3A_396 : vector<32x1024xi32>
    %or3A_398 = arith.ori %or3A_392, %eq3A_397 : vector<32x1024xi1>
    %not3A = arith.constant dense<true> : vector<32x1024xi1>
    %not3A_399 = arith.xori %or3A_346, %not3A : vector<32x1024xi1>
    %and3A_400 = arith.andi %ne3A_9, %not3A_399 : vector<32x1024xi1>
    %and3A_401 = arith.andi %and3A_400, %or3A_398 : vector<32x1024xi1>
    %convert_element_type3A = arith.extui %and3A_401 : vector<32x1024xi1> to vector<32x1024xi32>
    %convert_element_type3A_402 = arith.sitofp %convert_element_type3A : vector<32x1024xi32> to vector<32x1024xf32>
    %max3A = arith.constant 0.000000e+00 : f32
    %max3A_403 = vector.broadcast %max3A : f32 to vector<1024x512xf32>
    %max3A_404 = arith.maximumf %get3A_1, %max3A_403 : vector<1024x512xf32>
    %abs3A = math.absf %get3A_1 : vector<1024x512xf32>
    %neg3A = arith.constant 0.000000e+00 : f32
    %neg3A_405 = vector.broadcast %neg3A : f32 to vector<1024x512xf32>
    %neg3A_406 = arith.subf %neg3A_405, %abs3A : vector<1024x512xf32>
    %exp3A = math.exp %neg3A_406 : vector<1024x512xf32>
    %log1p3A = math.log1p %exp3A : vector<1024x512xf32>
    %add3A = arith.addf %max3A_404, %log1p3A : vector<1024x512xf32>
    %reduce_sum3A = vector.shape_cast %add3A : vector<1024x512xf32> to vector<1x1024x512xf32>
    %reduce_sum3A_407 = arith.constant dense<0.000000e+00> : vector<1xf32>
    %reduce_sum3A_408 = vector.multi_reduction <add>, %reduce_sum3A, %reduce_sum3A_407 [1, 2] : vector<1x1024x512xf32> to vector<1xf32>
    %reduce_sum3A_409 = vector.shape_cast %reduce_sum3A_408 : vector<1xf32> to vector<1x1x1xf32>
    %reduce_sum3A_410 = vector.extract %reduce_sum3A_409[0, 0, 0] : f32 from vector<1x1x1xf32>
    %get3A_411 = arith.constant 0 : index
    %get3A_412 = arith.constant 0 : index
    %get3A_413 = vector.load %arg4[%get3A_411, %get3A_412] : memref<32x1024xf32, #tpu.memory_space<vmem>>, vector<32x1024xf32>
    %mul3A = arith.mulf %get3A_413, %convert_element_type3A_402 : vector<32x1024xf32>
    %reduce_sum3A_414 = vector.shape_cast %mul3A : vector<32x1024xf32> to vector<1x32x1024xf32>
    %reduce_sum3A_415 = arith.constant dense<0.000000e+00> : vector<1xf32>
    %reduce_sum3A_416 = vector.multi_reduction <add>, %reduce_sum3A_414, %reduce_sum3A_415 [1, 2] : vector<1x32x1024xf32> to vector<1xf32>
    %reduce_sum3A_417 = vector.shape_cast %reduce_sum3A_416 : vector<1xf32> to vector<1x1x1xf32>
    %reduce_sum3A_418 = vector.extract %reduce_sum3A_417[0, 0, 0] : f32 from vector<1x1x1xf32>
    %sub3A = arith.subf %reduce_sum3A_410, %reduce_sum3A_418 : f32
    %div3A = arith.constant 5.242880e+05 : f32
    %div3A_419 = arith.divf %sub3A, %div3A : f32
    %get3A_420 = arith.constant 0 : index
    %get3A_421 = arith.constant 0 : index
    %get3A_422 = memref.load %arg5[%get3A_420, %get3A_421] : memref<1x1xf32, #tpu.memory_space<smem>>
    %div3A_423 = arith.constant 6.553600e+04 : f32
    %div3A_424 = arith.divf %get3A_422, %div3A_423 : f32
    %add3A_425 = arith.addf %div3A_419, %div3A_424 : f32
    %swap3A = arith.constant 0 : index
    %swap3A_426 = arith.constant 0 : index
    %swap3A_427 = memref.load %arg6[%swap3A, %swap3A_426] : memref<1x1xf32, #tpu.memory_space<smem>>
    memref.store %add3A_425, %arg6[%swap3A, %swap3A_426] : memref<1x1xf32, #tpu.memory_space<smem>>
    return
  }
}

</mosaic_0001>

<sc_bundles>
// kernel: kernel.6.cloned.1.call-start
scs
__scs_entry_jumppad:
0x0: {  	(pc) =	sbr.rel $0x88, $3  }
0x1: {  	(tag) =	ssettag $0x0;
	lr =	simm.s32 $0x1  }
0x2: {  	[smem:$0x3F98] =	sst lr;
	_ =	strace $0xD0000000  }
0x3: {  	_ = 	snop  }
0x4: {  	_ = 	snop  }
0x5: {  	_ = 	snop  }
0x6: {  	_ = 	snop  }
0x7: {  	_ = 	snop  }
__scs_overlays_trampoline_lowered:
0x8: {  	[smem:$0x3FA7] =	sst s0  }
0x9: {  	[smem:$0x3FA8] =	sst s1  }
0xa: {  	[smem:$0x3FA9] =	sst s2  }
0xb: {  	[smem:$0x3FAA] =	sst s3  }
0xc: {  	[smem:$0x3FAB] =	sst s4  }
0xd: {  	[smem:$0x3FAC] =	sst s5  }
0xe: {  	[smem:$0x3FAD] =	sst s6  }
0xf: {  	[smem:$0x3FAE] =	sst s7  }
0x10: {  	[smem:$0x3FAF] =	sst s8  }
0x11: {  	[smem:$0x3FB0] =	sst s9;
	s0 =	simm.s32 @!p0 $0x0  }
0x12: {  	s1 =	sld [smem:$0x3F96];
	s0 =	simm.s32 @p0 $0x1  }
0x13: {  	[smem:$0x3FB1] =	sst s0;
	s0 =	simm.s32 @!p1 $0x0  }
0x14: {  	s2 =	sld [smem:$0x3F95];
	s0 =	simm.s32 @p1 $0x1  }
0x15: {  	[smem:$0x3FB2] =	sst s0;
	s0 =	simm.s32 @!p2 $0x0  }
0x16: {  	s3 =	sld [smem:$0x3FDB];
	s0 =	simm.s32 @p2 $0x1  }
0x17: {  	s4 =	simm.s32 $0x1BF5;
	[smem:$0x3FB4] =	sst s0  }
0x18: {  	s0 =	sld [smem:$0x3F97];
	_ =	swait.ge [sflag:s4], $0x0  }
0x19: {  	s7 =	sld [smem:$0x3F98]  }
0x1a: {  	s8 =	sadd.s32 $0xFFFFE003, lr  }
0x1b: {  	s9 =	sadd.s32 $0xFFFFFEF7, lr;
	s5 =	simm.s32 $0xFFFFFFFF;
	p2 =	slt.u32 s8, $0xFFFFF086  }
0x1c: {  	p1 =	slt.u32 s9, $0xF7A;
	s5 =	simm.s32 @!p2 $0x0  }
0x1d: {  	s5 =	simm.s32 @p1 $0x1;
	p0 =	seq.s32 s7, s2  }
0x1e: {  	s7 =	smul.u32 @!p0 $0xF7A, s2;
	p2 =	seq.s32 @!p0 s5, $0x0  }
0x1f: {  	s9 =	smul.u32 $0xF7A, s1;
	s8 =	simm.s32 @!p0 $0x1BF5;
	p2 =	por !p2, p0  }
0x20: {  	[sflag:s8] =	ssyncset.s32 @!p0 $0xFFFFF086;
	s6 =	sadd.s32 @!p0 s3, s7;
	s7 =	simm.s32 @!p0 $0x108  }
0x21: {  	s3 =	sadd.s32 s3, s9;
	s6 =	sadd.s32 @!p0 $0x88, s6;
	s7 =	simm.s32 @p2 $0x1082  }
0x22: {  	[simem:s7], [sflag:s8] =	dma.local @!p0 [hbm:s6], $0xF7A  }
0x23: {  	s9 =	sor.u32 $0xD0000000, s2;
	s6 =	simm.s32 $0x108;
	_ =	swait.ge @!p0 [sflag:s8], $0x0  }
0x24: {  	s3 =	sadd.s32 $0x88, s3;
	s6 =	simm.s32 @!p1 $0x1082;
	[sflag:s4] =	ssyncset.s32 $0xFFFFF086  }
0x25: {  	[simem:s6], [sflag:s4] =	dma.local [hbm:s3], $0xF7A  }
0x26: {  	[smem:$0x3F98] =	sst s1;
	(tag) =	ssettag s2;
	_ =	strace s9  }
0x27: {  	s1 =	sld [smem:$0x3FA8]  }
0x28: {  	s2 =	sld [smem:$0x3FA9]  }
0x29: {  	s4 =	sld [smem:$0x3FAB]  }
0x2a: {  	p0 =	seq.s32 s5, $0x0;
	s5 =	sld [smem:$0x3FAC]  }
0x2b: {  	s6 =	sld [smem:$0x3FAD]  }
0x2c: {  	s7 =	sld [smem:$0x3FAE]  }
0x2d: {  	s3 =	simm.s32 $0x108;
	s8 =	sld [smem:$0x3FAF]  }
0x2e: {  	s3 =	simm.s32 @!p0 $0x1082;
	s9 =	sld [smem:$0x3FB0]  }
0x2f: {  	lr =	sadd.s32 s0, s3;
	s0 =	sld [smem:$0x3FA7]  }
0x30: {  	s3 =	sld [smem:$0x3FAA]  }
0x31: {  	[smem:$0x3FB3] =	sst s10  }
0x32: {  	s10 =	sld [smem:$0x3FB1];
	_ =	sdelay $0x3  }
0x33: {  	p0 =	seq.s32 s10, $0x1;
	s10 =	sld [smem:$0x3FB3];
	_ =	sdelay $0x3  }
0x34: {  	[smem:$0x3FB3] =	sst s10  }
0x35: {  	s10 =	sld [smem:$0x3FB2];
	_ =	sdelay $0x3  }
0x36: {  	p1 =	seq.s32 s10, $0x1;
	s10 =	sld [smem:$0x3FB3];
	_ =	sdelay $0x3  }
0x37: {  	[smem:$0x3FB3] =	sst s10  }
0x38: {  	s10 =	sld [smem:$0x3FB4]  }
0x39: {  	_ = 	snop;
	(pc) =	sbr.ind lr, $3  }
0x3a: {  	_ = 	snop  }
0x3b: {  	_ = 	snop  }
0x3c: {  	p2 =	seq.s32 s10, $0x1;
	s10 =	sld [smem:$0x3FB3]  }
0x3d: {  	_ =	shalt  }
0x3e: {  	_ =	shalt  }
0x3f: {  	_ =	shalt  }
0x40: {  	_ =	shalt  }
0x41: {  	_ =	shalt  }
0x42: {  	_ =	shalt  }
0x43: {  	_ =	shalt  }
0x44: {  	_ =	shalt  }
0x45: {  	_ =	shalt  }
0x46: {  	_ =	shalt  }
0x47: {  	_ =	shalt  }
0x48: {  	_ =	shalt  }
0x49: {  	_ =	shalt  }
0x4a: {  	_ =	shalt  }
0x4b: {  	_ =	shalt  }
0x4c: {  	_ =	shalt  }
0x4d: {  	_ =	shalt  }
0x4e: {  	_ =	shalt  }
0x4f: {  	_ =	shalt  }
0x50: {  	_ =	shalt  }
0x51: {  	_ =	shalt  }
0x52: {  	_ =	shalt  }
0x53: {  	_ =	shalt  }
0x54: {  	_ =	shalt  }
0x55: {  	_ =	shalt  }
0x56: {  	_ =	shalt  }
0x57: {  	_ =	shalt  }
0x58: {  	_ =	shalt  }
0x59: {  	_ =	shalt  }
0x5a: {  	_ =	shalt  }
0x5b: {  	_ =	shalt  }
0x5c: {  	_ =	shalt  }
0x5d: {  	_ =	shalt  }
0x5e: {  	_ =	shalt  }
0x5f: {  	_ =	shalt  }
0x60: {  	_ =	shalt  }
0x61: {  	_ =	shalt  }
0x62: {  	_ =	shalt  }
0x63: {  	_ =	shalt  }
0x64: {  	_ =	shalt  }
0x65: {  	_ =	shalt  }
0x66: {  	_ =	shalt  }
0x67: {  	_ =	shalt  }
0x68: {  	_ =	shalt  }
0x69: {  	_ =	shalt  }
0x6a: {  	_ =	shalt  }
0x6b: {  	_ =	shalt  }
0x6c: {  	_ =	shalt  }
0x6d: {  	_ =	shalt  }
0x6e: {  	_ =	shalt  }
0x6f: {  	_ =	shalt  }
0x70: {  	_ =	shalt  }
0x71: {  	_ =	shalt  }
0x72: {  	_ =	shalt  }
0x73: {  	_ =	shalt  }
0x74: {  	_ =	shalt  }
0x75: {  	_ =	shalt  }
0x76: {  	_ =	shalt  }
0x77: {  	_ =	shalt  }
0x78: {  	_ =	shalt  }
0x79: {  	_ =	shalt  }
0x7a: {  	_ =	shalt  }
0x7b: {  	_ =	shalt  }
0x7c: {  	_ =	shalt  }
0x7d: {  	_ =	shalt  }
0x7e: {  	_ =	shalt  }
0x7f: {  	_ =	shalt  }
0x80: {  	_ =	shalt  }
0x81: {  	_ =	shalt  }
0x82: {  	_ =	shalt  }
0x83: {  	_ =	shalt  }
0x84: {  	_ =	shalt  }
0x85: {  	_ =	shalt  }
0x86: {  	_ =	shalt  }
0x87: {  	_ =	shalt  }
.Lfunc_end0:
.L_simem_size_0:
called_computation_lowered:
.L_overlay_start_0:
0x88: {  	s2 =	sld [smem:$0x3FD9]  }
0x89: {  	s3 =	sld [smem:$0x3FFE];
	_ =	sdelay $0x1  }
0x8a: {  	s1 =	srdreg.scid  }
0x8b: {  	s0 =	sand.u32 $0x1, s1  }
0x8c: {  	s15 =	sshll.u32 s0, $0xA;
	s2 =	sadd.s32 s3, s2  }
0x8d: {  	s2 =	sadd.s32 s2, s15  }
0x8e: {  	[smem:$0x3FBF] =	sst s2  }
0x8f: {  	_ = 	snop  }
0x90: {  	s2 =	sld [smem:$0x3FD0];
	_ =	sdelay $0x2  }
0x91: {  	s16 =	simm.s32 $0xB;
	s4 =	simm.s32 $0x10  }
0x92: {  	[smem:s4], [sflag:s16] =	dma.local [hbm:s2], $0x1  }
0x93: {  	_ =	swait.eq [sflag:s16], $0x1  }
0x94: {  	[sflag:s16] =	ssyncset.done $0x0  }
0x95: {  	[sflag:s16] =	ssyncadd.s32 $0xFFFFFFFF  }
0x96: {  	s17 =	sld [smem:$0x10];
	(tm) =	ssettm $0x1  }
0x97: {  	s18 =	sld [smem:$0x3FFB];
	_ =	sdelay $0x3  }
0x98: {  	_ =	strace s18  }
0x99: {  	s2 =	sld [smem:$0x3FFC];
	_ =	sdelay $0x3  }
0x9a: {  	_ =	strace s2  }
0x9b: {  	s2 =	sld [smem:$0x3FFD];
	_ =	sdelay $0x3  }
0x9c: {  	_ =	strace s2  }
0x9d: {  	_ =	strace $0x8FFFFFFF  }
0x9e: {  	s19 =	sld [smem:$0x3FDB];
	_ =	sdelay $0x1  }
0x9f: {  	s20 =	simm.s32 $_scs_section_size  }
0xa0: {  	s5 =	simm.s32 $_size__tile_overlayer_lowered;
	s6 =	simm.s32 $_tile_overlayer_lowered  }
0xa1: {  	s7 =	simm.s32 $0x1BFF;
	s21 =	sshll.u32 s6, $0x1;
	s4 =	sadd.s32 s20, s19  }
0xa2: {  	s22 =	simm.s32 $0x0;
	s5 =	sshll.u32 s5, $0x1;
	s6 =	sadd.s32 s21, s4  }
0xa3: {  	[timem:s22], [sflag:s7] =	dma.local [hbm:s6], s5  }
0xa4: {  	_ =	swait.ge [sflag:s7], s5  }
0xa5: {  	s5 =	ssub.s32 $0x0, s5;
	[sflag:s7] =	ssyncset.done $0x0  }
0xa6: {  	[sflag:s7] =	ssyncadd.s32 s5;
	_ =	sdelay $0x1  }
0xa7: {  	s23 =	simm.s32 $0x1B8B  }
0xa8: {  	_ =	swait.ge [sflag:s23], $0x1  }
0xa9: {  	[sflag:s23] =	ssyncset.done $0x0  }
0xaa: {  	[sflag:s23] =	ssyncadd.s32 $0xFFFFFFFF  }
0xab: {  	s5 =	sld [smem:$0x0]  }
0xac: {  	s6 =	sand.u32 $0xFFFFFFFE, s1  }
0xad: {  	p0 =	sne.s32 s1, s6  }
0xae: {  	s6 =	sshll.u32 @p0 s6, $0xE  }
0xaf: {  	s6 =	sadd.s32 @p0 $0x11B8D, s6;
	s7 =	sshll.u32 @p0 s5, $0x11  }
0xb0: {  	s6 =	sor.u32 @p0 s7, s6  }
0xb1: {  	[sflag:s6] =	ssyncadd.remote.s32 @p0 $0x1;
	_ =	sdelay $0x1  }
0xb2: {  	s6 =	simm.s32 @p0 $0x1B8D  }
0xb3: {  	_ =	swait.eq @p0 [sflag:s6], $0x1  }
0xb4: {  	[sflag:s6] =	ssyncadd.s32 @p0 $0xFFFFFFFF  }
0xb5: {  	s7 =	sshll.u32 @!p0 s1, $0xE  }
0xb6: {  	s7 =	sor.u32 @!p0 $0x4000, s7;
	s6 =	simm.s32 @!p0 $0x1B8D  }
0xb7: {  	s5 =	sshll.u32 @!p0 s5, $0x11;
	s7 =	sadd.s32 @!p0 $0x11B8D, s7;
	_ =	swait.eq @!p0 [sflag:s6], $0x1  }
0xb8: {  	s5 =	sor.u32 @!p0 s5, s7;
	[sflag:s6] =	ssyncadd.s32 @!p0 $0xFFFFFFFF  }
0xb9: {  	s25 =	simm.s32 $0x1B8E;
	s24 =	sld [smem:$0x3FFE];
	[sflag:s5] =	ssyncadd.remote.s32 @!p0 $0x1  }
0xba: {  	s26 =	simm.s32 $execute0_lowered;
	[smem:$0x3FD2] =	sst s25  }
0xbb: {  	s6 =	sshll.u32 s26, $0x1;
	_ =	strace $0x80000049;
	[dreg:$0x1] =	wrdreg $0xFFFFFFFF  }
0xbc: {  	s28 =	simm.s32 $_size_execute0_lowered;
	s4 =	sadd.s32 s4, s6;
	[dreg:$0x0] =	wrdreg $0x0  }
0xbd: {  	s6 =	sshll.u32 s28, $0x1;
	[dreg:$0x2] =	wrdreg s4  }
0xbe: {  	[dreg:$0x3] =	wrdreg s6  }
0xbf: {  	[dreg:$0x4] =	wrdreg $0xC0  }
0xc0: {  	_ =	task [dreg:s22], $0x5FFFF  }
0xc1: {  	[dreg:$0x1] =	wrdreg $0xFFFFFFFF  }
0xc2: {  	[dreg:$0x0] =	wrdreg $0x60  }
0xc3: {  	[dreg:$0x2] =	wrdreg s24  }
0xc4: {  	[dreg:$0x3] =	wrdreg s17  }
0xc5: {  	[dreg:$0x4] =	wrdreg $0x9  }
0xc6: {  	_ =	task.clear_ibuf [dreg:s22], $0x5FFFF;
	_ =	strace $0x90000049  }
0xc7: {  	s29 =	simm.s32 $0x9;
	_ =	strace $0x8000004B  }
0xc8: {  	_ =	swait.ge [sflag:s29], $0x1  }
0xc9: {  	[sflag:s29] =	ssyncadd.s32 $0xFFFFFFFF  }
0xca: {  	_ =	strace $0x9000004B  }
0xcb: {  	_ =	sfence  }
0xcc: {  	s30 =	sld [smem:$0x0];
	_ =	sdelay $0x2  }
0xcd: {  	s31 =	sshll.u32 s1, $0xD;
	s1 =	sshrl.u32 s1, $0x2  }
0xce: {  	s4 =	sand.u32 $0x4000, s31;
	s1 =	sadd.s32 s1, s30  }
0xcf: {  	s0 =	sor.u32 s4, s0;
	s1 =	sshll.u32 s1, $0x11  }
0xd0: {  	s0 =	sor.u32 s1, s0  }
0xd1: {  	s0 =	sadd.s32 $0x8F2B, s0  }
0xd2: {  	[sflag:s0] =	ssyncadd.remote.s32 $0x1  }
0xd3: {  	_ =	sfence.sel $0xFFFF  }
0xd4: {  	[dreg:$0x0] =	wrdreg $0xFFFFFFFF;
	(pc) =	sbr.abs _section_cstart, $3  }
0xd5: {  	[dreg:$0x1] =	wrdreg $0xFFFFFFFF  }
0xd6: {  	_ =	task.clear_ibuf [dreg:s22], $0x2FFFF;
	_ =	strace $0x9FFFFFFF  }
0xd7: {  	(tm) =	ssettm $0x7FFFFFFF  }
tec
execute0_lowered:
.L_overlay_start_1:
0x0: {  	(tag) =	ssettag $0x1  }
0x1: {  	s0 =	rddreg [dreg:$0x0]  }
0x2: {  	s1 =	rddreg [dreg:$0x1]  }
0x3: {  	s3 =	srdreg.scid;
	s2 =	simm.s32 $0x0;
	s5 =	stileid.u32  }
0x4: {  	s7 =	simm.s32 $0x2;
	s8 =	simm.s32 $0x10;
	s9 =	simm.s32 $0xD000  }
0x5: {  	s10 =	simm.s32 $0xC80;
	s11 =	simm.s32 $0xD800;
	s12 =	simm.s32 $0xD00  }
0x6: {  	s13 =	simm.s32 $0xE000;
	s14 =	simm.s32 $0xD80;
	s15 =	simm.s32 $0xE800  }
0x7: {  	s16 =	simm.s32 $0xE00;
	s17 =	simm.s32 $0xF000;
	s18 =	simm.s32 $0xE80  }
0x8: {  	s19 =	simm.s32 $0xF800;
	s20 =	simm.s32 $0xF00;
	s21 =	simm.s32 $0x10000  }
0x9: {  	s22 =	simm.s32 $0xF80;
	s23 =	simm.s32 $0x10800;
	s24 =	simm.s32 $0x1  }
0xa: {  	s25 =	simm.s32 $0x11000;
	s26 =	simm.s32 $0x0;
	s4 =	sand.u32 $0x1, s3  }
0xb: {  	[smem:$0x7FF] =	sst s2;
	s29 =	sshll.u32 s5, $0x6;
	s30 =	sshll.u32 s4, $0x5  }
0xc: {  	s3 =	sadd.s32 $0xA1E00, s0;
	s4 =	ssub.s32 $0x2, s4;
	s5 =	sor.u32 s30, s29  }
0xd: {  	_ =	strace $0x8000004A;
	s31 =	sshrl.u32 s4, $0x1;
	s6 =	sshll.u32 s5, $0x4  }
0xe: {  	s5 =	sshll.u32 s5, $0x6;
	s0 =	sadd.s32 s6, s0;
	s6 =	ssub.s32 s4, s31  }
0xf: {  	s5 =	sadd.s32 s1, s5;
	s4 =	sadd.s32 $0x5E00, s0;
	s6 =	smax.u32 s6, $0x1  }
.LBB2_1:
0x10: {  	[tilespmem:s2], [sflag:$0x2] =	stream.linear.gather [hbm4b:s4+s2], $0x1000, $0x38;
	[tilespmem:$0x15000] =	vst v63  }
0x11: {  	_ =	swait.ge [sflag:s7], $0x1000  }
0x12: {  	[sflag:s7] =	ssyncset.done $0x0  }
0x13: {  	s0 =	simm.s32 $0x1000;
	[sflag:s7] =	ssyncadd.s32 $0xFFFFF000  }
0x14: {  	[tilespmem:s0], [sflag:$0x1] =	stream.indirect.gather [hbm4b:s3+s8], $0x80, s2, s8, $0xb8;
	[tilespmem:$0x15000] =	vst v63  }
0x15: {  	s1 =	simm.s32 $0x1800;
	s0 =	simm.s32 $0x80  }
0x16: {  	[tilespmem:s1], [sflag:$0x1] =	stream.indirect.gather [hbm4b:s3+s8], $0x80, s0, s8, $0xb8;
	[tilespmem:$0x15000] =	vst v63  }
0x17: {  	s0 =	simm.s32 $0x100;
	s1 =	simm.s32 $0x2000  }
0x18: {  	[tilespmem:s1], [sflag:$0x1] =	stream.indirect.gather [hbm4b:s3+s8], $0x80, s0, s8, $0xb8;
	[tilespmem:$0x15000] =	vst v63  }
0x19: {  	s0 =	simm.s32 $0x180;
	s1 =	simm.s32 $0x2800  }
0x1a: {  	[tilespmem:s1], [sflag:$0x1] =	stream.indirect.gather [hbm4b:s3+s8], $0x80, s0, s8, $0xb8;
	[tilespmem:$0x15000] =	vst v63  }
0x1b: {  	s0 =	simm.s32 $0x200;
	s1 =	simm.s32 $0x3000  }
0x1c: {  	[tilespmem:s1], [sflag:$0x1] =	stream.indirect.gather [hbm4b:s3+s8], $0x80, s0, s8, $0xb8;
	[tilespmem:$0x15000] =	vst v63  }
0x1d: {  	s0 =	simm.s32 $0x280;
	s1 =	simm.s32 $0x3800  }
0x1e: {  	[tilespmem:s1], [sflag:$0x1] =	stream.indirect.gather [hbm4b:s3+s8], $0x80, s0, s8, $0xb8;
	[tilespmem:$0x15000] =	vst v63  }
0x1f: {  	s0 =	simm.s32 $0x300;
	s1 =	simm.s32 $0x4000  }
0x20: {  	[tilespmem:s1], [sflag:$0x1] =	stream.indirect.gather [hbm4b:s3+s8], $0x80, s0, s8, $0xb8;
	[tilespmem:$0x15000] =	vst v63  }
0x21: {  	s0 =	simm.s32 $0x380;
	s1 =	simm.s32 $0x4800  }
0x22: {  	[tilespmem:s1], [sflag:$0x1] =	stream.indirect.gather [hbm4b:s3+s8], $0x80, s0, s8, $0xb8;
	[tilespmem:$0x15000] =	vst v63  }
0x23: {  	s0 =	simm.s32 $0x400;
	s1 =	simm.s32 $0x5000  }
0x24: {  	[tilespmem:s1], [sflag:$0x1] =	stream.indirect.gather [hbm4b:s3+s8], $0x80, s0, s8, $0xb8;
	[tilespmem:$0x15000] =	vst v63  }
0x25: {  	s0 =	simm.s32 $0x480;
	s1 =	simm.s32 $0x5800  }
0x26: {  	[tilespmem:s1], [sflag:$0x1] =	stream.indirect.gather [hbm4b:s3+s8], $0x80, s0, s8, $0xb8;
	[tilespmem:$0x15000] =	vst v63  }
0x27: {  	s0 =	simm.s32 $0x500;
	s1 =	simm.s32 $0x6000  }
0x28: {  	[tilespmem:s1], [sflag:$0x1] =	stream.indirect.gather [hbm4b:s3+s8], $0x80, s0, s8, $0xb8;
	[tilespmem:$0x15000] =	vst v63  }
0x29: {  	s0 =	simm.s32 $0x580;
	s1 =	simm.s32 $0x6800  }
0x2a: {  	[tilespmem:s1], [sflag:$0x1] =	stream.indirect.gather [hbm4b:s3+s8], $0x80, s0, s8, $0xb8;
	[tilespmem:$0x15000] =	vst v63  }
0x2b: {  	s0 =	simm.s32 $0x600;
	s1 =	simm.s32 $0x7000  }
0x2c: {  	[tilespmem:s1], [sflag:$0x1] =	stream.indirect.gather [hbm4b:s3+s8], $0x80, s0, s8, $0xb8;
	[tilespmem:$0x15000] =	vst v63  }
0x2d: {  	s0 =	simm.s32 $0x680;
	s1 =	simm.s32 $0x7800  }
0x2e: {  	[tilespmem:s1], [sflag:$0x1] =	stream.indirect.gather [hbm4b:s3+s8], $0x80, s0, s8, $0xb8;
	[tilespmem:$0x15000] =	vst v63  }
0x2f: {  	s0 =	simm.s32 $0x700;
	s1 =	simm.s32 $0x8000  }
0x30: {  	[tilespmem:s1], [sflag:$0x1] =	stream.indirect.gather [hbm4b:s3+s8], $0x80, s0, s8, $0xb8;
	[tilespmem:$0x15000] =	vst v63  }
0x31: {  	s0 =	simm.s32 $0x780;
	s1 =	simm.s32 $0x8800  }
0x32: {  	[tilespmem:s1], [sflag:$0x1] =	stream.indirect.gather [hbm4b:s3+s8], $0x80, s0, s8, $0xb8;
	[tilespmem:$0x15000] =	vst v63  }
0x33: {  	s0 =	simm.s32 $0x800;
	s1 =	simm.s32 $0x9000  }
0x34: {  	[tilespmem:s1], [sflag:$0x1] =	stream.indirect.gather [hbm4b:s3+s8], $0x80, s0, s8, $0xb8;
	[tilespmem:$0x15000] =	vst v63  }
0x35: {  	s0 =	simm.s32 $0x880;
	s1 =	simm.s32 $0x9800  }
0x36: {  	[tilespmem:s1], [sflag:$0x1] =	stream.indirect.gather [hbm4b:s3+s8], $0x80, s0, s8, $0xb8;
	[tilespmem:$0x15000] =	vst v63  }
0x37: {  	s0 =	simm.s32 $0x900;
	s1 =	simm.s32 $0xA000  }
0x38: {  	[tilespmem:s1], [sflag:$0x1] =	stream.indirect.gather [hbm4b:s3+s8], $0x80, s0, s8, $0xb8;
	[tilespmem:$0x15000] =	vst v63  }
0x39: {  	s0 =	simm.s32 $0x980;
	s1 =	simm.s32 $0xA800  }
0x3a: {  	[tilespmem:s1], [sflag:$0x1] =	stream.indirect.gather [hbm4b:s3+s8], $0x80, s0, s8, $0xb8;
	[tilespmem:$0x15000] =	vst v63  }
0x3b: {  	s0 =	simm.s32 $0xA00;
	s1 =	simm.s32 $0xB000  }
0x3c: {  	[tilespmem:s1], [sflag:$0x1] =	stream.indirect.gather [hbm4b:s3+s8], $0x80, s0, s8, $0xb8;
	[tilespmem:$0x15000] =	vst v63  }
0x3d: {  	s0 =	simm.s32 $0xA80;
	s1 =	simm.s32 $0xB800  }
0x3e: {  	[tilespmem:s1], [sflag:$0x1] =	stream.indirect.gather [hbm4b:s3+s8], $0x80, s0, s8, $0xb8;
	[tilespmem:$0x15000] =	vst v63  }
0x3f: {  	s0 =	simm.s32 $0xB00;
	s1 =	simm.s32 $0xC000  }
0x40: {  	[tilespmem:s1], [sflag:$0x1] =	stream.indirect.gather [hbm4b:s3+s8], $0x80, s0, s8, $0xb8;
	[tilespmem:$0x15000] =	vst v63  }
0x41: {  	s0 =	simm.s32 $0xB80;
	s1 =	simm.s32 $0xC800  }
0x42: {  	[tilespmem:s1], [sflag:$0x1] =	stream.indirect.gather [hbm4b:s3+s8], $0x80, s0, s8, $0xb8;
	[tilespmem:$0x15000] =	vst v63  }
0x43: {  	s1 =	simm.s32 $0xC00  }
0x44: {  	[tilespmem:s9], [sflag:$0x1] =	stream.indirect.gather [hbm4b:s3+s8], $0x80, s1, s8, $0xb8;
	[tilespmem:$0x15000] =	vst v63  }
0x45: {  	_ = 	snop  }
0x46: {  	[tilespmem:s11], [sflag:$0x1] =	stream.indirect.gather [hbm4b:s3+s8], $0x80, s10, s8, $0xb8;
	[tilespmem:$0x15000] =	vst v63  }
0x47: {  	_ = 	snop  }
0x48: {  	[tilespmem:s13], [sflag:$0x1] =	stream.indirect.gather [hbm4b:s3+s8], $0x80, s12, s8, $0xb8;
	[tilespmem:$0x15000] =	vst v63  }
0x49: {  	_ = 	snop  }
0x4a: {  	[tilespmem:s15], [sflag:$0x1] =	stream.indirect.gather [hbm4b:s3+s8], $0x80, s14, s8, $0xb8;
	[tilespmem:$0x15000] =	vst v63  }
0x4b: {  	_ = 	snop  }
0x4c: {  	[tilespmem:s17], [sflag:$0x1] =	stream.indirect.gather [hbm4b:s3+s8], $0x80, s16, s8, $0xb8;
	[tilespmem:$0x15000] =	vst v63  }
0x4d: {  	_ = 	snop  }
0x4e: {  	[tilespmem:s19], [sflag:$0x1] =	stream.indirect.gather [hbm4b:s3+s8], $0x80, s18, s8, $0xb8;
	[tilespmem:$0x15000] =	vst v63  }
0x4f: {  	_ = 	snop  }
0x50: {  	[tilespmem:s21], [sflag:$0x1] =	stream.indirect.gather [hbm4b:s3+s8], $0x80, s20, s8, $0xb8;
	[tilespmem:$0x15000] =	vst v63  }
0x51: {  	_ = 	snop  }
0x52: {  	[tilespmem:s23], [sflag:$0x1] =	stream.indirect.gather [hbm4b:s3+s8], $0x80, s22, s8, $0xb8;
	[tilespmem:$0x15000] =	vst v63  }
0x53: {  	_ =	swait.ge [sflag:s24], $0x800  }
0x54: {  	[sflag:s24] =	ssyncset.done $0x0  }
0x55: {  	[sflag:s24] =	ssyncadd.s32 $0xFFFFF800  }
0x56: {  	_ =	swait.ge [sflag:s24], $0x800  }
0x57: {  	[sflag:s24] =	ssyncset.done $0x0  }
0x58: {  	[sflag:s24] =	ssyncadd.s32 $0xFFFFF800  }
0x59: {  	_ =	swait.ge [sflag:s24], $0x800  }
0x5a: {  	[sflag:s24] =	ssyncset.done $0x0  }
0x5b: {  	[sflag:s24] =	ssyncadd.s32 $0xFFFFF800  }
0x5c: {  	_ =	swait.ge [sflag:s24], $0x800  }
0x5d: {  	[sflag:s24] =	ssyncset.done $0x0  }
0x5e: {  	[sflag:s24] =	ssyncadd.s32 $0xFFFFF800  }
0x5f: {  	_ =	swait.ge [sflag:s24], $0x800  }
0x60: {  	[sflag:s24] =	ssyncset.done $0x0  }
0x61: {  	[sflag:s24] =	ssyncadd.s32 $0xFFFFF800  }
0x62: {  	_ =	swait.ge [sflag:s24], $0x800  }
0x63: {  	[sflag:s24] =	ssyncset.done $0x0  }
0x64: {  	[sflag:s24] =	ssyncadd.s32 $0xFFFFF800  }
0x65: {  	_ =	swait.ge [sflag:s24], $0x800  }
0x66: {  	[sflag:s24] =	ssyncset.done $0x0  }
0x67: {  	[sflag:s24] =	ssyncadd.s32 $0xFFFFF800  }
0x68: {  	_ =	swait.ge [sflag:s24], $0x800  }
0x69: {  	[sflag:s24] =	ssyncset.done $0x0  }
0x6a: {  	[sflag:s24] =	ssyncadd.s32 $0xFFFFF800  }
0x6b: {  	_ =	swait.ge [sflag:s24], $0x800  }
0x6c: {  	[sflag:s24] =	ssyncset.done $0x0  }
0x6d: {  	[sflag:s24] =	ssyncadd.s32 $0xFFFFF800  }
0x6e: {  	_ =	swait.ge [sflag:s24], $0x800  }
0x6f: {  	[sflag:s24] =	ssyncset.done $0x0  }
0x70: {  	[sflag:s24] =	ssyncadd.s32 $0xFFFFF800  }
0x71: {  	_ =	swait.ge [sflag:s24], $0x800  }
0x72: {  	[sflag:s24] =	ssyncset.done $0x0  }
0x73: {  	[sflag:s24] =	ssyncadd.s32 $0xFFFFF800  }
0x74: {  	_ =	swait.ge [sflag:s24], $0x800  }
0x75: {  	[sflag:s24] =	ssyncset.done $0x0  }
0x76: {  	[sflag:s24] =	ssyncadd.s32 $0xFFFFF800  }
0x77: {  	_ =	swait.ge [sflag:s24], $0x800  }
0x78: {  	[sflag:s24] =	ssyncset.done $0x0  }
0x79: {  	[sflag:s24] =	ssyncadd.s32 $0xFFFFF800  }
0x7a: {  	_ =	swait.ge [sflag:s24], $0x800  }
0x7b: {  	[sflag:s24] =	ssyncset.done $0x0  }
0x7c: {  	[sflag:s24] =	ssyncadd.s32 $0xFFFFF800  }
0x7d: {  	_ =	swait.ge [sflag:s24], $0x800  }
0x7e: {  	[sflag:s24] =	ssyncset.done $0x0  }
0x7f: {  	[sflag:s24] =	ssyncadd.s32 $0xFFFFF800  }
0x80: {  	_ =	swait.ge [sflag:s24], $0x800  }
0x81: {  	[sflag:s24] =	ssyncset.done $0x0  }
0x82: {  	[sflag:s24] =	ssyncadd.s32 $0xFFFFF800  }
0x83: {  	_ =	swait.ge [sflag:s24], $0x800  }
0x84: {  	[sflag:s24] =	ssyncset.done $0x0  }
0x85: {  	[sflag:s24] =	ssyncadd.s32 $0xFFFFF800  }
0x86: {  	_ =	swait.ge [sflag:s24], $0x800  }
0x87: {  	[sflag:s24] =	ssyncset.done $0x0  }
0x88: {  	[sflag:s24] =	ssyncadd.s32 $0xFFFFF800  }
0x89: {  	_ =	swait.ge [sflag:s24], $0x800  }
0x8a: {  	[sflag:s24] =	ssyncset.done $0x0  }
0x8b: {  	[sflag:s24] =	ssyncadd.s32 $0xFFFFF800  }
0x8c: {  	_ =	swait.ge [sflag:s24], $0x800  }
0x8d: {  	[sflag:s24] =	ssyncset.done $0x0  }
0x8e: {  	[sflag:s24] =	ssyncadd.s32 $0xFFFFF800  }
0x8f: {  	_ =	swait.ge [sflag:s24], $0x800  }
0x90: {  	[sflag:s24] =	ssyncset.done $0x0  }
0x91: {  	[sflag:s24] =	ssyncadd.s32 $0xFFFFF800  }
0x92: {  	_ =	swait.ge [sflag:s24], $0x800  }
0x93: {  	[sflag:s24] =	ssyncset.done $0x0  }
0x94: {  	[sflag:s24] =	ssyncadd.s32 $0xFFFFF800  }
0x95: {  	_ =	swait.ge [sflag:s24], $0x800  }
0x96: {  	[sflag:s24] =	ssyncset.done $0x0  }
0x97: {  	[sflag:s24] =	ssyncadd.s32 $0xFFFFF800  }
0x98: {  	_ =	swait.ge [sflag:s24], $0x800  }
0x99: {  	[sflag:s24] =	ssyncset.done $0x0  }
0x9a: {  	[sflag:s24] =	ssyncadd.s32 $0xFFFFF800  }
0x9b: {  	_ =	swait.ge [sflag:s24], $0x800  }
0x9c: {  	[sflag:s24] =	ssyncset.done $0x0  }
0x9d: {  	[sflag:s24] =	ssyncadd.s32 $0xFFFFF800  }
0x9e: {  	_ =	swait.ge [sflag:s24], $0x800  }
0x9f: {  	[sflag:s24] =	ssyncset.done $0x0  }
0xa0: {  	[sflag:s24] =	ssyncadd.s32 $0xFFFFF800  }
0xa1: {  	_ =	swait.ge [sflag:s24], $0x800  }
0xa2: {  	[sflag:s24] =	ssyncset.done $0x0  }
0xa3: {  	[sflag:s24] =	ssyncadd.s32 $0xFFFFF800  }
0xa4: {  	_ =	swait.ge [sflag:s24], $0x800  }
0xa5: {  	[sflag:s24] =	ssyncset.done $0x0  }
0xa6: {  	[sflag:s24] =	ssyncadd.s32 $0xFFFFF800  }
0xa7: {  	_ =	swait.ge [sflag:s24], $0x800  }
0xa8: {  	[sflag:s24] =	ssyncset.done $0x0  }
0xa9: {  	[sflag:s24] =	ssyncadd.s32 $0xFFFFF800  }
0xaa: {  	_ =	swait.ge [sflag:s24], $0x800  }
0xab: {  	[sflag:s24] =	ssyncset.done $0x0  }
0xac: {  	[sflag:s24] =	ssyncadd.s32 $0xFFFFF800  }
0xad: {  	_ =	swait.ge [sflag:s24], $0x800  }
0xae: {  	[sflag:s24] =	ssyncset.done $0x0  }
0xaf: {  	[sflag:s24] =	ssyncadd.s32 $0xFFFFF800  }
0xb0: {  	_ =	swait.ge [sflag:s24], $0x800  }
0xb1: {  	[sflag:s24] =	ssyncset.done $0x0  }
0xb2: {  	s1 =	simm.s32 $0x1200;
	[sflag:s24] =	ssyncadd.s32 $0xFFFFF800  }
0xb3: {  	v0 =	vld [tilespmem:s1+$0xFFFFFE00];
	_ =	sdelay $0x2  }
0xb4: {  	s28 =	sand.u32 $0x3000, s2;
	s29 =	sand.u32 $0x380, s2  }
0xb5: {  	s28 =	sor.u32 s29, s28  }
0xb6: {  	[tilespmem:s28+$0x11000] =	vst v0  }
0xb7: {  	v0 =	vld [tilespmem:s1+$0xFFFFFE10];
	_ =	sdelay $0x3  }
0xb8: {  	s28 =	sadd.s32 $0x11000, s28  }
0xb9: {  	[tilespmem:s28+$0x10] =	vst v0  }
0xba: {  	v0 =	vld [tilespmem:s1+$0xFFFFFE20];
	_ =	sdelay $0x4  }
0xbb: {  	[tilespmem:s28+$0x20] =	vst v0  }
0xbc: {  	v0 =	vld [tilespmem:s1+$0xFFFFFE30];
	_ =	sdelay $0x4  }
0xbd: {  	[tilespmem:s28+$0x30] =	vst v0  }
0xbe: {  	v0 =	vld [tilespmem:s1+$0xFFFFFE80];
	_ =	sdelay $0x4  }
0xbf: {  	[tilespmem:s28+$0x40] =	vst v0  }
0xc0: {  	v0 =	vld [tilespmem:s1+$0xFFFFFE90];
	_ =	sdelay $0x4  }
0xc1: {  	[tilespmem:s28+$0x50] =	vst v0  }
0xc2: {  	v0 =	vld [tilespmem:s1+$0xFFFFFEA0];
	_ =	sdelay $0x4  }
0xc3: {  	[tilespmem:s28+$0x60] =	vst v0  }
0xc4: {  	v0 =	vld [tilespmem:s1+$0xFFFFFEB0];
	_ =	sdelay $0x4  }
0xc5: {  	[tilespmem:s28+$0x70] =	vst v0  }
0xc6: {  	v0 =	vld [tilespmem:s1+$0xFFFFFF00];
	_ =	sdelay $0x4  }
0xc7: {  	[tilespmem:s28+$0x400] =	vst v0  }
0xc8: {  	v0 =	vld [tilespmem:s1+$0xFFFFFF10];
	_ =	sdelay $0x4  }
0xc9: {  	[tilespmem:s28+$0x410] =	vst v0  }
0xca: {  	v0 =	vld [tilespmem:s1+$0xFFFFFF20];
	_ =	sdelay $0x4  }
0xcb: {  	[tilespmem:s28+$0x420] =	vst v0  }
0xcc: {  	v0 =	vld [tilespmem:s1+$0xFFFFFF30];
	_ =	sdelay $0x4  }
0xcd: {  	[tilespmem:s28+$0x430] =	vst v0  }
0xce: {  	v0 =	vld [tilespmem:s1+$0xFFFFFF80];
	_ =	sdelay $0x4  }
0xcf: {  	[tilespmem:s28+$0x440] =	vst v0  }
0xd0: {  	v0 =	vld [tilespmem:s1+$0xFFFFFF90];
	_ =	sdelay $0x4  }
0xd1: {  	[tilespmem:s28+$0x450] =	vst v0  }
0xd2: {  	v0 =	vld [tilespmem:s1+$0xFFFFFFA0];
	_ =	sdelay $0x4  }
0xd3: {  	[tilespmem:s28+$0x460] =	vst v0  }
0xd4: {  	v0 =	vld [tilespmem:s1+$0xFFFFFFB0];
	_ =	sdelay $0x4  }
0xd5: {  	[tilespmem:s28+$0x470] =	vst v0  }
0xd6: {  	v0 =	vld [tilespmem:s1+$0x0];
	_ =	sdelay $0x4  }
0xd7: {  	[tilespmem:s28+$0x800] =	vst v0  }
0xd8: {  	v0 =	vld [tilespmem:s1+$0x10];
	_ =	sdelay $0x4  }
0xd9: {  	[tilespmem:s28+$0x810] =	vst v0  }
0xda: {  	v0 =	vld [tilespmem:s1+$0x20];
	_ =	sdelay $0x4  }
0xdb: {  	[tilespmem:s28+$0x820] =	vst v0  }
0xdc: {  	v0 =	vld [tilespmem:s1+$0x30];
	_ =	sdelay $0x4  }
0xdd: {  	[tilespmem:s28+$0x830] =	vst v0  }
0xde: {  	v0 =	vld [tilespmem:s1+$0x80];
	_ =	sdelay $0x4  }
0xdf: {  	[tilespmem:s28+$0x840] =	vst v0  }
0xe0: {  	v0 =	vld [tilespmem:s1+$0x90];
	_ =	sdelay $0x4  }
0xe1: {  	[tilespmem:s28+$0x850] =	vst v0  }
0xe2: {  	v0 =	vld [tilespmem:s1+$0xA0];
	_ =	sdelay $0x4  }
0xe3: {  	[tilespmem:s28+$0x860] =	vst v0  }
0xe4: {  	v0 =	vld [tilespmem:s1+$0xB0];
	_ =	sdelay $0x4  }
0xe5: {  	[tilespmem:s28+$0x870] =	vst v0  }
0xe6: {  	v0 =	vld [tilespmem:s1+$0x100];
	_ =	sdelay $0x4  }
0xe7: {  	[tilespmem:s28+$0xC00] =	vst v0  }
0xe8: {  	v0 =	vld [tilespmem:s1+$0x110];
	_ =	sdelay $0x4  }
0xe9: {  	[tilespmem:s28+$0xC10] =	vst v0  }
0xea: {  	v0 =	vld [tilespmem:s1+$0x120];
	_ =	sdelay $0x4  }
0xeb: {  	[tilespmem:s28+$0xC20] =	vst v0  }
0xec: {  	v0 =	vld [tilespmem:s1+$0x130];
	_ =	sdelay $0x4  }
0xed: {  	[tilespmem:s28+$0xC30] =	vst v0  }
0xee: {  	v0 =	vld [tilespmem:s1+$0x180];
	_ =	sdelay $0x4  }
0xef: {  	[tilespmem:s28+$0xC40] =	vst v0  }
0xf0: {  	v0 =	vld [tilespmem:s1+$0x190];
	_ =	sdelay $0x4  }
0xf1: {  	[tilespmem:s28+$0xC50] =	vst v0  }
0xf2: {  	v0 =	vld [tilespmem:s1+$0x1A0];
	_ =	sdelay $0x4  }
0xf3: {  	[tilespmem:s28+$0xC60] =	vst v0  }
0xf4: {  	v0 =	vld [tilespmem:s1+$0x1B0];
	_ =	sdelay $0x4  }
0xf5: {  	[tilespmem:s28+$0xC70] =	vst v0;
	s28 =	simm.s32 $0x1A00  }
0xf6: {  	s31 =	simm.s32 $0x400;
	s30 =	simm.s32 $0x0;
	s29 =	simm.s32 $0x200;
	v0 =	vld [tilespmem:s28+$0xFFFFFE00]  }
.LBB2_2:
0xf7: {  	p0 =	sne.s32 s31, $0x3E00  }
0xf8: {  	s30 =	sadd.s32 $0x80, s30  }
0xf9: {  	s0 =	sand.u32 $0x3000, s29;
	s29 =	smov.u32 s31;
	s1 =	sand.u32 $0x380, s30  }
0xfa: {  	s0 =	sor.u32 s1, s0  }
0xfb: {  	[tilespmem:s0+$0x11000] =	vst v0  }
0xfc: {  	v0 =	vld [tilespmem:s28+$0xFFFFFE10];
	_ =	sdelay $0x3  }
0xfd: {  	s0 =	sadd.s32 $0x11000, s0  }
0xfe: {  	[tilespmem:s0+$0x10] =	vst v0  }
0xff: {  	v0 =	vld [tilespmem:s28+$0xFFFFFE20];
	_ =	sdelay $0x4  }
0x100: {  	[tilespmem:s0+$0x20] =	vst v0  }
0x101: {  	v0 =	vld [tilespmem:s28+$0xFFFFFE30];
	_ =	sdelay $0x4  }
0x102: {  	[tilespmem:s0+$0x30] =	vst v0  }
0x103: {  	v0 =	vld [tilespmem:s28+$0xFFFFFE80];
	_ =	sdelay $0x4  }
0x104: {  	[tilespmem:s0+$0x40] =	vst v0  }
0x105: {  	v0 =	vld [tilespmem:s28+$0xFFFFFE90];
	_ =	sdelay $0x4  }
0x106: {  	[tilespmem:s0+$0x50] =	vst v0  }
0x107: {  	v0 =	vld [tilespmem:s28+$0xFFFFFEA0];
	_ =	sdelay $0x4  }
0x108: {  	[tilespmem:s0+$0x60] =	vst v0  }
0x109: {  	v0 =	vld [tilespmem:s28+$0xFFFFFEB0];
	_ =	sdelay $0x4  }
0x10a: {  	[tilespmem:s0+$0x70] =	vst v0  }
0x10b: {  	v0 =	vld [tilespmem:s28+$0xFFFFFF00];
	_ =	sdelay $0x4  }
0x10c: {  	[tilespmem:s0+$0x400] =	vst v0  }
0x10d: {  	v0 =	vld [tilespmem:s28+$0xFFFFFF10];
	_ =	sdelay $0x4  }
0x10e: {  	[tilespmem:s0+$0x410] =	vst v0  }
0x10f: {  	v0 =	vld [tilespmem:s28+$0xFFFFFF20];
	_ =	sdelay $0x4  }
0x110: {  	[tilespmem:s0+$0x420] =	vst v0  }
0x111: {  	v0 =	vld [tilespmem:s28+$0xFFFFFF30];
	_ =	sdelay $0x4  }
0x112: {  	[tilespmem:s0+$0x430] =	vst v0  }
0x113: {  	v0 =	vld [tilespmem:s28+$0xFFFFFF80];
	_ =	sdelay $0x4  }
0x114: {  	[tilespmem:s0+$0x440] =	vst v0  }
0x115: {  	v0 =	vld [tilespmem:s28+$0xFFFFFF90];
	_ =	sdelay $0x4  }
0x116: {  	[tilespmem:s0+$0x450] =	vst v0  }
0x117: {  	v0 =	vld [tilespmem:s28+$0xFFFFFFA0];
	_ =	sdelay $0x4  }
0x118: {  	[tilespmem:s0+$0x460] =	vst v0  }
0x119: {  	v0 =	vld [tilespmem:s28+$0xFFFFFFB0];
	_ =	sdelay $0x4  }
0x11a: {  	[tilespmem:s0+$0x470] =	vst v0  }
0x11b: {  	v0 =	vld [tilespmem:s28+$0x0];
	_ =	sdelay $0x4  }
0x11c: {  	[tilespmem:s0+$0x800] =	vst v0  }
0x11d: {  	v0 =	vld [tilespmem:s28+$0x10];
	_ =	sdelay $0x4  }
0x11e: {  	[tilespmem:s0+$0x810] =	vst v0  }
0x11f: {  	v0 =	vld [tilespmem:s28+$0x20];
	_ =	sdelay $0x4  }
0x120: {  	[tilespmem:s0+$0x820] =	vst v0  }
0x121: {  	v0 =	vld [tilespmem:s28+$0x30];
	_ =	sdelay $0x4  }
0x122: {  	[tilespmem:s0+$0x830] =	vst v0  }
0x123: {  	v0 =	vld [tilespmem:s28+$0x80];
	_ =	sdelay $0x4  }
0x124: {  	[tilespmem:s0+$0x840] =	vst v0  }
0x125: {  	v0 =	vld [tilespmem:s28+$0x90];
	_ =	sdelay $0x4  }
0x126: {  	[tilespmem:s0+$0x850] =	vst v0  }
0x127: {  	v0 =	vld [tilespmem:s28+$0xA0];
	_ =	sdelay $0x4  }
0x128: {  	[tilespmem:s0+$0x860] =	vst v0  }
0x129: {  	v0 =	vld [tilespmem:s28+$0xB0];
	_ =	sdelay $0x4  }
0x12a: {  	[tilespmem:s0+$0x870] =	vst v0  }
0x12b: {  	v0 =	vld [tilespmem:s28+$0x100];
	_ =	sdelay $0x4  }
0x12c: {  	[tilespmem:s0+$0xC00] =	vst v0  }
0x12d: {  	v0 =	vld [tilespmem:s28+$0x110];
	_ =	sdelay $0x4  }
0x12e: {  	[tilespmem:s0+$0xC10] =	vst v0  }
0x12f: {  	v0 =	vld [tilespmem:s28+$0x120];
	_ =	sdelay $0x4  }
0x130: {  	[tilespmem:s0+$0xC20] =	vst v0  }
0x131: {  	v0 =	vld [tilespmem:s28+$0x130];
	_ =	sdelay $0x4  }
0x132: {  	[tilespmem:s0+$0xC30] =	vst v0  }
0x133: {  	v0 =	vld [tilespmem:s28+$0x180];
	_ =	sdelay $0x4  }
0x134: {  	[tilespmem:s0+$0xC40] =	vst v0  }
0x135: {  	v0 =	vld [tilespmem:s28+$0x190];
	_ =	sdelay $0x4  }
0x136: {  	[tilespmem:s0+$0xC50] =	vst v0  }
0x137: {  	v0 =	vld [tilespmem:s28+$0x1A0];
	_ =	sdelay $0x4  }
0x138: {  	[tilespmem:s0+$0xC60] =	vst v0  }
0x139: {  	v0 =	vld [tilespmem:s28+$0x1B0];
	_ =	sdelay $0x1  }
.Ltmp0:
0x13a: {  	(pc) =	sbr.rel @p0 .LBB2_2-.Ltmp0, $3  }
0x13b: {  	_ =	sdelay $0x1  }
0x13c: {  	s28 =	sadd.s32 $0x800, s28;
	[tilespmem:s0+$0xC70] =	vst v0  }
0x13d: {  	s31 =	sadd.s32 $0x200, s31;
	v0 =	vld [tilespmem:s28+$0xFFFFFE00]  }
0x13e: {  	_ = 	snop  }
0x13f: {  	s0 =	sadd.s32 $0x80, s30  }
0x140: {  	s1 =	sand.u32 $0x3000, s29;
	s0 =	sand.u32 $0x380, s0  }
0x141: {  	s0 =	sor.u32 s0, s1  }
0x142: {  	[tilespmem:s0+$0x11000] =	vst v0  }
0x143: {  	v0 =	vld [tilespmem:s28+$0xFFFFFE10];
	_ =	sdelay $0x3  }
0x144: {  	s0 =	sadd.s32 $0x11000, s0  }
0x145: {  	[tilespmem:s0+$0x10] =	vst v0  }
0x146: {  	v0 =	vld [tilespmem:s28+$0xFFFFFE20];
	_ =	sdelay $0x4  }
0x147: {  	[tilespmem:s0+$0x20] =	vst v0  }
0x148: {  	v0 =	vld [tilespmem:s28+$0xFFFFFE30];
	_ =	sdelay $0x4  }
0x149: {  	[tilespmem:s0+$0x30] =	vst v0  }
0x14a: {  	v0 =	vld [tilespmem:s28+$0xFFFFFE80];
	_ =	sdelay $0x4  }
0x14b: {  	[tilespmem:s0+$0x40] =	vst v0  }
0x14c: {  	v0 =	vld [tilespmem:s28+$0xFFFFFE90];
	_ =	sdelay $0x4  }
0x14d: {  	[tilespmem:s0+$0x50] =	vst v0  }
0x14e: {  	v0 =	vld [tilespmem:s28+$0xFFFFFEA0];
	_ =	sdelay $0x4  }
0x14f: {  	[tilespmem:s0+$0x60] =	vst v0  }
0x150: {  	v0 =	vld [tilespmem:s28+$0xFFFFFEB0];
	_ =	sdelay $0x4  }
0x151: {  	[tilespmem:s0+$0x70] =	vst v0  }
0x152: {  	v0 =	vld [tilespmem:s28+$0xFFFFFF00];
	_ =	sdelay $0x4  }
0x153: {  	[tilespmem:s0+$0x400] =	vst v0  }
0x154: {  	v0 =	vld [tilespmem:s28+$0xFFFFFF10];
	_ =	sdelay $0x4  }
0x155: {  	[tilespmem:s0+$0x410] =	vst v0  }
0x156: {  	v0 =	vld [tilespmem:s28+$0xFFFFFF20];
	_ =	sdelay $0x4  }
0x157: {  	[tilespmem:s0+$0x420] =	vst v0  }
0x158: {  	v0 =	vld [tilespmem:s28+$0xFFFFFF30];
	_ =	sdelay $0x4  }
0x159: {  	[tilespmem:s0+$0x430] =	vst v0  }
0x15a: {  	v0 =	vld [tilespmem:s28+$0xFFFFFF80];
	_ =	sdelay $0x4  }
0x15b: {  	[tilespmem:s0+$0x440] =	vst v0  }
0x15c: {  	v0 =	vld [tilespmem:s28+$0xFFFFFF90];
	_ =	sdelay $0x4  }
0x15d: {  	[tilespmem:s0+$0x450] =	vst v0  }
0x15e: {  	v0 =	vld [tilespmem:s28+$0xFFFFFFA0];
	_ =	sdelay $0x4  }
0x15f: {  	[tilespmem:s0+$0x460] =	vst v0  }
0x160: {  	v0 =	vld [tilespmem:s28+$0xFFFFFFB0];
	_ =	sdelay $0x4  }
0x161: {  	[tilespmem:s0+$0x470] =	vst v0  }
0x162: {  	v0 =	vld [tilespmem:s28+$0x0];
	_ =	sdelay $0x4  }
0x163: {  	[tilespmem:s0+$0x800] =	vst v0  }
0x164: {  	v0 =	vld [tilespmem:s28+$0x10];
	_ =	sdelay $0x4  }
0x165: {  	[tilespmem:s0+$0x810] =	vst v0  }
0x166: {  	v0 =	vld [tilespmem:s28+$0x20];
	_ =	sdelay $0x4  }
0x167: {  	[tilespmem:s0+$0x820] =	vst v0  }
0x168: {  	v0 =	vld [tilespmem:s28+$0x30];
	_ =	sdelay $0x4  }
0x169: {  	[tilespmem:s0+$0x830] =	vst v0  }
0x16a: {  	v0 =	vld [tilespmem:s28+$0x80];
	_ =	sdelay $0x4  }
0x16b: {  	[tilespmem:s0+$0x840] =	vst v0  }
0x16c: {  	v0 =	vld [tilespmem:s28+$0x90];
	_ =	sdelay $0x4  }
0x16d: {  	[tilespmem:s0+$0x850] =	vst v0  }
0x16e: {  	v0 =	vld [tilespmem:s28+$0xA0];
	_ =	sdelay $0x4  }
0x16f: {  	[tilespmem:s0+$0x860] =	vst v0  }
0x170: {  	v0 =	vld [tilespmem:s28+$0xB0];
	_ =	sdelay $0x4  }
0x171: {  	[tilespmem:s0+$0x870] =	vst v0  }
0x172: {  	v0 =	vld [tilespmem:s28+$0x100];
	_ =	sdelay $0x4  }
0x173: {  	[tilespmem:s0+$0xC00] =	vst v0  }
0x174: {  	v0 =	vld [tilespmem:s28+$0x110];
	_ =	sdelay $0x4  }
0x175: {  	[tilespmem:s0+$0xC10] =	vst v0  }
0x176: {  	v0 =	vld [tilespmem:s28+$0x120];
	_ =	sdelay $0x4  }
0x177: {  	[tilespmem:s0+$0xC20] =	vst v0  }
0x178: {  	v0 =	vld [tilespmem:s28+$0x130];
	_ =	sdelay $0x4  }
0x179: {  	[tilespmem:s0+$0xC30] =	vst v0  }
0x17a: {  	v0 =	vld [tilespmem:s28+$0x180];
	_ =	sdelay $0x4  }
0x17b: {  	[tilespmem:s0+$0xC40] =	vst v0  }
0x17c: {  	v0 =	vld [tilespmem:s28+$0x190];
	_ =	sdelay $0x4  }
0x17d: {  	[tilespmem:s0+$0xC50] =	vst v0  }
0x17e: {  	v0 =	vld [tilespmem:s28+$0x1A0];
	_ =	sdelay $0x4  }
0x17f: {  	[tilespmem:s0+$0xC60] =	vst v0  }
0x180: {  	v0 =	vld [tilespmem:s28+$0x1B0];
	_ =	sdelay $0x2  }
0x181: {  	s26 =	sadd.s32 $0x1, s26  }
0x182: {  	p0 =	sne.s32 s26, s6  }
.Ltmp1:
0x183: {  	[tilespmem:s0+$0xC70] =	vst v0;
	(pc) =	sbr.rel @p0 .LBB2_1-.Ltmp1, $4  }
0x184: {  	[hbm4b:s5+s2] =	stream.linear.scatter [tilespmem:s25], [sflag:$0x2], $0x4000, $0x38;
	[tilespmem:$0x15000] =	vst v63  }
0x185: {  	_ =	swait.ge [sflag:s7], $0x4000  }
0x186: {  	[sflag:s7] =	ssyncset.done $0x0  }
0x187: {  	[sflag:s7] =	ssyncadd.s32 $0xFFFFC000  }
0x188: {  	_ =	sfence.sel $0x180000  }
0x189: {  	[bflag:$0x0] =	sbarrier.arrive $0xFFFF  }
0x18a: {  	_ =	strace $0x9000004A  }
0x18b: {  	s0 =	stileid.u32;
	[bflag:$0x2] =	sbarrier.arrive $0xFFFF  }
0x18c: {  	p0 =	sne.s32 s0, $0x0;
	s0 =	rddreg [dreg:$0x2]  }
0x18d: {  	s0 =	sadd.s32 @!p0 $0x100000, s0  }
0x18e: {  	[sflag:s0] =	ssyncadd.tile.s32 @!p0 $0x1;
	_ =	shalt  }
.Lfunc_end2:
_tile_overlayer_lowered:
.L_overlay_start_2:
0x18f: {  	(tag) =	ssettag $0x2  }
0x190: {  	s0 =	rddreg [dreg:$0x0];
	s2 =	stileid.u32  }
0x191: {  	s1 =	rddreg [dreg:$0x1];
	p0 =	sne.s32 s2, $0x0  }
0x192: {  	s3 =	rddreg [dreg:$0x2];
	[bflag:$0x3] =	sbarrier.arrive $0xFFFF;
	s2 =	simm.s32 @!p0 $0x1C02  }
0x193: {  	[timem:s3], [sflag:s2] =	dma.local @!p0 [hbm:s0], s1  }
0x194: {  	s0 =	simm.s32 @!p0 $0x2  }
0x195: {  	_ =	swait.ge @!p0 [sflag:s0], s1  }
0x196: {  	s1 =	ssub.s32 @!p0 $0x0, s1;
	[sflag:s0] =	ssyncset.done @!p0 $0x0  }
0x197: {  	[sflag:s0] =	ssyncadd.s32 @!p0 s1  }
0x198: {  	[bflag:$0x3] =	sbarrier.arrive $0xFFFF  }
0x199: {  	_ =	shalt  }

// kernel: kernel.9.cloned.1.call-start
scs
__scs_entry_jumppad:
0x0: {  	(pc) =	sbr.rel $0x88, $3  }
0x1: {  	(tag) =	ssettag $0x0;
	lr =	simm.s32 $0x1  }
0x2: {  	[smem:$0x3F98] =	sst lr;
	_ =	strace $0xD0000000  }
0x3: {  	_ = 	snop  }
0x4: {  	_ = 	snop  }
0x5: {  	_ = 	snop  }
0x6: {  	_ = 	snop  }
0x7: {  	_ = 	snop  }
__scs_overlays_trampoline_lowered:
0x8: {  	[smem:$0x3FA7] =	sst s0  }
0x9: {  	[smem:$0x3FA8] =	sst s1  }
0xa: {  	[smem:$0x3FA9] =	sst s2  }
0xb: {  	[smem:$0x3FAA] =	sst s3  }
0xc: {  	[smem:$0x3FAB] =	sst s4  }
0xd: {  	[smem:$0x3FAC] =	sst s5  }
0xe: {  	[smem:$0x3FAD] =	sst s6  }
0xf: {  	[smem:$0x3FAE] =	sst s7  }
0x10: {  	[smem:$0x3FAF] =	sst s8  }
0x11: {  	[smem:$0x3FB0] =	sst s9;
	s0 =	simm.s32 @!p0 $0x0  }
0x12: {  	s1 =	sld [smem:$0x3F96];
	s0 =	simm.s32 @p0 $0x1  }
0x13: {  	[smem:$0x3FB1] =	sst s0;
	s0 =	simm.s32 @!p1 $0x0  }
0x14: {  	s2 =	sld [smem:$0x3F95];
	s0 =	simm.s32 @p1 $0x1  }
0x15: {  	[smem:$0x3FB2] =	sst s0;
	s0 =	simm.s32 @!p2 $0x0  }
0x16: {  	s3 =	sld [smem:$0x3FDB];
	s0 =	simm.s32 @p2 $0x1  }
0x17: {  	s4 =	simm.s32 $0x1BF5;
	[smem:$0x3FB4] =	sst s0  }
0x18: {  	s0 =	sld [smem:$0x3F97];
	_ =	swait.ge [sflag:s4], $0x0  }
0x19: {  	s7 =	sld [smem:$0x3F98]  }
0x1a: {  	s8 =	sadd.s32 $0xFFFFE003, lr  }
0x1b: {  	s9 =	sadd.s32 $0xFFFFFEF7, lr;
	s5 =	simm.s32 $0xFFFFFFFF;
	p2 =	slt.u32 s8, $0xFFFFF086  }
0x1c: {  	p1 =	slt.u32 s9, $0xF7A;
	s5 =	simm.s32 @!p2 $0x0  }
0x1d: {  	s5 =	simm.s32 @p1 $0x1;
	p0 =	seq.s32 s7, s2  }
0x1e: {  	s7 =	smul.u32 @!p0 $0xF7A, s2;
	p2 =	seq.s32 @!p0 s5, $0x0  }
0x1f: {  	s9 =	smul.u32 $0xF7A, s1;
	s8 =	simm.s32 @!p0 $0x1BF5;
	p2 =	por !p2, p0  }
0x20: {  	[sflag:s8] =	ssyncset.s32 @!p0 $0xFFFFF086;
	s6 =	sadd.s32 @!p0 s3, s7;
	s7 =	simm.s32 @!p0 $0x108  }
0x21: {  	s3 =	sadd.s32 s3, s9;
	s6 =	sadd.s32 @!p0 $0x88, s6;
	s7 =	simm.s32 @p2 $0x1082  }
0x22: {  	[simem:s7], [sflag:s8] =	dma.local @!p0 [hbm:s6], $0xF7A  }
0x23: {  	s9 =	sor.u32 $0xD0000000, s2;
	s6 =	simm.s32 $0x108;
	_ =	swait.ge @!p0 [sflag:s8], $0x0  }
0x24: {  	s3 =	sadd.s32 $0x88, s3;
	s6 =	simm.s32 @!p1 $0x1082;
	[sflag:s4] =	ssyncset.s32 $0xFFFFF086  }
0x25: {  	[simem:s6], [sflag:s4] =	dma.local [hbm:s3], $0xF7A  }
0x26: {  	[smem:$0x3F98] =	sst s1;
	(tag) =	ssettag s2;
	_ =	strace s9  }
0x27: {  	s1 =	sld [smem:$0x3FA8]  }
0x28: {  	s2 =	sld [smem:$0x3FA9]  }
0x29: {  	s4 =	sld [smem:$0x3FAB]  }
0x2a: {  	p0 =	seq.s32 s5, $0x0;
	s5 =	sld [smem:$0x3FAC]  }
0x2b: {  	s6 =	sld [smem:$0x3FAD]  }
0x2c: {  	s7 =	sld [smem:$0x3FAE]  }
0x2d: {  	s3 =	simm.s32 $0x108;
	s8 =	sld [smem:$0x3FAF]  }
0x2e: {  	s3 =	simm.s32 @!p0 $0x1082;
	s9 =	sld [smem:$0x3FB0]  }
0x2f: {  	lr =	sadd.s32 s0, s3;
	s0 =	sld [smem:$0x3FA7]  }
0x30: {  	s3 =	sld [smem:$0x3FAA]  }
0x31: {  	[smem:$0x3FB3] =	sst s10  }
0x32: {  	s10 =	sld [smem:$0x3FB1];
	_ =	sdelay $0x3  }
0x33: {  	p0 =	seq.s32 s10, $0x1;
	s10 =	sld [smem:$0x3FB3];
	_ =	sdelay $0x3  }
0x34: {  	[smem:$0x3FB3] =	sst s10  }
0x35: {  	s10 =	sld [smem:$0x3FB2];
	_ =	sdelay $0x3  }
0x36: {  	p1 =	seq.s32 s10, $0x1;
	s10 =	sld [smem:$0x3FB3];
	_ =	sdelay $0x3  }
0x37: {  	[smem:$0x3FB3] =	sst s10  }
0x38: {  	s10 =	sld [smem:$0x3FB4]  }
0x39: {  	_ = 	snop;
	(pc) =	sbr.ind lr, $3  }
0x3a: {  	_ = 	snop  }
0x3b: {  	_ = 	snop  }
0x3c: {  	p2 =	seq.s32 s10, $0x1;
	s10 =	sld [smem:$0x3FB3]  }
0x3d: {  	_ =	shalt  }
0x3e: {  	_ =	shalt  }
0x3f: {  	_ =	shalt  }
0x40: {  	_ =	shalt  }
0x41: {  	_ =	shalt  }
0x42: {  	_ =	shalt  }
0x43: {  	_ =	shalt  }
0x44: {  	_ =	shalt  }
0x45: {  	_ =	shalt  }
0x46: {  	_ =	shalt  }
0x47: {  	_ =	shalt  }
0x48: {  	_ =	shalt  }
0x49: {  	_ =	shalt  }
0x4a: {  	_ =	shalt  }
0x4b: {  	_ =	shalt  }
0x4c: {  	_ =	shalt  }
0x4d: {  	_ =	shalt  }
0x4e: {  	_ =	shalt  }
0x4f: {  	_ =	shalt  }
0x50: {  	_ =	shalt  }
0x51: {  	_ =	shalt  }
0x52: {  	_ =	shalt  }
0x53: {  	_ =	shalt  }
0x54: {  	_ =	shalt  }
0x55: {  	_ =	shalt  }
0x56: {  	_ =	shalt  }
0x57: {  	_ =	shalt  }
0x58: {  	_ =	shalt  }
0x59: {  	_ =	shalt  }
0x5a: {  	_ =	shalt  }
0x5b: {  	_ =	shalt  }
0x5c: {  	_ =	shalt  }
0x5d: {  	_ =	shalt  }
0x5e: {  	_ =	shalt  }
0x5f: {  	_ =	shalt  }
0x60: {  	_ =	shalt  }
0x61: {  	_ =	shalt  }
0x62: {  	_ =	shalt  }
0x63: {  	_ =	shalt  }
0x64: {  	_ =	shalt  }
0x65: {  	_ =	shalt  }
0x66: {  	_ =	shalt  }
0x67: {  	_ =	shalt  }
0x68: {  	_ =	shalt  }
0x69: {  	_ =	shalt  }
0x6a: {  	_ =	shalt  }
0x6b: {  	_ =	shalt  }
0x6c: {  	_ =	shalt  }
0x6d: {  	_ =	shalt  }
0x6e: {  	_ =	shalt  }
0x6f: {  	_ =	shalt  }
0x70: {  	_ =	shalt  }
0x71: {  	_ =	shalt  }
0x72: {  	_ =	shalt  }
0x73: {  	_ =	shalt  }
0x74: {  	_ =	shalt  }
0x75: {  	_ =	shalt  }
0x76: {  	_ =	shalt  }
0x77: {  	_ =	shalt  }
0x78: {  	_ =	shalt  }
0x79: {  	_ =	shalt  }
0x7a: {  	_ =	shalt  }
0x7b: {  	_ =	shalt  }
0x7c: {  	_ =	shalt  }
0x7d: {  	_ =	shalt  }
0x7e: {  	_ =	shalt  }
0x7f: {  	_ =	shalt  }
0x80: {  	_ =	shalt  }
0x81: {  	_ =	shalt  }
0x82: {  	_ =	shalt  }
0x83: {  	_ =	shalt  }
0x84: {  	_ =	shalt  }
0x85: {  	_ =	shalt  }
0x86: {  	_ =	shalt  }
0x87: {  	_ =	shalt  }
.Lfunc_end0:
.L_simem_size_0:
called_computation.1_lowered:
.L_overlay_start_0:
0x88: {  	s2 =	sld [smem:$0x3FD9]  }
0x89: {  	s3 =	sld [smem:$0x3FFE];
	_ =	sdelay $0x1  }
0x8a: {  	s1 =	srdreg.scid  }
0x8b: {  	s0 =	sand.u32 $0x1, s1  }
0x8c: {  	s16 =	sshll.u32 s0, $0xA;
	s2 =	sadd.s32 s3, s2  }
0x8d: {  	s2 =	sadd.s32 s2, s16  }
0x8e: {  	[smem:$0x3FBF] =	sst s2  }
0x8f: {  	_ = 	snop  }
0x90: {  	(tm) =	ssettm $0x1  }
0x91: {  	s17 =	sld [smem:$0x3FFB];
	_ =	sdelay $0x3  }
0x92: {  	_ =	strace s17  }
0x93: {  	s2 =	sld [smem:$0x3FFC];
	_ =	sdelay $0x3  }
0x94: {  	_ =	strace s2  }
0x95: {  	s2 =	sld [smem:$0x3FFD];
	_ =	sdelay $0x3  }
0x96: {  	_ =	strace s2  }
0x97: {  	_ =	strace $0x8FFFFFFF  }
0x98: {  	s18 =	sld [smem:$0x3FDB];
	_ =	sdelay $0x1  }
0x99: {  	s19 =	simm.s32 $_scs_section_size  }
0x9a: {  	s4 =	simm.s32 $_size__tile_overlayer_lowered;
	s5 =	simm.s32 $_tile_overlayer_lowered  }
0x9b: {  	s22 =	simm.s32 $0x1BFF;
	s21 =	sshll.u32 s5, $0x1;
	s2 =	sadd.s32 s19, s18  }
0x9c: {  	s6 =	simm.s32 $0x0;
	s20 =	sshll.u32 s4, $0x1;
	s4 =	sadd.s32 s21, s2  }
0x9d: {  	[timem:s6], [sflag:s22] =	dma.local [hbm:s4], s20  }
0x9e: {  	_ =	swait.ge [sflag:s22], s20  }
0x9f: {  	s3 =	ssub.s32 $0x0, s20;
	[sflag:s22] =	ssyncset.done $0x0  }
0xa0: {  	[sflag:s22] =	ssyncadd.s32 s3;
	_ =	sdelay $0x1  }
0xa1: {  	s23 =	simm.s32 $0x1B8B  }
0xa2: {  	_ =	swait.ge [sflag:s23], $0x1  }
0xa3: {  	[sflag:s23] =	ssyncset.done $0x0  }
0xa4: {  	s25 =	simm.s32 $0x1B8E;
	s24 =	sld [smem:$0x3FFE];
	[sflag:s23] =	ssyncadd.s32 $0xFFFFFFFF  }
0xa5: {  	s26 =	simm.s32 $execute0_lowered;
	[smem:$0x3FD2] =	sst s25  }
0xa6: {  	s4 =	sshll.u32 s26, $0x1;
	_ =	strace $0x80000046;
	[dreg:$0x1] =	wrdreg $0xFFFFFFFF  }
0xa7: {  	s28 =	simm.s32 $_size_execute0_lowered;
	s2 =	sadd.s32 s2, s4;
	[dreg:$0x0] =	wrdreg $0x0  }
0xa8: {  	s4 =	sshll.u32 s28, $0x1;
	[dreg:$0x2] =	wrdreg s2  }
0xa9: {  	[dreg:$0x3] =	wrdreg s4  }
0xaa: {  	[dreg:$0x4] =	wrdreg $0xC0  }
0xab: {  	_ =	task [dreg:s6], $0x5FFFF  }
0xac: {  	[dreg:$0x1] =	wrdreg $0xFFFFFFFF  }
0xad: {  	[dreg:$0x0] =	wrdreg $0x60  }
0xae: {  	[dreg:$0x2] =	wrdreg s24  }
0xaf: {  	[dreg:$0x3] =	wrdreg $0xA  }
0xb0: {  	_ =	task.clear_ibuf [dreg:s6], $0x4FFFF;
	_ =	strace $0x90000046  }
0xb1: {  	s29 =	simm.s32 $0xA;
	_ =	strace $0x80000048  }
0xb2: {  	_ =	swait.ge [sflag:s29], $0x1  }
0xb3: {  	[sflag:s29] =	ssyncadd.s32 $0xFFFFFFFF  }
0xb4: {  	_ =	strace $0x90000048  }
0xb5: {  	_ =	sfence  }
0xb6: {  	s30 =	sld [smem:$0x0];
	_ =	sdelay $0x2  }
0xb7: {  	s31 =	sshll.u32 s1, $0xD;
	s1 =	sshrl.u32 s1, $0x2  }
0xb8: {  	s3 =	sand.u32 $0x4000, s31;
	s1 =	sadd.s32 s1, s30  }
0xb9: {  	s0 =	sor.u32 s3, s0;
	s1 =	sshll.u32 s1, $0x11  }
0xba: {  	s0 =	sor.u32 s1, s0  }
0xbb: {  	s0 =	sadd.s32 $0x8F2B, s0  }
0xbc: {  	[sflag:s0] =	ssyncadd.remote.s32 $0x1  }
0xbd: {  	_ =	sfence.sel $0xFFFF  }
0xbe: {  	[dreg:$0x0] =	wrdreg $0xFFFFFFFF;
	(pc) =	sbr.abs _section_cstart, $3  }
0xbf: {  	[dreg:$0x1] =	wrdreg $0xFFFFFFFF  }
0xc0: {  	_ =	task.clear_ibuf [dreg:s6], $0x2FFFF;
	_ =	strace $0x9FFFFFFF  }
0xc1: {  	(tm) =	ssettm $0x7FFFFFFF  }
tec
execute0_lowered:
.L_overlay_start_1:
0x0: {  	(tag) =	ssettag $0x1  }
0x1: {  	s0 =	srdreg.scid  }
0x2: {  	s2 =	stileid.u32;
	s1 =	sand.u32 $0x1, s0  }
0x3: {  	s0 =	rddreg [dreg:$0x0];
	s3 =	sshll.u32 s2, $0xA;
	s2 =	simm.s32 $0x0  }
0x4: {  	s11 =	simm.s32 $0x80;
	[smem:$0x7FF] =	sst s2  }
0x5: {  	s12 =	simm.s32 $0x1080;
	_ =	strace $0x80000047;
	[dreg:$0x4] =	wrdreg s11  }
0x6: {  	s13 =	simm.s32 $0x100;
	[dreg:$0x5] =	wrdreg s12  }
0x7: {  	s14 =	simm.s32 $0x1100;
	[dreg:$0x6] =	wrdreg s13  }
0x8: {  	s15 =	simm.s32 $0x180;
	[dreg:$0x7] =	wrdreg s14  }
0x9: {  	s16 =	simm.s32 $0x1180;
	[dreg:$0x8] =	wrdreg s15  }
0xa: {  	s17 =	simm.s32 $0x200;
	[dreg:$0x9] =	wrdreg s16  }
0xb: {  	s18 =	simm.s32 $0x1200;
	[dreg:$0xa] =	wrdreg s17  }
0xc: {  	s19 =	simm.s32 $0x280;
	[dreg:$0xb] =	wrdreg s18  }
0xd: {  	s20 =	simm.s32 $0x1280;
	[dreg:$0xc] =	wrdreg s19  }
0xe: {  	s21 =	simm.s32 $0x300;
	[dreg:$0xd] =	wrdreg s20  }
0xf: {  	s22 =	simm.s32 $0x1300;
	[dreg:$0xe] =	wrdreg s21  }
0x10: {  	s23 =	simm.s32 $0x380;
	[dreg:$0xf] =	wrdreg s22  }
0x11: {  	s24 =	simm.s32 $0x1380;
	[dreg:$0x10] =	wrdreg s23  }
0x12: {  	s25 =	simm.s32 $0x400;
	[dreg:$0x11] =	wrdreg s24  }
0x13: {  	s26 =	simm.s32 $0x1400;
	[dreg:$0x12] =	wrdreg s25  }
0x14: {  	s28 =	simm.s32 $0x480;
	[dreg:$0x13] =	wrdreg s26  }
0x15: {  	s5 =	simm.s32 $0x500;
	[dreg:$0x14] =	wrdreg s28  }
0x16: {  	s6 =	simm.s32 $0x1500;
	[dreg:$0x16] =	wrdreg s5  }
0x17: {  	s7 =	simm.s32 $0x580;
	[dreg:$0x17] =	wrdreg s6  }
0x18: {  	s8 =	simm.s32 $0x1580;
	[dreg:$0x18] =	wrdreg s7  }
0x19: {  	s9 =	simm.s32 $0x600;
	s4 =	sshll.u32 s1, $0x9;
	[dreg:$0x19] =	wrdreg s8  }
0x1a: {  	s3 =	sor.u32 s4, s3;
	s4 =	simm.s32 $0x1480;
	[dreg:$0x1a] =	wrdreg s9  }
0x1b: {  	s11 =	simm.s32 $0x680;
	[dreg:$0x15] =	wrdreg s4  }
0x1c: {  	s12 =	simm.s32 $0x1680;
	[dreg:$0x1c] =	wrdreg s11  }
0x1d: {  	s13 =	simm.s32 $0x700;
	[dreg:$0x1d] =	wrdreg s12  }
0x1e: {  	s14 =	simm.s32 $0x1700;
	[dreg:$0x1e] =	wrdreg s13  }
0x1f: {  	s15 =	simm.s32 $0x780;
	[dreg:$0x1f] =	wrdreg s14  }
0x20: {  	s16 =	simm.s32 $0x1780;
	[smem:$0x7F8] =	sst s15  }
0x21: {  	s17 =	simm.s32 $0x800;
	[smem:$0x7F7] =	sst s16  }
0x22: {  	s18 =	simm.s32 $0x1800;
	[smem:$0x7F9] =	sst s17  }
0x23: {  	s19 =	simm.s32 $0x880;
	[smem:$0x7F6] =	sst s18  }
0x24: {  	s20 =	simm.s32 $0x1880;
	[smem:$0x7FA] =	sst s19  }
0x25: {  	s21 =	simm.s32 $0x900;
	[smem:$0x7F5] =	sst s20  }
0x26: {  	s22 =	simm.s32 $0x1900;
	[smem:$0x7FB] =	sst s21  }
0x27: {  	s23 =	simm.s32 $0x980;
	[smem:$0x7F4] =	sst s22  }
0x28: {  	s24 =	simm.s32 $0x1980;
	[smem:$0x7FC] =	sst s23  }
0x29: {  	s5 =	simm.s32 $0xA00;
	s3 =	sadd.s32 s3, s0;
	[smem:$0x7F3] =	sst s24  }
0x2a: {  	[smem:$0x7FD] =	sst s5;
	s10 =	sadd.s32 $0x1E00, s3  }
0x2b: {  	s3 =	sadd.s32 $0x9E00, s3;
	[dreg:$0x2] =	wrdreg s10  }
0x2c: {  	[dreg:$0x3] =	wrdreg s3;
	s10 =	simm.s32 $0x1600  }
0x2d: {  	[dreg:$0x1b] =	wrdreg s10  }
0x2e: {  	s3 =	simm.s32 $0x2;
	s4 =	rddreg [dreg:$0x2]  }
0x2f: {  	[tilespmem:s2], [sflag:$0x2] =	stream.linear.gather [hbm4b:s4+s2], $0x1000, $0x38;
	[tilespmem:$0x2000] =	vst v63  }
0x30: {  	_ =	swait.ge [sflag:s3], $0x1000  }
0x31: {  	s7 =	sld [smem:$0x7F3]  }
0x32: {  	s8 =	sld [smem:$0x7F4]  }
0x33: {  	s9 =	sld [smem:$0x7F5]  }
0x34: {  	s10 =	sld [smem:$0x7F6]  }
0x35: {  	s11 =	sld [smem:$0x7F7]  }
0x36: {  	s12 =	rddreg [dreg:$0x1f]  }
0x37: {  	s13 =	rddreg [dreg:$0x1d]  }
0x38: {  	s14 =	rddreg [dreg:$0x1b]  }
0x39: {  	s15 =	rddreg [dreg:$0x19]  }
0x3a: {  	s16 =	rddreg [dreg:$0x17]  }
0x3b: {  	s17 =	rddreg [dreg:$0x15]  }
0x3c: {  	s18 =	rddreg [dreg:$0x13]  }
0x3d: {  	s19 =	rddreg [dreg:$0x11]  }
0x3e: {  	s20 =	rddreg [dreg:$0xf]  }
0x3f: {  	s25 =	rddreg [dreg:$0x6]  }
0x40: {  	s21 =	rddreg [dreg:$0x4]  }
0x41: {  	s22 =	rddreg [dreg:$0x5]  }
0x42: {  	s6 =	simm.s32 $0x20;
	s23 =	rddreg [dreg:$0x7]  }
0x43: {  	s5 =	sadd.s32 $0xA1E00, s0;
	[sflag:s3] =	ssyncset.done $0x0;
	s26 =	rddreg [dreg:$0x8]  }
0x44: {  	s4 =	simm.s32 $0x1000;
	s28 =	rddreg [dreg:$0x9];
	[sflag:s3] =	ssyncadd.s32 $0xFFFFF000  }
0x45: {  	[tilespmem:s4], [sflag:$0x1] =	stream.indirect.gather [hbm4b:s5+s6], $0x1, s2, s6, $0xb8;
	[tilespmem:$0x2000] =	vst v63  }
0x46: {  	s24 =	rddreg [dreg:$0xa]  }
0x47: {  	[tilespmem:s22], [sflag:$0x1] =	stream.indirect.gather [hbm4b:s5+s6], $0x1, s21, s6, $0xb8;
	[tilespmem:$0x2000] =	vst v63  }
0x48: {  	s21 =	sld [smem:$0x7F8]  }
0x49: {  	[tilespmem:s23], [sflag:$0x1] =	stream.indirect.gather [hbm4b:s5+s6], $0x1, s25, s6, $0xb8;
	[tilespmem:$0x2000] =	vst v63  }
0x4a: {  	s23 =	rddreg [dreg:$0xb]  }
0x4b: {  	[tilespmem:s28], [sflag:$0x1] =	stream.indirect.gather [hbm4b:s5+s6], $0x1, s26, s6, $0xb8;
	[tilespmem:$0x2000] =	vst v63  }
0x4c: {  	s25 =	rddreg [dreg:$0xd]  }
0x4d: {  	[tilespmem:s23], [sflag:$0x1] =	stream.indirect.gather [hbm4b:s5+s6], $0x1, s24, s6, $0xb8;
	[tilespmem:$0x2000] =	vst v63  }
0x4e: {  	s26 =	rddreg [dreg:$0xc]  }
0x4f: {  	[tilespmem:s25], [sflag:$0x1] =	stream.indirect.gather [hbm4b:s5+s6], $0x1, s26, s6, $0xb8;
	[tilespmem:$0x2000] =	vst v63  }
0x50: {  	s28 =	rddreg [dreg:$0xe]  }
0x51: {  	[tilespmem:s20], [sflag:$0x1] =	stream.indirect.gather [hbm4b:s5+s6], $0x1, s28, s6, $0xb8;
	[tilespmem:$0x2000] =	vst v63  }
0x52: {  	s23 =	rddreg [dreg:$0x10]  }
0x53: {  	[tilespmem:s19], [sflag:$0x1] =	stream.indirect.gather [hbm4b:s5+s6], $0x1, s23, s6, $0xb8;
	[tilespmem:$0x2000] =	vst v63  }
0x54: {  	s24 =	rddreg [dreg:$0x12]  }
0x55: {  	[tilespmem:s18], [sflag:$0x1] =	stream.indirect.gather [hbm4b:s5+s6], $0x1, s24, s6, $0xb8;
	[tilespmem:$0x2000] =	vst v63  }
0x56: {  	s25 =	rddreg [dreg:$0x14]  }
0x57: {  	[tilespmem:s17], [sflag:$0x1] =	stream.indirect.gather [hbm4b:s5+s6], $0x1, s25, s6, $0xb8;
	[tilespmem:$0x2000] =	vst v63  }
0x58: {  	s26 =	rddreg [dreg:$0x16]  }
0x59: {  	[tilespmem:s16], [sflag:$0x1] =	stream.indirect.gather [hbm4b:s5+s6], $0x1, s26, s6, $0xb8;
	[tilespmem:$0x2000] =	vst v63  }
0x5a: {  	s28 =	rddreg [dreg:$0x18]  }
0x5b: {  	[tilespmem:s15], [sflag:$0x1] =	stream.indirect.gather [hbm4b:s5+s6], $0x1, s28, s6, $0xb8;
	[tilespmem:$0x2000] =	vst v63  }
0x5c: {  	s18 =	rddreg [dreg:$0x1a]  }
0x5d: {  	[tilespmem:s14], [sflag:$0x1] =	stream.indirect.gather [hbm4b:s5+s6], $0x1, s18, s6, $0xb8;
	[tilespmem:$0x2000] =	vst v63  }
0x5e: {  	s19 =	rddreg [dreg:$0x1c]  }
0x5f: {  	[tilespmem:s13], [sflag:$0x1] =	stream.indirect.gather [hbm4b:s5+s6], $0x1, s19, s6, $0xb8;
	[tilespmem:$0x2000] =	vst v63  }
0x60: {  	s20 =	rddreg [dreg:$0x1e]  }
0x61: {  	[tilespmem:s12], [sflag:$0x1] =	stream.indirect.gather [hbm4b:s5+s6], $0x1, s20, s6, $0xb8;
	[tilespmem:$0x2000] =	vst v63  }
0x62: {  	s22 =	sld [smem:$0x7F9]  }
0x63: {  	[tilespmem:s11], [sflag:$0x1] =	stream.indirect.gather [hbm4b:s5+s6], $0x1, s21, s6, $0xb8;
	[tilespmem:$0x2000] =	vst v63  }
0x64: {  	s23 =	sld [smem:$0x7FA]  }
0x65: {  	[tilespmem:s10], [sflag:$0x1] =	stream.indirect.gather [hbm4b:s5+s6], $0x1, s22, s6, $0xb8;
	[tilespmem:$0x2000] =	vst v63  }
0x66: {  	s24 =	sld [smem:$0x7FB]  }
0x67: {  	[tilespmem:s9], [sflag:$0x1] =	stream.indirect.gather [hbm4b:s5+s6], $0x1, s23, s6, $0xb8;
	[tilespmem:$0x2000] =	vst v63  }
0x68: {  	s25 =	sld [smem:$0x7FC]  }
0x69: {  	[tilespmem:s8], [sflag:$0x1] =	stream.indirect.gather [hbm4b:s5+s6], $0x1, s24, s6, $0xb8;
	[tilespmem:$0x2000] =	vst v63  }
0x6a: {  	s26 =	sld [smem:$0x7FD]  }
0x6b: {  	[tilespmem:s7], [sflag:$0x1] =	stream.indirect.gather [hbm4b:s5+s6], $0x1, s25, s6, $0xb8;
	[tilespmem:$0x2000] =	vst v63  }
0x6c: {  	s28 =	simm.s32 $0x1A00  }
0x6d: {  	[tilespmem:s28], [sflag:$0x1] =	stream.indirect.gather [hbm4b:s5+s6], $0x1, s26, s6, $0xb8;
	[tilespmem:$0x2000] =	vst v63  }
0x6e: {  	s8 =	simm.s32 $0x1A80;
	s7 =	simm.s32 $0xA80  }
0x6f: {  	[tilespmem:s8], [sflag:$0x1] =	stream.indirect.gather [hbm4b:s5+s6], $0x1, s7, s6, $0xb8;
	[tilespmem:$0x2000] =	vst v63  }
0x70: {  	s10 =	simm.s32 $0x1B00;
	s9 =	simm.s32 $0xB00  }
0x71: {  	[tilespmem:s10], [sflag:$0x1] =	stream.indirect.gather [hbm4b:s5+s6], $0x1, s9, s6, $0xb8;
	[tilespmem:$0x2000] =	vst v63  }
0x72: {  	s12 =	simm.s32 $0x1B80;
	s11 =	simm.s32 $0xB80  }
0x73: {  	[tilespmem:s12], [sflag:$0x1] =	stream.indirect.gather [hbm4b:s5+s6], $0x1, s11, s6, $0xb8;
	[tilespmem:$0x2000] =	vst v63  }
0x74: {  	s14 =	simm.s32 $0x1C00;
	s13 =	simm.s32 $0xC00  }
0x75: {  	[tilespmem:s14], [sflag:$0x1] =	stream.indirect.gather [hbm4b:s5+s6], $0x1, s13, s6, $0xb8;
	[tilespmem:$0x2000] =	vst v63  }
0x76: {  	s16 =	simm.s32 $0x1C80;
	s15 =	simm.s32 $0xC80  }
0x77: {  	[tilespmem:s16], [sflag:$0x1] =	stream.indirect.gather [hbm4b:s5+s6], $0x1, s15, s6, $0xb8;
	[tilespmem:$0x2000] =	vst v63  }
0x78: {  	s17 =	simm.s32 $0xD00;
	s18 =	simm.s32 $0x1D00  }
0x79: {  	[tilespmem:s18], [sflag:$0x1] =	stream.indirect.gather [hbm4b:s5+s6], $0x1, s17, s6, $0xb8;
	[tilespmem:$0x2000] =	vst v63  }
0x7a: {  	s19 =	simm.s32 $0xD80;
	s20 =	simm.s32 $0x1D80  }
0x7b: {  	[tilespmem:s20], [sflag:$0x1] =	stream.indirect.gather [hbm4b:s5+s6], $0x1, s19, s6, $0xb8;
	[tilespmem:$0x2000] =	vst v63  }
0x7c: {  	s21 =	simm.s32 $0xE00;
	s22 =	simm.s32 $0x1E00  }
0x7d: {  	[tilespmem:s22], [sflag:$0x1] =	stream.indirect.gather [hbm4b:s5+s6], $0x1, s21, s6, $0xb8;
	[tilespmem:$0x2000] =	vst v63  }
0x7e: {  	s23 =	simm.s32 $0xE80;
	s24 =	simm.s32 $0x1E80  }
0x7f: {  	[tilespmem:s24], [sflag:$0x1] =	stream.indirect.gather [hbm4b:s5+s6], $0x1, s23, s6, $0xb8;
	[tilespmem:$0x2000] =	vst v63  }
0x80: {  	s25 =	simm.s32 $0xF00;
	s26 =	simm.s32 $0x1F00  }
0x81: {  	[tilespmem:s26], [sflag:$0x1] =	stream.indirect.gather [hbm4b:s5+s6], $0x1, s25, s6, $0xb8;
	[tilespmem:$0x2000] =	vst v63  }
0x82: {  	s30 =	simm.s32 $0xF80;
	s31 =	simm.s32 $0x1F80;
	s20 =	simm.s32 $0x1  }
0x83: {  	[tilespmem:s31], [sflag:$0x1] =	stream.indirect.gather [hbm4b:s5+s6], $0x1, s30, s6, $0xb8;
	[tilespmem:$0x2000] =	vst v63  }
0x84: {  	_ =	swait.ge [sflag:s20], $0x20  }
0x85: {  	[sflag:s20] =	ssyncset.done $0x0  }
0x86: {  	[sflag:s20] =	ssyncadd.s32 $0xFFFFFFE0  }
0x87: {  	_ =	swait.ge [sflag:s20], $0x20  }
0x88: {  	[sflag:s20] =	ssyncset.done $0x0  }
0x89: {  	[sflag:s20] =	ssyncadd.s32 $0xFFFFFFE0  }
0x8a: {  	_ =	swait.ge [sflag:s20], $0x20  }
0x8b: {  	[sflag:s20] =	ssyncset.done $0x0  }
0x8c: {  	[sflag:s20] =	ssyncadd.s32 $0xFFFFFFE0  }
0x8d: {  	_ =	swait.ge [sflag:s20], $0x20  }
0x8e: {  	[sflag:s20] =	ssyncset.done $0x0  }
0x8f: {  	[sflag:s20] =	ssyncadd.s32 $0xFFFFFFE0  }
0x90: {  	_ =	swait.ge [sflag:s20], $0x20  }
0x91: {  	[sflag:s20] =	ssyncset.done $0x0  }
0x92: {  	[sflag:s20] =	ssyncadd.s32 $0xFFFFFFE0  }
0x93: {  	_ =	swait.ge [sflag:s20], $0x20  }
0x94: {  	[sflag:s20] =	ssyncset.done $0x0  }
0x95: {  	[sflag:s20] =	ssyncadd.s32 $0xFFFFFFE0  }
0x96: {  	_ =	swait.ge [sflag:s20], $0x20  }
0x97: {  	[sflag:s20] =	ssyncset.done $0x0  }
0x98: {  	[sflag:s20] =	ssyncadd.s32 $0xFFFFFFE0  }
0x99: {  	_ =	swait.ge [sflag:s20], $0x20  }
0x9a: {  	[sflag:s20] =	ssyncset.done $0x0  }
0x9b: {  	[sflag:s20] =	ssyncadd.s32 $0xFFFFFFE0  }
0x9c: {  	_ =	swait.ge [sflag:s20], $0x20  }
0x9d: {  	[sflag:s20] =	ssyncset.done $0x0  }
0x9e: {  	[sflag:s20] =	ssyncadd.s32 $0xFFFFFFE0  }
0x9f: {  	_ =	swait.ge [sflag:s20], $0x20  }
0xa0: {  	[sflag:s20] =	ssyncset.done $0x0  }
0xa1: {  	[sflag:s20] =	ssyncadd.s32 $0xFFFFFFE0  }
0xa2: {  	_ =	swait.ge [sflag:s20], $0x20  }
0xa3: {  	[sflag:s20] =	ssyncset.done $0x0  }
0xa4: {  	[sflag:s20] =	ssyncadd.s32 $0xFFFFFFE0  }
0xa5: {  	_ =	swait.ge [sflag:s20], $0x20  }
0xa6: {  	[sflag:s20] =	ssyncset.done $0x0  }
0xa7: {  	[sflag:s20] =	ssyncadd.s32 $0xFFFFFFE0  }
0xa8: {  	_ =	swait.ge [sflag:s20], $0x20  }
0xa9: {  	[sflag:s20] =	ssyncset.done $0x0  }
0xaa: {  	[sflag:s20] =	ssyncadd.s32 $0xFFFFFFE0  }
0xab: {  	_ =	swait.ge [sflag:s20], $0x20  }
0xac: {  	[sflag:s20] =	ssyncset.done $0x0  }
0xad: {  	[sflag:s20] =	ssyncadd.s32 $0xFFFFFFE0  }
0xae: {  	_ =	swait.ge [sflag:s20], $0x20  }
0xaf: {  	[sflag:s20] =	ssyncset.done $0x0  }
0xb0: {  	[sflag:s20] =	ssyncadd.s32 $0xFFFFFFE0  }
0xb1: {  	_ =	swait.ge [sflag:s20], $0x20  }
0xb2: {  	[sflag:s20] =	ssyncset.done $0x0  }
0xb3: {  	[sflag:s20] =	ssyncadd.s32 $0xFFFFFFE0  }
0xb4: {  	_ =	swait.ge [sflag:s20], $0x20  }
0xb5: {  	[sflag:s20] =	ssyncset.done $0x0  }
0xb6: {  	[sflag:s20] =	ssyncadd.s32 $0xFFFFFFE0  }
0xb7: {  	_ =	swait.ge [sflag:s20], $0x20  }
0xb8: {  	[sflag:s20] =	ssyncset.done $0x0  }
0xb9: {  	[sflag:s20] =	ssyncadd.s32 $0xFFFFFFE0  }
0xba: {  	_ =	swait.ge [sflag:s20], $0x20  }
0xbb: {  	[sflag:s20] =	ssyncset.done $0x0  }
0xbc: {  	[sflag:s20] =	ssyncadd.s32 $0xFFFFFFE0  }
0xbd: {  	_ =	swait.ge [sflag:s20], $0x20  }
0xbe: {  	[sflag:s20] =	ssyncset.done $0x0  }
0xbf: {  	[sflag:s20] =	ssyncadd.s32 $0xFFFFFFE0  }
0xc0: {  	_ =	swait.ge [sflag:s20], $0x20  }
0xc1: {  	[sflag:s20] =	ssyncset.done $0x0  }
0xc2: {  	[sflag:s20] =	ssyncadd.s32 $0xFFFFFFE0  }
0xc3: {  	_ =	swait.ge [sflag:s20], $0x20  }
0xc4: {  	[sflag:s20] =	ssyncset.done $0x0  }
0xc5: {  	[sflag:s20] =	ssyncadd.s32 $0xFFFFFFE0  }
0xc6: {  	_ =	swait.ge [sflag:s20], $0x20  }
0xc7: {  	[sflag:s20] =	ssyncset.done $0x0  }
0xc8: {  	[sflag:s20] =	ssyncadd.s32 $0xFFFFFFE0  }
0xc9: {  	_ =	swait.ge [sflag:s20], $0x20  }
0xca: {  	[sflag:s20] =	ssyncset.done $0x0  }
0xcb: {  	[sflag:s20] =	ssyncadd.s32 $0xFFFFFFE0  }
0xcc: {  	s28 =	ssub.s32 $0x2, s1;
	_ =	swait.ge [sflag:s20], $0x20  }
0xcd: {  	s1 =	sshrl.u32 s28, $0x1;
	[sflag:s20] =	ssyncset.done $0x0  }
0xce: {  	s0 =	ssub.s32 s28, s1;
	[sflag:s20] =	ssyncadd.s32 $0xFFFFFFE0  }
0xcf: {  	s0 =	smax.u32 s0, $0x1;
	_ =	swait.ge [sflag:s20], $0x20  }
0xd0: {  	p0 =	sne.s32 s0, $0x1;
	[sflag:s20] =	ssyncset.done $0x0  }
.Ltmp0:
0xd1: {  	[sflag:s20] =	ssyncadd.s32 $0xFFFFFFE0;
	(pc) =	sbr.rel @!p0 .LBB2_2-.Ltmp0, $4  }
0xd2: {  	_ =	swait.ge [sflag:s20], $0x20  }
0xd3: {  	[sflag:s20] =	ssyncset.done $0x0  }
0xd4: {  	[sflag:s20] =	ssyncadd.s32 $0xFFFFFFE0  }
0xd5: {  	s29 =	simm.s32 $0x1F00;
	s1 =	sadd.s32 $0xFFFFFFFF, s0;
	_ =	swait.ge [sflag:s20], $0x20  }
.LBB2_1:
0xd6: {  	[sflag:s20] =	ssyncset.done $0x0  }
0xd7: {  	[sflag:s20] =	ssyncadd.s32 $0xFFFFFFE0  }
0xd8: {  	_ =	swait.ge [sflag:s20], $0x20  }
0xd9: {  	[sflag:s20] =	ssyncset.done $0x0  }
0xda: {  	[sflag:s20] =	ssyncadd.s32 $0xFFFFFFE0  }
0xdb: {  	_ =	swait.ge [sflag:s20], $0x20  }
0xdc: {  	[sflag:s20] =	ssyncset.done $0x0  }
0xdd: {  	[sflag:s20] =	ssyncadd.s32 $0xFFFFFFE0  }
0xde: {  	_ =	swait.ge [sflag:s20], $0x20  }
0xdf: {  	[sflag:s20] =	ssyncset.done $0x0  }
0xe0: {  	[sflag:s20] =	ssyncadd.s32 $0xFFFFFFE0  }
0xe1: {  	_ =	swait.ge [sflag:s20], $0x20  }
0xe2: {  	[sflag:s20] =	ssyncset.done $0x0  }
0xe3: {  	s0 =	rddreg [dreg:$0x3];
	[sflag:s20] =	ssyncadd.s32 $0xFFFFFFE0  }
0xe4: {  	[hbm4b:s0+s2] =	stream.linear.scatter [tilespmem:s4], [sflag:$0x2], $0x1000, $0x38;
	[tilespmem:$0x2000] =	vst v63  }
0xe5: {  	_ =	swait.ge [sflag:s3], $0x1000  }
0xe6: {  	[sflag:s3] =	ssyncset.done $0x0  }
0xe7: {  	s25 =	rddreg [dreg:$0x2];
	[sflag:s3] =	ssyncadd.s32 $0xFFFFF000  }
0xe8: {  	[tilespmem:s2], [sflag:$0x2] =	stream.linear.gather [hbm4b:s25+s2], $0x1000, $0x38;
	[tilespmem:$0x2000] =	vst v63  }
0xe9: {  	_ =	swait.ge [sflag:s3], $0x1000  }
0xea: {  	s0 =	sld [smem:$0x7F3]  }
0xeb: {  	s7 =	sld [smem:$0x7F4]  }
0xec: {  	s8 =	sld [smem:$0x7F5]  }
0xed: {  	s9 =	sld [smem:$0x7F6]  }
0xee: {  	s10 =	sld [smem:$0x7F7]  }
0xef: {  	s11 =	rddreg [dreg:$0x1f]  }
0xf0: {  	s12 =	rddreg [dreg:$0x1d]  }
0xf1: {  	s13 =	rddreg [dreg:$0x1b]  }
0xf2: {  	s14 =	rddreg [dreg:$0x19]  }
0xf3: {  	s15 =	rddreg [dreg:$0x17]  }
0xf4: {  	s16 =	rddreg [dreg:$0x15]  }
0xf5: {  	s17 =	rddreg [dreg:$0x13]  }
0xf6: {  	s18 =	rddreg [dreg:$0x11]  }
0xf7: {  	s19 =	rddreg [dreg:$0xf]  }
0xf8: {  	s21 =	rddreg [dreg:$0xd]  }
0xf9: {  	s22 =	rddreg [dreg:$0xb]  }
0xfa: {  	s23 =	rddreg [dreg:$0x8]  }
0xfb: {  	s24 =	rddreg [dreg:$0x6]  }
0xfc: {  	[sflag:s3] =	ssyncset.done $0x0;
	s25 =	rddreg [dreg:$0x4]  }
0xfd: {  	s26 =	rddreg [dreg:$0x5];
	[sflag:s3] =	ssyncadd.s32 $0xFFFFF000  }
0xfe: {  	[tilespmem:s4], [sflag:$0x1] =	stream.indirect.gather [hbm4b:s5+s6], $0x1, s2, s6, $0xb8;
	[tilespmem:$0x2000] =	vst v63  }
0xff: {  	s28 =	rddreg [dreg:$0x7]  }
0x100: {  	[tilespmem:s26], [sflag:$0x1] =	stream.indirect.gather [hbm4b:s5+s6], $0x1, s25, s6, $0xb8;
	[tilespmem:$0x2000] =	vst v63  }
0x101: {  	s26 =	rddreg [dreg:$0x9]  }
0x102: {  	[tilespmem:s28], [sflag:$0x1] =	stream.indirect.gather [hbm4b:s5+s6], $0x1, s24, s6, $0xb8;
	[tilespmem:$0x2000] =	vst v63  }
0x103: {  	s25 =	rddreg [dreg:$0x14]  }
0x104: {  	[tilespmem:s26], [sflag:$0x1] =	stream.indirect.gather [hbm4b:s5+s6], $0x1, s23, s6, $0xb8;
	[tilespmem:$0x2000] =	vst v63  }
0x105: {  	s28 =	rddreg [dreg:$0xa]  }
0x106: {  	[tilespmem:s22], [sflag:$0x1] =	stream.indirect.gather [hbm4b:s5+s6], $0x1, s28, s6, $0xb8;
	[tilespmem:$0x2000] =	vst v63  }
0x107: {  	s26 =	rddreg [dreg:$0xc]  }
0x108: {  	[tilespmem:s21], [sflag:$0x1] =	stream.indirect.gather [hbm4b:s5+s6], $0x1, s26, s6, $0xb8;
	[tilespmem:$0x2000] =	vst v63  }
0x109: {  	s28 =	rddreg [dreg:$0xe]  }
0x10a: {  	[tilespmem:s19], [sflag:$0x1] =	stream.indirect.gather [hbm4b:s5+s6], $0x1, s28, s6, $0xb8;
	[tilespmem:$0x2000] =	vst v63  }
0x10b: {  	s23 =	rddreg [dreg:$0x10]  }
0x10c: {  	[tilespmem:s18], [sflag:$0x1] =	stream.indirect.gather [hbm4b:s5+s6], $0x1, s23, s6, $0xb8;
	[tilespmem:$0x2000] =	vst v63  }
0x10d: {  	s24 =	rddreg [dreg:$0x12]  }
0x10e: {  	[tilespmem:s17], [sflag:$0x1] =	stream.indirect.gather [hbm4b:s5+s6], $0x1, s24, s6, $0xb8;
	[tilespmem:$0x2000] =	vst v63  }
0x10f: {  	s26 =	rddreg [dreg:$0x16]  }
0x110: {  	[tilespmem:s16], [sflag:$0x1] =	stream.indirect.gather [hbm4b:s5+s6], $0x1, s25, s6, $0xb8;
	[tilespmem:$0x2000] =	vst v63  }
0x111: {  	s21 =	sld [smem:$0x7F8]  }
0x112: {  	[tilespmem:s15], [sflag:$0x1] =	stream.indirect.gather [hbm4b:s5+s6], $0x1, s26, s6, $0xb8;
	[tilespmem:$0x2000] =	vst v63  }
0x113: {  	s28 =	rddreg [dreg:$0x18]  }
0x114: {  	[tilespmem:s14], [sflag:$0x1] =	stream.indirect.gather [hbm4b:s5+s6], $0x1, s28, s6, $0xb8;
	[tilespmem:$0x2000] =	vst v63  }
0x115: {  	s17 =	rddreg [dreg:$0x1a]  }
0x116: {  	[tilespmem:s13], [sflag:$0x1] =	stream.indirect.gather [hbm4b:s5+s6], $0x1, s17, s6, $0xb8;
	[tilespmem:$0x2000] =	vst v63  }
0x117: {  	s18 =	rddreg [dreg:$0x1c]  }
0x118: {  	[tilespmem:s12], [sflag:$0x1] =	stream.indirect.gather [hbm4b:s5+s6], $0x1, s18, s6, $0xb8;
	[tilespmem:$0x2000] =	vst v63  }
0x119: {  	s19 =	rddreg [dreg:$0x1e]  }
0x11a: {  	[tilespmem:s11], [sflag:$0x1] =	stream.indirect.gather [hbm4b:s5+s6], $0x1, s19, s6, $0xb8;
	[tilespmem:$0x2000] =	vst v63  }
0x11b: {  	s22 =	sld [smem:$0x7F9]  }
0x11c: {  	[tilespmem:s10], [sflag:$0x1] =	stream.indirect.gather [hbm4b:s5+s6], $0x1, s21, s6, $0xb8;
	[tilespmem:$0x2000] =	vst v63  }
0x11d: {  	s23 =	sld [smem:$0x7FA]  }
0x11e: {  	[tilespmem:s9], [sflag:$0x1] =	stream.indirect.gather [hbm4b:s5+s6], $0x1, s22, s6, $0xb8;
	[tilespmem:$0x2000] =	vst v63  }
0x11f: {  	s24 =	sld [smem:$0x7FB]  }
0x120: {  	[tilespmem:s8], [sflag:$0x1] =	stream.indirect.gather [hbm4b:s5+s6], $0x1, s23, s6, $0xb8;
	[tilespmem:$0x2000] =	vst v63  }
0x121: {  	s25 =	sld [smem:$0x7FC]  }
0x122: {  	[tilespmem:s7], [sflag:$0x1] =	stream.indirect.gather [hbm4b:s5+s6], $0x1, s24, s6, $0xb8;
	[tilespmem:$0x2000] =	vst v63  }
0x123: {  	s26 =	sld [smem:$0x7FD]  }
0x124: {  	[tilespmem:s0], [sflag:$0x1] =	stream.indirect.gather [hbm4b:s5+s6], $0x1, s25, s6, $0xb8;
	[tilespmem:$0x2000] =	vst v63  }
0x125: {  	s28 =	simm.s32 $0x1A00  }
0x126: {  	[tilespmem:s28], [sflag:$0x1] =	stream.indirect.gather [hbm4b:s5+s6], $0x1, s26, s6, $0xb8;
	[tilespmem:$0x2000] =	vst v63  }
0x127: {  	s9 =	simm.s32 $0x1A80;
	s8 =	simm.s32 $0xA80  }
0x128: {  	[tilespmem:s9], [sflag:$0x1] =	stream.indirect.gather [hbm4b:s5+s6], $0x1, s8, s6, $0xb8;
	[tilespmem:$0x2000] =	vst v63  }
0x129: {  	s11 =	simm.s32 $0x1B00;
	s10 =	simm.s32 $0xB00  }
0x12a: {  	[tilespmem:s11], [sflag:$0x1] =	stream.indirect.gather [hbm4b:s5+s6], $0x1, s10, s6, $0xb8;
	[tilespmem:$0x2000] =	vst v63  }
0x12b: {  	s13 =	simm.s32 $0x1B80;
	s12 =	simm.s32 $0xB80  }
0x12c: {  	[tilespmem:s13], [sflag:$0x1] =	stream.indirect.gather [hbm4b:s5+s6], $0x1, s12, s6, $0xb8;
	[tilespmem:$0x2000] =	vst v63  }
0x12d: {  	s15 =	simm.s32 $0x1C00;
	s14 =	simm.s32 $0xC00  }
0x12e: {  	[tilespmem:s15], [sflag:$0x1] =	stream.indirect.gather [hbm4b:s5+s6], $0x1, s14, s6, $0xb8;
	[tilespmem:$0x2000] =	vst v63  }
0x12f: {  	s16 =	simm.s32 $0xC80;
	s17 =	simm.s32 $0x1C80  }
0x130: {  	[tilespmem:s17], [sflag:$0x1] =	stream.indirect.gather [hbm4b:s5+s6], $0x1, s16, s6, $0xb8;
	[tilespmem:$0x2000] =	vst v63  }
0x131: {  	s18 =	simm.s32 $0xD00;
	s19 =	simm.s32 $0x1D00  }
0x132: {  	[tilespmem:s19], [sflag:$0x1] =	stream.indirect.gather [hbm4b:s5+s6], $0x1, s18, s6, $0xb8;
	[tilespmem:$0x2000] =	vst v63  }
0x133: {  	s21 =	simm.s32 $0xD80;
	s22 =	simm.s32 $0x1D80  }
0x134: {  	[tilespmem:s22], [sflag:$0x1] =	stream.indirect.gather [hbm4b:s5+s6], $0x1, s21, s6, $0xb8;
	[tilespmem:$0x2000] =	vst v63  }
0x135: {  	s23 =	simm.s32 $0xE00;
	s24 =	simm.s32 $0x1E00  }
0x136: {  	[tilespmem:s24], [sflag:$0x1] =	stream.indirect.gather [hbm4b:s5+s6], $0x1, s23, s6, $0xb8;
	[tilespmem:$0x2000] =	vst v63  }
0x137: {  	s25 =	simm.s32 $0xE80;
	s26 =	simm.s32 $0x1E80  }
0x138: {  	[tilespmem:s26], [sflag:$0x1] =	stream.indirect.gather [hbm4b:s5+s6], $0x1, s25, s6, $0xb8;
	[tilespmem:$0x2000] =	vst v63  }
0x139: {  	s28 =	simm.s32 $0xF00  }
0x13a: {  	[tilespmem:s29], [sflag:$0x1] =	stream.indirect.gather [hbm4b:s5+s6], $0x1, s28, s6, $0xb8;
	[tilespmem:$0x2000] =	vst v63  }
0x13b: {  	_ = 	snop  }
0x13c: {  	[tilespmem:s31], [sflag:$0x1] =	stream.indirect.gather [hbm4b:s5+s6], $0x1, s30, s6, $0xb8;
	[tilespmem:$0x2000] =	vst v63  }
0x13d: {  	_ =	swait.ge [sflag:s20], $0x20  }
0x13e: {  	[sflag:s20] =	ssyncset.done $0x0  }
0x13f: {  	[sflag:s20] =	ssyncadd.s32 $0xFFFFFFE0  }
0x140: {  	_ =	swait.ge [sflag:s20], $0x20  }
0x141: {  	[sflag:s20] =	ssyncset.done $0x0  }
0x142: {  	[sflag:s20] =	ssyncadd.s32 $0xFFFFFFE0  }
0x143: {  	_ =	swait.ge [sflag:s20], $0x20  }
0x144: {  	[sflag:s20] =	ssyncset.done $0x0  }
0x145: {  	[sflag:s20] =	ssyncadd.s32 $0xFFFFFFE0  }
0x146: {  	_ =	swait.ge [sflag:s20], $0x20  }
0x147: {  	[sflag:s20] =	ssyncset.done $0x0  }
0x148: {  	[sflag:s20] =	ssyncadd.s32 $0xFFFFFFE0  }
0x149: {  	_ =	swait.ge [sflag:s20], $0x20  }
0x14a: {  	[sflag:s20] =	ssyncset.done $0x0  }
0x14b: {  	[sflag:s20] =	ssyncadd.s32 $0xFFFFFFE0  }
0x14c: {  	_ =	swait.ge [sflag:s20], $0x20  }
0x14d: {  	[sflag:s20] =	ssyncset.done $0x0  }
0x14e: {  	[sflag:s20] =	ssyncadd.s32 $0xFFFFFFE0  }
0x14f: {  	_ =	swait.ge [sflag:s20], $0x20  }
0x150: {  	[sflag:s20] =	ssyncset.done $0x0  }
0x151: {  	[sflag:s20] =	ssyncadd.s32 $0xFFFFFFE0  }
0x152: {  	_ =	swait.ge [sflag:s20], $0x20  }
0x153: {  	[sflag:s20] =	ssyncset.done $0x0  }
0x154: {  	[sflag:s20] =	ssyncadd.s32 $0xFFFFFFE0  }
0x155: {  	_ =	swait.ge [sflag:s20], $0x20  }
0x156: {  	[sflag:s20] =	ssyncset.done $0x0  }
0x157: {  	[sflag:s20] =	ssyncadd.s32 $0xFFFFFFE0  }
0x158: {  	_ =	swait.ge [sflag:s20], $0x20  }
0x159: {  	[sflag:s20] =	ssyncset.done $0x0  }
0x15a: {  	[sflag:s20] =	ssyncadd.s32 $0xFFFFFFE0  }
0x15b: {  	_ =	swait.ge [sflag:s20], $0x20  }
0x15c: {  	[sflag:s20] =	ssyncset.done $0x0  }
0x15d: {  	[sflag:s20] =	ssyncadd.s32 $0xFFFFFFE0  }
0x15e: {  	_ =	swait.ge [sflag:s20], $0x20  }
0x15f: {  	[sflag:s20] =	ssyncset.done $0x0  }
0x160: {  	[sflag:s20] =	ssyncadd.s32 $0xFFFFFFE0  }
0x161: {  	_ =	swait.ge [sflag:s20], $0x20  }
0x162: {  	[sflag:s20] =	ssyncset.done $0x0  }
0x163: {  	[sflag:s20] =	ssyncadd.s32 $0xFFFFFFE0  }
0x164: {  	_ =	swait.ge [sflag:s20], $0x20  }
0x165: {  	[sflag:s20] =	ssyncset.done $0x0  }
0x166: {  	[sflag:s20] =	ssyncadd.s32 $0xFFFFFFE0  }
0x167: {  	_ =	swait.ge [sflag:s20], $0x20  }
0x168: {  	[sflag:s20] =	ssyncset.done $0x0  }
0x169: {  	[sflag:s20] =	ssyncadd.s32 $0xFFFFFFE0  }
0x16a: {  	_ =	swait.ge [sflag:s20], $0x20  }
0x16b: {  	[sflag:s20] =	ssyncset.done $0x0  }
0x16c: {  	[sflag:s20] =	ssyncadd.s32 $0xFFFFFFE0  }
0x16d: {  	_ =	swait.ge [sflag:s20], $0x20  }
0x16e: {  	[sflag:s20] =	ssyncset.done $0x0  }
0x16f: {  	[sflag:s20] =	ssyncadd.s32 $0xFFFFFFE0  }
0x170: {  	_ =	swait.ge [sflag:s20], $0x20  }
0x171: {  	[sflag:s20] =	ssyncset.done $0x0  }
0x172: {  	[sflag:s20] =	ssyncadd.s32 $0xFFFFFFE0  }
0x173: {  	_ =	swait.ge [sflag:s20], $0x20  }
0x174: {  	[sflag:s20] =	ssyncset.done $0x0  }
0x175: {  	[sflag:s20] =	ssyncadd.s32 $0xFFFFFFE0  }
0x176: {  	_ =	swait.ge [sflag:s20], $0x20  }
0x177: {  	[sflag:s20] =	ssyncset.done $0x0  }
0x178: {  	[sflag:s20] =	ssyncadd.s32 $0xFFFFFFE0  }
0x179: {  	_ =	swait.ge [sflag:s20], $0x20  }
0x17a: {  	[sflag:s20] =	ssyncset.done $0x0  }
0x17b: {  	[sflag:s20] =	ssyncadd.s32 $0xFFFFFFE0  }
0x17c: {  	_ =	swait.ge [sflag:s20], $0x20  }
0x17d: {  	[sflag:s20] =	ssyncset.done $0x0  }
0x17e: {  	[sflag:s20] =	ssyncadd.s32 $0xFFFFFFE0  }
0x17f: {  	_ =	swait.ge [sflag:s20], $0x20  }
0x180: {  	[sflag:s20] =	ssyncset.done $0x0  }
0x181: {  	[sflag:s20] =	ssyncadd.s32 $0xFFFFFFE0  }
0x182: {  	_ =	swait.ge [sflag:s20], $0x20  }
0x183: {  	[sflag:s20] =	ssyncset.done $0x0  }
0x184: {  	[sflag:s20] =	ssyncadd.s32 $0xFFFFFFE0  }
0x185: {  	_ =	swait.ge [sflag:s20], $0x20  }
0x186: {  	[sflag:s20] =	ssyncset.done $0x0  }
0x187: {  	[sflag:s20] =	ssyncadd.s32 $0xFFFFFFE0  }
0x188: {  	_ =	swait.ge [sflag:s20], $0x20  }
0x189: {  	p0 =	sne.s32 s1, $0x1;
	[sflag:s20] =	ssyncset.done $0x0  }
.Ltmp1:
0x18a: {  	[sflag:s20] =	ssyncadd.s32 $0xFFFFFFE0;
	(pc) =	sbr.rel @p0 .LBB2_1-.Ltmp1, $4  }
0x18b: {  	_ =	swait.ge [sflag:s20], $0x20  }
0x18c: {  	[sflag:s20] =	ssyncset.done $0x0  }
0x18d: {  	[sflag:s20] =	ssyncadd.s32 $0xFFFFFFE0  }
0x18e: {  	s1 =	sadd.s32 $0xFFFFFFFF, s1;
	_ =	swait.ge [sflag:s20], $0x20  }
.LBB2_2:
0x18f: {  	[sflag:s20] =	ssyncset.done $0x0  }
0x190: {  	[sflag:s20] =	ssyncadd.s32 $0xFFFFFFE0  }
0x191: {  	_ =	swait.ge [sflag:s20], $0x20  }
0x192: {  	[sflag:s20] =	ssyncset.done $0x0  }
0x193: {  	[sflag:s20] =	ssyncadd.s32 $0xFFFFFFE0  }
0x194: {  	_ =	swait.ge [sflag:s20], $0x20  }
0x195: {  	[sflag:s20] =	ssyncset.done $0x0  }
0x196: {  	[sflag:s20] =	ssyncadd.s32 $0xFFFFFFE0  }
0x197: {  	_ =	swait.ge [sflag:s20], $0x20  }
0x198: {  	[sflag:s20] =	ssyncset.done $0x0  }
0x199: {  	[sflag:s20] =	ssyncadd.s32 $0xFFFFFFE0  }
0x19a: {  	_ =	swait.ge [sflag:s20], $0x20  }
0x19b: {  	[sflag:s20] =	ssyncset.done $0x0  }
0x19c: {  	s0 =	rddreg [dreg:$0x3];
	[sflag:s20] =	ssyncadd.s32 $0xFFFFFFE0  }
0x19d: {  	[hbm4b:s0+s2] =	stream.linear.scatter [tilespmem:s4], [sflag:$0x2], $0x1000, $0x38;
	[tilespmem:$0x2000] =	vst v63  }
0x19e: {  	_ =	swait.ge [sflag:s3], $0x1000  }
0x19f: {  	[sflag:s3] =	ssyncset.done $0x0  }
0x1a0: {  	[sflag:s3] =	ssyncadd.s32 $0xFFFFF000  }
0x1a1: {  	_ =	sfence.sel $0x180000  }
0x1a2: {  	[bflag:$0x0] =	sbarrier.arrive $0xFFFF  }
0x1a3: {  	_ =	strace $0x90000047  }
0x1a4: {  	s31 =	stileid.u32;
	[bflag:$0x2] =	sbarrier.arrive $0xFFFF  }
0x1a5: {  	p0 =	sne.s32 s31, $0x0;
	s0 =	rddreg [dreg:$0x1]  }
0x1a6: {  	s0 =	sadd.s32 @!p0 $0x100000, s0  }
0x1a7: {  	[sflag:s0] =	ssyncadd.tile.s32 @!p0 $0x1;
	_ =	shalt  }
.Lfunc_end2:
_tile_overlayer_lowered:
.L_overlay_start_2:
0x1a8: {  	(tag) =	ssettag $0x2  }
0x1a9: {  	s0 =	rddreg [dreg:$0x0];
	s2 =	stileid.u32  }
0x1aa: {  	s1 =	rddreg [dreg:$0x1];
	p0 =	sne.s32 s2, $0x0  }
0x1ab: {  	s3 =	rddreg [dreg:$0x2];
	[bflag:$0x3] =	sbarrier.arrive $0xFFFF;
	s2 =	simm.s32 @!p0 $0x1C02  }
0x1ac: {  	[timem:s3], [sflag:s2] =	dma.local @!p0 [hbm:s0], s1  }
0x1ad: {  	s0 =	simm.s32 @!p0 $0x2  }
0x1ae: {  	_ =	swait.ge @!p0 [sflag:s0], s1  }
0x1af: {  	s1 =	ssub.s32 @!p0 $0x0, s1;
	[sflag:s0] =	ssyncset.done @!p0 $0x0  }
0x1b0: {  	[sflag:s0] =	ssyncadd.s32 @!p0 s1  }
0x1b1: {  	[bflag:$0x3] =	sbarrier.arrive $0xFFFF  }
0x1b2: {  	_ =	shalt  }

</sc_bundles>
